<compile_context>
chip_gen: v7x
topology: tpu7x:2x2x1
jax: 0.10.2.dev20260603
libtpu: 0.0.44.dev20260713+nightly
codegen_flags: <defaults>
</compile_context>

<pallas_src>
import functools

import jax
import jax.numpy as jnp
from jax import lax
from jax.experimental import pallas as pl
from jax.experimental.pallas import tpu as pltpu
from jax.experimental.pallas import tpu_sc as plsc

_H = 768
_W = 768
_N = _H * _W
_K = max(1, int(_N * 0.3))
_ROWS = 96
_GRID = _H // _ROWS

_NS = 16
_PER_TILE = _N // _NS
_NVEC = _PER_TILE // 16
_HSTRIDE = 257
_HWORDS = _NS * _HSTRIDE + 16



def _key_of(x):
    x = jnp.where(x == 0.0, jnp.float32(0.0), x)
    b = lax.bitcast_convert_type(x, jnp.int32)
    return b ^ ((b >> 31) & jnp.int32(0x7FFFFFFF))


def _prep_body(ego_ref, cav_ref, kk_ref):
    e0 = ego_ref[0]
    e1 = ego_ref[1]
    c0 = cav_ref[0]
    c1 = cav_ref[1]
    kk_ref[0] = _key_of(jnp.maximum(c0 - e0, c1 - e1))
    kk_ref[1] = _key_of(jnp.maximum(c0 + e0, c1 + e1))


def _prep(ego, cav):
    return pl.pallas_call(
        _prep_body,
        grid=(_GRID,),
        in_specs=[
            pl.BlockSpec((2, _ROWS, _W), lambda i: (0, i, 0)),
            pl.BlockSpec((2, _ROWS, _W), lambda i: (0, i, 0)),
        ],
        out_specs=pl.BlockSpec((2, _ROWS, _W), lambda i: (0, i, 0)),
        out_shape=jax.ShapeDtypeStruct((2, _H, _W), jnp.int32),
    )(ego, cav)



_MESH = plsc.VectorSubcoreMesh(
    core_axis_name="c", subcore_axis_name="s", num_cores=2, num_subcores=_NS)


@functools.partial(
    pl.kernel,
    out_type=jax.ShapeDtypeStruct((2, 16), jnp.int32),
    mesh=_MESH,
    compiler_params=pltpu.CompilerParams(needs_layout_passes=False),
    scratch_types=[
        pltpu.VMEM((_PER_TILE,), jnp.int32),
        pltpu.VMEM((_PER_TILE + 16,), jnp.int32),
        pltpu.VMEM((_HWORDS,), jnp.int32),
        pltpu.VMEM((_HWORDS,), jnp.int32),
        pltpu.VMEM((256,), jnp.int32),
        pltpu.VMEM((16,), jnp.int32),
        pltpu.VMEM_SHARED((_NS * 256,), jnp.int32),
        pltpu.SMEM((256,), jnp.int32),
    ],
)
def _sc_select(kk_hbm, thr_hbm, buf, comp, histA, histB, hrow, tvec, hist_sh,
               hsm):
    cid = lax.axis_index("c")
    sid = lax.axis_index("s")

    lane = lax.iota(jnp.int32, 16)
    laneoff = lane * _HSTRIDE
    ones = jnp.ones((16,), jnp.int32)
    zeros16 = jnp.zeros((16,), jnp.int32)

    pltpu.sync_copy(
        kk_hbm.at[pl.ds(cid * _N + sid * _PER_TILE, _PER_TILE)], buf)

    def zero_hist():
        def zrow(i, _):
            histA[pl.ds(i * 16, 16)] = zeros16
            histB[pl.ds(i * 16, 16)] = zeros16
            return 0
        lax.fori_loop(0, _HWORDS // 16, zrow, 0, unroll=8)

    def hist_scan_full():
        def body(g, _):
            for jj in range(8):
                b0 = g * 128 + jj * 16
                key = buf[pl.ds(b0, 16)]
                u = (key >> 24) + 128
                h = histA if jj % 2 == 0 else histB
                plsc.addupdate_scatter(h, [laneoff + u], ones)
            return 0
        lax.fori_loop(0, _NVEC // 8, body, 0)

    def compact_hist(pref):
        psh = pref >> 24

        def body(g, o):
            for jj in range(8):
                b0 = g * 128 + jj * 16
                key = buf[pl.ds(b0, 16)]
                m = (key >> 24) == psh
                plsc.store_compressed(comp.at[pl.ds(o, 16)], key, mask=m)
                u = (key >> 16) & 255
                h = histA if jj % 2 == 0 else histB
                plsc.addupdate_scatter(h, [laneoff + u], ones, mask=m)
                o = o + plsc.all_reduce_population_count(m)[0]
            return o
        return lax.fori_loop(0, _NVEC // 8, body, jnp.int32(0))

    def compact2_hist(nvalid, pref):
        psh = pref >> 16
        ngrp = (nvalid + 127) // 128

        def body(g, o):
            for jj in range(8):
                b0 = g * 128 + jj * 16
                key = comp[pl.ds(b0, 16)]
                m = ((b0 + lane) < nvalid) & ((key >> 16) == psh)
                plsc.store_compressed(comp.at[pl.ds(o, 16)], key, mask=m)
                u = (key >> 8) & 255
                h = histA if jj % 2 == 0 else histB
                plsc.addupdate_scatter(h, [laneoff + u], ones, mask=m)
                o = o + plsc.all_reduce_population_count(m)[0]
            return o
        return lax.fori_loop(0, ngrp, body, jnp.int32(0))

    def hist_last(nvalid, pref):
        psh = pref >> 8
        ngrp = (nvalid + 127) // 128

        def body(g, _):
            for jj in range(8):
                b0 = g * 128 + jj * 16
                key = comp[pl.ds(b0, 16)]
                m = ((b0 + lane) < nvalid) & ((key >> 8) == psh)
                u = key & 255
                h = histA if jj % 2 == 0 else histB
                plsc.addupdate_scatter(h, [laneoff + u], ones, mask=m)
            return 0
        lax.fori_loop(0, ngrp, body, 0)

    def reduce_hist_rows():
        def red(j, _):
            def redl(l, acc):
                return (acc + histA[pl.ds(l * _HSTRIDE + j * 16, 16)]
                        + histB[pl.ds(l * _HSTRIDE + j * 16, 16)])
            hrow[pl.ds(j * 16, 16)] = lax.fori_loop(0, _NS, redl, zeros16)
            return 0
        lax.fori_loop(0, 16, red, 0)

    def merge_and_pick(krem):
        reduce_hist_rows()
        pltpu.sync_copy(hrow, hist_sh.at[pl.ds(sid * 256, 256)])
        plsc.subcore_barrier()
        pltpu.sync_copy(hist_sh, histA.at[pl.ds(0, _NS * 256)])
        plsc.subcore_barrier()

        def ext(j, _):
            def redl(l, acc):
                return acc + histA[pl.ds(l * 256 + j * 16, 16)]
            g = lax.fori_loop(0, _NS, redl, zeros16)
            for ii in range(16):
                hsm[j * 16 + ii] = g[ii]
            return 0
        lax.fori_loop(0, 16, ext, 0)

        def scan(i, carry):
            cum, bsel, knew = carry
            b = 255 - i
            cum2 = cum + hsm[b]
            hit = (cum2 >= krem) & (bsel < 0)
            bsel = jnp.where(hit, b, bsel)
            knew = jnp.where(hit, krem - cum, knew)
            return (cum2, bsel, knew)

        _, bsel, knew = lax.fori_loop(
            0, 256, scan, (jnp.int32(0), jnp.int32(-1), jnp.int32(0)))
        return bsel, knew

    zero_hist()
    hist_scan_full()
    b1, krem = merge_and_pick(jnp.int32(_K))
    pref = (b1 - 128) << 24
    zero_hist()
    nc = compact_hist(pref)
    b2, krem = merge_and_pick(krem)
    pref = pref | (b2 << 16)
    zero_hist()
    nc2 = compact2_hist(nc, pref)
    b3, krem = merge_and_pick(krem)
    pref = pref | (b3 << 8)
    zero_hist()
    hist_last(nc2, pref)
    b4, krem = merge_and_pick(krem)
    pref = pref | b4
    tvec[...] = jnp.full((16,), 0, jnp.int32) + pref

    @pl.when(sid == 0)
    def _():
        pltpu.sync_copy(tvec, thr_hbm.at[cid])



def _mask_body(thr_ref, kk_ref, mo_ref, mr_ref, ma_ref):
    td = thr_ref[0, 0]
    ts = thr_ref[1, 0]
    mr = (kk_ref[0] >= td).astype(jnp.float32)
    ma = (kk_ref[1] >= ts).astype(jnp.float32)
    mr_ref[0] = mr
    ma_ref[0] = ma
    mo_ref[0] = jnp.maximum(mr, ma)


def _masks(thr, kk):
    out_sd = jax.ShapeDtypeStruct((1, _H, _W), jnp.float32)
    return pl.pallas_call(
        _mask_body,
        grid=(_GRID,),
        in_specs=[
            pl.BlockSpec((2, 16), lambda i: (0, 0), memory_space=pltpu.SMEM),
            pl.BlockSpec((2, _ROWS, _W), lambda i: (0, i, 0)),
        ],
        out_specs=[
            pl.BlockSpec((1, _ROWS, _W), lambda i: (0, i, 0)),
            pl.BlockSpec((1, _ROWS, _W), lambda i: (0, i, 0)),
            pl.BlockSpec((1, _ROWS, _W), lambda i: (0, i, 0)),
        ],
        out_shape=(out_sd, out_sd, out_sd),
    )(thr, kk)


def kernel(ego_psm, cav_psm, flag):
    del flag
    kk = _prep(ego_psm, cav_psm)
    thr = _sc_select(kk.reshape(2 * _N))
    return _masks(thr, kk)

# --- scband reference (transcript-rebuilt; emitter-appended) ---
"""Pipeline reference for scband-residual-aggrate-filter-54185307406428 (READ-ONLY COPY).

The authoritative reference and input builder live on the scoring server;
editing this copy changes nothing except your own understanding.
"""

import jax, jax.numpy as jnp
import numpy as np

THRESHOLD = 0.3
RESIDUAL_WEIGHT = 1
AGGRATE_WEIGHT = 1


def setup_inputs(seed: int = 0) -> dict:
    key = jax.random.key(seed)
    k1, k2 = jax.random.split(key)
    ego_psm = jax.random.normal(k1, (2, 768, 768), dtype=jnp.float32)
    cav_psm = jax.random.normal(k2, (2, 768, 768), dtype=jnp.float32)
    return {"ego_psm": ego_psm, "cav_psm": cav_psm, "flag": 1}


def _generate_mask(score, k):
    vals, _ = jax.lax.top_k(score.reshape(-1), k)
    threshold_value = jnp.min(vals)
    return (score >= threshold_value).astype(jnp.float32)


def reference(ego_psm, cav_psm, flag):
    # eval-mode path with self.threshold set
    residual_psm = jax.nn.sigmoid(cav_psm - ego_psm)
    aggrate_psm = jax.nn.sigmoid(cav_psm + ego_psm)
    residual_psm = jnp.max(residual_psm, axis=0, keepdims=True)
    aggrate_psm = jnp.max(aggrate_psm, axis=0, keepdims=True)
    num_elements = residual_psm.size
    k = max(1, int(num_elements * THRESHOLD))
    filter_residual = _generate_mask(residual_psm, max(1, int(k * RESIDUAL_WEIGHT)))
    filter_aggrate = _generate_mask(aggrate_psm, max(1, int(k * AGGRATE_WEIGHT)))
    filter_mask = jnp.max(
        jnp.concatenate([filter_aggrate, filter_residual], axis=0), axis=0, keepdims=True
    )
    return (filter_mask, filter_residual, filter_aggrate)

if __name__ == "__main__":
    import jax
    _d = setup_inputs()
    print(jax.jit(kernel)(*tuple(_d.values())))

</pallas_src>

<mosaic_0001>
#map = affine_map<(d0, d1) -> (0)>
#map1 = affine_map<(d0, d1) -> (0, 0)>
module attributes {stable_mosaic.version = 14 : i64} {
  func.func @_sc_select(%arg0: i32, %arg1: i32, %arg2: memref<1179648xi32, #tpu.memory_space<hbm>>, %arg3: memref<2x16xi32, #tpu.memory_space<hbm>>, %arg4: memref<36864xi32, #tpu.memory_space<vmem>>, %arg5: memref<36880xi32, #tpu.memory_space<vmem>>, %arg6: memref<4128xi32, #tpu.memory_space<vmem>>, %arg7: memref<4128xi32, #tpu.memory_space<vmem>>, %arg8: memref<256xi32, #tpu.memory_space<vmem>>, %arg9: memref<16xi32, #tpu.memory_space<vmem>>, %arg10: memref<4096xi32, #tpu.memory_space<vmem_shared>>, %arg11: memref<256xi32, #tpu.memory_space<smem>>) attributes {dimension_semantics = [#tpu.dimension_semantics<core_parallel>, #tpu.dimension_semantics<subcore_parallel>], iteration_bounds = array<i64: 2, 16>, scalar_prefetch = 0 : i64, scratch_operands = 8 : i64, tpu.core_type = #tpu.core_type<sc_vector_subcore>, window_params = [{transform_indices = #map}, {transform_indices = #map1}]} {
    %iota3A = tpu.iota {dimensions = array<i32: 0>} : vector<16xi32>
    %mul3A = arith.constant 257 : i32
    %mul3A_0 = vector.broadcast %mul3A : i32 to vector<16xi32>
    %mul3A_1 = arith.muli %iota3A, %mul3A_0 : vector<16xi32>
    %broadcast_in_dim3A = arith.constant 1 : i32
    %broadcast_in_dim3A_2 = vector.broadcast %broadcast_in_dim3A : i32 to vector<16xi32>
    %broadcast_in_dim3A_3 = arith.constant 0 : i32
    %broadcast_in_dim3A_4 = vector.broadcast %broadcast_in_dim3A_3 : i32 to vector<16xi32>
    %mul3A_5 = arith.constant 589824 : i32
    %mul3A_6 = arith.muli %arg0, %mul3A_5 : i32
    %mul3A_7 = arith.constant 36864 : i32
    %mul3A_8 = arith.muli %arg1, %mul3A_7 : i32
    %add3A = arith.addi %mul3A_6, %mul3A_8 : i32
    "tpu.region"() ({
      %run_scoped3A = tpu.sem_alloc : memref<!tpu.dma_semaphore, #tpu.memory_space<semaphore_mem>>
      %dma_start3A = tpu.memref_slice %arg2[%add3A] : memref<1179648xi32, #tpu.memory_space<hbm>> -> memref<36864xi32, #tpu.memory_space<hbm>>
      %dma_start3A_334 = tpu.memref_slice %arg2[%add3A] : memref<1179648xi32, #tpu.memory_space<hbm>> -> memref<36864xi32, #tpu.memory_space<hbm>>
      tpu.enqueue_dma source(%dma_start3A_334 : memref<36864xi32, #tpu.memory_space<hbm>>) target(%arg4 : memref<36864xi32, #tpu.memory_space<vmem>>) target_semaphore(%run_scoped3A : memref<!tpu.dma_semaphore, #tpu.memory_space<semaphore_mem>>)
      %dma_wait3A = tpu.memref_slice %arg2[%add3A] : memref<1179648xi32, #tpu.memory_space<hbm>> -> memref<36864xi32, #tpu.memory_space<hbm>>
      %dma_wait3A_335 = tpu.memref_slice %arg2[%add3A] : memref<1179648xi32, #tpu.memory_space<hbm>> -> memref<36864xi32, #tpu.memory_space<hbm>>
      tpu.wait_dma2 semaphore(%run_scoped3A : memref<!tpu.dma_semaphore, #tpu.memory_space<semaphore_mem>>) src(%dma_wait3A_335 : memref<36864xi32, #tpu.memory_space<hbm>>) dst(%arg4 : memref<36864xi32, #tpu.memory_space<vmem>>)
      tpu.yield
    }) : () -> ()
    %scan3A = arith.constant 0 : i32
    %scan3A_9 = arith.constant 0 : i32
    %scan3A_10 = arith.constant 256 : i32
    %scan3A_11 = arith.addi %scan3A_9, %scan3A_10 : i32
    %scan3A_12 = arith.constant 8 : i32
    %scan3A_13 = scf.for %scan3A_334 = %scan3A_9 to %scan3A_11 step %scan3A_12 iter_args(%scan3A_335 = %scan3A) -> (i32)  : i32 {
      %mul3A_336 = arith.constant 16 : i32
      %mul3A_337 = arith.muli %scan3A_334, %mul3A_336 : i32
      %swap3A_338 = arith.index_cast %mul3A_337 : i32 to index
      %swap3A_339 = tpu.vector_load %arg6[%swap3A_338] {strides = array<i32>} : memref<4128xi32, #tpu.memory_space<vmem>>, vector<16xi32>,
      tpu.vector_store %arg6[%swap3A_338], %broadcast_in_dim3A_4 {strides = array<i32>} : memref<4128xi32, #tpu.memory_space<vmem>>, vector<16xi32>,
      %mul3A_340 = arith.constant 16 : i32
      %mul3A_341 = arith.muli %scan3A_334, %mul3A_340 : i32
      %swap3A_342 = arith.index_cast %mul3A_341 : i32 to index
      %swap3A_343 = tpu.vector_load %arg7[%swap3A_342] {strides = array<i32>} : memref<4128xi32, #tpu.memory_space<vmem>>, vector<16xi32>,
      tpu.vector_store %arg7[%swap3A_342], %broadcast_in_dim3A_4 {strides = array<i32>} : memref<4128xi32, #tpu.memory_space<vmem>>, vector<16xi32>,
      %scan3A_344 = arith.constant 0 : i32
      %scan3A_345 = arith.constant 1 : i32
      %scan3A_346 = arith.addi %scan3A_334, %scan3A_345 : i32
      %mul3A_347 = arith.constant 16 : i32
      %mul3A_348 = arith.muli %scan3A_346, %mul3A_347 : i32
      %swap3A_349 = arith.index_cast %mul3A_348 : i32 to index
      %swap3A_350 = tpu.vector_load %arg6[%swap3A_349] {strides = array<i32>} : memref<4128xi32, #tpu.memory_space<vmem>>, vector<16xi32>,
      tpu.vector_store %arg6[%swap3A_349], %broadcast_in_dim3A_4 {strides = array<i32>} : memref<4128xi32, #tpu.memory_space<vmem>>, vector<16xi32>,
      %mul3A_351 = arith.constant 16 : i32
      %mul3A_352 = arith.muli %scan3A_346, %mul3A_351 : i32
      %swap3A_353 = arith.index_cast %mul3A_352 : i32 to index
      %swap3A_354 = tpu.vector_load %arg7[%swap3A_353] {strides = array<i32>} : memref<4128xi32, #tpu.memory_space<vmem>>, vector<16xi32>,
      tpu.vector_store %arg7[%swap3A_353], %broadcast_in_dim3A_4 {strides = array<i32>} : memref<4128xi32, #tpu.memory_space<vmem>>, vector<16xi32>,
      %scan3A_355 = arith.constant 0 : i32
      %scan3A_356 = arith.constant 2 : i32
      %scan3A_357 = arith.addi %scan3A_334, %scan3A_356 : i32
      %mul3A_358 = arith.constant 16 : i32
      %mul3A_359 = arith.muli %scan3A_357, %mul3A_358 : i32
      %swap3A_360 = arith.index_cast %mul3A_359 : i32 to index
      %swap3A_361 = tpu.vector_load %arg6[%swap3A_360] {strides = array<i32>} : memref<4128xi32, #tpu.memory_space<vmem>>, vector<16xi32>,
      tpu.vector_store %arg6[%swap3A_360], %broadcast_in_dim3A_4 {strides = array<i32>} : memref<4128xi32, #tpu.memory_space<vmem>>, vector<16xi32>,
      %mul3A_362 = arith.constant 16 : i32
      %mul3A_363 = arith.muli %scan3A_357, %mul3A_362 : i32
      %swap3A_364 = arith.index_cast %mul3A_363 : i32 to index
      %swap3A_365 = tpu.vector_load %arg7[%swap3A_364] {strides = array<i32>} : memref<4128xi32, #tpu.memory_space<vmem>>, vector<16xi32>,
      tpu.vector_store %arg7[%swap3A_364], %broadcast_in_dim3A_4 {strides = array<i32>} : memref<4128xi32, #tpu.memory_space<vmem>>, vector<16xi32>,
      %scan3A_366 = arith.constant 0 : i32
      %scan3A_367 = arith.constant 3 : i32
      %scan3A_368 = arith.addi %scan3A_334, %scan3A_367 : i32
      %mul3A_369 = arith.constant 16 : i32
      %mul3A_370 = arith.muli %scan3A_368, %mul3A_369 : i32
      %swap3A_371 = arith.index_cast %mul3A_370 : i32 to index
      %swap3A_372 = tpu.vector_load %arg6[%swap3A_371] {strides = array<i32>} : memref<4128xi32, #tpu.memory_space<vmem>>, vector<16xi32>,
      tpu.vector_store %arg6[%swap3A_371], %broadcast_in_dim3A_4 {strides = array<i32>} : memref<4128xi32, #tpu.memory_space<vmem>>, vector<16xi32>,
      %mul3A_373 = arith.constant 16 : i32
      %mul3A_374 = arith.muli %scan3A_368, %mul3A_373 : i32
      %swap3A_375 = arith.index_cast %mul3A_374 : i32 to index
      %swap3A_376 = tpu.vector_load %arg7[%swap3A_375] {strides = array<i32>} : memref<4128xi32, #tpu.memory_space<vmem>>, vector<16xi32>,
      tpu.vector_store %arg7[%swap3A_375], %broadcast_in_dim3A_4 {strides = array<i32>} : memref<4128xi32, #tpu.memory_space<vmem>>, vector<16xi32>,
      %scan3A_377 = arith.constant 0 : i32
      %scan3A_378 = arith.constant 4 : i32
      %scan3A_379 = arith.addi %scan3A_334, %scan3A_378 : i32
      %mul3A_380 = arith.constant 16 : i32
      %mul3A_381 = arith.muli %scan3A_379, %mul3A_380 : i32
      %swap3A_382 = arith.index_cast %mul3A_381 : i32 to index
      %swap3A_383 = tpu.vector_load %arg6[%swap3A_382] {strides = array<i32>} : memref<4128xi32, #tpu.memory_space<vmem>>, vector<16xi32>,
      tpu.vector_store %arg6[%swap3A_382], %broadcast_in_dim3A_4 {strides = array<i32>} : memref<4128xi32, #tpu.memory_space<vmem>>, vector<16xi32>,
      %mul3A_384 = arith.constant 16 : i32
      %mul3A_385 = arith.muli %scan3A_379, %mul3A_384 : i32
      %swap3A_386 = arith.index_cast %mul3A_385 : i32 to index
      %swap3A_387 = tpu.vector_load %arg7[%swap3A_386] {strides = array<i32>} : memref<4128xi32, #tpu.memory_space<vmem>>, vector<16xi32>,
      tpu.vector_store %arg7[%swap3A_386], %broadcast_in_dim3A_4 {strides = array<i32>} : memref<4128xi32, #tpu.memory_space<vmem>>, vector<16xi32>,
      %scan3A_388 = arith.constant 0 : i32
      %scan3A_389 = arith.constant 5 : i32
      %scan3A_390 = arith.addi %scan3A_334, %scan3A_389 : i32
      %mul3A_391 = arith.constant 16 : i32
      %mul3A_392 = arith.muli %scan3A_390, %mul3A_391 : i32
      %swap3A_393 = arith.index_cast %mul3A_392 : i32 to index
      %swap3A_394 = tpu.vector_load %arg6[%swap3A_393] {strides = array<i32>} : memref<4128xi32, #tpu.memory_space<vmem>>, vector<16xi32>,
      tpu.vector_store %arg6[%swap3A_393], %broadcast_in_dim3A_4 {strides = array<i32>} : memref<4128xi32, #tpu.memory_space<vmem>>, vector<16xi32>,
      %mul3A_395 = arith.constant 16 : i32
      %mul3A_396 = arith.muli %scan3A_390, %mul3A_395 : i32
      %swap3A_397 = arith.index_cast %mul3A_396 : i32 to index
      %swap3A_398 = tpu.vector_load %arg7[%swap3A_397] {strides = array<i32>} : memref<4128xi32, #tpu.memory_space<vmem>>, vector<16xi32>,
      tpu.vector_store %arg7[%swap3A_397], %broadcast_in_dim3A_4 {strides = array<i32>} : memref<4128xi32, #tpu.memory_space<vmem>>, vector<16xi32>,
      %scan3A_399 = arith.constant 0 : i32
      %scan3A_400 = arith.constant 6 : i32
      %scan3A_401 = arith.addi %scan3A_334, %scan3A_400 : i32
      %mul3A_402 = arith.constant 16 : i32
      %mul3A_403 = arith.muli %scan3A_401, %mul3A_402 : i32
      %swap3A_404 = arith.index_cast %mul3A_403 : i32 to index
      %swap3A_405 = tpu.vector_load %arg6[%swap3A_404] {strides = array<i32>} : memref<4128xi32, #tpu.memory_space<vmem>>, vector<16xi32>,
      tpu.vector_store %arg6[%swap3A_404], %broadcast_in_dim3A_4 {strides = array<i32>} : memref<4128xi32, #tpu.memory_space<vmem>>, vector<16xi32>,
      %mul3A_406 = arith.constant 16 : i32
      %mul3A_407 = arith.muli %scan3A_401, %mul3A_406 : i32
      %swap3A_408 = arith.index_cast %mul3A_407 : i32 to index
      %swap3A_409 = tpu.vector_load %arg7[%swap3A_408] {strides = array<i32>} : memref<4128xi32, #tpu.memory_space<vmem>>, vector<16xi32>,
      tpu.vector_store %arg7[%swap3A_408], %broadcast_in_dim3A_4 {strides = array<i32>} : memref<4128xi32, #tpu.memory_space<vmem>>, vector<16xi32>,
      %scan3A_410 = arith.constant 0 : i32
      %scan3A_411 = arith.constant 7 : i32
      %scan3A_412 = arith.addi %scan3A_334, %scan3A_411 : i32
      %mul3A_413 = arith.constant 16 : i32
      %mul3A_414 = arith.muli %scan3A_412, %mul3A_413 : i32
      %swap3A_415 = arith.index_cast %mul3A_414 : i32 to index
      %swap3A_416 = tpu.vector_load %arg6[%swap3A_415] {strides = array<i32>} : memref<4128xi32, #tpu.memory_space<vmem>>, vector<16xi32>,
      tpu.vector_store %arg6[%swap3A_415], %broadcast_in_dim3A_4 {strides = array<i32>} : memref<4128xi32, #tpu.memory_space<vmem>>, vector<16xi32>,
      %mul3A_417 = arith.constant 16 : i32
      %mul3A_418 = arith.muli %scan3A_412, %mul3A_417 : i32
      %swap3A_419 = arith.index_cast %mul3A_418 : i32 to index
      %swap3A_420 = tpu.vector_load %arg7[%swap3A_419] {strides = array<i32>} : memref<4128xi32, #tpu.memory_space<vmem>>, vector<16xi32>,
      tpu.vector_store %arg7[%swap3A_419], %broadcast_in_dim3A_4 {strides = array<i32>} : memref<4128xi32, #tpu.memory_space<vmem>>, vector<16xi32>,
      %scan3A_421 = arith.constant 0 : i32
      scf.yield %scan3A_421 : i32
    }
    %scan3A_14 = arith.constant 256 : i32
    %scan3A_15 = arith.addi %scan3A_9, %scan3A_14 : i32
    %mul3A_16 = arith.constant 16 : i32
    %mul3A_17 = arith.muli %scan3A_15, %mul3A_16 : i32
    %swap3A = arith.index_cast %mul3A_17 : i32 to index
    %swap3A_18 = tpu.vector_load %arg6[%swap3A] {strides = array<i32>} : memref<4128xi32, #tpu.memory_space<vmem>>, vector<16xi32>,
    tpu.vector_store %arg6[%swap3A], %broadcast_in_dim3A_4 {strides = array<i32>} : memref<4128xi32, #tpu.memory_space<vmem>>, vector<16xi32>,
    %mul3A_19 = arith.constant 16 : i32
    %mul3A_20 = arith.muli %scan3A_15, %mul3A_19 : i32
    %swap3A_21 = arith.index_cast %mul3A_20 : i32 to index
    %swap3A_22 = tpu.vector_load %arg7[%swap3A_21] {strides = array<i32>} : memref<4128xi32, #tpu.memory_space<vmem>>, vector<16xi32>,
    tpu.vector_store %arg7[%swap3A_21], %broadcast_in_dim3A_4 {strides = array<i32>} : memref<4128xi32, #tpu.memory_space<vmem>>, vector<16xi32>,
    %scan3A_23 = arith.constant 0 : i32
    %scan3A_24 = arith.constant 257 : i32
    %scan3A_25 = arith.addi %scan3A_9, %scan3A_24 : i32
    %mul3A_26 = arith.constant 16 : i32
    %mul3A_27 = arith.muli %scan3A_25, %mul3A_26 : i32
    %swap3A_28 = arith.index_cast %mul3A_27 : i32 to index
    %swap3A_29 = tpu.vector_load %arg6[%swap3A_28] {strides = array<i32>} : memref<4128xi32, #tpu.memory_space<vmem>>, vector<16xi32>,
    tpu.vector_store %arg6[%swap3A_28], %broadcast_in_dim3A_4 {strides = array<i32>} : memref<4128xi32, #tpu.memory_space<vmem>>, vector<16xi32>,
    %mul3A_30 = arith.constant 16 : i32
    %mul3A_31 = arith.muli %scan3A_25, %mul3A_30 : i32
    %swap3A_32 = arith.index_cast %mul3A_31 : i32 to index
    %swap3A_33 = tpu.vector_load %arg7[%swap3A_32] {strides = array<i32>} : memref<4128xi32, #tpu.memory_space<vmem>>, vector<16xi32>,
    tpu.vector_store %arg7[%swap3A_32], %broadcast_in_dim3A_4 {strides = array<i32>} : memref<4128xi32, #tpu.memory_space<vmem>>, vector<16xi32>,
    %scan3A_34 = arith.constant 0 : i32
    %scan3A_35 = arith.constant 258 : i32
    %scan3A_36 = arith.constant 0 : i32
    %scan3A_37 = arith.constant 0 : i32
    %scan3A_38 = arith.constant 288 : i32
    %scan3A_39 = arith.addi %scan3A_37, %scan3A_38 : i32
    %scan3A_40 = arith.constant 1 : i32
    %scan3A_41 = scf.for %scan3A_334 = %scan3A_37 to %scan3A_39 step %scan3A_40 iter_args(%scan3A_335 = %scan3A_36) -> (i32)  : i32 {
      %mul3A_336 = arith.constant 128 : i32
      %mul3A_337 = arith.muli %scan3A_334, %mul3A_336 : i32
      %add3A_338 = arith.constant 0 : i32
      %add3A_339 = arith.addi %mul3A_337, %add3A_338 : i32
      %get3A = arith.index_cast %add3A_339 : i32 to index
      %get3A_340 = tpu.vector_load %arg4[%get3A] {strides = array<i32>} : memref<36864xi32, #tpu.memory_space<vmem>>, vector<16xi32>,
      %shift_right_arithmetic3A_341 = arith.constant 24 : i32
      %shift_right_arithmetic3A_342 = vector.broadcast %shift_right_arithmetic3A_341 : i32 to vector<16xi32>
      %shift_right_arithmetic3A_343 = arith.shrsi %get3A_340, %shift_right_arithmetic3A_342 : vector<16xi32>
      %add3A_344 = arith.constant 128 : i32
      %add3A_345 = vector.broadcast %add3A_344 : i32 to vector<16xi32>
      %add3A_346 = arith.addi %shift_right_arithmetic3A_343, %add3A_345 : vector<16xi32>
      %add3A_347 = arith.addi %mul3A_1, %add3A_346 : vector<16xi32>
      tpu.vector_store_idx %arg6[%add3A_347], %broadcast_in_dim3A_2 {add = true} : memref<4128xi32, #tpu.memory_space<vmem>>[vector<16xi32>], vector<16xi32>,
      %mul3A_348 = arith.constant 128 : i32
      %mul3A_349 = arith.muli %scan3A_334, %mul3A_348 : i32
      %add3A_350 = arith.constant 16 : i32
      %add3A_351 = arith.addi %mul3A_349, %add3A_350 : i32
      %get3A_352 = arith.index_cast %add3A_351 : i32 to index
      %get3A_353 = tpu.vector_load %arg4[%get3A_352] {strides = array<i32>} : memref<36864xi32, #tpu.memory_space<vmem>>, vector<16xi32>,
      %shift_right_arithmetic3A_354 = arith.constant 24 : i32
      %shift_right_arithmetic3A_355 = vector.broadcast %shift_right_arithmetic3A_354 : i32 to vector<16xi32>
      %shift_right_arithmetic3A_356 = arith.shrsi %get3A_353, %shift_right_arithmetic3A_355 : vector<16xi32>
      %add3A_357 = arith.constant 128 : i32
      %add3A_358 = vector.broadcast %add3A_357 : i32 to vector<16xi32>
      %add3A_359 = arith.addi %shift_right_arithmetic3A_356, %add3A_358 : vector<16xi32>
      %add3A_360 = arith.addi %mul3A_1, %add3A_359 : vector<16xi32>
      tpu.vector_store_idx %arg7[%add3A_360], %broadcast_in_dim3A_2 {add = true} : memref<4128xi32, #tpu.memory_space<vmem>>[vector<16xi32>], vector<16xi32>,
      %mul3A_361 = arith.constant 128 : i32
      %mul3A_362 = arith.muli %scan3A_334, %mul3A_361 : i32
      %add3A_363 = arith.constant 32 : i32
      %add3A_364 = arith.addi %mul3A_362, %add3A_363 : i32
      %get3A_365 = arith.index_cast %add3A_364 : i32 to index
      %get3A_366 = tpu.vector_load %arg4[%get3A_365] {strides = array<i32>} : memref<36864xi32, #tpu.memory_space<vmem>>, vector<16xi32>,
      %shift_right_arithmetic3A_367 = arith.constant 24 : i32
      %shift_right_arithmetic3A_368 = vector.broadcast %shift_right_arithmetic3A_367 : i32 to vector<16xi32>
      %shift_right_arithmetic3A_369 = arith.shrsi %get3A_366, %shift_right_arithmetic3A_368 : vector<16xi32>
      %add3A_370 = arith.constant 128 : i32
      %add3A_371 = vector.broadcast %add3A_370 : i32 to vector<16xi32>
      %add3A_372 = arith.addi %shift_right_arithmetic3A_369, %add3A_371 : vector<16xi32>
      %add3A_373 = arith.addi %mul3A_1, %add3A_372 : vector<16xi32>
      tpu.vector_store_idx %arg6[%add3A_373], %broadcast_in_dim3A_2 {add = true} : memref<4128xi32, #tpu.memory_space<vmem>>[vector<16xi32>], vector<16xi32>,
      %mul3A_374 = arith.constant 128 : i32
      %mul3A_375 = arith.muli %scan3A_334, %mul3A_374 : i32
      %add3A_376 = arith.constant 48 : i32
      %add3A_377 = arith.addi %mul3A_375, %add3A_376 : i32
      %get3A_378 = arith.index_cast %add3A_377 : i32 to index
      %get3A_379 = tpu.vector_load %arg4[%get3A_378] {strides = array<i32>} : memref<36864xi32, #tpu.memory_space<vmem>>, vector<16xi32>,
      %shift_right_arithmetic3A_380 = arith.constant 24 : i32
      %shift_right_arithmetic3A_381 = vector.broadcast %shift_right_arithmetic3A_380 : i32 to vector<16xi32>
      %shift_right_arithmetic3A_382 = arith.shrsi %get3A_379, %shift_right_arithmetic3A_381 : vector<16xi32>
      %add3A_383 = arith.constant 128 : i32
      %add3A_384 = vector.broadcast %add3A_383 : i32 to vector<16xi32>
      %add3A_385 = arith.addi %shift_right_arithmetic3A_382, %add3A_384 : vector<16xi32>
      %add3A_386 = arith.addi %mul3A_1, %add3A_385 : vector<16xi32>
      tpu.vector_store_idx %arg7[%add3A_386], %broadcast_in_dim3A_2 {add = true} : memref<4128xi32, #tpu.memory_space<vmem>>[vector<16xi32>], vector<16xi32>,
      %mul3A_387 = arith.constant 128 : i32
      %mul3A_388 = arith.muli %scan3A_334, %mul3A_387 : i32
      %add3A_389 = arith.constant 64 : i32
      %add3A_390 = arith.addi %mul3A_388, %add3A_389 : i32
      %get3A_391 = arith.index_cast %add3A_390 : i32 to index
      %get3A_392 = tpu.vector_load %arg4[%get3A_391] {strides = array<i32>} : memref<36864xi32, #tpu.memory_space<vmem>>, vector<16xi32>,
      %shift_right_arithmetic3A_393 = arith.constant 24 : i32
      %shift_right_arithmetic3A_394 = vector.broadcast %shift_right_arithmetic3A_393 : i32 to vector<16xi32>
      %shift_right_arithmetic3A_395 = arith.shrsi %get3A_392, %shift_right_arithmetic3A_394 : vector<16xi32>
      %add3A_396 = arith.constant 128 : i32
      %add3A_397 = vector.broadcast %add3A_396 : i32 to vector<16xi32>
      %add3A_398 = arith.addi %shift_right_arithmetic3A_395, %add3A_397 : vector<16xi32>
      %add3A_399 = arith.addi %mul3A_1, %add3A_398 : vector<16xi32>
      tpu.vector_store_idx %arg6[%add3A_399], %broadcast_in_dim3A_2 {add = true} : memref<4128xi32, #tpu.memory_space<vmem>>[vector<16xi32>], vector<16xi32>,
      %mul3A_400 = arith.constant 128 : i32
      %mul3A_401 = arith.muli %scan3A_334, %mul3A_400 : i32
      %add3A_402 = arith.constant 80 : i32
      %add3A_403 = arith.addi %mul3A_401, %add3A_402 : i32
      %get3A_404 = arith.index_cast %add3A_403 : i32 to index
      %get3A_405 = tpu.vector_load %arg4[%get3A_404] {strides = array<i32>} : memref<36864xi32, #tpu.memory_space<vmem>>, vector<16xi32>,
      %shift_right_arithmetic3A_406 = arith.constant 24 : i32
      %shift_right_arithmetic3A_407 = vector.broadcast %shift_right_arithmetic3A_406 : i32 to vector<16xi32>
      %shift_right_arithmetic3A_408 = arith.shrsi %get3A_405, %shift_right_arithmetic3A_407 : vector<16xi32>
      %add3A_409 = arith.constant 128 : i32
      %add3A_410 = vector.broadcast %add3A_409 : i32 to vector<16xi32>
      %add3A_411 = arith.addi %shift_right_arithmetic3A_408, %add3A_410 : vector<16xi32>
      %add3A_412 = arith.addi %mul3A_1, %add3A_411 : vector<16xi32>
      tpu.vector_store_idx %arg7[%add3A_412], %broadcast_in_dim3A_2 {add = true} : memref<4128xi32, #tpu.memory_space<vmem>>[vector<16xi32>], vector<16xi32>,
      %mul3A_413 = arith.constant 128 : i32
      %mul3A_414 = arith.muli %scan3A_334, %mul3A_413 : i32
      %add3A_415 = arith.constant 96 : i32
      %add3A_416 = arith.addi %mul3A_414, %add3A_415 : i32
      %get3A_417 = arith.index_cast %add3A_416 : i32 to index
      %get3A_418 = tpu.vector_load %arg4[%get3A_417] {strides = array<i32>} : memref<36864xi32, #tpu.memory_space<vmem>>, vector<16xi32>,
      %shift_right_arithmetic3A_419 = arith.constant 24 : i32
      %shift_right_arithmetic3A_420 = vector.broadcast %shift_right_arithmetic3A_419 : i32 to vector<16xi32>
      %shift_right_arithmetic3A_421 = arith.shrsi %get3A_418, %shift_right_arithmetic3A_420 : vector<16xi32>
      %add3A_422 = arith.constant 128 : i32
      %add3A_423 = vector.broadcast %add3A_422 : i32 to vector<16xi32>
      %add3A_424 = arith.addi %shift_right_arithmetic3A_421, %add3A_423 : vector<16xi32>
      %add3A_425 = arith.addi %mul3A_1, %add3A_424 : vector<16xi32>
      tpu.vector_store_idx %arg6[%add3A_425], %broadcast_in_dim3A_2 {add = true} : memref<4128xi32, #tpu.memory_space<vmem>>[vector<16xi32>], vector<16xi32>,
      %mul3A_426 = arith.constant 128 : i32
      %mul3A_427 = arith.muli %scan3A_334, %mul3A_426 : i32
      %add3A_428 = arith.constant 112 : i32
      %add3A_429 = arith.addi %mul3A_427, %add3A_428 : i32
      %get3A_430 = arith.index_cast %add3A_429 : i32 to index
      %get3A_431 = tpu.vector_load %arg4[%get3A_430] {strides = array<i32>} : memref<36864xi32, #tpu.memory_space<vmem>>, vector<16xi32>,
      %shift_right_arithmetic3A_432 = arith.constant 24 : i32
      %shift_right_arithmetic3A_433 = vector.broadcast %shift_right_arithmetic3A_432 : i32 to vector<16xi32>
      %shift_right_arithmetic3A_434 = arith.shrsi %get3A_431, %shift_right_arithmetic3A_433 : vector<16xi32>
      %add3A_435 = arith.constant 128 : i32
      %add3A_436 = vector.broadcast %add3A_435 : i32 to vector<16xi32>
      %add3A_437 = arith.addi %shift_right_arithmetic3A_434, %add3A_436 : vector<16xi32>
      %add3A_438 = arith.addi %mul3A_1, %add3A_437 : vector<16xi32>
      tpu.vector_store_idx %arg7[%add3A_438], %broadcast_in_dim3A_2 {add = true} : memref<4128xi32, #tpu.memory_space<vmem>>[vector<16xi32>], vector<16xi32>,
      %scan3A_439 = arith.constant 0 : i32
      scf.yield %scan3A_439 : i32
    }
    %scan3A_42 = arith.constant 288 : i32
    %scan3A_43 = arith.constant 0 : i32
    %scan3A_44 = arith.constant 0 : i32
    %scan3A_45 = arith.constant 16 : i32
    %scan3A_46 = arith.addi %scan3A_44, %scan3A_45 : i32
    %scan3A_47 = arith.constant 1 : i32
    %scan3A_48 = scf.for %scan3A_334 = %scan3A_44 to %scan3A_46 step %scan3A_47 iter_args(%scan3A_335 = %scan3A_43) -> (i32)  : i32 {
      %scan3A_336 = arith.constant 0 : i32
      %scan3A_337 = arith.constant 16 : i32
      %scan3A_338 = arith.addi %scan3A_336, %scan3A_337 : i32
      %scan3A_339 = arith.constant 1 : i32
      %scan3A_340 = scf.for %scan3A_347 = %scan3A_336 to %scan3A_338 step %scan3A_339 iter_args(%scan3A_348 = %broadcast_in_dim3A_4) -> (vector<16xi32>)  : i32 {
        %mul3A_349 = arith.constant 257 : i32
        %mul3A_350 = arith.muli %scan3A_347, %mul3A_349 : i32
        %mul3A_351 = arith.constant 16 : i32
        %mul3A_352 = arith.muli %scan3A_334, %mul3A_351 : i32
        %add3A_353 = arith.addi %mul3A_350, %mul3A_352 : i32
        %get3A = arith.index_cast %add3A_353 : i32 to index
        %get3A_354 = tpu.vector_load %arg6[%get3A] {strides = array<i32>} : memref<4128xi32, #tpu.memory_space<vmem>>, vector<16xi32>,
        %add3A_355 = arith.addi %scan3A_348, %get3A_354 : vector<16xi32>
        %mul3A_356 = arith.constant 257 : i32
        %mul3A_357 = arith.muli %scan3A_347, %mul3A_356 : i32
        %mul3A_358 = arith.constant 16 : i32
        %mul3A_359 = arith.muli %scan3A_334, %mul3A_358 : i32
        %add3A_360 = arith.addi %mul3A_357, %mul3A_359 : i32
        %get3A_361 = arith.index_cast %add3A_360 : i32 to index
        %get3A_362 = tpu.vector_load %arg7[%get3A_361] {strides = array<i32>} : memref<4128xi32, #tpu.memory_space<vmem>>, vector<16xi32>,
        %add3A_363 = arith.addi %add3A_355, %get3A_362 : vector<16xi32>
        scf.yield %add3A_363 : vector<16xi32>
      }
      %scan3A_341 = arith.constant 16 : i32
      %mul3A_342 = arith.constant 16 : i32
      %mul3A_343 = arith.muli %scan3A_334, %mul3A_342 : i32
      %swap3A_344 = arith.index_cast %mul3A_343 : i32 to index
      %swap3A_345 = tpu.vector_load %arg8[%swap3A_344] {strides = array<i32>} : memref<256xi32, #tpu.memory_space<vmem>>, vector<16xi32>,
      tpu.vector_store %arg8[%swap3A_344], %scan3A_340 {strides = array<i32>} : memref<256xi32, #tpu.memory_space<vmem>>, vector<16xi32>,
      %scan3A_346 = arith.constant 0 : i32
      scf.yield %scan3A_346 : i32
    }
    %scan3A_49 = arith.constant 16 : i32
    %mul3A_50 = arith.constant 256 : i32
    %mul3A_51 = arith.muli %arg1, %mul3A_50 : i32
    "tpu.region"() ({
      %run_scoped3A = tpu.sem_alloc : memref<!tpu.dma_semaphore, #tpu.memory_space<semaphore_mem>>
      %dma_start3A = tpu.memref_slice %arg10[%mul3A_51] : memref<4096xi32, #tpu.memory_space<vmem_shared>> -> memref<256xi32, #tpu.memory_space<vmem_shared>>
      %dma_start3A_334 = tpu.memref_slice %arg10[%mul3A_51] : memref<4096xi32, #tpu.memory_space<vmem_shared>> -> memref<256xi32, #tpu.memory_space<vmem_shared>>
      tpu.enqueue_dma source(%arg8 : memref<256xi32, #tpu.memory_space<vmem>>) target(%dma_start3A_334 : memref<256xi32, #tpu.memory_space<vmem_shared>>) target_semaphore(%run_scoped3A : memref<!tpu.dma_semaphore, #tpu.memory_space<semaphore_mem>>)
      %dma_wait3A = tpu.memref_slice %arg10[%mul3A_51] : memref<4096xi32, #tpu.memory_space<vmem_shared>> -> memref<256xi32, #tpu.memory_space<vmem_shared>>
      %dma_wait3A_335 = tpu.memref_slice %arg10[%mul3A_51] : memref<4096xi32, #tpu.memory_space<vmem_shared>> -> memref<256xi32, #tpu.memory_space<vmem_shared>>
      tpu.wait_dma2 semaphore(%run_scoped3A : memref<!tpu.dma_semaphore, #tpu.memory_space<semaphore_mem>>) src(%arg8 : memref<256xi32, #tpu.memory_space<vmem>>) dst(%dma_wait3A_335 : memref<256xi32, #tpu.memory_space<vmem_shared>>)
      tpu.yield
    }) : () -> ()
    %barrier3A = arith.constant 0 : index
    tpu.barrier barrier_id(%barrier3A)
    "tpu.region"() ({
      %run_scoped3A = tpu.sem_alloc : memref<!tpu.dma_semaphore, #tpu.memory_space<semaphore_mem>>
      %dma_start3A = arith.constant 0 : i32
      %dma_start3A_334 = tpu.memref_slice %arg6[%dma_start3A] : memref<4128xi32, #tpu.memory_space<vmem>> -> memref<4096xi32, #tpu.memory_space<vmem>>
      %dma_start3A_335 = arith.constant 0 : i32
      %dma_start3A_336 = tpu.memref_slice %arg6[%dma_start3A_335] : memref<4128xi32, #tpu.memory_space<vmem>> -> memref<4096xi32, #tpu.memory_space<vmem>>
      tpu.enqueue_dma source(%arg10 : memref<4096xi32, #tpu.memory_space<vmem_shared>>) target(%dma_start3A_336 : memref<4096xi32, #tpu.memory_space<vmem>>) target_semaphore(%run_scoped3A : memref<!tpu.dma_semaphore, #tpu.memory_space<semaphore_mem>>)
      %dma_wait3A = arith.constant 0 : i32
      %dma_wait3A_337 = tpu.memref_slice %arg6[%dma_wait3A] : memref<4128xi32, #tpu.memory_space<vmem>> -> memref<4096xi32, #tpu.memory_space<vmem>>
      %dma_wait3A_338 = arith.constant 0 : i32
      %dma_wait3A_339 = tpu.memref_slice %arg6[%dma_wait3A_338] : memref<4128xi32, #tpu.memory_space<vmem>> -> memref<4096xi32, #tpu.memory_space<vmem>>
      tpu.wait_dma2 semaphore(%run_scoped3A : memref<!tpu.dma_semaphore, #tpu.memory_space<semaphore_mem>>) src(%arg10 : memref<4096xi32, #tpu.memory_space<vmem_shared>>) dst(%dma_wait3A_339 : memref<4096xi32, #tpu.memory_space<vmem>>)
      tpu.yield
    }) : () -> ()
    %barrier3A_52 = arith.constant 0 : index
    tpu.barrier barrier_id(%barrier3A_52)
    %scan3A_53 = arith.constant 0 : i32
    %scan3A_54 = arith.constant 0 : i32
    %scan3A_55 = arith.constant 16 : i32
    %scan3A_56 = arith.addi %scan3A_54, %scan3A_55 : i32
    %scan3A_57 = arith.constant 1 : i32
    %scan3A_58 = scf.for %scan3A_334 = %scan3A_54 to %scan3A_56 step %scan3A_57 iter_args(%scan3A_335 = %scan3A_53) -> (i32)  : i32 {
      %scan3A_336 = arith.constant 0 : i32
      %scan3A_337 = arith.constant 16 : i32
      %scan3A_338 = arith.addi %scan3A_336, %scan3A_337 : i32
      %scan3A_339 = arith.constant 1 : i32
      %scan3A_340 = scf.for %scan3A_469 = %scan3A_336 to %scan3A_338 step %scan3A_339 iter_args(%scan3A_470 = %broadcast_in_dim3A_4) -> (vector<16xi32>)  : i32 {
        %mul3A_471 = arith.constant 256 : i32
        %mul3A_472 = arith.muli %scan3A_469, %mul3A_471 : i32
        %mul3A_473 = arith.constant 16 : i32
        %mul3A_474 = arith.muli %scan3A_334, %mul3A_473 : i32
        %add3A_475 = arith.addi %mul3A_472, %mul3A_474 : i32
        %get3A = arith.index_cast %add3A_475 : i32 to index
        %get3A_476 = tpu.vector_load %arg6[%get3A] {strides = array<i32>} : memref<4128xi32, #tpu.memory_space<vmem>>, vector<16xi32>,
        %add3A_477 = arith.addi %scan3A_470, %get3A_476 : vector<16xi32>
        scf.yield %add3A_477 : vector<16xi32>
      }
      %scan3A_341 = arith.constant 16 : i32
      %slice3A = vector.extract_strided_slice %scan3A_340 {offsets = [0], sizes = [1], strides = [1]} : vector<16xi32> to vector<1xi32>
      %squeeze3A = vector.extract %slice3A[0] : i32 from vector<1xi32>
      %mul3A_342 = arith.constant 16 : i32
      %mul3A_343 = arith.muli %scan3A_334, %mul3A_342 : i32
      %add3A_344 = arith.constant 0 : i32
      %add3A_345 = arith.addi %mul3A_343, %add3A_344 : i32
      %swap3A_346 = arith.index_cast %add3A_345 : i32 to index
      %swap3A_347 = memref.load %arg11[%swap3A_346] : memref<256xi32, #tpu.memory_space<smem>>
      memref.store %squeeze3A, %arg11[%swap3A_346] : memref<256xi32, #tpu.memory_space<smem>>
      %slice3A_348 = vector.extract_strided_slice %scan3A_340 {offsets = [1], sizes = [1], strides = [1]} : vector<16xi32> to vector<1xi32>
      %squeeze3A_349 = vector.extract %slice3A_348[0] : i32 from vector<1xi32>
      %mul3A_350 = arith.constant 16 : i32
      %mul3A_351 = arith.muli %scan3A_334, %mul3A_350 : i32
      %add3A_352 = arith.constant 1 : i32
      %add3A_353 = arith.addi %mul3A_351, %add3A_352 : i32
      %swap3A_354 = arith.index_cast %add3A_353 : i32 to index
      %swap3A_355 = memref.load %arg11[%swap3A_354] : memref<256xi32, #tpu.memory_space<smem>>
      memref.store %squeeze3A_349, %arg11[%swap3A_354] : memref<256xi32, #tpu.memory_space<smem>>
      %slice3A_356 = vector.extract_strided_slice %scan3A_340 {offsets = [2], sizes = [1], strides = [1]} : vector<16xi32> to vector<1xi32>
      %squeeze3A_357 = vector.extract %slice3A_356[0] : i32 from vector<1xi32>
      %mul3A_358 = arith.constant 16 : i32
      %mul3A_359 = arith.muli %scan3A_334, %mul3A_358 : i32
      %add3A_360 = arith.constant 2 : i32
      %add3A_361 = arith.addi %mul3A_359, %add3A_360 : i32
      %swap3A_362 = arith.index_cast %add3A_361 : i32 to index
      %swap3A_363 = memref.load %arg11[%swap3A_362] : memref<256xi32, #tpu.memory_space<smem>>
      memref.store %squeeze3A_357, %arg11[%swap3A_362] : memref<256xi32, #tpu.memory_space<smem>>
      %slice3A_364 = vector.extract_strided_slice %scan3A_340 {offsets = [3], sizes = [1], strides = [1]} : vector<16xi32> to vector<1xi32>
      %squeeze3A_365 = vector.extract %slice3A_364[0] : i32 from vector<1xi32>
      %mul3A_366 = arith.constant 16 : i32
      %mul3A_367 = arith.muli %scan3A_334, %mul3A_366 : i32
      %add3A_368 = arith.constant 3 : i32
      %add3A_369 = arith.addi %mul3A_367, %add3A_368 : i32
      %swap3A_370 = arith.index_cast %add3A_369 : i32 to index
      %swap3A_371 = memref.load %arg11[%swap3A_370] : memref<256xi32, #tpu.memory_space<smem>>
      memref.store %squeeze3A_365, %arg11[%swap3A_370] : memref<256xi32, #tpu.memory_space<smem>>
      %slice3A_372 = vector.extract_strided_slice %scan3A_340 {offsets = [4], sizes = [1], strides = [1]} : vector<16xi32> to vector<1xi32>
      %squeeze3A_373 = vector.extract %slice3A_372[0] : i32 from vector<1xi32>
      %mul3A_374 = arith.constant 16 : i32
      %mul3A_375 = arith.muli %scan3A_334, %mul3A_374 : i32
      %add3A_376 = arith.constant 4 : i32
      %add3A_377 = arith.addi %mul3A_375, %add3A_376 : i32
      %swap3A_378 = arith.index_cast %add3A_377 : i32 to index
      %swap3A_379 = memref.load %arg11[%swap3A_378] : memref<256xi32, #tpu.memory_space<smem>>
      memref.store %squeeze3A_373, %arg11[%swap3A_378] : memref<256xi32, #tpu.memory_space<smem>>
      %slice3A_380 = vector.extract_strided_slice %scan3A_340 {offsets = [5], sizes = [1], strides = [1]} : vector<16xi32> to vector<1xi32>
      %squeeze3A_381 = vector.extract %slice3A_380[0] : i32 from vector<1xi32>
      %mul3A_382 = arith.constant 16 : i32
      %mul3A_383 = arith.muli %scan3A_334, %mul3A_382 : i32
      %add3A_384 = arith.constant 5 : i32
      %add3A_385 = arith.addi %mul3A_383, %add3A_384 : i32
      %swap3A_386 = arith.index_cast %add3A_385 : i32 to index
      %swap3A_387 = memref.load %arg11[%swap3A_386] : memref<256xi32, #tpu.memory_space<smem>>
      memref.store %squeeze3A_381, %arg11[%swap3A_386] : memref<256xi32, #tpu.memory_space<smem>>
      %slice3A_388 = vector.extract_strided_slice %scan3A_340 {offsets = [6], sizes = [1], strides = [1]} : vector<16xi32> to vector<1xi32>
      %squeeze3A_389 = vector.extract %slice3A_388[0] : i32 from vector<1xi32>
      %mul3A_390 = arith.constant 16 : i32
      %mul3A_391 = arith.muli %scan3A_334, %mul3A_390 : i32
      %add3A_392 = arith.constant 6 : i32
      %add3A_393 = arith.addi %mul3A_391, %add3A_392 : i32
      %swap3A_394 = arith.index_cast %add3A_393 : i32 to index
      %swap3A_395 = memref.load %arg11[%swap3A_394] : memref<256xi32, #tpu.memory_space<smem>>
      memref.store %squeeze3A_389, %arg11[%swap3A_394] : memref<256xi32, #tpu.memory_space<smem>>
      %slice3A_396 = vector.extract_strided_slice %scan3A_340 {offsets = [7], sizes = [1], strides = [1]} : vector<16xi32> to vector<1xi32>
      %squeeze3A_397 = vector.extract %slice3A_396[0] : i32 from vector<1xi32>
      %mul3A_398 = arith.constant 16 : i32
      %mul3A_399 = arith.muli %scan3A_334, %mul3A_398 : i32
      %add3A_400 = arith.constant 7 : i32
      %add3A_401 = arith.addi %mul3A_399, %add3A_400 : i32
      %swap3A_402 = arith.index_cast %add3A_401 : i32 to index
      %swap3A_403 = memref.load %arg11[%swap3A_402] : memref<256xi32, #tpu.memory_space<smem>>
      memref.store %squeeze3A_397, %arg11[%swap3A_402] : memref<256xi32, #tpu.memory_space<smem>>
      %slice3A_404 = vector.extract_strided_slice %scan3A_340 {offsets = [8], sizes = [1], strides = [1]} : vector<16xi32> to vector<1xi32>
      %squeeze3A_405 = vector.extract %slice3A_404[0] : i32 from vector<1xi32>
      %mul3A_406 = arith.constant 16 : i32
      %mul3A_407 = arith.muli %scan3A_334, %mul3A_406 : i32
      %add3A_408 = arith.constant 8 : i32
      %add3A_409 = arith.addi %mul3A_407, %add3A_408 : i32
      %swap3A_410 = arith.index_cast %add3A_409 : i32 to index
      %swap3A_411 = memref.load %arg11[%swap3A_410] : memref<256xi32, #tpu.memory_space<smem>>
      memref.store %squeeze3A_405, %arg11[%swap3A_410] : memref<256xi32, #tpu.memory_space<smem>>
      %slice3A_412 = vector.extract_strided_slice %scan3A_340 {offsets = [9], sizes = [1], strides = [1]} : vector<16xi32> to vector<1xi32>
      %squeeze3A_413 = vector.extract %slice3A_412[0] : i32 from vector<1xi32>
      %mul3A_414 = arith.constant 16 : i32
      %mul3A_415 = arith.muli %scan3A_334, %mul3A_414 : i32
      %add3A_416 = arith.constant 9 : i32
      %add3A_417 = arith.addi %mul3A_415, %add3A_416 : i32
      %swap3A_418 = arith.index_cast %add3A_417 : i32 to index
      %swap3A_419 = memref.load %arg11[%swap3A_418] : memref<256xi32, #tpu.memory_space<smem>>
      memref.store %squeeze3A_413, %arg11[%swap3A_418] : memref<256xi32, #tpu.memory_space<smem>>
      %slice3A_420 = vector.extract_strided_slice %scan3A_340 {offsets = [10], sizes = [1], strides = [1]} : vector<16xi32> to vector<1xi32>
      %squeeze3A_421 = vector.extract %slice3A_420[0] : i32 from vector<1xi32>
      %mul3A_422 = arith.constant 16 : i32
      %mul3A_423 = arith.muli %scan3A_334, %mul3A_422 : i32
      %add3A_424 = arith.constant 10 : i32
      %add3A_425 = arith.addi %mul3A_423, %add3A_424 : i32
      %swap3A_426 = arith.index_cast %add3A_425 : i32 to index
      %swap3A_427 = memref.load %arg11[%swap3A_426] : memref<256xi32, #tpu.memory_space<smem>>
      memref.store %squeeze3A_421, %arg11[%swap3A_426] : memref<256xi32, #tpu.memory_space<smem>>
      %slice3A_428 = vector.extract_strided_slice %scan3A_340 {offsets = [11], sizes = [1], strides = [1]} : vector<16xi32> to vector<1xi32>
      %squeeze3A_429 = vector.extract %slice3A_428[0] : i32 from vector<1xi32>
      %mul3A_430 = arith.constant 16 : i32
      %mul3A_431 = arith.muli %scan3A_334, %mul3A_430 : i32
      %add3A_432 = arith.constant 11 : i32
      %add3A_433 = arith.addi %mul3A_431, %add3A_432 : i32
      %swap3A_434 = arith.index_cast %add3A_433 : i32 to index
      %swap3A_435 = memref.load %arg11[%swap3A_434] : memref<256xi32, #tpu.memory_space<smem>>
      memref.store %squeeze3A_429, %arg11[%swap3A_434] : memref<256xi32, #tpu.memory_space<smem>>
      %slice3A_436 = vector.extract_strided_slice %scan3A_340 {offsets = [12], sizes = [1], strides = [1]} : vector<16xi32> to vector<1xi32>
      %squeeze3A_437 = vector.extract %slice3A_436[0] : i32 from vector<1xi32>
      %mul3A_438 = arith.constant 16 : i32
      %mul3A_439 = arith.muli %scan3A_334, %mul3A_438 : i32
      %add3A_440 = arith.constant 12 : i32
      %add3A_441 = arith.addi %mul3A_439, %add3A_440 : i32
      %swap3A_442 = arith.index_cast %add3A_441 : i32 to index
      %swap3A_443 = memref.load %arg11[%swap3A_442] : memref<256xi32, #tpu.memory_space<smem>>
      memref.store %squeeze3A_437, %arg11[%swap3A_442] : memref<256xi32, #tpu.memory_space<smem>>
      %slice3A_444 = vector.extract_strided_slice %scan3A_340 {offsets = [13], sizes = [1], strides = [1]} : vector<16xi32> to vector<1xi32>
      %squeeze3A_445 = vector.extract %slice3A_444[0] : i32 from vector<1xi32>
      %mul3A_446 = arith.constant 16 : i32
      %mul3A_447 = arith.muli %scan3A_334, %mul3A_446 : i32
      %add3A_448 = arith.constant 13 : i32
      %add3A_449 = arith.addi %mul3A_447, %add3A_448 : i32
      %swap3A_450 = arith.index_cast %add3A_449 : i32 to index
      %swap3A_451 = memref.load %arg11[%swap3A_450] : memref<256xi32, #tpu.memory_space<smem>>
      memref.store %squeeze3A_445, %arg11[%swap3A_450] : memref<256xi32, #tpu.memory_space<smem>>
      %slice3A_452 = vector.extract_strided_slice %scan3A_340 {offsets = [14], sizes = [1], strides = [1]} : vector<16xi32> to vector<1xi32>
      %squeeze3A_453 = vector.extract %slice3A_452[0] : i32 from vector<1xi32>
      %mul3A_454 = arith.constant 16 : i32
      %mul3A_455 = arith.muli %scan3A_334, %mul3A_454 : i32
      %add3A_456 = arith.constant 14 : i32
      %add3A_457 = arith.addi %mul3A_455, %add3A_456 : i32
      %swap3A_458 = arith.index_cast %add3A_457 : i32 to index
      %swap3A_459 = memref.load %arg11[%swap3A_458] : memref<256xi32, #tpu.memory_space<smem>>
      memref.store %squeeze3A_453, %arg11[%swap3A_458] : memref<256xi32, #tpu.memory_space<smem>>
      %slice3A_460 = vector.extract_strided_slice %scan3A_340 {offsets = [15], sizes = [1], strides = [1]} : vector<16xi32> to vector<1xi32>
      %squeeze3A_461 = vector.extract %slice3A_460[0] : i32 from vector<1xi32>
      %mul3A_462 = arith.constant 16 : i32
      %mul3A_463 = arith.muli %scan3A_334, %mul3A_462 : i32
      %add3A_464 = arith.constant 15 : i32
      %add3A_465 = arith.addi %mul3A_463, %add3A_464 : i32
      %swap3A_466 = arith.index_cast %add3A_465 : i32 to index
      %swap3A_467 = memref.load %arg11[%swap3A_466] : memref<256xi32, #tpu.memory_space<smem>>
      memref.store %squeeze3A_461, %arg11[%swap3A_466] : memref<256xi32, #tpu.memory_space<smem>>
      %scan3A_468 = arith.constant 0 : i32
      scf.yield %scan3A_468 : i32
    }
    %scan3A_59 = arith.constant 16 : i32
    %scan3A_60 = arith.constant 176947 : i32
    %scan3A_61 = arith.constant 0 : i32
    %scan3A_62 = arith.constant -1 : i32
    %scan3A_63 = arith.constant 0 : i32
    %scan3A_64 = arith.constant 0 : i32
    %scan3A_65 = arith.constant 256 : i32
    %scan3A_66 = arith.addi %scan3A_64, %scan3A_65 : i32
    %scan3A_67 = arith.constant 1 : i32
    %scan3A_68:3 = scf.for %scan3A_334 = %scan3A_64 to %scan3A_66 step %scan3A_67 iter_args(%scan3A_335 = %scan3A_61, %scan3A_336 = %scan3A_62, %scan3A_337 = %scan3A_63) -> (i32, i32, i32)  : i32 {
      %sub3A_338 = arith.constant 255 : i32
      %sub3A_339 = arith.subi %sub3A_338, %scan3A_334 : i32
      %get3A = arith.index_cast %sub3A_339 : i32 to index
      %get3A_340 = memref.load %arg11[%get3A] : memref<256xi32, #tpu.memory_space<smem>>
      %add3A_341 = arith.addi %scan3A_335, %get3A_340 : i32
      %ge3A = arith.cmpi sge, %add3A_341, %scan3A_60 : i32
      %lt3A = arith.constant 0 : i32
      %lt3A_342 = arith.cmpi slt, %scan3A_336, %lt3A : i32
      %and3A_343 = arith.andi %ge3A, %lt3A_342 : i1
      %select_n3A_344 = arith.select %and3A_343, %sub3A_339, %scan3A_336 : i32
      %sub3A_345 = arith.subi %scan3A_60, %scan3A_335 : i32
      %select_n3A_346 = arith.select %and3A_343, %sub3A_345, %scan3A_337 : i32
      scf.yield %add3A_341, %select_n3A_344, %select_n3A_346 : i32, i32, i32
    }
    %scan3A_69 = arith.constant 256 : i32
    %sub3A = arith.constant 128 : i32
    %sub3A_70 = arith.subi %scan3A_68#1, %sub3A : i32
    %shift_left3A = arith.constant 24 : i32
    %shift_left3A_71 = arith.shli %sub3A_70, %shift_left3A : i32
    %scan3A_72 = arith.constant 0 : i32
    %scan3A_73 = arith.constant 0 : i32
    %scan3A_74 = arith.constant 256 : i32
    %scan3A_75 = arith.addi %scan3A_73, %scan3A_74 : i32
    %scan3A_76 = arith.constant 8 : i32
    %scan3A_77 = scf.for %scan3A_334 = %scan3A_73 to %scan3A_75 step %scan3A_76 iter_args(%scan3A_335 = %scan3A_72) -> (i32)  : i32 {
      %mul3A_336 = arith.constant 16 : i32
      %mul3A_337 = arith.muli %scan3A_334, %mul3A_336 : i32
      %swap3A_338 = arith.index_cast %mul3A_337 : i32 to index
      %swap3A_339 = tpu.vector_load %arg6[%swap3A_338] {strides = array<i32>} : memref<4128xi32, #tpu.memory_space<vmem>>, vector<16xi32>,
      tpu.vector_store %arg6[%swap3A_338], %broadcast_in_dim3A_4 {strides = array<i32>} : memref<4128xi32, #tpu.memory_space<vmem>>, vector<16xi32>,
      %mul3A_340 = arith.constant 16 : i32
      %mul3A_341 = arith.muli %scan3A_334, %mul3A_340 : i32
      %swap3A_342 = arith.index_cast %mul3A_341 : i32 to index
      %swap3A_343 = tpu.vector_load %arg7[%swap3A_342] {strides = array<i32>} : memref<4128xi32, #tpu.memory_space<vmem>>, vector<16xi32>,
      tpu.vector_store %arg7[%swap3A_342], %broadcast_in_dim3A_4 {strides = array<i32>} : memref<4128xi32, #tpu.memory_space<vmem>>, vector<16xi32>,
      %scan3A_344 = arith.constant 0 : i32
      %scan3A_345 = arith.constant 1 : i32
      %scan3A_346 = arith.addi %scan3A_334, %scan3A_345 : i32
      %mul3A_347 = arith.constant 16 : i32
      %mul3A_348 = arith.muli %scan3A_346, %mul3A_347 : i32
      %swap3A_349 = arith.index_cast %mul3A_348 : i32 to index
      %swap3A_350 = tpu.vector_load %arg6[%swap3A_349] {strides = array<i32>} : memref<4128xi32, #tpu.memory_space<vmem>>, vector<16xi32>,
      tpu.vector_store %arg6[%swap3A_349], %broadcast_in_dim3A_4 {strides = array<i32>} : memref<4128xi32, #tpu.memory_space<vmem>>, vector<16xi32>,
      %mul3A_351 = arith.constant 16 : i32
      %mul3A_352 = arith.muli %scan3A_346, %mul3A_351 : i32
      %swap3A_353 = arith.index_cast %mul3A_352 : i32 to index
      %swap3A_354 = tpu.vector_load %arg7[%swap3A_353] {strides = array<i32>} : memref<4128xi32, #tpu.memory_space<vmem>>, vector<16xi32>,
      tpu.vector_store %arg7[%swap3A_353], %broadcast_in_dim3A_4 {strides = array<i32>} : memref<4128xi32, #tpu.memory_space<vmem>>, vector<16xi32>,
      %scan3A_355 = arith.constant 0 : i32
      %scan3A_356 = arith.constant 2 : i32
      %scan3A_357 = arith.addi %scan3A_334, %scan3A_356 : i32
      %mul3A_358 = arith.constant 16 : i32
      %mul3A_359 = arith.muli %scan3A_357, %mul3A_358 : i32
      %swap3A_360 = arith.index_cast %mul3A_359 : i32 to index
      %swap3A_361 = tpu.vector_load %arg6[%swap3A_360] {strides = array<i32>} : memref<4128xi32, #tpu.memory_space<vmem>>, vector<16xi32>,
      tpu.vector_store %arg6[%swap3A_360], %broadcast_in_dim3A_4 {strides = array<i32>} : memref<4128xi32, #tpu.memory_space<vmem>>, vector<16xi32>,
      %mul3A_362 = arith.constant 16 : i32
      %mul3A_363 = arith.muli %scan3A_357, %mul3A_362 : i32
      %swap3A_364 = arith.index_cast %mul3A_363 : i32 to index
      %swap3A_365 = tpu.vector_load %arg7[%swap3A_364] {strides = array<i32>} : memref<4128xi32, #tpu.memory_space<vmem>>, vector<16xi32>,
      tpu.vector_store %arg7[%swap3A_364], %broadcast_in_dim3A_4 {strides = array<i32>} : memref<4128xi32, #tpu.memory_space<vmem>>, vector<16xi32>,
      %scan3A_366 = arith.constant 0 : i32
      %scan3A_367 = arith.constant 3 : i32
      %scan3A_368 = arith.addi %scan3A_334, %scan3A_367 : i32
      %mul3A_369 = arith.constant 16 : i32
      %mul3A_370 = arith.muli %scan3A_368, %mul3A_369 : i32
      %swap3A_371 = arith.index_cast %mul3A_370 : i32 to index
      %swap3A_372 = tpu.vector_load %arg6[%swap3A_371] {strides = array<i32>} : memref<4128xi32, #tpu.memory_space<vmem>>, vector<16xi32>,
      tpu.vector_store %arg6[%swap3A_371], %broadcast_in_dim3A_4 {strides = array<i32>} : memref<4128xi32, #tpu.memory_space<vmem>>, vector<16xi32>,
      %mul3A_373 = arith.constant 16 : i32
      %mul3A_374 = arith.muli %scan3A_368, %mul3A_373 : i32
      %swap3A_375 = arith.index_cast %mul3A_374 : i32 to index
      %swap3A_376 = tpu.vector_load %arg7[%swap3A_375] {strides = array<i32>} : memref<4128xi32, #tpu.memory_space<vmem>>, vector<16xi32>,
      tpu.vector_store %arg7[%swap3A_375], %broadcast_in_dim3A_4 {strides = array<i32>} : memref<4128xi32, #tpu.memory_space<vmem>>, vector<16xi32>,
      %scan3A_377 = arith.constant 0 : i32
      %scan3A_378 = arith.constant 4 : i32
      %scan3A_379 = arith.addi %scan3A_334, %scan3A_378 : i32
      %mul3A_380 = arith.constant 16 : i32
      %mul3A_381 = arith.muli %scan3A_379, %mul3A_380 : i32
      %swap3A_382 = arith.index_cast %mul3A_381 : i32 to index
      %swap3A_383 = tpu.vector_load %arg6[%swap3A_382] {strides = array<i32>} : memref<4128xi32, #tpu.memory_space<vmem>>, vector<16xi32>,
      tpu.vector_store %arg6[%swap3A_382], %broadcast_in_dim3A_4 {strides = array<i32>} : memref<4128xi32, #tpu.memory_space<vmem>>, vector<16xi32>,
      %mul3A_384 = arith.constant 16 : i32
      %mul3A_385 = arith.muli %scan3A_379, %mul3A_384 : i32
      %swap3A_386 = arith.index_cast %mul3A_385 : i32 to index
      %swap3A_387 = tpu.vector_load %arg7[%swap3A_386] {strides = array<i32>} : memref<4128xi32, #tpu.memory_space<vmem>>, vector<16xi32>,
      tpu.vector_store %arg7[%swap3A_386], %broadcast_in_dim3A_4 {strides = array<i32>} : memref<4128xi32, #tpu.memory_space<vmem>>, vector<16xi32>,
      %scan3A_388 = arith.constant 0 : i32
      %scan3A_389 = arith.constant 5 : i32
      %scan3A_390 = arith.addi %scan3A_334, %scan3A_389 : i32
      %mul3A_391 = arith.constant 16 : i32
      %mul3A_392 = arith.muli %scan3A_390, %mul3A_391 : i32
      %swap3A_393 = arith.index_cast %mul3A_392 : i32 to index
      %swap3A_394 = tpu.vector_load %arg6[%swap3A_393] {strides = array<i32>} : memref<4128xi32, #tpu.memory_space<vmem>>, vector<16xi32>,
      tpu.vector_store %arg6[%swap3A_393], %broadcast_in_dim3A_4 {strides = array<i32>} : memref<4128xi32, #tpu.memory_space<vmem>>, vector<16xi32>,
      %mul3A_395 = arith.constant 16 : i32
      %mul3A_396 = arith.muli %scan3A_390, %mul3A_395 : i32
      %swap3A_397 = arith.index_cast %mul3A_396 : i32 to index
      %swap3A_398 = tpu.vector_load %arg7[%swap3A_397] {strides = array<i32>} : memref<4128xi32, #tpu.memory_space<vmem>>, vector<16xi32>,
      tpu.vector_store %arg7[%swap3A_397], %broadcast_in_dim3A_4 {strides = array<i32>} : memref<4128xi32, #tpu.memory_space<vmem>>, vector<16xi32>,
      %scan3A_399 = arith.constant 0 : i32
      %scan3A_400 = arith.constant 6 : i32
      %scan3A_401 = arith.addi %scan3A_334, %scan3A_400 : i32
      %mul3A_402 = arith.constant 16 : i32
      %mul3A_403 = arith.muli %scan3A_401, %mul3A_402 : i32
      %swap3A_404 = arith.index_cast %mul3A_403 : i32 to index
      %swap3A_405 = tpu.vector_load %arg6[%swap3A_404] {strides = array<i32>} : memref<4128xi32, #tpu.memory_space<vmem>>, vector<16xi32>,
      tpu.vector_store %arg6[%swap3A_404], %broadcast_in_dim3A_4 {strides = array<i32>} : memref<4128xi32, #tpu.memory_space<vmem>>, vector<16xi32>,
      %mul3A_406 = arith.constant 16 : i32
      %mul3A_407 = arith.muli %scan3A_401, %mul3A_406 : i32
      %swap3A_408 = arith.index_cast %mul3A_407 : i32 to index
      %swap3A_409 = tpu.vector_load %arg7[%swap3A_408] {strides = array<i32>} : memref<4128xi32, #tpu.memory_space<vmem>>, vector<16xi32>,
      tpu.vector_store %arg7[%swap3A_408], %broadcast_in_dim3A_4 {strides = array<i32>} : memref<4128xi32, #tpu.memory_space<vmem>>, vector<16xi32>,
      %scan3A_410 = arith.constant 0 : i32
      %scan3A_411 = arith.constant 7 : i32
      %scan3A_412 = arith.addi %scan3A_334, %scan3A_411 : i32
      %mul3A_413 = arith.constant 16 : i32
      %mul3A_414 = arith.muli %scan3A_412, %mul3A_413 : i32
      %swap3A_415 = arith.index_cast %mul3A_414 : i32 to index
      %swap3A_416 = tpu.vector_load %arg6[%swap3A_415] {strides = array<i32>} : memref<4128xi32, #tpu.memory_space<vmem>>, vector<16xi32>,
      tpu.vector_store %arg6[%swap3A_415], %broadcast_in_dim3A_4 {strides = array<i32>} : memref<4128xi32, #tpu.memory_space<vmem>>, vector<16xi32>,
      %mul3A_417 = arith.constant 16 : i32
      %mul3A_418 = arith.muli %scan3A_412, %mul3A_417 : i32
      %swap3A_419 = arith.index_cast %mul3A_418 : i32 to index
      %swap3A_420 = tpu.vector_load %arg7[%swap3A_419] {strides = array<i32>} : memref<4128xi32, #tpu.memory_space<vmem>>, vector<16xi32>,
      tpu.vector_store %arg7[%swap3A_419], %broadcast_in_dim3A_4 {strides = array<i32>} : memref<4128xi32, #tpu.memory_space<vmem>>, vector<16xi32>,
      %scan3A_421 = arith.constant 0 : i32
      scf.yield %scan3A_421 : i32
    }
    %scan3A_78 = arith.constant 256 : i32
    %scan3A_79 = arith.addi %scan3A_73, %scan3A_78 : i32
    %mul3A_80 = arith.constant 16 : i32
    %mul3A_81 = arith.muli %scan3A_79, %mul3A_80 : i32
    %swap3A_82 = arith.index_cast %mul3A_81 : i32 to index
    %swap3A_83 = tpu.vector_load %arg6[%swap3A_82] {strides = array<i32>} : memref<4128xi32, #tpu.memory_space<vmem>>, vector<16xi32>,
    tpu.vector_store %arg6[%swap3A_82], %broadcast_in_dim3A_4 {strides = array<i32>} : memref<4128xi32, #tpu.memory_space<vmem>>, vector<16xi32>,
    %mul3A_84 = arith.constant 16 : i32
    %mul3A_85 = arith.muli %scan3A_79, %mul3A_84 : i32
    %swap3A_86 = arith.index_cast %mul3A_85 : i32 to index
    %swap3A_87 = tpu.vector_load %arg7[%swap3A_86] {strides = array<i32>} : memref<4128xi32, #tpu.memory_space<vmem>>, vector<16xi32>,
    tpu.vector_store %arg7[%swap3A_86], %broadcast_in_dim3A_4 {strides = array<i32>} : memref<4128xi32, #tpu.memory_space<vmem>>, vector<16xi32>,
    %scan3A_88 = arith.constant 0 : i32
    %scan3A_89 = arith.constant 257 : i32
    %scan3A_90 = arith.addi %scan3A_73, %scan3A_89 : i32
    %mul3A_91 = arith.constant 16 : i32
    %mul3A_92 = arith.muli %scan3A_90, %mul3A_91 : i32
    %swap3A_93 = arith.index_cast %mul3A_92 : i32 to index
    %swap3A_94 = tpu.vector_load %arg6[%swap3A_93] {strides = array<i32>} : memref<4128xi32, #tpu.memory_space<vmem>>, vector<16xi32>,
    tpu.vector_store %arg6[%swap3A_93], %broadcast_in_dim3A_4 {strides = array<i32>} : memref<4128xi32, #tpu.memory_space<vmem>>, vector<16xi32>,
    %mul3A_95 = arith.constant 16 : i32
    %mul3A_96 = arith.muli %scan3A_90, %mul3A_95 : i32
    %swap3A_97 = arith.index_cast %mul3A_96 : i32 to index
    %swap3A_98 = tpu.vector_load %arg7[%swap3A_97] {strides = array<i32>} : memref<4128xi32, #tpu.memory_space<vmem>>, vector<16xi32>,
    tpu.vector_store %arg7[%swap3A_97], %broadcast_in_dim3A_4 {strides = array<i32>} : memref<4128xi32, #tpu.memory_space<vmem>>, vector<16xi32>,
    %scan3A_99 = arith.constant 0 : i32
    %scan3A_100 = arith.constant 258 : i32
    %shift_right_arithmetic3A = arith.constant 24 : i32
    %shift_right_arithmetic3A_101 = arith.shrsi %shift_left3A_71, %shift_right_arithmetic3A : i32
    %scan3A_102 = arith.constant 0 : i32
    %scan3A_103 = arith.constant 0 : i32
    %scan3A_104 = arith.constant 288 : i32
    %scan3A_105 = arith.addi %scan3A_103, %scan3A_104 : i32
    %scan3A_106 = arith.constant 1 : i32
    %scan3A_107 = scf.for %scan3A_334 = %scan3A_103 to %scan3A_105 step %scan3A_106 iter_args(%scan3A_335 = %scan3A_102) -> (i32)  : i32 {
      %mul3A_336 = arith.constant 128 : i32
      %mul3A_337 = arith.muli %scan3A_334, %mul3A_336 : i32
      %add3A_338 = arith.constant 0 : i32
      %add3A_339 = arith.addi %mul3A_337, %add3A_338 : i32
      %get3A = arith.index_cast %add3A_339 : i32 to index
      %get3A_340 = tpu.vector_load %arg4[%get3A] {strides = array<i32>} : memref<36864xi32, #tpu.memory_space<vmem>>, vector<16xi32>,
      %shift_right_arithmetic3A_341 = arith.constant 24 : i32
      %shift_right_arithmetic3A_342 = vector.broadcast %shift_right_arithmetic3A_341 : i32 to vector<16xi32>
      %shift_right_arithmetic3A_343 = arith.shrsi %get3A_340, %shift_right_arithmetic3A_342 : vector<16xi32>
      %eq3A_344 = vector.broadcast %shift_right_arithmetic3A_101 : i32 to vector<16xi32>
      %eq3A_345 = arith.cmpi eq, %shift_right_arithmetic3A_343, %eq3A_344 : vector<16xi32>
      %swap3A_346 = arith.index_cast %scan3A_335 : i32 to index
      %swap3A_347 = tpu.vector_load %arg5[%swap3A_346] masked %eq3A_345 {strides = array<i32>} : memref<36880xi32, #tpu.memory_space<vmem>>, vector<16xi32>, vector<16xi1>
      tpu.vector_store %arg5[%swap3A_346], %get3A_340 masked %eq3A_345 {strides = array<i32>} : memref<36880xi32, #tpu.memory_space<vmem>>, vector<16xi32>, vector<16xi1>
      %shift_right_arithmetic3A_348 = arith.constant 16 : i32
      %shift_right_arithmetic3A_349 = vector.broadcast %shift_right_arithmetic3A_348 : i32 to vector<16xi32>
      %shift_right_arithmetic3A_350 = arith.shrsi %get3A_340, %shift_right_arithmetic3A_349 : vector<16xi32>
      %and3A_351 = arith.constant 255 : i32
      %and3A_352 = vector.broadcast %and3A_351 : i32 to vector<16xi32>
      %and3A_353 = arith.andi %shift_right_arithmetic3A_350, %and3A_352 : vector<16xi32>
      %add3A_354 = arith.addi %mul3A_1, %and3A_353 : vector<16xi32>
      tpu.vector_store_idx %arg6[%add3A_354], %broadcast_in_dim3A_2 masked %eq3A_345 {add = true} : memref<4128xi32, #tpu.memory_space<vmem>>[vector<16xi32>], vector<16xi32>, vector<16xi1>
      %all_reduce_population_count3A = tpu.all_reduce %eq3A_345 {dim = 0 : i64, kind = #tpu.reduction_kind<sum>} : vector<16xi1> -> vector<16xi32>
      %slice3A = vector.extract_strided_slice %all_reduce_population_count3A {offsets = [0], sizes = [1], strides = [1]} : vector<16xi32> to vector<1xi32>
      %squeeze3A = vector.extract %slice3A[0] : i32 from vector<1xi32>
      %add3A_355 = arith.addi %scan3A_335, %squeeze3A : i32
      %mul3A_356 = arith.constant 128 : i32
      %mul3A_357 = arith.muli %scan3A_334, %mul3A_356 : i32
      %add3A_358 = arith.constant 16 : i32
      %add3A_359 = arith.addi %mul3A_357, %add3A_358 : i32
      %get3A_360 = arith.index_cast %add3A_359 : i32 to index
      %get3A_361 = tpu.vector_load %arg4[%get3A_360] {strides = array<i32>} : memref<36864xi32, #tpu.memory_space<vmem>>, vector<16xi32>,
      %shift_right_arithmetic3A_362 = arith.constant 24 : i32
      %shift_right_arithmetic3A_363 = vector.broadcast %shift_right_arithmetic3A_362 : i32 to vector<16xi32>
      %shift_right_arithmetic3A_364 = arith.shrsi %get3A_361, %shift_right_arithmetic3A_363 : vector<16xi32>
      %eq3A_365 = vector.broadcast %shift_right_arithmetic3A_101 : i32 to vector<16xi32>
      %eq3A_366 = arith.cmpi eq, %shift_right_arithmetic3A_364, %eq3A_365 : vector<16xi32>
      %swap3A_367 = arith.index_cast %add3A_355 : i32 to index
      %swap3A_368 = tpu.vector_load %arg5[%swap3A_367] masked %eq3A_366 {strides = array<i32>} : memref<36880xi32, #tpu.memory_space<vmem>>, vector<16xi32>, vector<16xi1>
      tpu.vector_store %arg5[%swap3A_367], %get3A_361 masked %eq3A_366 {strides = array<i32>} : memref<36880xi32, #tpu.memory_space<vmem>>, vector<16xi32>, vector<16xi1>
      %shift_right_arithmetic3A_369 = arith.constant 16 : i32
      %shift_right_arithmetic3A_370 = vector.broadcast %shift_right_arithmetic3A_369 : i32 to vector<16xi32>
      %shift_right_arithmetic3A_371 = arith.shrsi %get3A_361, %shift_right_arithmetic3A_370 : vector<16xi32>
      %and3A_372 = arith.constant 255 : i32
      %and3A_373 = vector.broadcast %and3A_372 : i32 to vector<16xi32>
      %and3A_374 = arith.andi %shift_right_arithmetic3A_371, %and3A_373 : vector<16xi32>
      %add3A_375 = arith.addi %mul3A_1, %and3A_374 : vector<16xi32>
      tpu.vector_store_idx %arg7[%add3A_375], %broadcast_in_dim3A_2 masked %eq3A_366 {add = true} : memref<4128xi32, #tpu.memory_space<vmem>>[vector<16xi32>], vector<16xi32>, vector<16xi1>
      %all_reduce_population_count3A_376 = tpu.all_reduce %eq3A_366 {dim = 0 : i64, kind = #tpu.reduction_kind<sum>} : vector<16xi1> -> vector<16xi32>
      %slice3A_377 = vector.extract_strided_slice %all_reduce_population_count3A_376 {offsets = [0], sizes = [1], strides = [1]} : vector<16xi32> to vector<1xi32>
      %squeeze3A_378 = vector.extract %slice3A_377[0] : i32 from vector<1xi32>
      %add3A_379 = arith.addi %add3A_355, %squeeze3A_378 : i32
      %mul3A_380 = arith.constant 128 : i32
      %mul3A_381 = arith.muli %scan3A_334, %mul3A_380 : i32
      %add3A_382 = arith.constant 32 : i32
      %add3A_383 = arith.addi %mul3A_381, %add3A_382 : i32
      %get3A_384 = arith.index_cast %add3A_383 : i32 to index
      %get3A_385 = tpu.vector_load %arg4[%get3A_384] {strides = array<i32>} : memref<36864xi32, #tpu.memory_space<vmem>>, vector<16xi32>,
      %shift_right_arithmetic3A_386 = arith.constant 24 : i32
      %shift_right_arithmetic3A_387 = vector.broadcast %shift_right_arithmetic3A_386 : i32 to vector<16xi32>
      %shift_right_arithmetic3A_388 = arith.shrsi %get3A_385, %shift_right_arithmetic3A_387 : vector<16xi32>
      %eq3A_389 = vector.broadcast %shift_right_arithmetic3A_101 : i32 to vector<16xi32>
      %eq3A_390 = arith.cmpi eq, %shift_right_arithmetic3A_388, %eq3A_389 : vector<16xi32>
      %swap3A_391 = arith.index_cast %add3A_379 : i32 to index
      %swap3A_392 = tpu.vector_load %arg5[%swap3A_391] masked %eq3A_390 {strides = array<i32>} : memref<36880xi32, #tpu.memory_space<vmem>>, vector<16xi32>, vector<16xi1>
      tpu.vector_store %arg5[%swap3A_391], %get3A_385 masked %eq3A_390 {strides = array<i32>} : memref<36880xi32, #tpu.memory_space<vmem>>, vector<16xi32>, vector<16xi1>
      %shift_right_arithmetic3A_393 = arith.constant 16 : i32
      %shift_right_arithmetic3A_394 = vector.broadcast %shift_right_arithmetic3A_393 : i32 to vector<16xi32>
      %shift_right_arithmetic3A_395 = arith.shrsi %get3A_385, %shift_right_arithmetic3A_394 : vector<16xi32>
      %and3A_396 = arith.constant 255 : i32
      %and3A_397 = vector.broadcast %and3A_396 : i32 to vector<16xi32>
      %and3A_398 = arith.andi %shift_right_arithmetic3A_395, %and3A_397 : vector<16xi32>
      %add3A_399 = arith.addi %mul3A_1, %and3A_398 : vector<16xi32>
      tpu.vector_store_idx %arg6[%add3A_399], %broadcast_in_dim3A_2 masked %eq3A_390 {add = true} : memref<4128xi32, #tpu.memory_space<vmem>>[vector<16xi32>], vector<16xi32>, vector<16xi1>
      %all_reduce_population_count3A_400 = tpu.all_reduce %eq3A_390 {dim = 0 : i64, kind = #tpu.reduction_kind<sum>} : vector<16xi1> -> vector<16xi32>
      %slice3A_401 = vector.extract_strided_slice %all_reduce_population_count3A_400 {offsets = [0], sizes = [1], strides = [1]} : vector<16xi32> to vector<1xi32>
      %squeeze3A_402 = vector.extract %slice3A_401[0] : i32 from vector<1xi32>
      %add3A_403 = arith.addi %add3A_379, %squeeze3A_402 : i32
      %mul3A_404 = arith.constant 128 : i32
      %mul3A_405 = arith.muli %scan3A_334, %mul3A_404 : i32
      %add3A_406 = arith.constant 48 : i32
      %add3A_407 = arith.addi %mul3A_405, %add3A_406 : i32
      %get3A_408 = arith.index_cast %add3A_407 : i32 to index
      %get3A_409 = tpu.vector_load %arg4[%get3A_408] {strides = array<i32>} : memref<36864xi32, #tpu.memory_space<vmem>>, vector<16xi32>,
      %shift_right_arithmetic3A_410 = arith.constant 24 : i32
      %shift_right_arithmetic3A_411 = vector.broadcast %shift_right_arithmetic3A_410 : i32 to vector<16xi32>
      %shift_right_arithmetic3A_412 = arith.shrsi %get3A_409, %shift_right_arithmetic3A_411 : vector<16xi32>
      %eq3A_413 = vector.broadcast %shift_right_arithmetic3A_101 : i32 to vector<16xi32>
      %eq3A_414 = arith.cmpi eq, %shift_right_arithmetic3A_412, %eq3A_413 : vector<16xi32>
      %swap3A_415 = arith.index_cast %add3A_403 : i32 to index
      %swap3A_416 = tpu.vector_load %arg5[%swap3A_415] masked %eq3A_414 {strides = array<i32>} : memref<36880xi32, #tpu.memory_space<vmem>>, vector<16xi32>, vector<16xi1>
      tpu.vector_store %arg5[%swap3A_415], %get3A_409 masked %eq3A_414 {strides = array<i32>} : memref<36880xi32, #tpu.memory_space<vmem>>, vector<16xi32>, vector<16xi1>
      %shift_right_arithmetic3A_417 = arith.constant 16 : i32
      %shift_right_arithmetic3A_418 = vector.broadcast %shift_right_arithmetic3A_417 : i32 to vector<16xi32>
      %shift_right_arithmetic3A_419 = arith.shrsi %get3A_409, %shift_right_arithmetic3A_418 : vector<16xi32>
      %and3A_420 = arith.constant 255 : i32
      %and3A_421 = vector.broadcast %and3A_420 : i32 to vector<16xi32>
      %and3A_422 = arith.andi %shift_right_arithmetic3A_419, %and3A_421 : vector<16xi32>
      %add3A_423 = arith.addi %mul3A_1, %and3A_422 : vector<16xi32>
      tpu.vector_store_idx %arg7[%add3A_423], %broadcast_in_dim3A_2 masked %eq3A_414 {add = true} : memref<4128xi32, #tpu.memory_space<vmem>>[vector<16xi32>], vector<16xi32>, vector<16xi1>
      %all_reduce_population_count3A_424 = tpu.all_reduce %eq3A_414 {dim = 0 : i64, kind = #tpu.reduction_kind<sum>} : vector<16xi1> -> vector<16xi32>
      %slice3A_425 = vector.extract_strided_slice %all_reduce_population_count3A_424 {offsets = [0], sizes = [1], strides = [1]} : vector<16xi32> to vector<1xi32>
      %squeeze3A_426 = vector.extract %slice3A_425[0] : i32 from vector<1xi32>
      %add3A_427 = arith.addi %add3A_403, %squeeze3A_426 : i32
      %mul3A_428 = arith.constant 128 : i32
      %mul3A_429 = arith.muli %scan3A_334, %mul3A_428 : i32
      %add3A_430 = arith.constant 64 : i32
      %add3A_431 = arith.addi %mul3A_429, %add3A_430 : i32
      %get3A_432 = arith.index_cast %add3A_431 : i32 to index
      %get3A_433 = tpu.vector_load %arg4[%get3A_432] {strides = array<i32>} : memref<36864xi32, #tpu.memory_space<vmem>>, vector<16xi32>,
      %shift_right_arithmetic3A_434 = arith.constant 24 : i32
      %shift_right_arithmetic3A_435 = vector.broadcast %shift_right_arithmetic3A_434 : i32 to vector<16xi32>
      %shift_right_arithmetic3A_436 = arith.shrsi %get3A_433, %shift_right_arithmetic3A_435 : vector<16xi32>
      %eq3A_437 = vector.broadcast %shift_right_arithmetic3A_101 : i32 to vector<16xi32>
      %eq3A_438 = arith.cmpi eq, %shift_right_arithmetic3A_436, %eq3A_437 : vector<16xi32>
      %swap3A_439 = arith.index_cast %add3A_427 : i32 to index
      %swap3A_440 = tpu.vector_load %arg5[%swap3A_439] masked %eq3A_438 {strides = array<i32>} : memref<36880xi32, #tpu.memory_space<vmem>>, vector<16xi32>, vector<16xi1>
      tpu.vector_store %arg5[%swap3A_439], %get3A_433 masked %eq3A_438 {strides = array<i32>} : memref<36880xi32, #tpu.memory_space<vmem>>, vector<16xi32>, vector<16xi1>
      %shift_right_arithmetic3A_441 = arith.constant 16 : i32
      %shift_right_arithmetic3A_442 = vector.broadcast %shift_right_arithmetic3A_441 : i32 to vector<16xi32>
      %shift_right_arithmetic3A_443 = arith.shrsi %get3A_433, %shift_right_arithmetic3A_442 : vector<16xi32>
      %and3A_444 = arith.constant 255 : i32
      %and3A_445 = vector.broadcast %and3A_444 : i32 to vector<16xi32>
      %and3A_446 = arith.andi %shift_right_arithmetic3A_443, %and3A_445 : vector<16xi32>
      %add3A_447 = arith.addi %mul3A_1, %and3A_446 : vector<16xi32>
      tpu.vector_store_idx %arg6[%add3A_447], %broadcast_in_dim3A_2 masked %eq3A_438 {add = true} : memref<4128xi32, #tpu.memory_space<vmem>>[vector<16xi32>], vector<16xi32>, vector<16xi1>
      %all_reduce_population_count3A_448 = tpu.all_reduce %eq3A_438 {dim = 0 : i64, kind = #tpu.reduction_kind<sum>} : vector<16xi1> -> vector<16xi32>
      %slice3A_449 = vector.extract_strided_slice %all_reduce_population_count3A_448 {offsets = [0], sizes = [1], strides = [1]} : vector<16xi32> to vector<1xi32>
      %squeeze3A_450 = vector.extract %slice3A_449[0] : i32 from vector<1xi32>
      %add3A_451 = arith.addi %add3A_427, %squeeze3A_450 : i32
      %mul3A_452 = arith.constant 128 : i32
      %mul3A_453 = arith.muli %scan3A_334, %mul3A_452 : i32
      %add3A_454 = arith.constant 80 : i32
      %add3A_455 = arith.addi %mul3A_453, %add3A_454 : i32
      %get3A_456 = arith.index_cast %add3A_455 : i32 to index
      %get3A_457 = tpu.vector_load %arg4[%get3A_456] {strides = array<i32>} : memref<36864xi32, #tpu.memory_space<vmem>>, vector<16xi32>,
      %shift_right_arithmetic3A_458 = arith.constant 24 : i32
      %shift_right_arithmetic3A_459 = vector.broadcast %shift_right_arithmetic3A_458 : i32 to vector<16xi32>
      %shift_right_arithmetic3A_460 = arith.shrsi %get3A_457, %shift_right_arithmetic3A_459 : vector<16xi32>
      %eq3A_461 = vector.broadcast %shift_right_arithmetic3A_101 : i32 to vector<16xi32>
      %eq3A_462 = arith.cmpi eq, %shift_right_arithmetic3A_460, %eq3A_461 : vector<16xi32>
      %swap3A_463 = arith.index_cast %add3A_451 : i32 to index
      %swap3A_464 = tpu.vector_load %arg5[%swap3A_463] masked %eq3A_462 {strides = array<i32>} : memref<36880xi32, #tpu.memory_space<vmem>>, vector<16xi32>, vector<16xi1>
      tpu.vector_store %arg5[%swap3A_463], %get3A_457 masked %eq3A_462 {strides = array<i32>} : memref<36880xi32, #tpu.memory_space<vmem>>, vector<16xi32>, vector<16xi1>
      %shift_right_arithmetic3A_465 = arith.constant 16 : i32
      %shift_right_arithmetic3A_466 = vector.broadcast %shift_right_arithmetic3A_465 : i32 to vector<16xi32>
      %shift_right_arithmetic3A_467 = arith.shrsi %get3A_457, %shift_right_arithmetic3A_466 : vector<16xi32>
      %and3A_468 = arith.constant 255 : i32
      %and3A_469 = vector.broadcast %and3A_468 : i32 to vector<16xi32>
      %and3A_470 = arith.andi %shift_right_arithmetic3A_467, %and3A_469 : vector<16xi32>
      %add3A_471 = arith.addi %mul3A_1, %and3A_470 : vector<16xi32>
      tpu.vector_store_idx %arg7[%add3A_471], %broadcast_in_dim3A_2 masked %eq3A_462 {add = true} : memref<4128xi32, #tpu.memory_space<vmem>>[vector<16xi32>], vector<16xi32>, vector<16xi1>
      %all_reduce_population_count3A_472 = tpu.all_reduce %eq3A_462 {dim = 0 : i64, kind = #tpu.reduction_kind<sum>} : vector<16xi1> -> vector<16xi32>
      %slice3A_473 = vector.extract_strided_slice %all_reduce_population_count3A_472 {offsets = [0], sizes = [1], strides = [1]} : vector<16xi32> to vector<1xi32>
      %squeeze3A_474 = vector.extract %slice3A_473[0] : i32 from vector<1xi32>
      %add3A_475 = arith.addi %add3A_451, %squeeze3A_474 : i32
      %mul3A_476 = arith.constant 128 : i32
      %mul3A_477 = arith.muli %scan3A_334, %mul3A_476 : i32
      %add3A_478 = arith.constant 96 : i32
      %add3A_479 = arith.addi %mul3A_477, %add3A_478 : i32
      %get3A_480 = arith.index_cast %add3A_479 : i32 to index
      %get3A_481 = tpu.vector_load %arg4[%get3A_480] {strides = array<i32>} : memref<36864xi32, #tpu.memory_space<vmem>>, vector<16xi32>,
      %shift_right_arithmetic3A_482 = arith.constant 24 : i32
      %shift_right_arithmetic3A_483 = vector.broadcast %shift_right_arithmetic3A_482 : i32 to vector<16xi32>
      %shift_right_arithmetic3A_484 = arith.shrsi %get3A_481, %shift_right_arithmetic3A_483 : vector<16xi32>
      %eq3A_485 = vector.broadcast %shift_right_arithmetic3A_101 : i32 to vector<16xi32>
      %eq3A_486 = arith.cmpi eq, %shift_right_arithmetic3A_484, %eq3A_485 : vector<16xi32>
      %swap3A_487 = arith.index_cast %add3A_475 : i32 to index
      %swap3A_488 = tpu.vector_load %arg5[%swap3A_487] masked %eq3A_486 {strides = array<i32>} : memref<36880xi32, #tpu.memory_space<vmem>>, vector<16xi32>, vector<16xi1>
      tpu.vector_store %arg5[%swap3A_487], %get3A_481 masked %eq3A_486 {strides = array<i32>} : memref<36880xi32, #tpu.memory_space<vmem>>, vector<16xi32>, vector<16xi1>
      %shift_right_arithmetic3A_489 = arith.constant 16 : i32
      %shift_right_arithmetic3A_490 = vector.broadcast %shift_right_arithmetic3A_489 : i32 to vector<16xi32>
      %shift_right_arithmetic3A_491 = arith.shrsi %get3A_481, %shift_right_arithmetic3A_490 : vector<16xi32>
      %and3A_492 = arith.constant 255 : i32
      %and3A_493 = vector.broadcast %and3A_492 : i32 to vector<16xi32>
      %and3A_494 = arith.andi %shift_right_arithmetic3A_491, %and3A_493 : vector<16xi32>
      %add3A_495 = arith.addi %mul3A_1, %and3A_494 : vector<16xi32>
      tpu.vector_store_idx %arg6[%add3A_495], %broadcast_in_dim3A_2 masked %eq3A_486 {add = true} : memref<4128xi32, #tpu.memory_space<vmem>>[vector<16xi32>], vector<16xi32>, vector<16xi1>
      %all_reduce_population_count3A_496 = tpu.all_reduce %eq3A_486 {dim = 0 : i64, kind = #tpu.reduction_kind<sum>} : vector<16xi1> -> vector<16xi32>
      %slice3A_497 = vector.extract_strided_slice %all_reduce_population_count3A_496 {offsets = [0], sizes = [1], strides = [1]} : vector<16xi32> to vector<1xi32>
      %squeeze3A_498 = vector.extract %slice3A_497[0] : i32 from vector<1xi32>
      %add3A_499 = arith.addi %add3A_475, %squeeze3A_498 : i32
      %mul3A_500 = arith.constant 128 : i32
      %mul3A_501 = arith.muli %scan3A_334, %mul3A_500 : i32
      %add3A_502 = arith.constant 112 : i32
      %add3A_503 = arith.addi %mul3A_501, %add3A_502 : i32
      %get3A_504 = arith.index_cast %add3A_503 : i32 to index
      %get3A_505 = tpu.vector_load %arg4[%get3A_504] {strides = array<i32>} : memref<36864xi32, #tpu.memory_space<vmem>>, vector<16xi32>,
      %shift_right_arithmetic3A_506 = arith.constant 24 : i32
      %shift_right_arithmetic3A_507 = vector.broadcast %shift_right_arithmetic3A_506 : i32 to vector<16xi32>
      %shift_right_arithmetic3A_508 = arith.shrsi %get3A_505, %shift_right_arithmetic3A_507 : vector<16xi32>
      %eq3A_509 = vector.broadcast %shift_right_arithmetic3A_101 : i32 to vector<16xi32>
      %eq3A_510 = arith.cmpi eq, %shift_right_arithmetic3A_508, %eq3A_509 : vector<16xi32>
      %swap3A_511 = arith.index_cast %add3A_499 : i32 to index
      %swap3A_512 = tpu.vector_load %arg5[%swap3A_511] masked %eq3A_510 {strides = array<i32>} : memref<36880xi32, #tpu.memory_space<vmem>>, vector<16xi32>, vector<16xi1>
      tpu.vector_store %arg5[%swap3A_511], %get3A_505 masked %eq3A_510 {strides = array<i32>} : memref<36880xi32, #tpu.memory_space<vmem>>, vector<16xi32>, vector<16xi1>
      %shift_right_arithmetic3A_513 = arith.constant 16 : i32
      %shift_right_arithmetic3A_514 = vector.broadcast %shift_right_arithmetic3A_513 : i32 to vector<16xi32>
      %shift_right_arithmetic3A_515 = arith.shrsi %get3A_505, %shift_right_arithmetic3A_514 : vector<16xi32>
      %and3A_516 = arith.constant 255 : i32
      %and3A_517 = vector.broadcast %and3A_516 : i32 to vector<16xi32>
      %and3A_518 = arith.andi %shift_right_arithmetic3A_515, %and3A_517 : vector<16xi32>
      %add3A_519 = arith.addi %mul3A_1, %and3A_518 : vector<16xi32>
      tpu.vector_store_idx %arg7[%add3A_519], %broadcast_in_dim3A_2 masked %eq3A_510 {add = true} : memref<4128xi32, #tpu.memory_space<vmem>>[vector<16xi32>], vector<16xi32>, vector<16xi1>
      %all_reduce_population_count3A_520 = tpu.all_reduce %eq3A_510 {dim = 0 : i64, kind = #tpu.reduction_kind<sum>} : vector<16xi1> -> vector<16xi32>
      %slice3A_521 = vector.extract_strided_slice %all_reduce_population_count3A_520 {offsets = [0], sizes = [1], strides = [1]} : vector<16xi32> to vector<1xi32>
      %squeeze3A_522 = vector.extract %slice3A_521[0] : i32 from vector<1xi32>
      %add3A_523 = arith.addi %add3A_499, %squeeze3A_522 : i32
      scf.yield %add3A_523 : i32
    }
    %scan3A_108 = arith.constant 288 : i32
    %scan3A_109 = arith.constant 0 : i32
    %scan3A_110 = arith.constant 0 : i32
    %scan3A_111 = arith.constant 16 : i32
    %scan3A_112 = arith.addi %scan3A_110, %scan3A_111 : i32
    %scan3A_113 = arith.constant 1 : i32
    %scan3A_114 = scf.for %scan3A_334 = %scan3A_110 to %scan3A_112 step %scan3A_113 iter_args(%scan3A_335 = %scan3A_109) -> (i32)  : i32 {
      %scan3A_336 = arith.constant 0 : i32
      %scan3A_337 = arith.constant 16 : i32
      %scan3A_338 = arith.addi %scan3A_336, %scan3A_337 : i32
      %scan3A_339 = arith.constant 1 : i32
      %scan3A_340 = scf.for %scan3A_347 = %scan3A_336 to %scan3A_338 step %scan3A_339 iter_args(%scan3A_348 = %broadcast_in_dim3A_4) -> (vector<16xi32>)  : i32 {
        %mul3A_349 = arith.constant 257 : i32
        %mul3A_350 = arith.muli %scan3A_347, %mul3A_349 : i32
        %mul3A_351 = arith.constant 16 : i32
        %mul3A_352 = arith.muli %scan3A_334, %mul3A_351 : i32
        %add3A_353 = arith.addi %mul3A_350, %mul3A_352 : i32
        %get3A = arith.index_cast %add3A_353 : i32 to index
        %get3A_354 = tpu.vector_load %arg6[%get3A] {strides = array<i32>} : memref<4128xi32, #tpu.memory_space<vmem>>, vector<16xi32>,
        %add3A_355 = arith.addi %scan3A_348, %get3A_354 : vector<16xi32>
        %mul3A_356 = arith.constant 257 : i32
        %mul3A_357 = arith.muli %scan3A_347, %mul3A_356 : i32
        %mul3A_358 = arith.constant 16 : i32
        %mul3A_359 = arith.muli %scan3A_334, %mul3A_358 : i32
        %add3A_360 = arith.addi %mul3A_357, %mul3A_359 : i32
        %get3A_361 = arith.index_cast %add3A_360 : i32 to index
        %get3A_362 = tpu.vector_load %arg7[%get3A_361] {strides = array<i32>} : memref<4128xi32, #tpu.memory_space<vmem>>, vector<16xi32>,
        %add3A_363 = arith.addi %add3A_355, %get3A_362 : vector<16xi32>
        scf.yield %add3A_363 : vector<16xi32>
      }
      %scan3A_341 = arith.constant 16 : i32
      %mul3A_342 = arith.constant 16 : i32
      %mul3A_343 = arith.muli %scan3A_334, %mul3A_342 : i32
      %swap3A_344 = arith.index_cast %mul3A_343 : i32 to index
      %swap3A_345 = tpu.vector_load %arg8[%swap3A_344] {strides = array<i32>} : memref<256xi32, #tpu.memory_space<vmem>>, vector<16xi32>,
      tpu.vector_store %arg8[%swap3A_344], %scan3A_340 {strides = array<i32>} : memref<256xi32, #tpu.memory_space<vmem>>, vector<16xi32>,
      %scan3A_346 = arith.constant 0 : i32
      scf.yield %scan3A_346 : i32
    }
    %scan3A_115 = arith.constant 16 : i32
    %mul3A_116 = arith.constant 256 : i32
    %mul3A_117 = arith.muli %arg1, %mul3A_116 : i32
    "tpu.region"() ({
      %run_scoped3A = tpu.sem_alloc : memref<!tpu.dma_semaphore, #tpu.memory_space<semaphore_mem>>
      %dma_start3A = tpu.memref_slice %arg10[%mul3A_117] : memref<4096xi32, #tpu.memory_space<vmem_shared>> -> memref<256xi32, #tpu.memory_space<vmem_shared>>
      %dma_start3A_334 = tpu.memref_slice %arg10[%mul3A_117] : memref<4096xi32, #tpu.memory_space<vmem_shared>> -> memref<256xi32, #tpu.memory_space<vmem_shared>>
      tpu.enqueue_dma source(%arg8 : memref<256xi32, #tpu.memory_space<vmem>>) target(%dma_start3A_334 : memref<256xi32, #tpu.memory_space<vmem_shared>>) target_semaphore(%run_scoped3A : memref<!tpu.dma_semaphore, #tpu.memory_space<semaphore_mem>>)
      %dma_wait3A = tpu.memref_slice %arg10[%mul3A_117] : memref<4096xi32, #tpu.memory_space<vmem_shared>> -> memref<256xi32, #tpu.memory_space<vmem_shared>>
      %dma_wait3A_335 = tpu.memref_slice %arg10[%mul3A_117] : memref<4096xi32, #tpu.memory_space<vmem_shared>> -> memref<256xi32, #tpu.memory_space<vmem_shared>>
      tpu.wait_dma2 semaphore(%run_scoped3A : memref<!tpu.dma_semaphore, #tpu.memory_space<semaphore_mem>>) src(%arg8 : memref<256xi32, #tpu.memory_space<vmem>>) dst(%dma_wait3A_335 : memref<256xi32, #tpu.memory_space<vmem_shared>>)
      tpu.yield
    }) : () -> ()
    %barrier3A_118 = arith.constant 0 : index
    tpu.barrier barrier_id(%barrier3A_118)
    "tpu.region"() ({
      %run_scoped3A = tpu.sem_alloc : memref<!tpu.dma_semaphore, #tpu.memory_space<semaphore_mem>>
      %dma_start3A = arith.constant 0 : i32
      %dma_start3A_334 = tpu.memref_slice %arg6[%dma_start3A] : memref<4128xi32, #tpu.memory_space<vmem>> -> memref<4096xi32, #tpu.memory_space<vmem>>
      %dma_start3A_335 = arith.constant 0 : i32
      %dma_start3A_336 = tpu.memref_slice %arg6[%dma_start3A_335] : memref<4128xi32, #tpu.memory_space<vmem>> -> memref<4096xi32, #tpu.memory_space<vmem>>
      tpu.enqueue_dma source(%arg10 : memref<4096xi32, #tpu.memory_space<vmem_shared>>) target(%dma_start3A_336 : memref<4096xi32, #tpu.memory_space<vmem>>) target_semaphore(%run_scoped3A : memref<!tpu.dma_semaphore, #tpu.memory_space<semaphore_mem>>)
      %dma_wait3A = arith.constant 0 : i32
      %dma_wait3A_337 = tpu.memref_slice %arg6[%dma_wait3A] : memref<4128xi32, #tpu.memory_space<vmem>> -> memref<4096xi32, #tpu.memory_space<vmem>>
      %dma_wait3A_338 = arith.constant 0 : i32
      %dma_wait3A_339 = tpu.memref_slice %arg6[%dma_wait3A_338] : memref<4128xi32, #tpu.memory_space<vmem>> -> memref<4096xi32, #tpu.memory_space<vmem>>
      tpu.wait_dma2 semaphore(%run_scoped3A : memref<!tpu.dma_semaphore, #tpu.memory_space<semaphore_mem>>) src(%arg10 : memref<4096xi32, #tpu.memory_space<vmem_shared>>) dst(%dma_wait3A_339 : memref<4096xi32, #tpu.memory_space<vmem>>)
      tpu.yield
    }) : () -> ()
    %barrier3A_119 = arith.constant 0 : index
    tpu.barrier barrier_id(%barrier3A_119)
    %scan3A_120 = arith.constant 0 : i32
    %scan3A_121 = arith.constant 0 : i32
    %scan3A_122 = arith.constant 16 : i32
    %scan3A_123 = arith.addi %scan3A_121, %scan3A_122 : i32
    %scan3A_124 = arith.constant 1 : i32
    %scan3A_125 = scf.for %scan3A_334 = %scan3A_121 to %scan3A_123 step %scan3A_124 iter_args(%scan3A_335 = %scan3A_120) -> (i32)  : i32 {
      %scan3A_336 = arith.constant 0 : i32
      %scan3A_337 = arith.constant 16 : i32
      %scan3A_338 = arith.addi %scan3A_336, %scan3A_337 : i32
      %scan3A_339 = arith.constant 1 : i32
      %scan3A_340 = scf.for %scan3A_469 = %scan3A_336 to %scan3A_338 step %scan3A_339 iter_args(%scan3A_470 = %broadcast_in_dim3A_4) -> (vector<16xi32>)  : i32 {
        %mul3A_471 = arith.constant 256 : i32
        %mul3A_472 = arith.muli %scan3A_469, %mul3A_471 : i32
        %mul3A_473 = arith.constant 16 : i32
        %mul3A_474 = arith.muli %scan3A_334, %mul3A_473 : i32
        %add3A_475 = arith.addi %mul3A_472, %mul3A_474 : i32
        %get3A = arith.index_cast %add3A_475 : i32 to index
        %get3A_476 = tpu.vector_load %arg6[%get3A] {strides = array<i32>} : memref<4128xi32, #tpu.memory_space<vmem>>, vector<16xi32>,
        %add3A_477 = arith.addi %scan3A_470, %get3A_476 : vector<16xi32>
        scf.yield %add3A_477 : vector<16xi32>
      }
      %scan3A_341 = arith.constant 16 : i32
      %slice3A = vector.extract_strided_slice %scan3A_340 {offsets = [0], sizes = [1], strides = [1]} : vector<16xi32> to vector<1xi32>
      %squeeze3A = vector.extract %slice3A[0] : i32 from vector<1xi32>
      %mul3A_342 = arith.constant 16 : i32
      %mul3A_343 = arith.muli %scan3A_334, %mul3A_342 : i32
      %add3A_344 = arith.constant 0 : i32
      %add3A_345 = arith.addi %mul3A_343, %add3A_344 : i32
      %swap3A_346 = arith.index_cast %add3A_345 : i32 to index
      %swap3A_347 = memref.load %arg11[%swap3A_346] : memref<256xi32, #tpu.memory_space<smem>>
      memref.store %squeeze3A, %arg11[%swap3A_346] : memref<256xi32, #tpu.memory_space<smem>>
      %slice3A_348 = vector.extract_strided_slice %scan3A_340 {offsets = [1], sizes = [1], strides = [1]} : vector<16xi32> to vector<1xi32>
      %squeeze3A_349 = vector.extract %slice3A_348[0] : i32 from vector<1xi32>
      %mul3A_350 = arith.constant 16 : i32
      %mul3A_351 = arith.muli %scan3A_334, %mul3A_350 : i32
      %add3A_352 = arith.constant 1 : i32
      %add3A_353 = arith.addi %mul3A_351, %add3A_352 : i32
      %swap3A_354 = arith.index_cast %add3A_353 : i32 to index
      %swap3A_355 = memref.load %arg11[%swap3A_354] : memref<256xi32, #tpu.memory_space<smem>>
      memref.store %squeeze3A_349, %arg11[%swap3A_354] : memref<256xi32, #tpu.memory_space<smem>>
      %slice3A_356 = vector.extract_strided_slice %scan3A_340 {offsets = [2], sizes = [1], strides = [1]} : vector<16xi32> to vector<1xi32>
      %squeeze3A_357 = vector.extract %slice3A_356[0] : i32 from vector<1xi32>
      %mul3A_358 = arith.constant 16 : i32
      %mul3A_359 = arith.muli %scan3A_334, %mul3A_358 : i32
      %add3A_360 = arith.constant 2 : i32
      %add3A_361 = arith.addi %mul3A_359, %add3A_360 : i32
      %swap3A_362 = arith.index_cast %add3A_361 : i32 to index
      %swap3A_363 = memref.load %arg11[%swap3A_362] : memref<256xi32, #tpu.memory_space<smem>>
      memref.store %squeeze3A_357, %arg11[%swap3A_362] : memref<256xi32, #tpu.memory_space<smem>>
      %slice3A_364 = vector.extract_strided_slice %scan3A_340 {offsets = [3], sizes = [1], strides = [1]} : vector<16xi32> to vector<1xi32>
      %squeeze3A_365 = vector.extract %slice3A_364[0] : i32 from vector<1xi32>
      %mul3A_366 = arith.constant 16 : i32
      %mul3A_367 = arith.muli %scan3A_334, %mul3A_366 : i32
      %add3A_368 = arith.constant 3 : i32
      %add3A_369 = arith.addi %mul3A_367, %add3A_368 : i32
      %swap3A_370 = arith.index_cast %add3A_369 : i32 to index
      %swap3A_371 = memref.load %arg11[%swap3A_370] : memref<256xi32, #tpu.memory_space<smem>>
      memref.store %squeeze3A_365, %arg11[%swap3A_370] : memref<256xi32, #tpu.memory_space<smem>>
      %slice3A_372 = vector.extract_strided_slice %scan3A_340 {offsets = [4], sizes = [1], strides = [1]} : vector<16xi32> to vector<1xi32>
      %squeeze3A_373 = vector.extract %slice3A_372[0] : i32 from vector<1xi32>
      %mul3A_374 = arith.constant 16 : i32
      %mul3A_375 = arith.muli %scan3A_334, %mul3A_374 : i32
      %add3A_376 = arith.constant 4 : i32
      %add3A_377 = arith.addi %mul3A_375, %add3A_376 : i32
      %swap3A_378 = arith.index_cast %add3A_377 : i32 to index
      %swap3A_379 = memref.load %arg11[%swap3A_378] : memref<256xi32, #tpu.memory_space<smem>>
      memref.store %squeeze3A_373, %arg11[%swap3A_378] : memref<256xi32, #tpu.memory_space<smem>>
      %slice3A_380 = vector.extract_strided_slice %scan3A_340 {offsets = [5], sizes = [1], strides = [1]} : vector<16xi32> to vector<1xi32>
      %squeeze3A_381 = vector.extract %slice3A_380[0] : i32 from vector<1xi32>
      %mul3A_382 = arith.constant 16 : i32
      %mul3A_383 = arith.muli %scan3A_334, %mul3A_382 : i32
      %add3A_384 = arith.constant 5 : i32
      %add3A_385 = arith.addi %mul3A_383, %add3A_384 : i32
      %swap3A_386 = arith.index_cast %add3A_385 : i32 to index
      %swap3A_387 = memref.load %arg11[%swap3A_386] : memref<256xi32, #tpu.memory_space<smem>>
      memref.store %squeeze3A_381, %arg11[%swap3A_386] : memref<256xi32, #tpu.memory_space<smem>>
      %slice3A_388 = vector.extract_strided_slice %scan3A_340 {offsets = [6], sizes = [1], strides = [1]} : vector<16xi32> to vector<1xi32>
      %squeeze3A_389 = vector.extract %slice3A_388[0] : i32 from vector<1xi32>
      %mul3A_390 = arith.constant 16 : i32
      %mul3A_391 = arith.muli %scan3A_334, %mul3A_390 : i32
      %add3A_392 = arith.constant 6 : i32
      %add3A_393 = arith.addi %mul3A_391, %add3A_392 : i32
      %swap3A_394 = arith.index_cast %add3A_393 : i32 to index
      %swap3A_395 = memref.load %arg11[%swap3A_394] : memref<256xi32, #tpu.memory_space<smem>>
      memref.store %squeeze3A_389, %arg11[%swap3A_394] : memref<256xi32, #tpu.memory_space<smem>>
      %slice3A_396 = vector.extract_strided_slice %scan3A_340 {offsets = [7], sizes = [1], strides = [1]} : vector<16xi32> to vector<1xi32>
      %squeeze3A_397 = vector.extract %slice3A_396[0] : i32 from vector<1xi32>
      %mul3A_398 = arith.constant 16 : i32
      %mul3A_399 = arith.muli %scan3A_334, %mul3A_398 : i32
      %add3A_400 = arith.constant 7 : i32
      %add3A_401 = arith.addi %mul3A_399, %add3A_400 : i32
      %swap3A_402 = arith.index_cast %add3A_401 : i32 to index
      %swap3A_403 = memref.load %arg11[%swap3A_402] : memref<256xi32, #tpu.memory_space<smem>>
      memref.store %squeeze3A_397, %arg11[%swap3A_402] : memref<256xi32, #tpu.memory_space<smem>>
      %slice3A_404 = vector.extract_strided_slice %scan3A_340 {offsets = [8], sizes = [1], strides = [1]} : vector<16xi32> to vector<1xi32>
      %squeeze3A_405 = vector.extract %slice3A_404[0] : i32 from vector<1xi32>
      %mul3A_406 = arith.constant 16 : i32
      %mul3A_407 = arith.muli %scan3A_334, %mul3A_406 : i32
      %add3A_408 = arith.constant 8 : i32
      %add3A_409 = arith.addi %mul3A_407, %add3A_408 : i32
      %swap3A_410 = arith.index_cast %add3A_409 : i32 to index
      %swap3A_411 = memref.load %arg11[%swap3A_410] : memref<256xi32, #tpu.memory_space<smem>>
      memref.store %squeeze3A_405, %arg11[%swap3A_410] : memref<256xi32, #tpu.memory_space<smem>>
      %slice3A_412 = vector.extract_strided_slice %scan3A_340 {offsets = [9], sizes = [1], strides = [1]} : vector<16xi32> to vector<1xi32>
      %squeeze3A_413 = vector.extract %slice3A_412[0] : i32 from vector<1xi32>
      %mul3A_414 = arith.constant 16 : i32
      %mul3A_415 = arith.muli %scan3A_334, %mul3A_414 : i32
      %add3A_416 = arith.constant 9 : i32
      %add3A_417 = arith.addi %mul3A_415, %add3A_416 : i32
      %swap3A_418 = arith.index_cast %add3A_417 : i32 to index
      %swap3A_419 = memref.load %arg11[%swap3A_418] : memref<256xi32, #tpu.memory_space<smem>>
      memref.store %squeeze3A_413, %arg11[%swap3A_418] : memref<256xi32, #tpu.memory_space<smem>>
      %slice3A_420 = vector.extract_strided_slice %scan3A_340 {offsets = [10], sizes = [1], strides = [1]} : vector<16xi32> to vector<1xi32>
      %squeeze3A_421 = vector.extract %slice3A_420[0] : i32 from vector<1xi32>
      %mul3A_422 = arith.constant 16 : i32
      %mul3A_423 = arith.muli %scan3A_334, %mul3A_422 : i32
      %add3A_424 = arith.constant 10 : i32
      %add3A_425 = arith.addi %mul3A_423, %add3A_424 : i32
      %swap3A_426 = arith.index_cast %add3A_425 : i32 to index
      %swap3A_427 = memref.load %arg11[%swap3A_426] : memref<256xi32, #tpu.memory_space<smem>>
      memref.store %squeeze3A_421, %arg11[%swap3A_426] : memref<256xi32, #tpu.memory_space<smem>>
      %slice3A_428 = vector.extract_strided_slice %scan3A_340 {offsets = [11], sizes = [1], strides = [1]} : vector<16xi32> to vector<1xi32>
      %squeeze3A_429 = vector.extract %slice3A_428[0] : i32 from vector<1xi32>
      %mul3A_430 = arith.constant 16 : i32
      %mul3A_431 = arith.muli %scan3A_334, %mul3A_430 : i32
      %add3A_432 = arith.constant 11 : i32
      %add3A_433 = arith.addi %mul3A_431, %add3A_432 : i32
      %swap3A_434 = arith.index_cast %add3A_433 : i32 to index
      %swap3A_435 = memref.load %arg11[%swap3A_434] : memref<256xi32, #tpu.memory_space<smem>>
      memref.store %squeeze3A_429, %arg11[%swap3A_434] : memref<256xi32, #tpu.memory_space<smem>>
      %slice3A_436 = vector.extract_strided_slice %scan3A_340 {offsets = [12], sizes = [1], strides = [1]} : vector<16xi32> to vector<1xi32>
      %squeeze3A_437 = vector.extract %slice3A_436[0] : i32 from vector<1xi32>
      %mul3A_438 = arith.constant 16 : i32
      %mul3A_439 = arith.muli %scan3A_334, %mul3A_438 : i32
      %add3A_440 = arith.constant 12 : i32
      %add3A_441 = arith.addi %mul3A_439, %add3A_440 : i32
      %swap3A_442 = arith.index_cast %add3A_441 : i32 to index
      %swap3A_443 = memref.load %arg11[%swap3A_442] : memref<256xi32, #tpu.memory_space<smem>>
      memref.store %squeeze3A_437, %arg11[%swap3A_442] : memref<256xi32, #tpu.memory_space<smem>>
      %slice3A_444 = vector.extract_strided_slice %scan3A_340 {offsets = [13], sizes = [1], strides = [1]} : vector<16xi32> to vector<1xi32>
      %squeeze3A_445 = vector.extract %slice3A_444[0] : i32 from vector<1xi32>
      %mul3A_446 = arith.constant 16 : i32
      %mul3A_447 = arith.muli %scan3A_334, %mul3A_446 : i32
      %add3A_448 = arith.constant 13 : i32
      %add3A_449 = arith.addi %mul3A_447, %add3A_448 : i32
      %swap3A_450 = arith.index_cast %add3A_449 : i32 to index
      %swap3A_451 = memref.load %arg11[%swap3A_450] : memref<256xi32, #tpu.memory_space<smem>>
      memref.store %squeeze3A_445, %arg11[%swap3A_450] : memref<256xi32, #tpu.memory_space<smem>>
      %slice3A_452 = vector.extract_strided_slice %scan3A_340 {offsets = [14], sizes = [1], strides = [1]} : vector<16xi32> to vector<1xi32>
      %squeeze3A_453 = vector.extract %slice3A_452[0] : i32 from vector<1xi32>
      %mul3A_454 = arith.constant 16 : i32
      %mul3A_455 = arith.muli %scan3A_334, %mul3A_454 : i32
      %add3A_456 = arith.constant 14 : i32
      %add3A_457 = arith.addi %mul3A_455, %add3A_456 : i32
      %swap3A_458 = arith.index_cast %add3A_457 : i32 to index
      %swap3A_459 = memref.load %arg11[%swap3A_458] : memref<256xi32, #tpu.memory_space<smem>>
      memref.store %squeeze3A_453, %arg11[%swap3A_458] : memref<256xi32, #tpu.memory_space<smem>>
      %slice3A_460 = vector.extract_strided_slice %scan3A_340 {offsets = [15], sizes = [1], strides = [1]} : vector<16xi32> to vector<1xi32>
      %squeeze3A_461 = vector.extract %slice3A_460[0] : i32 from vector<1xi32>
      %mul3A_462 = arith.constant 16 : i32
      %mul3A_463 = arith.muli %scan3A_334, %mul3A_462 : i32
      %add3A_464 = arith.constant 15 : i32
      %add3A_465 = arith.addi %mul3A_463, %add3A_464 : i32
      %swap3A_466 = arith.index_cast %add3A_465 : i32 to index
      %swap3A_467 = memref.load %arg11[%swap3A_466] : memref<256xi32, #tpu.memory_space<smem>>
      memref.store %squeeze3A_461, %arg11[%swap3A_466] : memref<256xi32, #tpu.memory_space<smem>>
      %scan3A_468 = arith.constant 0 : i32
      scf.yield %scan3A_468 : i32
    }
    %scan3A_126 = arith.constant 16 : i32
    %scan3A_127 = arith.constant 0 : i32
    %scan3A_128 = arith.constant -1 : i32
    %scan3A_129 = arith.constant 0 : i32
    %scan3A_130 = arith.constant 0 : i32
    %scan3A_131 = arith.constant 256 : i32
    %scan3A_132 = arith.addi %scan3A_130, %scan3A_131 : i32
    %scan3A_133 = arith.constant 1 : i32
    %scan3A_134:3 = scf.for %scan3A_334 = %scan3A_130 to %scan3A_132 step %scan3A_133 iter_args(%scan3A_335 = %scan3A_127, %scan3A_336 = %scan3A_128, %scan3A_337 = %scan3A_129) -> (i32, i32, i32)  : i32 {
      %sub3A_338 = arith.constant 255 : i32
      %sub3A_339 = arith.subi %sub3A_338, %scan3A_334 : i32
      %get3A = arith.index_cast %sub3A_339 : i32 to index
      %get3A_340 = memref.load %arg11[%get3A] : memref<256xi32, #tpu.memory_space<smem>>
      %add3A_341 = arith.addi %scan3A_335, %get3A_340 : i32
      %ge3A = arith.cmpi sge, %add3A_341, %scan3A_68#2 : i32
      %lt3A = arith.constant 0 : i32
      %lt3A_342 = arith.cmpi slt, %scan3A_336, %lt3A : i32
      %and3A_343 = arith.andi %ge3A, %lt3A_342 : i1
      %select_n3A_344 = arith.select %and3A_343, %sub3A_339, %scan3A_336 : i32
      %sub3A_345 = arith.subi %scan3A_68#2, %scan3A_335 : i32
      %select_n3A_346 = arith.select %and3A_343, %sub3A_345, %scan3A_337 : i32
      scf.yield %add3A_341, %select_n3A_344, %select_n3A_346 : i32, i32, i32
    }
    %scan3A_135 = arith.constant 256 : i32
    %shift_left3A_136 = arith.constant 16 : i32
    %shift_left3A_137 = arith.shli %scan3A_134#1, %shift_left3A_136 : i32
    %or3A = arith.ori %shift_left3A_71, %shift_left3A_137 : i32
    %scan3A_138 = arith.constant 0 : i32
    %scan3A_139 = arith.constant 0 : i32
    %scan3A_140 = arith.constant 256 : i32
    %scan3A_141 = arith.addi %scan3A_139, %scan3A_140 : i32
    %scan3A_142 = arith.constant 8 : i32
    %scan3A_143 = scf.for %scan3A_334 = %scan3A_139 to %scan3A_141 step %scan3A_142 iter_args(%scan3A_335 = %scan3A_138) -> (i32)  : i32 {
      %mul3A_336 = arith.constant 16 : i32
      %mul3A_337 = arith.muli %scan3A_334, %mul3A_336 : i32
      %swap3A_338 = arith.index_cast %mul3A_337 : i32 to index
      %swap3A_339 = tpu.vector_load %arg6[%swap3A_338] {strides = array<i32>} : memref<4128xi32, #tpu.memory_space<vmem>>, vector<16xi32>,
      tpu.vector_store %arg6[%swap3A_338], %broadcast_in_dim3A_4 {strides = array<i32>} : memref<4128xi32, #tpu.memory_space<vmem>>, vector<16xi32>,
      %mul3A_340 = arith.constant 16 : i32
      %mul3A_341 = arith.muli %scan3A_334, %mul3A_340 : i32
      %swap3A_342 = arith.index_cast %mul3A_341 : i32 to index
      %swap3A_343 = tpu.vector_load %arg7[%swap3A_342] {strides = array<i32>} : memref<4128xi32, #tpu.memory_space<vmem>>, vector<16xi32>,
      tpu.vector_store %arg7[%swap3A_342], %broadcast_in_dim3A_4 {strides = array<i32>} : memref<4128xi32, #tpu.memory_space<vmem>>, vector<16xi32>,
      %scan3A_344 = arith.constant 0 : i32
      %scan3A_345 = arith.constant 1 : i32
      %scan3A_346 = arith.addi %scan3A_334, %scan3A_345 : i32
      %mul3A_347 = arith.constant 16 : i32
      %mul3A_348 = arith.muli %scan3A_346, %mul3A_347 : i32
      %swap3A_349 = arith.index_cast %mul3A_348 : i32 to index
      %swap3A_350 = tpu.vector_load %arg6[%swap3A_349] {strides = array<i32>} : memref<4128xi32, #tpu.memory_space<vmem>>, vector<16xi32>,
      tpu.vector_store %arg6[%swap3A_349], %broadcast_in_dim3A_4 {strides = array<i32>} : memref<4128xi32, #tpu.memory_space<vmem>>, vector<16xi32>,
      %mul3A_351 = arith.constant 16 : i32
      %mul3A_352 = arith.muli %scan3A_346, %mul3A_351 : i32
      %swap3A_353 = arith.index_cast %mul3A_352 : i32 to index
      %swap3A_354 = tpu.vector_load %arg7[%swap3A_353] {strides = array<i32>} : memref<4128xi32, #tpu.memory_space<vmem>>, vector<16xi32>,
      tpu.vector_store %arg7[%swap3A_353], %broadcast_in_dim3A_4 {strides = array<i32>} : memref<4128xi32, #tpu.memory_space<vmem>>, vector<16xi32>,
      %scan3A_355 = arith.constant 0 : i32
      %scan3A_356 = arith.constant 2 : i32
      %scan3A_357 = arith.addi %scan3A_334, %scan3A_356 : i32
      %mul3A_358 = arith.constant 16 : i32
      %mul3A_359 = arith.muli %scan3A_357, %mul3A_358 : i32
      %swap3A_360 = arith.index_cast %mul3A_359 : i32 to index
      %swap3A_361 = tpu.vector_load %arg6[%swap3A_360] {strides = array<i32>} : memref<4128xi32, #tpu.memory_space<vmem>>, vector<16xi32>,
      tpu.vector_store %arg6[%swap3A_360], %broadcast_in_dim3A_4 {strides = array<i32>} : memref<4128xi32, #tpu.memory_space<vmem>>, vector<16xi32>,
      %mul3A_362 = arith.constant 16 : i32
      %mul3A_363 = arith.muli %scan3A_357, %mul3A_362 : i32
      %swap3A_364 = arith.index_cast %mul3A_363 : i32 to index
      %swap3A_365 = tpu.vector_load %arg7[%swap3A_364] {strides = array<i32>} : memref<4128xi32, #tpu.memory_space<vmem>>, vector<16xi32>,
      tpu.vector_store %arg7[%swap3A_364], %broadcast_in_dim3A_4 {strides = array<i32>} : memref<4128xi32, #tpu.memory_space<vmem>>, vector<16xi32>,
      %scan3A_366 = arith.constant 0 : i32
      %scan3A_367 = arith.constant 3 : i32
      %scan3A_368 = arith.addi %scan3A_334, %scan3A_367 : i32
      %mul3A_369 = arith.constant 16 : i32
      %mul3A_370 = arith.muli %scan3A_368, %mul3A_369 : i32
      %swap3A_371 = arith.index_cast %mul3A_370 : i32 to index
      %swap3A_372 = tpu.vector_load %arg6[%swap3A_371] {strides = array<i32>} : memref<4128xi32, #tpu.memory_space<vmem>>, vector<16xi32>,
      tpu.vector_store %arg6[%swap3A_371], %broadcast_in_dim3A_4 {strides = array<i32>} : memref<4128xi32, #tpu.memory_space<vmem>>, vector<16xi32>,
      %mul3A_373 = arith.constant 16 : i32
      %mul3A_374 = arith.muli %scan3A_368, %mul3A_373 : i32
      %swap3A_375 = arith.index_cast %mul3A_374 : i32 to index
      %swap3A_376 = tpu.vector_load %arg7[%swap3A_375] {strides = array<i32>} : memref<4128xi32, #tpu.memory_space<vmem>>, vector<16xi32>,
      tpu.vector_store %arg7[%swap3A_375], %broadcast_in_dim3A_4 {strides = array<i32>} : memref<4128xi32, #tpu.memory_space<vmem>>, vector<16xi32>,
      %scan3A_377 = arith.constant 0 : i32
      %scan3A_378 = arith.constant 4 : i32
      %scan3A_379 = arith.addi %scan3A_334, %scan3A_378 : i32
      %mul3A_380 = arith.constant 16 : i32
      %mul3A_381 = arith.muli %scan3A_379, %mul3A_380 : i32
      %swap3A_382 = arith.index_cast %mul3A_381 : i32 to index
      %swap3A_383 = tpu.vector_load %arg6[%swap3A_382] {strides = array<i32>} : memref<4128xi32, #tpu.memory_space<vmem>>, vector<16xi32>,
      tpu.vector_store %arg6[%swap3A_382], %broadcast_in_dim3A_4 {strides = array<i32>} : memref<4128xi32, #tpu.memory_space<vmem>>, vector<16xi32>,
      %mul3A_384 = arith.constant 16 : i32
      %mul3A_385 = arith.muli %scan3A_379, %mul3A_384 : i32
      %swap3A_386 = arith.index_cast %mul3A_385 : i32 to index
      %swap3A_387 = tpu.vector_load %arg7[%swap3A_386] {strides = array<i32>} : memref<4128xi32, #tpu.memory_space<vmem>>, vector<16xi32>,
      tpu.vector_store %arg7[%swap3A_386], %broadcast_in_dim3A_4 {strides = array<i32>} : memref<4128xi32, #tpu.memory_space<vmem>>, vector<16xi32>,
      %scan3A_388 = arith.constant 0 : i32
      %scan3A_389 = arith.constant 5 : i32
      %scan3A_390 = arith.addi %scan3A_334, %scan3A_389 : i32
      %mul3A_391 = arith.constant 16 : i32
      %mul3A_392 = arith.muli %scan3A_390, %mul3A_391 : i32
      %swap3A_393 = arith.index_cast %mul3A_392 : i32 to index
      %swap3A_394 = tpu.vector_load %arg6[%swap3A_393] {strides = array<i32>} : memref<4128xi32, #tpu.memory_space<vmem>>, vector<16xi32>,
      tpu.vector_store %arg6[%swap3A_393], %broadcast_in_dim3A_4 {strides = array<i32>} : memref<4128xi32, #tpu.memory_space<vmem>>, vector<16xi32>,
      %mul3A_395 = arith.constant 16 : i32
      %mul3A_396 = arith.muli %scan3A_390, %mul3A_395 : i32
      %swap3A_397 = arith.index_cast %mul3A_396 : i32 to index
      %swap3A_398 = tpu.vector_load %arg7[%swap3A_397] {strides = array<i32>} : memref<4128xi32, #tpu.memory_space<vmem>>, vector<16xi32>,
      tpu.vector_store %arg7[%swap3A_397], %broadcast_in_dim3A_4 {strides = array<i32>} : memref<4128xi32, #tpu.memory_space<vmem>>, vector<16xi32>,
      %scan3A_399 = arith.constant 0 : i32
      %scan3A_400 = arith.constant 6 : i32
      %scan3A_401 = arith.addi %scan3A_334, %scan3A_400 : i32
      %mul3A_402 = arith.constant 16 : i32
      %mul3A_403 = arith.muli %scan3A_401, %mul3A_402 : i32
      %swap3A_404 = arith.index_cast %mul3A_403 : i32 to index
      %swap3A_405 = tpu.vector_load %arg6[%swap3A_404] {strides = array<i32>} : memref<4128xi32, #tpu.memory_space<vmem>>, vector<16xi32>,
      tpu.vector_store %arg6[%swap3A_404], %broadcast_in_dim3A_4 {strides = array<i32>} : memref<4128xi32, #tpu.memory_space<vmem>>, vector<16xi32>,
      %mul3A_406 = arith.constant 16 : i32
      %mul3A_407 = arith.muli %scan3A_401, %mul3A_406 : i32
      %swap3A_408 = arith.index_cast %mul3A_407 : i32 to index
      %swap3A_409 = tpu.vector_load %arg7[%swap3A_408] {strides = array<i32>} : memref<4128xi32, #tpu.memory_space<vmem>>, vector<16xi32>,
      tpu.vector_store %arg7[%swap3A_408], %broadcast_in_dim3A_4 {strides = array<i32>} : memref<4128xi32, #tpu.memory_space<vmem>>, vector<16xi32>,
      %scan3A_410 = arith.constant 0 : i32
      %scan3A_411 = arith.constant 7 : i32
      %scan3A_412 = arith.addi %scan3A_334, %scan3A_411 : i32
      %mul3A_413 = arith.constant 16 : i32
      %mul3A_414 = arith.muli %scan3A_412, %mul3A_413 : i32
      %swap3A_415 = arith.index_cast %mul3A_414 : i32 to index
      %swap3A_416 = tpu.vector_load %arg6[%swap3A_415] {strides = array<i32>} : memref<4128xi32, #tpu.memory_space<vmem>>, vector<16xi32>,
      tpu.vector_store %arg6[%swap3A_415], %broadcast_in_dim3A_4 {strides = array<i32>} : memref<4128xi32, #tpu.memory_space<vmem>>, vector<16xi32>,
      %mul3A_417 = arith.constant 16 : i32
      %mul3A_418 = arith.muli %scan3A_412, %mul3A_417 : i32
      %swap3A_419 = arith.index_cast %mul3A_418 : i32 to index
      %swap3A_420 = tpu.vector_load %arg7[%swap3A_419] {strides = array<i32>} : memref<4128xi32, #tpu.memory_space<vmem>>, vector<16xi32>,
      tpu.vector_store %arg7[%swap3A_419], %broadcast_in_dim3A_4 {strides = array<i32>} : memref<4128xi32, #tpu.memory_space<vmem>>, vector<16xi32>,
      %scan3A_421 = arith.constant 0 : i32
      scf.yield %scan3A_421 : i32
    }
    %scan3A_144 = arith.constant 256 : i32
    %scan3A_145 = arith.addi %scan3A_139, %scan3A_144 : i32
    %mul3A_146 = arith.constant 16 : i32
    %mul3A_147 = arith.muli %scan3A_145, %mul3A_146 : i32
    %swap3A_148 = arith.index_cast %mul3A_147 : i32 to index
    %swap3A_149 = tpu.vector_load %arg6[%swap3A_148] {strides = array<i32>} : memref<4128xi32, #tpu.memory_space<vmem>>, vector<16xi32>,
    tpu.vector_store %arg6[%swap3A_148], %broadcast_in_dim3A_4 {strides = array<i32>} : memref<4128xi32, #tpu.memory_space<vmem>>, vector<16xi32>,
    %mul3A_150 = arith.constant 16 : i32
    %mul3A_151 = arith.muli %scan3A_145, %mul3A_150 : i32
    %swap3A_152 = arith.index_cast %mul3A_151 : i32 to index
    %swap3A_153 = tpu.vector_load %arg7[%swap3A_152] {strides = array<i32>} : memref<4128xi32, #tpu.memory_space<vmem>>, vector<16xi32>,
    tpu.vector_store %arg7[%swap3A_152], %broadcast_in_dim3A_4 {strides = array<i32>} : memref<4128xi32, #tpu.memory_space<vmem>>, vector<16xi32>,
    %scan3A_154 = arith.constant 0 : i32
    %scan3A_155 = arith.constant 257 : i32
    %scan3A_156 = arith.addi %scan3A_139, %scan3A_155 : i32
    %mul3A_157 = arith.constant 16 : i32
    %mul3A_158 = arith.muli %scan3A_156, %mul3A_157 : i32
    %swap3A_159 = arith.index_cast %mul3A_158 : i32 to index
    %swap3A_160 = tpu.vector_load %arg6[%swap3A_159] {strides = array<i32>} : memref<4128xi32, #tpu.memory_space<vmem>>, vector<16xi32>,
    tpu.vector_store %arg6[%swap3A_159], %broadcast_in_dim3A_4 {strides = array<i32>} : memref<4128xi32, #tpu.memory_space<vmem>>, vector<16xi32>,
    %mul3A_161 = arith.constant 16 : i32
    %mul3A_162 = arith.muli %scan3A_156, %mul3A_161 : i32
    %swap3A_163 = arith.index_cast %mul3A_162 : i32 to index
    %swap3A_164 = tpu.vector_load %arg7[%swap3A_163] {strides = array<i32>} : memref<4128xi32, #tpu.memory_space<vmem>>, vector<16xi32>,
    tpu.vector_store %arg7[%swap3A_163], %broadcast_in_dim3A_4 {strides = array<i32>} : memref<4128xi32, #tpu.memory_space<vmem>>, vector<16xi32>,
    %scan3A_165 = arith.constant 0 : i32
    %scan3A_166 = arith.constant 258 : i32
    %shift_right_arithmetic3A_167 = arith.constant 16 : i32
    %shift_right_arithmetic3A_168 = arith.shrsi %or3A, %shift_right_arithmetic3A_167 : i32
    %add3A_169 = arith.constant 127 : i32
    %add3A_170 = arith.addi %scan3A_107, %add3A_169 : i32
    %jit3A = arith.constant 128 : i32
    %div3A = arith.divsi %add3A_170, %jit3A : i32
    %sign3A = arith.constant 0 : i32
    %sign3A_171 = arith.cmpi sgt, %add3A_170, %sign3A : i32
    %sign3A_172 = arith.extui %sign3A_171 : i1 to i32
    %sign3A_173 = arith.constant 0 : i32
    %sign3A_174 = arith.cmpi slt, %add3A_170, %sign3A_173 : i32
    %sign3A_175 = arith.extui %sign3A_174 : i1 to i32
    %sign3A_176 = arith.subi %sign3A_172, %sign3A_175 : i32
    %sign3A_177 = arith.constant 0 : i32
    %sign3A_178 = arith.cmpi sgt, %jit3A, %sign3A_177 : i32
    %sign3A_179 = arith.extui %sign3A_178 : i1 to i32
    %sign3A_180 = arith.constant 0 : i32
    %sign3A_181 = arith.cmpi slt, %jit3A, %sign3A_180 : i32
    %sign3A_182 = arith.extui %sign3A_181 : i1 to i32
    %sign3A_183 = arith.subi %sign3A_179, %sign3A_182 : i32
    %ne3A = arith.cmpi ne, %sign3A_176, %sign3A_183 : i32
    %rem3A = arith.remsi %add3A_170, %jit3A : i32
    %ne3A_184 = arith.constant 0 : i32
    %ne3A_185 = arith.cmpi ne, %rem3A, %ne3A_184 : i32
    %and3A = arith.andi %ne3A, %ne3A_185 : i1
    %sub3A_186 = arith.constant 1 : i32
    %sub3A_187 = arith.subi %div3A, %sub3A_186 : i32
    %select_n3A = arith.select %and3A, %sub3A_187, %div3A : i32
    %while3A = arith.constant 0 : i32
    %while3A_188 = arith.constant 0 : i32
    %while3A_189 = arith.subi %select_n3A, %while3A : i32
    %while3A_190 = arith.addi %while3A, %while3A_189 : i32
    %while3A_191 = arith.constant 1 : i32
    %while3A_192 = arith.divsi %while3A_189, %while3A_191 : i32
    %while3A_193 = arith.muli %while3A_192, %while3A_191 : i32
    %while3A_194 = arith.addi %while3A, %while3A_193 : i32
    %while3A_195 = arith.constant 1 : i32
    %while3A_196 = scf.for %while3A_334 = %while3A to %while3A_194 step %while3A_195 iter_args(%while3A_335 = %while3A_188) -> (i32)  : i32 {
      %mul3A_336 = arith.constant 128 : i32
      %mul3A_337 = arith.muli %while3A_334, %mul3A_336 : i32
      %add3A_338 = arith.constant 0 : i32
      %add3A_339 = arith.addi %mul3A_337, %add3A_338 : i32
      %get3A = arith.index_cast %add3A_339 : i32 to index
      %get3A_340 = tpu.vector_load %arg5[%get3A] {strides = array<i32>} : memref<36880xi32, #tpu.memory_space<vmem>>, vector<16xi32>,
      %add3A_341 = vector.broadcast %add3A_339 : i32 to vector<16xi32>
      %add3A_342 = arith.addi %add3A_341, %iota3A : vector<16xi32>
      %lt3A = vector.broadcast %scan3A_107 : i32 to vector<16xi32>
      %lt3A_343 = arith.cmpi slt, %add3A_342, %lt3A : vector<16xi32>
      %shift_right_arithmetic3A_344 = arith.constant 16 : i32
      %shift_right_arithmetic3A_345 = vector.broadcast %shift_right_arithmetic3A_344 : i32 to vector<16xi32>
      %shift_right_arithmetic3A_346 = arith.shrsi %get3A_340, %shift_right_arithmetic3A_345 : vector<16xi32>
      %eq3A_347 = vector.broadcast %shift_right_arithmetic3A_168 : i32 to vector<16xi32>
      %eq3A_348 = arith.cmpi eq, %shift_right_arithmetic3A_346, %eq3A_347 : vector<16xi32>
      %and3A_349 = arith.andi %lt3A_343, %eq3A_348 : vector<16xi1>
      %swap3A_350 = arith.index_cast %while3A_335 : i32 to index
      %swap3A_351 = tpu.vector_load %arg5[%swap3A_350] masked %and3A_349 {strides = array<i32>} : memref<36880xi32, #tpu.memory_space<vmem>>, vector<16xi32>, vector<16xi1>
      tpu.vector_store %arg5[%swap3A_350], %get3A_340 masked %and3A_349 {strides = array<i32>} : memref<36880xi32, #tpu.memory_space<vmem>>, vector<16xi32>, vector<16xi1>
      %shift_right_arithmetic3A_352 = arith.constant 8 : i32
      %shift_right_arithmetic3A_353 = vector.broadcast %shift_right_arithmetic3A_352 : i32 to vector<16xi32>
      %shift_right_arithmetic3A_354 = arith.shrsi %get3A_340, %shift_right_arithmetic3A_353 : vector<16xi32>
      %and3A_355 = arith.constant 255 : i32
      %and3A_356 = vector.broadcast %and3A_355 : i32 to vector<16xi32>
      %and3A_357 = arith.andi %shift_right_arithmetic3A_354, %and3A_356 : vector<16xi32>
      %add3A_358 = arith.addi %mul3A_1, %and3A_357 : vector<16xi32>
      tpu.vector_store_idx %arg6[%add3A_358], %broadcast_in_dim3A_2 masked %and3A_349 {add = true} : memref<4128xi32, #tpu.memory_space<vmem>>[vector<16xi32>], vector<16xi32>, vector<16xi1>
      %all_reduce_population_count3A = tpu.all_reduce %and3A_349 {dim = 0 : i64, kind = #tpu.reduction_kind<sum>} : vector<16xi1> -> vector<16xi32>
      %slice3A = vector.extract_strided_slice %all_reduce_population_count3A {offsets = [0], sizes = [1], strides = [1]} : vector<16xi32> to vector<1xi32>
      %squeeze3A = vector.extract %slice3A[0] : i32 from vector<1xi32>
      %add3A_359 = arith.addi %while3A_335, %squeeze3A : i32
      %mul3A_360 = arith.constant 128 : i32
      %mul3A_361 = arith.muli %while3A_334, %mul3A_360 : i32
      %add3A_362 = arith.constant 16 : i32
      %add3A_363 = arith.addi %mul3A_361, %add3A_362 : i32
      %get3A_364 = arith.index_cast %add3A_363 : i32 to index
      %get3A_365 = tpu.vector_load %arg5[%get3A_364] {strides = array<i32>} : memref<36880xi32, #tpu.memory_space<vmem>>, vector<16xi32>,
      %add3A_366 = vector.broadcast %add3A_363 : i32 to vector<16xi32>
      %add3A_367 = arith.addi %add3A_366, %iota3A : vector<16xi32>
      %lt3A_368 = vector.broadcast %scan3A_107 : i32 to vector<16xi32>
      %lt3A_369 = arith.cmpi slt, %add3A_367, %lt3A_368 : vector<16xi32>
      %shift_right_arithmetic3A_370 = arith.constant 16 : i32
      %shift_right_arithmetic3A_371 = vector.broadcast %shift_right_arithmetic3A_370 : i32 to vector<16xi32>
      %shift_right_arithmetic3A_372 = arith.shrsi %get3A_365, %shift_right_arithmetic3A_371 : vector<16xi32>
      %eq3A_373 = vector.broadcast %shift_right_arithmetic3A_168 : i32 to vector<16xi32>
      %eq3A_374 = arith.cmpi eq, %shift_right_arithmetic3A_372, %eq3A_373 : vector<16xi32>
      %and3A_375 = arith.andi %lt3A_369, %eq3A_374 : vector<16xi1>
      %swap3A_376 = arith.index_cast %add3A_359 : i32 to index
      %swap3A_377 = tpu.vector_load %arg5[%swap3A_376] masked %and3A_375 {strides = array<i32>} : memref<36880xi32, #tpu.memory_space<vmem>>, vector<16xi32>, vector<16xi1>
      tpu.vector_store %arg5[%swap3A_376], %get3A_365 masked %and3A_375 {strides = array<i32>} : memref<36880xi32, #tpu.memory_space<vmem>>, vector<16xi32>, vector<16xi1>
      %shift_right_arithmetic3A_378 = arith.constant 8 : i32
      %shift_right_arithmetic3A_379 = vector.broadcast %shift_right_arithmetic3A_378 : i32 to vector<16xi32>
      %shift_right_arithmetic3A_380 = arith.shrsi %get3A_365, %shift_right_arithmetic3A_379 : vector<16xi32>
      %and3A_381 = arith.constant 255 : i32
      %and3A_382 = vector.broadcast %and3A_381 : i32 to vector<16xi32>
      %and3A_383 = arith.andi %shift_right_arithmetic3A_380, %and3A_382 : vector<16xi32>
      %add3A_384 = arith.addi %mul3A_1, %and3A_383 : vector<16xi32>
      tpu.vector_store_idx %arg7[%add3A_384], %broadcast_in_dim3A_2 masked %and3A_375 {add = true} : memref<4128xi32, #tpu.memory_space<vmem>>[vector<16xi32>], vector<16xi32>, vector<16xi1>
      %all_reduce_population_count3A_385 = tpu.all_reduce %and3A_375 {dim = 0 : i64, kind = #tpu.reduction_kind<sum>} : vector<16xi1> -> vector<16xi32>
      %slice3A_386 = vector.extract_strided_slice %all_reduce_population_count3A_385 {offsets = [0], sizes = [1], strides = [1]} : vector<16xi32> to vector<1xi32>
      %squeeze3A_387 = vector.extract %slice3A_386[0] : i32 from vector<1xi32>
      %add3A_388 = arith.addi %add3A_359, %squeeze3A_387 : i32
      %mul3A_389 = arith.constant 128 : i32
      %mul3A_390 = arith.muli %while3A_334, %mul3A_389 : i32
      %add3A_391 = arith.constant 32 : i32
      %add3A_392 = arith.addi %mul3A_390, %add3A_391 : i32
      %get3A_393 = arith.index_cast %add3A_392 : i32 to index
      %get3A_394 = tpu.vector_load %arg5[%get3A_393] {strides = array<i32>} : memref<36880xi32, #tpu.memory_space<vmem>>, vector<16xi32>,
      %add3A_395 = vector.broadcast %add3A_392 : i32 to vector<16xi32>
      %add3A_396 = arith.addi %add3A_395, %iota3A : vector<16xi32>
      %lt3A_397 = vector.broadcast %scan3A_107 : i32 to vector<16xi32>
      %lt3A_398 = arith.cmpi slt, %add3A_396, %lt3A_397 : vector<16xi32>
      %shift_right_arithmetic3A_399 = arith.constant 16 : i32
      %shift_right_arithmetic3A_400 = vector.broadcast %shift_right_arithmetic3A_399 : i32 to vector<16xi32>
      %shift_right_arithmetic3A_401 = arith.shrsi %get3A_394, %shift_right_arithmetic3A_400 : vector<16xi32>
      %eq3A_402 = vector.broadcast %shift_right_arithmetic3A_168 : i32 to vector<16xi32>
      %eq3A_403 = arith.cmpi eq, %shift_right_arithmetic3A_401, %eq3A_402 : vector<16xi32>
      %and3A_404 = arith.andi %lt3A_398, %eq3A_403 : vector<16xi1>
      %swap3A_405 = arith.index_cast %add3A_388 : i32 to index
      %swap3A_406 = tpu.vector_load %arg5[%swap3A_405] masked %and3A_404 {strides = array<i32>} : memref<36880xi32, #tpu.memory_space<vmem>>, vector<16xi32>, vector<16xi1>
      tpu.vector_store %arg5[%swap3A_405], %get3A_394 masked %and3A_404 {strides = array<i32>} : memref<36880xi32, #tpu.memory_space<vmem>>, vector<16xi32>, vector<16xi1>
      %shift_right_arithmetic3A_407 = arith.constant 8 : i32
      %shift_right_arithmetic3A_408 = vector.broadcast %shift_right_arithmetic3A_407 : i32 to vector<16xi32>
      %shift_right_arithmetic3A_409 = arith.shrsi %get3A_394, %shift_right_arithmetic3A_408 : vector<16xi32>
      %and3A_410 = arith.constant 255 : i32
      %and3A_411 = vector.broadcast %and3A_410 : i32 to vector<16xi32>
      %and3A_412 = arith.andi %shift_right_arithmetic3A_409, %and3A_411 : vector<16xi32>
      %add3A_413 = arith.addi %mul3A_1, %and3A_412 : vector<16xi32>
      tpu.vector_store_idx %arg6[%add3A_413], %broadcast_in_dim3A_2 masked %and3A_404 {add = true} : memref<4128xi32, #tpu.memory_space<vmem>>[vector<16xi32>], vector<16xi32>, vector<16xi1>
      %all_reduce_population_count3A_414 = tpu.all_reduce %and3A_404 {dim = 0 : i64, kind = #tpu.reduction_kind<sum>} : vector<16xi1> -> vector<16xi32>
      %slice3A_415 = vector.extract_strided_slice %all_reduce_population_count3A_414 {offsets = [0], sizes = [1], strides = [1]} : vector<16xi32> to vector<1xi32>
      %squeeze3A_416 = vector.extract %slice3A_415[0] : i32 from vector<1xi32>
      %add3A_417 = arith.addi %add3A_388, %squeeze3A_416 : i32
      %mul3A_418 = arith.constant 128 : i32
      %mul3A_419 = arith.muli %while3A_334, %mul3A_418 : i32
      %add3A_420 = arith.constant 48 : i32
      %add3A_421 = arith.addi %mul3A_419, %add3A_420 : i32
      %get3A_422 = arith.index_cast %add3A_421 : i32 to index
      %get3A_423 = tpu.vector_load %arg5[%get3A_422] {strides = array<i32>} : memref<36880xi32, #tpu.memory_space<vmem>>, vector<16xi32>,
      %add3A_424 = vector.broadcast %add3A_421 : i32 to vector<16xi32>
      %add3A_425 = arith.addi %add3A_424, %iota3A : vector<16xi32>
      %lt3A_426 = vector.broadcast %scan3A_107 : i32 to vector<16xi32>
      %lt3A_427 = arith.cmpi slt, %add3A_425, %lt3A_426 : vector<16xi32>
      %shift_right_arithmetic3A_428 = arith.constant 16 : i32
      %shift_right_arithmetic3A_429 = vector.broadcast %shift_right_arithmetic3A_428 : i32 to vector<16xi32>
      %shift_right_arithmetic3A_430 = arith.shrsi %get3A_423, %shift_right_arithmetic3A_429 : vector<16xi32>
      %eq3A_431 = vector.broadcast %shift_right_arithmetic3A_168 : i32 to vector<16xi32>
      %eq3A_432 = arith.cmpi eq, %shift_right_arithmetic3A_430, %eq3A_431 : vector<16xi32>
      %and3A_433 = arith.andi %lt3A_427, %eq3A_432 : vector<16xi1>
      %swap3A_434 = arith.index_cast %add3A_417 : i32 to index
      %swap3A_435 = tpu.vector_load %arg5[%swap3A_434] masked %and3A_433 {strides = array<i32>} : memref<36880xi32, #tpu.memory_space<vmem>>, vector<16xi32>, vector<16xi1>
      tpu.vector_store %arg5[%swap3A_434], %get3A_423 masked %and3A_433 {strides = array<i32>} : memref<36880xi32, #tpu.memory_space<vmem>>, vector<16xi32>, vector<16xi1>
      %shift_right_arithmetic3A_436 = arith.constant 8 : i32
      %shift_right_arithmetic3A_437 = vector.broadcast %shift_right_arithmetic3A_436 : i32 to vector<16xi32>
      %shift_right_arithmetic3A_438 = arith.shrsi %get3A_423, %shift_right_arithmetic3A_437 : vector<16xi32>
      %and3A_439 = arith.constant 255 : i32
      %and3A_440 = vector.broadcast %and3A_439 : i32 to vector<16xi32>
      %and3A_441 = arith.andi %shift_right_arithmetic3A_438, %and3A_440 : vector<16xi32>
      %add3A_442 = arith.addi %mul3A_1, %and3A_441 : vector<16xi32>
      tpu.vector_store_idx %arg7[%add3A_442], %broadcast_in_dim3A_2 masked %and3A_433 {add = true} : memref<4128xi32, #tpu.memory_space<vmem>>[vector<16xi32>], vector<16xi32>, vector<16xi1>
      %all_reduce_population_count3A_443 = tpu.all_reduce %and3A_433 {dim = 0 : i64, kind = #tpu.reduction_kind<sum>} : vector<16xi1> -> vector<16xi32>
      %slice3A_444 = vector.extract_strided_slice %all_reduce_population_count3A_443 {offsets = [0], sizes = [1], strides = [1]} : vector<16xi32> to vector<1xi32>
      %squeeze3A_445 = vector.extract %slice3A_444[0] : i32 from vector<1xi32>
      %add3A_446 = arith.addi %add3A_417, %squeeze3A_445 : i32
      %mul3A_447 = arith.constant 128 : i32
      %mul3A_448 = arith.muli %while3A_334, %mul3A_447 : i32
      %add3A_449 = arith.constant 64 : i32
      %add3A_450 = arith.addi %mul3A_448, %add3A_449 : i32
      %get3A_451 = arith.index_cast %add3A_450 : i32 to index
      %get3A_452 = tpu.vector_load %arg5[%get3A_451] {strides = array<i32>} : memref<36880xi32, #tpu.memory_space<vmem>>, vector<16xi32>,
      %add3A_453 = vector.broadcast %add3A_450 : i32 to vector<16xi32>
      %add3A_454 = arith.addi %add3A_453, %iota3A : vector<16xi32>
      %lt3A_455 = vector.broadcast %scan3A_107 : i32 to vector<16xi32>
      %lt3A_456 = arith.cmpi slt, %add3A_454, %lt3A_455 : vector<16xi32>
      %shift_right_arithmetic3A_457 = arith.constant 16 : i32
      %shift_right_arithmetic3A_458 = vector.broadcast %shift_right_arithmetic3A_457 : i32 to vector<16xi32>
      %shift_right_arithmetic3A_459 = arith.shrsi %get3A_452, %shift_right_arithmetic3A_458 : vector<16xi32>
      %eq3A_460 = vector.broadcast %shift_right_arithmetic3A_168 : i32 to vector<16xi32>
      %eq3A_461 = arith.cmpi eq, %shift_right_arithmetic3A_459, %eq3A_460 : vector<16xi32>
      %and3A_462 = arith.andi %lt3A_456, %eq3A_461 : vector<16xi1>
      %swap3A_463 = arith.index_cast %add3A_446 : i32 to index
      %swap3A_464 = tpu.vector_load %arg5[%swap3A_463] masked %and3A_462 {strides = array<i32>} : memref<36880xi32, #tpu.memory_space<vmem>>, vector<16xi32>, vector<16xi1>
      tpu.vector_store %arg5[%swap3A_463], %get3A_452 masked %and3A_462 {strides = array<i32>} : memref<36880xi32, #tpu.memory_space<vmem>>, vector<16xi32>, vector<16xi1>
      %shift_right_arithmetic3A_465 = arith.constant 8 : i32
      %shift_right_arithmetic3A_466 = vector.broadcast %shift_right_arithmetic3A_465 : i32 to vector<16xi32>
      %shift_right_arithmetic3A_467 = arith.shrsi %get3A_452, %shift_right_arithmetic3A_466 : vector<16xi32>
      %and3A_468 = arith.constant 255 : i32
      %and3A_469 = vector.broadcast %and3A_468 : i32 to vector<16xi32>
      %and3A_470 = arith.andi %shift_right_arithmetic3A_467, %and3A_469 : vector<16xi32>
      %add3A_471 = arith.addi %mul3A_1, %and3A_470 : vector<16xi32>
      tpu.vector_store_idx %arg6[%add3A_471], %broadcast_in_dim3A_2 masked %and3A_462 {add = true} : memref<4128xi32, #tpu.memory_space<vmem>>[vector<16xi32>], vector<16xi32>, vector<16xi1>
      %all_reduce_population_count3A_472 = tpu.all_reduce %and3A_462 {dim = 0 : i64, kind = #tpu.reduction_kind<sum>} : vector<16xi1> -> vector<16xi32>
      %slice3A_473 = vector.extract_strided_slice %all_reduce_population_count3A_472 {offsets = [0], sizes = [1], strides = [1]} : vector<16xi32> to vector<1xi32>
      %squeeze3A_474 = vector.extract %slice3A_473[0] : i32 from vector<1xi32>
      %add3A_475 = arith.addi %add3A_446, %squeeze3A_474 : i32
      %mul3A_476 = arith.constant 128 : i32
      %mul3A_477 = arith.muli %while3A_334, %mul3A_476 : i32
      %add3A_478 = arith.constant 80 : i32
      %add3A_479 = arith.addi %mul3A_477, %add3A_478 : i32
      %get3A_480 = arith.index_cast %add3A_479 : i32 to index
      %get3A_481 = tpu.vector_load %arg5[%get3A_480] {strides = array<i32>} : memref<36880xi32, #tpu.memory_space<vmem>>, vector<16xi32>,
      %add3A_482 = vector.broadcast %add3A_479 : i32 to vector<16xi32>
      %add3A_483 = arith.addi %add3A_482, %iota3A : vector<16xi32>
      %lt3A_484 = vector.broadcast %scan3A_107 : i32 to vector<16xi32>
      %lt3A_485 = arith.cmpi slt, %add3A_483, %lt3A_484 : vector<16xi32>
      %shift_right_arithmetic3A_486 = arith.constant 16 : i32
      %shift_right_arithmetic3A_487 = vector.broadcast %shift_right_arithmetic3A_486 : i32 to vector<16xi32>
      %shift_right_arithmetic3A_488 = arith.shrsi %get3A_481, %shift_right_arithmetic3A_487 : vector<16xi32>
      %eq3A_489 = vector.broadcast %shift_right_arithmetic3A_168 : i32 to vector<16xi32>
      %eq3A_490 = arith.cmpi eq, %shift_right_arithmetic3A_488, %eq3A_489 : vector<16xi32>
      %and3A_491 = arith.andi %lt3A_485, %eq3A_490 : vector<16xi1>
      %swap3A_492 = arith.index_cast %add3A_475 : i32 to index
      %swap3A_493 = tpu.vector_load %arg5[%swap3A_492] masked %and3A_491 {strides = array<i32>} : memref<36880xi32, #tpu.memory_space<vmem>>, vector<16xi32>, vector<16xi1>
      tpu.vector_store %arg5[%swap3A_492], %get3A_481 masked %and3A_491 {strides = array<i32>} : memref<36880xi32, #tpu.memory_space<vmem>>, vector<16xi32>, vector<16xi1>
      %shift_right_arithmetic3A_494 = arith.constant 8 : i32
      %shift_right_arithmetic3A_495 = vector.broadcast %shift_right_arithmetic3A_494 : i32 to vector<16xi32>
      %shift_right_arithmetic3A_496 = arith.shrsi %get3A_481, %shift_right_arithmetic3A_495 : vector<16xi32>
      %and3A_497 = arith.constant 255 : i32
      %and3A_498 = vector.broadcast %and3A_497 : i32 to vector<16xi32>
      %and3A_499 = arith.andi %shift_right_arithmetic3A_496, %and3A_498 : vector<16xi32>
      %add3A_500 = arith.addi %mul3A_1, %and3A_499 : vector<16xi32>
      tpu.vector_store_idx %arg7[%add3A_500], %broadcast_in_dim3A_2 masked %and3A_491 {add = true} : memref<4128xi32, #tpu.memory_space<vmem>>[vector<16xi32>], vector<16xi32>, vector<16xi1>
      %all_reduce_population_count3A_501 = tpu.all_reduce %and3A_491 {dim = 0 : i64, kind = #tpu.reduction_kind<sum>} : vector<16xi1> -> vector<16xi32>
      %slice3A_502 = vector.extract_strided_slice %all_reduce_population_count3A_501 {offsets = [0], sizes = [1], strides = [1]} : vector<16xi32> to vector<1xi32>
      %squeeze3A_503 = vector.extract %slice3A_502[0] : i32 from vector<1xi32>
      %add3A_504 = arith.addi %add3A_475, %squeeze3A_503 : i32
      %mul3A_505 = arith.constant 128 : i32
      %mul3A_506 = arith.muli %while3A_334, %mul3A_505 : i32
      %add3A_507 = arith.constant 96 : i32
      %add3A_508 = arith.addi %mul3A_506, %add3A_507 : i32
      %get3A_509 = arith.index_cast %add3A_508 : i32 to index
      %get3A_510 = tpu.vector_load %arg5[%get3A_509] {strides = array<i32>} : memref<36880xi32, #tpu.memory_space<vmem>>, vector<16xi32>,
      %add3A_511 = vector.broadcast %add3A_508 : i32 to vector<16xi32>
      %add3A_512 = arith.addi %add3A_511, %iota3A : vector<16xi32>
      %lt3A_513 = vector.broadcast %scan3A_107 : i32 to vector<16xi32>
      %lt3A_514 = arith.cmpi slt, %add3A_512, %lt3A_513 : vector<16xi32>
      %shift_right_arithmetic3A_515 = arith.constant 16 : i32
      %shift_right_arithmetic3A_516 = vector.broadcast %shift_right_arithmetic3A_515 : i32 to vector<16xi32>
      %shift_right_arithmetic3A_517 = arith.shrsi %get3A_510, %shift_right_arithmetic3A_516 : vector<16xi32>
      %eq3A_518 = vector.broadcast %shift_right_arithmetic3A_168 : i32 to vector<16xi32>
      %eq3A_519 = arith.cmpi eq, %shift_right_arithmetic3A_517, %eq3A_518 : vector<16xi32>
      %and3A_520 = arith.andi %lt3A_514, %eq3A_519 : vector<16xi1>
      %swap3A_521 = arith.index_cast %add3A_504 : i32 to index
      %swap3A_522 = tpu.vector_load %arg5[%swap3A_521] masked %and3A_520 {strides = array<i32>} : memref<36880xi32, #tpu.memory_space<vmem>>, vector<16xi32>, vector<16xi1>
      tpu.vector_store %arg5[%swap3A_521], %get3A_510 masked %and3A_520 {strides = array<i32>} : memref<36880xi32, #tpu.memory_space<vmem>>, vector<16xi32>, vector<16xi1>
      %shift_right_arithmetic3A_523 = arith.constant 8 : i32
      %shift_right_arithmetic3A_524 = vector.broadcast %shift_right_arithmetic3A_523 : i32 to vector<16xi32>
      %shift_right_arithmetic3A_525 = arith.shrsi %get3A_510, %shift_right_arithmetic3A_524 : vector<16xi32>
      %and3A_526 = arith.constant 255 : i32
      %and3A_527 = vector.broadcast %and3A_526 : i32 to vector<16xi32>
      %and3A_528 = arith.andi %shift_right_arithmetic3A_525, %and3A_527 : vector<16xi32>
      %add3A_529 = arith.addi %mul3A_1, %and3A_528 : vector<16xi32>
      tpu.vector_store_idx %arg6[%add3A_529], %broadcast_in_dim3A_2 masked %and3A_520 {add = true} : memref<4128xi32, #tpu.memory_space<vmem>>[vector<16xi32>], vector<16xi32>, vector<16xi1>
      %all_reduce_population_count3A_530 = tpu.all_reduce %and3A_520 {dim = 0 : i64, kind = #tpu.reduction_kind<sum>} : vector<16xi1> -> vector<16xi32>
      %slice3A_531 = vector.extract_strided_slice %all_reduce_population_count3A_530 {offsets = [0], sizes = [1], strides = [1]} : vector<16xi32> to vector<1xi32>
      %squeeze3A_532 = vector.extract %slice3A_531[0] : i32 from vector<1xi32>
      %add3A_533 = arith.addi %add3A_504, %squeeze3A_532 : i32
      %mul3A_534 = arith.constant 128 : i32
      %mul3A_535 = arith.muli %while3A_334, %mul3A_534 : i32
      %add3A_536 = arith.constant 112 : i32
      %add3A_537 = arith.addi %mul3A_535, %add3A_536 : i32
      %get3A_538 = arith.index_cast %add3A_537 : i32 to index
      %get3A_539 = tpu.vector_load %arg5[%get3A_538] {strides = array<i32>} : memref<36880xi32, #tpu.memory_space<vmem>>, vector<16xi32>,
      %add3A_540 = vector.broadcast %add3A_537 : i32 to vector<16xi32>
      %add3A_541 = arith.addi %add3A_540, %iota3A : vector<16xi32>
      %lt3A_542 = vector.broadcast %scan3A_107 : i32 to vector<16xi32>
      %lt3A_543 = arith.cmpi slt, %add3A_541, %lt3A_542 : vector<16xi32>
      %shift_right_arithmetic3A_544 = arith.constant 16 : i32
      %shift_right_arithmetic3A_545 = vector.broadcast %shift_right_arithmetic3A_544 : i32 to vector<16xi32>
      %shift_right_arithmetic3A_546 = arith.shrsi %get3A_539, %shift_right_arithmetic3A_545 : vector<16xi32>
      %eq3A_547 = vector.broadcast %shift_right_arithmetic3A_168 : i32 to vector<16xi32>
      %eq3A_548 = arith.cmpi eq, %shift_right_arithmetic3A_546, %eq3A_547 : vector<16xi32>
      %and3A_549 = arith.andi %lt3A_543, %eq3A_548 : vector<16xi1>
      %swap3A_550 = arith.index_cast %add3A_533 : i32 to index
      %swap3A_551 = tpu.vector_load %arg5[%swap3A_550] masked %and3A_549 {strides = array<i32>} : memref<36880xi32, #tpu.memory_space<vmem>>, vector<16xi32>, vector<16xi1>
      tpu.vector_store %arg5[%swap3A_550], %get3A_539 masked %and3A_549 {strides = array<i32>} : memref<36880xi32, #tpu.memory_space<vmem>>, vector<16xi32>, vector<16xi1>
      %shift_right_arithmetic3A_552 = arith.constant 8 : i32
      %shift_right_arithmetic3A_553 = vector.broadcast %shift_right_arithmetic3A_552 : i32 to vector<16xi32>
      %shift_right_arithmetic3A_554 = arith.shrsi %get3A_539, %shift_right_arithmetic3A_553 : vector<16xi32>
      %and3A_555 = arith.constant 255 : i32
      %and3A_556 = vector.broadcast %and3A_555 : i32 to vector<16xi32>
      %and3A_557 = arith.andi %shift_right_arithmetic3A_554, %and3A_556 : vector<16xi32>
      %add3A_558 = arith.addi %mul3A_1, %and3A_557 : vector<16xi32>
      tpu.vector_store_idx %arg7[%add3A_558], %broadcast_in_dim3A_2 masked %and3A_549 {add = true} : memref<4128xi32, #tpu.memory_space<vmem>>[vector<16xi32>], vector<16xi32>, vector<16xi1>
      %all_reduce_population_count3A_559 = tpu.all_reduce %and3A_549 {dim = 0 : i64, kind = #tpu.reduction_kind<sum>} : vector<16xi1> -> vector<16xi32>
      %slice3A_560 = vector.extract_strided_slice %all_reduce_population_count3A_559 {offsets = [0], sizes = [1], strides = [1]} : vector<16xi32> to vector<1xi32>
      %squeeze3A_561 = vector.extract %slice3A_560[0] : i32 from vector<1xi32>
      %add3A_562 = arith.addi %add3A_533, %squeeze3A_561 : i32
      scf.yield %add3A_562 : i32
    }
    %while3A_197 = arith.constant 1 : i32
    %while3A_198 = scf.for %while3A_334 = %while3A_194 to %while3A_190 step %while3A_197 iter_args(%while3A_335 = %while3A_196) -> (i32)  : i32 {
      %mul3A_336 = arith.constant 128 : i32
      %mul3A_337 = arith.muli %while3A_334, %mul3A_336 : i32
      %add3A_338 = arith.constant 0 : i32
      %add3A_339 = arith.addi %mul3A_337, %add3A_338 : i32
      %get3A = arith.index_cast %add3A_339 : i32 to index
      %get3A_340 = tpu.vector_load %arg5[%get3A] {strides = array<i32>} : memref<36880xi32, #tpu.memory_space<vmem>>, vector<16xi32>,
      %add3A_341 = vector.broadcast %add3A_339 : i32 to vector<16xi32>
      %add3A_342 = arith.addi %add3A_341, %iota3A : vector<16xi32>
      %lt3A = vector.broadcast %scan3A_107 : i32 to vector<16xi32>
      %lt3A_343 = arith.cmpi slt, %add3A_342, %lt3A : vector<16xi32>
      %shift_right_arithmetic3A_344 = arith.constant 16 : i32
      %shift_right_arithmetic3A_345 = vector.broadcast %shift_right_arithmetic3A_344 : i32 to vector<16xi32>
      %shift_right_arithmetic3A_346 = arith.shrsi %get3A_340, %shift_right_arithmetic3A_345 : vector<16xi32>
      %eq3A_347 = vector.broadcast %shift_right_arithmetic3A_168 : i32 to vector<16xi32>
      %eq3A_348 = arith.cmpi eq, %shift_right_arithmetic3A_346, %eq3A_347 : vector<16xi32>
      %and3A_349 = arith.andi %lt3A_343, %eq3A_348 : vector<16xi1>
      %swap3A_350 = arith.index_cast %while3A_335 : i32 to index
      %swap3A_351 = tpu.vector_load %arg5[%swap3A_350] masked %and3A_349 {strides = array<i32>} : memref<36880xi32, #tpu.memory_space<vmem>>, vector<16xi32>, vector<16xi1>
      tpu.vector_store %arg5[%swap3A_350], %get3A_340 masked %and3A_349 {strides = array<i32>} : memref<36880xi32, #tpu.memory_space<vmem>>, vector<16xi32>, vector<16xi1>
      %shift_right_arithmetic3A_352 = arith.constant 8 : i32
      %shift_right_arithmetic3A_353 = vector.broadcast %shift_right_arithmetic3A_352 : i32 to vector<16xi32>
      %shift_right_arithmetic3A_354 = arith.shrsi %get3A_340, %shift_right_arithmetic3A_353 : vector<16xi32>
      %and3A_355 = arith.constant 255 : i32
      %and3A_356 = vector.broadcast %and3A_355 : i32 to vector<16xi32>
      %and3A_357 = arith.andi %shift_right_arithmetic3A_354, %and3A_356 : vector<16xi32>
      %add3A_358 = arith.addi %mul3A_1, %and3A_357 : vector<16xi32>
      tpu.vector_store_idx %arg6[%add3A_358], %broadcast_in_dim3A_2 masked %and3A_349 {add = true} : memref<4128xi32, #tpu.memory_space<vmem>>[vector<16xi32>], vector<16xi32>, vector<16xi1>
      %all_reduce_population_count3A = tpu.all_reduce %and3A_349 {dim = 0 : i64, kind = #tpu.reduction_kind<sum>} : vector<16xi1> -> vector<16xi32>
      %slice3A = vector.extract_strided_slice %all_reduce_population_count3A {offsets = [0], sizes = [1], strides = [1]} : vector<16xi32> to vector<1xi32>
      %squeeze3A = vector.extract %slice3A[0] : i32 from vector<1xi32>
      %add3A_359 = arith.addi %while3A_335, %squeeze3A : i32
      %mul3A_360 = arith.constant 128 : i32
      %mul3A_361 = arith.muli %while3A_334, %mul3A_360 : i32
      %add3A_362 = arith.constant 16 : i32
      %add3A_363 = arith.addi %mul3A_361, %add3A_362 : i32
      %get3A_364 = arith.index_cast %add3A_363 : i32 to index
      %get3A_365 = tpu.vector_load %arg5[%get3A_364] {strides = array<i32>} : memref<36880xi32, #tpu.memory_space<vmem>>, vector<16xi32>,
      %add3A_366 = vector.broadcast %add3A_363 : i32 to vector<16xi32>
      %add3A_367 = arith.addi %add3A_366, %iota3A : vector<16xi32>
      %lt3A_368 = vector.broadcast %scan3A_107 : i32 to vector<16xi32>
      %lt3A_369 = arith.cmpi slt, %add3A_367, %lt3A_368 : vector<16xi32>
      %shift_right_arithmetic3A_370 = arith.constant 16 : i32
      %shift_right_arithmetic3A_371 = vector.broadcast %shift_right_arithmetic3A_370 : i32 to vector<16xi32>
      %shift_right_arithmetic3A_372 = arith.shrsi %get3A_365, %shift_right_arithmetic3A_371 : vector<16xi32>
      %eq3A_373 = vector.broadcast %shift_right_arithmetic3A_168 : i32 to vector<16xi32>
      %eq3A_374 = arith.cmpi eq, %shift_right_arithmetic3A_372, %eq3A_373 : vector<16xi32>
      %and3A_375 = arith.andi %lt3A_369, %eq3A_374 : vector<16xi1>
      %swap3A_376 = arith.index_cast %add3A_359 : i32 to index
      %swap3A_377 = tpu.vector_load %arg5[%swap3A_376] masked %and3A_375 {strides = array<i32>} : memref<36880xi32, #tpu.memory_space<vmem>>, vector<16xi32>, vector<16xi1>
      tpu.vector_store %arg5[%swap3A_376], %get3A_365 masked %and3A_375 {strides = array<i32>} : memref<36880xi32, #tpu.memory_space<vmem>>, vector<16xi32>, vector<16xi1>
      %shift_right_arithmetic3A_378 = arith.constant 8 : i32
      %shift_right_arithmetic3A_379 = vector.broadcast %shift_right_arithmetic3A_378 : i32 to vector<16xi32>
      %shift_right_arithmetic3A_380 = arith.shrsi %get3A_365, %shift_right_arithmetic3A_379 : vector<16xi32>
      %and3A_381 = arith.constant 255 : i32
      %and3A_382 = vector.broadcast %and3A_381 : i32 to vector<16xi32>
      %and3A_383 = arith.andi %shift_right_arithmetic3A_380, %and3A_382 : vector<16xi32>
      %add3A_384 = arith.addi %mul3A_1, %and3A_383 : vector<16xi32>
      tpu.vector_store_idx %arg7[%add3A_384], %broadcast_in_dim3A_2 masked %and3A_375 {add = true} : memref<4128xi32, #tpu.memory_space<vmem>>[vector<16xi32>], vector<16xi32>, vector<16xi1>
      %all_reduce_population_count3A_385 = tpu.all_reduce %and3A_375 {dim = 0 : i64, kind = #tpu.reduction_kind<sum>} : vector<16xi1> -> vector<16xi32>
      %slice3A_386 = vector.extract_strided_slice %all_reduce_population_count3A_385 {offsets = [0], sizes = [1], strides = [1]} : vector<16xi32> to vector<1xi32>
      %squeeze3A_387 = vector.extract %slice3A_386[0] : i32 from vector<1xi32>
      %add3A_388 = arith.addi %add3A_359, %squeeze3A_387 : i32
      %mul3A_389 = arith.constant 128 : i32
      %mul3A_390 = arith.muli %while3A_334, %mul3A_389 : i32
      %add3A_391 = arith.constant 32 : i32
      %add3A_392 = arith.addi %mul3A_390, %add3A_391 : i32
      %get3A_393 = arith.index_cast %add3A_392 : i32 to index
      %get3A_394 = tpu.vector_load %arg5[%get3A_393] {strides = array<i32>} : memref<36880xi32, #tpu.memory_space<vmem>>, vector<16xi32>,
      %add3A_395 = vector.broadcast %add3A_392 : i32 to vector<16xi32>
      %add3A_396 = arith.addi %add3A_395, %iota3A : vector<16xi32>
      %lt3A_397 = vector.broadcast %scan3A_107 : i32 to vector<16xi32>
      %lt3A_398 = arith.cmpi slt, %add3A_396, %lt3A_397 : vector<16xi32>
      %shift_right_arithmetic3A_399 = arith.constant 16 : i32
      %shift_right_arithmetic3A_400 = vector.broadcast %shift_right_arithmetic3A_399 : i32 to vector<16xi32>
      %shift_right_arithmetic3A_401 = arith.shrsi %get3A_394, %shift_right_arithmetic3A_400 : vector<16xi32>
      %eq3A_402 = vector.broadcast %shift_right_arithmetic3A_168 : i32 to vector<16xi32>
      %eq3A_403 = arith.cmpi eq, %shift_right_arithmetic3A_401, %eq3A_402 : vector<16xi32>
      %and3A_404 = arith.andi %lt3A_398, %eq3A_403 : vector<16xi1>
      %swap3A_405 = arith.index_cast %add3A_388 : i32 to index
      %swap3A_406 = tpu.vector_load %arg5[%swap3A_405] masked %and3A_404 {strides = array<i32>} : memref<36880xi32, #tpu.memory_space<vmem>>, vector<16xi32>, vector<16xi1>
      tpu.vector_store %arg5[%swap3A_405], %get3A_394 masked %and3A_404 {strides = array<i32>} : memref<36880xi32, #tpu.memory_space<vmem>>, vector<16xi32>, vector<16xi1>
      %shift_right_arithmetic3A_407 = arith.constant 8 : i32
      %shift_right_arithmetic3A_408 = vector.broadcast %shift_right_arithmetic3A_407 : i32 to vector<16xi32>
      %shift_right_arithmetic3A_409 = arith.shrsi %get3A_394, %shift_right_arithmetic3A_408 : vector<16xi32>
      %and3A_410 = arith.constant 255 : i32
      %and3A_411 = vector.broadcast %and3A_410 : i32 to vector<16xi32>
      %and3A_412 = arith.andi %shift_right_arithmetic3A_409, %and3A_411 : vector<16xi32>
      %add3A_413 = arith.addi %mul3A_1, %and3A_412 : vector<16xi32>
      tpu.vector_store_idx %arg6[%add3A_413], %broadcast_in_dim3A_2 masked %and3A_404 {add = true} : memref<4128xi32, #tpu.memory_space<vmem>>[vector<16xi32>], vector<16xi32>, vector<16xi1>
      %all_reduce_population_count3A_414 = tpu.all_reduce %and3A_404 {dim = 0 : i64, kind = #tpu.reduction_kind<sum>} : vector<16xi1> -> vector<16xi32>
      %slice3A_415 = vector.extract_strided_slice %all_reduce_population_count3A_414 {offsets = [0], sizes = [1], strides = [1]} : vector<16xi32> to vector<1xi32>
      %squeeze3A_416 = vector.extract %slice3A_415[0] : i32 from vector<1xi32>
      %add3A_417 = arith.addi %add3A_388, %squeeze3A_416 : i32
      %mul3A_418 = arith.constant 128 : i32
      %mul3A_419 = arith.muli %while3A_334, %mul3A_418 : i32
      %add3A_420 = arith.constant 48 : i32
      %add3A_421 = arith.addi %mul3A_419, %add3A_420 : i32
      %get3A_422 = arith.index_cast %add3A_421 : i32 to index
      %get3A_423 = tpu.vector_load %arg5[%get3A_422] {strides = array<i32>} : memref<36880xi32, #tpu.memory_space<vmem>>, vector<16xi32>,
      %add3A_424 = vector.broadcast %add3A_421 : i32 to vector<16xi32>
      %add3A_425 = arith.addi %add3A_424, %iota3A : vector<16xi32>
      %lt3A_426 = vector.broadcast %scan3A_107 : i32 to vector<16xi32>
      %lt3A_427 = arith.cmpi slt, %add3A_425, %lt3A_426 : vector<16xi32>
      %shift_right_arithmetic3A_428 = arith.constant 16 : i32
      %shift_right_arithmetic3A_429 = vector.broadcast %shift_right_arithmetic3A_428 : i32 to vector<16xi32>
      %shift_right_arithmetic3A_430 = arith.shrsi %get3A_423, %shift_right_arithmetic3A_429 : vector<16xi32>
      %eq3A_431 = vector.broadcast %shift_right_arithmetic3A_168 : i32 to vector<16xi32>
      %eq3A_432 = arith.cmpi eq, %shift_right_arithmetic3A_430, %eq3A_431 : vector<16xi32>
      %and3A_433 = arith.andi %lt3A_427, %eq3A_432 : vector<16xi1>
      %swap3A_434 = arith.index_cast %add3A_417 : i32 to index
      %swap3A_435 = tpu.vector_load %arg5[%swap3A_434] masked %and3A_433 {strides = array<i32>} : memref<36880xi32, #tpu.memory_space<vmem>>, vector<16xi32>, vector<16xi1>
      tpu.vector_store %arg5[%swap3A_434], %get3A_423 masked %and3A_433 {strides = array<i32>} : memref<36880xi32, #tpu.memory_space<vmem>>, vector<16xi32>, vector<16xi1>
      %shift_right_arithmetic3A_436 = arith.constant 8 : i32
      %shift_right_arithmetic3A_437 = vector.broadcast %shift_right_arithmetic3A_436 : i32 to vector<16xi32>
      %shift_right_arithmetic3A_438 = arith.shrsi %get3A_423, %shift_right_arithmetic3A_437 : vector<16xi32>
      %and3A_439 = arith.constant 255 : i32
      %and3A_440 = vector.broadcast %and3A_439 : i32 to vector<16xi32>
      %and3A_441 = arith.andi %shift_right_arithmetic3A_438, %and3A_440 : vector<16xi32>
      %add3A_442 = arith.addi %mul3A_1, %and3A_441 : vector<16xi32>
      tpu.vector_store_idx %arg7[%add3A_442], %broadcast_in_dim3A_2 masked %and3A_433 {add = true} : memref<4128xi32, #tpu.memory_space<vmem>>[vector<16xi32>], vector<16xi32>, vector<16xi1>
      %all_reduce_population_count3A_443 = tpu.all_reduce %and3A_433 {dim = 0 : i64, kind = #tpu.reduction_kind<sum>} : vector<16xi1> -> vector<16xi32>
      %slice3A_444 = vector.extract_strided_slice %all_reduce_population_count3A_443 {offsets = [0], sizes = [1], strides = [1]} : vector<16xi32> to vector<1xi32>
      %squeeze3A_445 = vector.extract %slice3A_444[0] : i32 from vector<1xi32>
      %add3A_446 = arith.addi %add3A_417, %squeeze3A_445 : i32
      %mul3A_447 = arith.constant 128 : i32
      %mul3A_448 = arith.muli %while3A_334, %mul3A_447 : i32
      %add3A_449 = arith.constant 64 : i32
      %add3A_450 = arith.addi %mul3A_448, %add3A_449 : i32
      %get3A_451 = arith.index_cast %add3A_450 : i32 to index
      %get3A_452 = tpu.vector_load %arg5[%get3A_451] {strides = array<i32>} : memref<36880xi32, #tpu.memory_space<vmem>>, vector<16xi32>,
      %add3A_453 = vector.broadcast %add3A_450 : i32 to vector<16xi32>
      %add3A_454 = arith.addi %add3A_453, %iota3A : vector<16xi32>
      %lt3A_455 = vector.broadcast %scan3A_107 : i32 to vector<16xi32>
      %lt3A_456 = arith.cmpi slt, %add3A_454, %lt3A_455 : vector<16xi32>
      %shift_right_arithmetic3A_457 = arith.constant 16 : i32
      %shift_right_arithmetic3A_458 = vector.broadcast %shift_right_arithmetic3A_457 : i32 to vector<16xi32>
      %shift_right_arithmetic3A_459 = arith.shrsi %get3A_452, %shift_right_arithmetic3A_458 : vector<16xi32>
      %eq3A_460 = vector.broadcast %shift_right_arithmetic3A_168 : i32 to vector<16xi32>
      %eq3A_461 = arith.cmpi eq, %shift_right_arithmetic3A_459, %eq3A_460 : vector<16xi32>
      %and3A_462 = arith.andi %lt3A_456, %eq3A_461 : vector<16xi1>
      %swap3A_463 = arith.index_cast %add3A_446 : i32 to index
      %swap3A_464 = tpu.vector_load %arg5[%swap3A_463] masked %and3A_462 {strides = array<i32>} : memref<36880xi32, #tpu.memory_space<vmem>>, vector<16xi32>, vector<16xi1>
      tpu.vector_store %arg5[%swap3A_463], %get3A_452 masked %and3A_462 {strides = array<i32>} : memref<36880xi32, #tpu.memory_space<vmem>>, vector<16xi32>, vector<16xi1>
      %shift_right_arithmetic3A_465 = arith.constant 8 : i32
      %shift_right_arithmetic3A_466 = vector.broadcast %shift_right_arithmetic3A_465 : i32 to vector<16xi32>
      %shift_right_arithmetic3A_467 = arith.shrsi %get3A_452, %shift_right_arithmetic3A_466 : vector<16xi32>
      %and3A_468 = arith.constant 255 : i32
      %and3A_469 = vector.broadcast %and3A_468 : i32 to vector<16xi32>
      %and3A_470 = arith.andi %shift_right_arithmetic3A_467, %and3A_469 : vector<16xi32>
      %add3A_471 = arith.addi %mul3A_1, %and3A_470 : vector<16xi32>
      tpu.vector_store_idx %arg6[%add3A_471], %broadcast_in_dim3A_2 masked %and3A_462 {add = true} : memref<4128xi32, #tpu.memory_space<vmem>>[vector<16xi32>], vector<16xi32>, vector<16xi1>
      %all_reduce_population_count3A_472 = tpu.all_reduce %and3A_462 {dim = 0 : i64, kind = #tpu.reduction_kind<sum>} : vector<16xi1> -> vector<16xi32>
      %slice3A_473 = vector.extract_strided_slice %all_reduce_population_count3A_472 {offsets = [0], sizes = [1], strides = [1]} : vector<16xi32> to vector<1xi32>
      %squeeze3A_474 = vector.extract %slice3A_473[0] : i32 from vector<1xi32>
      %add3A_475 = arith.addi %add3A_446, %squeeze3A_474 : i32
      %mul3A_476 = arith.constant 128 : i32
      %mul3A_477 = arith.muli %while3A_334, %mul3A_476 : i32
      %add3A_478 = arith.constant 80 : i32
      %add3A_479 = arith.addi %mul3A_477, %add3A_478 : i32
      %get3A_480 = arith.index_cast %add3A_479 : i32 to index
      %get3A_481 = tpu.vector_load %arg5[%get3A_480] {strides = array<i32>} : memref<36880xi32, #tpu.memory_space<vmem>>, vector<16xi32>,
      %add3A_482 = vector.broadcast %add3A_479 : i32 to vector<16xi32>
      %add3A_483 = arith.addi %add3A_482, %iota3A : vector<16xi32>
      %lt3A_484 = vector.broadcast %scan3A_107 : i32 to vector<16xi32>
      %lt3A_485 = arith.cmpi slt, %add3A_483, %lt3A_484 : vector<16xi32>
      %shift_right_arithmetic3A_486 = arith.constant 16 : i32
      %shift_right_arithmetic3A_487 = vector.broadcast %shift_right_arithmetic3A_486 : i32 to vector<16xi32>
      %shift_right_arithmetic3A_488 = arith.shrsi %get3A_481, %shift_right_arithmetic3A_487 : vector<16xi32>
      %eq3A_489 = vector.broadcast %shift_right_arithmetic3A_168 : i32 to vector<16xi32>
      %eq3A_490 = arith.cmpi eq, %shift_right_arithmetic3A_488, %eq3A_489 : vector<16xi32>
      %and3A_491 = arith.andi %lt3A_485, %eq3A_490 : vector<16xi1>
      %swap3A_492 = arith.index_cast %add3A_475 : i32 to index
      %swap3A_493 = tpu.vector_load %arg5[%swap3A_492] masked %and3A_491 {strides = array<i32>} : memref<36880xi32, #tpu.memory_space<vmem>>, vector<16xi32>, vector<16xi1>
      tpu.vector_store %arg5[%swap3A_492], %get3A_481 masked %and3A_491 {strides = array<i32>} : memref<36880xi32, #tpu.memory_space<vmem>>, vector<16xi32>, vector<16xi1>
      %shift_right_arithmetic3A_494 = arith.constant 8 : i32
      %shift_right_arithmetic3A_495 = vector.broadcast %shift_right_arithmetic3A_494 : i32 to vector<16xi32>
      %shift_right_arithmetic3A_496 = arith.shrsi %get3A_481, %shift_right_arithmetic3A_495 : vector<16xi32>
      %and3A_497 = arith.constant 255 : i32
      %and3A_498 = vector.broadcast %and3A_497 : i32 to vector<16xi32>
      %and3A_499 = arith.andi %shift_right_arithmetic3A_496, %and3A_498 : vector<16xi32>
      %add3A_500 = arith.addi %mul3A_1, %and3A_499 : vector<16xi32>
      tpu.vector_store_idx %arg7[%add3A_500], %broadcast_in_dim3A_2 masked %and3A_491 {add = true} : memref<4128xi32, #tpu.memory_space<vmem>>[vector<16xi32>], vector<16xi32>, vector<16xi1>
      %all_reduce_population_count3A_501 = tpu.all_reduce %and3A_491 {dim = 0 : i64, kind = #tpu.reduction_kind<sum>} : vector<16xi1> -> vector<16xi32>
      %slice3A_502 = vector.extract_strided_slice %all_reduce_population_count3A_501 {offsets = [0], sizes = [1], strides = [1]} : vector<16xi32> to vector<1xi32>
      %squeeze3A_503 = vector.extract %slice3A_502[0] : i32 from vector<1xi32>
      %add3A_504 = arith.addi %add3A_475, %squeeze3A_503 : i32
      %mul3A_505 = arith.constant 128 : i32
      %mul3A_506 = arith.muli %while3A_334, %mul3A_505 : i32
      %add3A_507 = arith.constant 96 : i32
      %add3A_508 = arith.addi %mul3A_506, %add3A_507 : i32
      %get3A_509 = arith.index_cast %add3A_508 : i32 to index
      %get3A_510 = tpu.vector_load %arg5[%get3A_509] {strides = array<i32>} : memref<36880xi32, #tpu.memory_space<vmem>>, vector<16xi32>,
      %add3A_511 = vector.broadcast %add3A_508 : i32 to vector<16xi32>
      %add3A_512 = arith.addi %add3A_511, %iota3A : vector<16xi32>
      %lt3A_513 = vector.broadcast %scan3A_107 : i32 to vector<16xi32>
      %lt3A_514 = arith.cmpi slt, %add3A_512, %lt3A_513 : vector<16xi32>
      %shift_right_arithmetic3A_515 = arith.constant 16 : i32
      %shift_right_arithmetic3A_516 = vector.broadcast %shift_right_arithmetic3A_515 : i32 to vector<16xi32>
      %shift_right_arithmetic3A_517 = arith.shrsi %get3A_510, %shift_right_arithmetic3A_516 : vector<16xi32>
      %eq3A_518 = vector.broadcast %shift_right_arithmetic3A_168 : i32 to vector<16xi32>
      %eq3A_519 = arith.cmpi eq, %shift_right_arithmetic3A_517, %eq3A_518 : vector<16xi32>
      %and3A_520 = arith.andi %lt3A_514, %eq3A_519 : vector<16xi1>
      %swap3A_521 = arith.index_cast %add3A_504 : i32 to index
      %swap3A_522 = tpu.vector_load %arg5[%swap3A_521] masked %and3A_520 {strides = array<i32>} : memref<36880xi32, #tpu.memory_space<vmem>>, vector<16xi32>, vector<16xi1>
      tpu.vector_store %arg5[%swap3A_521], %get3A_510 masked %and3A_520 {strides = array<i32>} : memref<36880xi32, #tpu.memory_space<vmem>>, vector<16xi32>, vector<16xi1>
      %shift_right_arithmetic3A_523 = arith.constant 8 : i32
      %shift_right_arithmetic3A_524 = vector.broadcast %shift_right_arithmetic3A_523 : i32 to vector<16xi32>
      %shift_right_arithmetic3A_525 = arith.shrsi %get3A_510, %shift_right_arithmetic3A_524 : vector<16xi32>
      %and3A_526 = arith.constant 255 : i32
      %and3A_527 = vector.broadcast %and3A_526 : i32 to vector<16xi32>
      %and3A_528 = arith.andi %shift_right_arithmetic3A_525, %and3A_527 : vector<16xi32>
      %add3A_529 = arith.addi %mul3A_1, %and3A_528 : vector<16xi32>
      tpu.vector_store_idx %arg6[%add3A_529], %broadcast_in_dim3A_2 masked %and3A_520 {add = true} : memref<4128xi32, #tpu.memory_space<vmem>>[vector<16xi32>], vector<16xi32>, vector<16xi1>
      %all_reduce_population_count3A_530 = tpu.all_reduce %and3A_520 {dim = 0 : i64, kind = #tpu.reduction_kind<sum>} : vector<16xi1> -> vector<16xi32>
      %slice3A_531 = vector.extract_strided_slice %all_reduce_population_count3A_530 {offsets = [0], sizes = [1], strides = [1]} : vector<16xi32> to vector<1xi32>
      %squeeze3A_532 = vector.extract %slice3A_531[0] : i32 from vector<1xi32>
      %add3A_533 = arith.addi %add3A_504, %squeeze3A_532 : i32
      %mul3A_534 = arith.constant 128 : i32
      %mul3A_535 = arith.muli %while3A_334, %mul3A_534 : i32
      %add3A_536 = arith.constant 112 : i32
      %add3A_537 = arith.addi %mul3A_535, %add3A_536 : i32
      %get3A_538 = arith.index_cast %add3A_537 : i32 to index
      %get3A_539 = tpu.vector_load %arg5[%get3A_538] {strides = array<i32>} : memref<36880xi32, #tpu.memory_space<vmem>>, vector<16xi32>,
      %add3A_540 = vector.broadcast %add3A_537 : i32 to vector<16xi32>
      %add3A_541 = arith.addi %add3A_540, %iota3A : vector<16xi32>
      %lt3A_542 = vector.broadcast %scan3A_107 : i32 to vector<16xi32>
      %lt3A_543 = arith.cmpi slt, %add3A_541, %lt3A_542 : vector<16xi32>
      %shift_right_arithmetic3A_544 = arith.constant 16 : i32
      %shift_right_arithmetic3A_545 = vector.broadcast %shift_right_arithmetic3A_544 : i32 to vector<16xi32>
      %shift_right_arithmetic3A_546 = arith.shrsi %get3A_539, %shift_right_arithmetic3A_545 : vector<16xi32>
      %eq3A_547 = vector.broadcast %shift_right_arithmetic3A_168 : i32 to vector<16xi32>
      %eq3A_548 = arith.cmpi eq, %shift_right_arithmetic3A_546, %eq3A_547 : vector<16xi32>
      %and3A_549 = arith.andi %lt3A_543, %eq3A_548 : vector<16xi1>
      %swap3A_550 = arith.index_cast %add3A_533 : i32 to index
      %swap3A_551 = tpu.vector_load %arg5[%swap3A_550] masked %and3A_549 {strides = array<i32>} : memref<36880xi32, #tpu.memory_space<vmem>>, vector<16xi32>, vector<16xi1>
      tpu.vector_store %arg5[%swap3A_550], %get3A_539 masked %and3A_549 {strides = array<i32>} : memref<36880xi32, #tpu.memory_space<vmem>>, vector<16xi32>, vector<16xi1>
      %shift_right_arithmetic3A_552 = arith.constant 8 : i32
      %shift_right_arithmetic3A_553 = vector.broadcast %shift_right_arithmetic3A_552 : i32 to vector<16xi32>
      %shift_right_arithmetic3A_554 = arith.shrsi %get3A_539, %shift_right_arithmetic3A_553 : vector<16xi32>
      %and3A_555 = arith.constant 255 : i32
      %and3A_556 = vector.broadcast %and3A_555 : i32 to vector<16xi32>
      %and3A_557 = arith.andi %shift_right_arithmetic3A_554, %and3A_556 : vector<16xi32>
      %add3A_558 = arith.addi %mul3A_1, %and3A_557 : vector<16xi32>
      tpu.vector_store_idx %arg7[%add3A_558], %broadcast_in_dim3A_2 masked %and3A_549 {add = true} : memref<4128xi32, #tpu.memory_space<vmem>>[vector<16xi32>], vector<16xi32>, vector<16xi1>
      %all_reduce_population_count3A_559 = tpu.all_reduce %and3A_549 {dim = 0 : i64, kind = #tpu.reduction_kind<sum>} : vector<16xi1> -> vector<16xi32>
      %slice3A_560 = vector.extract_strided_slice %all_reduce_population_count3A_559 {offsets = [0], sizes = [1], strides = [1]} : vector<16xi32> to vector<1xi32>
      %squeeze3A_561 = vector.extract %slice3A_560[0] : i32 from vector<1xi32>
      %add3A_562 = arith.addi %add3A_533, %squeeze3A_561 : i32
      scf.yield %add3A_562 : i32
    }
    %scan3A_199 = arith.constant 0 : i32
    %scan3A_200 = arith.constant 0 : i32
    %scan3A_201 = arith.constant 16 : i32
    %scan3A_202 = arith.addi %scan3A_200, %scan3A_201 : i32
    %scan3A_203 = arith.constant 1 : i32
    %scan3A_204 = scf.for %scan3A_334 = %scan3A_200 to %scan3A_202 step %scan3A_203 iter_args(%scan3A_335 = %scan3A_199) -> (i32)  : i32 {
      %scan3A_336 = arith.constant 0 : i32
      %scan3A_337 = arith.constant 16 : i32
      %scan3A_338 = arith.addi %scan3A_336, %scan3A_337 : i32
      %scan3A_339 = arith.constant 1 : i32
      %scan3A_340 = scf.for %scan3A_347 = %scan3A_336 to %scan3A_338 step %scan3A_339 iter_args(%scan3A_348 = %broadcast_in_dim3A_4) -> (vector<16xi32>)  : i32 {
        %mul3A_349 = arith.constant 257 : i32
        %mul3A_350 = arith.muli %scan3A_347, %mul3A_349 : i32
        %mul3A_351 = arith.constant 16 : i32
        %mul3A_352 = arith.muli %scan3A_334, %mul3A_351 : i32
        %add3A_353 = arith.addi %mul3A_350, %mul3A_352 : i32
        %get3A = arith.index_cast %add3A_353 : i32 to index
        %get3A_354 = tpu.vector_load %arg6[%get3A] {strides = array<i32>} : memref<4128xi32, #tpu.memory_space<vmem>>, vector<16xi32>,
        %add3A_355 = arith.addi %scan3A_348, %get3A_354 : vector<16xi32>
        %mul3A_356 = arith.constant 257 : i32
        %mul3A_357 = arith.muli %scan3A_347, %mul3A_356 : i32
        %mul3A_358 = arith.constant 16 : i32
        %mul3A_359 = arith.muli %scan3A_334, %mul3A_358 : i32
        %add3A_360 = arith.addi %mul3A_357, %mul3A_359 : i32
        %get3A_361 = arith.index_cast %add3A_360 : i32 to index
        %get3A_362 = tpu.vector_load %arg7[%get3A_361] {strides = array<i32>} : memref<4128xi32, #tpu.memory_space<vmem>>, vector<16xi32>,
        %add3A_363 = arith.addi %add3A_355, %get3A_362 : vector<16xi32>
        scf.yield %add3A_363 : vector<16xi32>
      }
      %scan3A_341 = arith.constant 16 : i32
      %mul3A_342 = arith.constant 16 : i32
      %mul3A_343 = arith.muli %scan3A_334, %mul3A_342 : i32
      %swap3A_344 = arith.index_cast %mul3A_343 : i32 to index
      %swap3A_345 = tpu.vector_load %arg8[%swap3A_344] {strides = array<i32>} : memref<256xi32, #tpu.memory_space<vmem>>, vector<16xi32>,
      tpu.vector_store %arg8[%swap3A_344], %scan3A_340 {strides = array<i32>} : memref<256xi32, #tpu.memory_space<vmem>>, vector<16xi32>,
      %scan3A_346 = arith.constant 0 : i32
      scf.yield %scan3A_346 : i32
    }
    %scan3A_205 = arith.constant 16 : i32
    %mul3A_206 = arith.constant 256 : i32
    %mul3A_207 = arith.muli %arg1, %mul3A_206 : i32
    "tpu.region"() ({
      %run_scoped3A = tpu.sem_alloc : memref<!tpu.dma_semaphore, #tpu.memory_space<semaphore_mem>>
      %dma_start3A = tpu.memref_slice %arg10[%mul3A_207] : memref<4096xi32, #tpu.memory_space<vmem_shared>> -> memref<256xi32, #tpu.memory_space<vmem_shared>>
      %dma_start3A_334 = tpu.memref_slice %arg10[%mul3A_207] : memref<4096xi32, #tpu.memory_space<vmem_shared>> -> memref<256xi32, #tpu.memory_space<vmem_shared>>
      tpu.enqueue_dma source(%arg8 : memref<256xi32, #tpu.memory_space<vmem>>) target(%dma_start3A_334 : memref<256xi32, #tpu.memory_space<vmem_shared>>) target_semaphore(%run_scoped3A : memref<!tpu.dma_semaphore, #tpu.memory_space<semaphore_mem>>)
      %dma_wait3A = tpu.memref_slice %arg10[%mul3A_207] : memref<4096xi32, #tpu.memory_space<vmem_shared>> -> memref<256xi32, #tpu.memory_space<vmem_shared>>
      %dma_wait3A_335 = tpu.memref_slice %arg10[%mul3A_207] : memref<4096xi32, #tpu.memory_space<vmem_shared>> -> memref<256xi32, #tpu.memory_space<vmem_shared>>
      tpu.wait_dma2 semaphore(%run_scoped3A : memref<!tpu.dma_semaphore, #tpu.memory_space<semaphore_mem>>) src(%arg8 : memref<256xi32, #tpu.memory_space<vmem>>) dst(%dma_wait3A_335 : memref<256xi32, #tpu.memory_space<vmem_shared>>)
      tpu.yield
    }) : () -> ()
    %barrier3A_208 = arith.constant 0 : index
    tpu.barrier barrier_id(%barrier3A_208)
    "tpu.region"() ({
      %run_scoped3A = tpu.sem_alloc : memref<!tpu.dma_semaphore, #tpu.memory_space<semaphore_mem>>
      %dma_start3A = arith.constant 0 : i32
      %dma_start3A_334 = tpu.memref_slice %arg6[%dma_start3A] : memref<4128xi32, #tpu.memory_space<vmem>> -> memref<4096xi32, #tpu.memory_space<vmem>>
      %dma_start3A_335 = arith.constant 0 : i32
      %dma_start3A_336 = tpu.memref_slice %arg6[%dma_start3A_335] : memref<4128xi32, #tpu.memory_space<vmem>> -> memref<4096xi32, #tpu.memory_space<vmem>>
      tpu.enqueue_dma source(%arg10 : memref<4096xi32, #tpu.memory_space<vmem_shared>>) target(%dma_start3A_336 : memref<4096xi32, #tpu.memory_space<vmem>>) target_semaphore(%run_scoped3A : memref<!tpu.dma_semaphore, #tpu.memory_space<semaphore_mem>>)
      %dma_wait3A = arith.constant 0 : i32
      %dma_wait3A_337 = tpu.memref_slice %arg6[%dma_wait3A] : memref<4128xi32, #tpu.memory_space<vmem>> -> memref<4096xi32, #tpu.memory_space<vmem>>
      %dma_wait3A_338 = arith.constant 0 : i32
      %dma_wait3A_339 = tpu.memref_slice %arg6[%dma_wait3A_338] : memref<4128xi32, #tpu.memory_space<vmem>> -> memref<4096xi32, #tpu.memory_space<vmem>>
      tpu.wait_dma2 semaphore(%run_scoped3A : memref<!tpu.dma_semaphore, #tpu.memory_space<semaphore_mem>>) src(%arg10 : memref<4096xi32, #tpu.memory_space<vmem_shared>>) dst(%dma_wait3A_339 : memref<4096xi32, #tpu.memory_space<vmem>>)
      tpu.yield
    }) : () -> ()
    %barrier3A_209 = arith.constant 0 : index
    tpu.barrier barrier_id(%barrier3A_209)
    %scan3A_210 = arith.constant 0 : i32
    %scan3A_211 = arith.constant 0 : i32
    %scan3A_212 = arith.constant 16 : i32
    %scan3A_213 = arith.addi %scan3A_211, %scan3A_212 : i32
    %scan3A_214 = arith.constant 1 : i32
    %scan3A_215 = scf.for %scan3A_334 = %scan3A_211 to %scan3A_213 step %scan3A_214 iter_args(%scan3A_335 = %scan3A_210) -> (i32)  : i32 {
      %scan3A_336 = arith.constant 0 : i32
      %scan3A_337 = arith.constant 16 : i32
      %scan3A_338 = arith.addi %scan3A_336, %scan3A_337 : i32
      %scan3A_339 = arith.constant 1 : i32
      %scan3A_340 = scf.for %scan3A_469 = %scan3A_336 to %scan3A_338 step %scan3A_339 iter_args(%scan3A_470 = %broadcast_in_dim3A_4) -> (vector<16xi32>)  : i32 {
        %mul3A_471 = arith.constant 256 : i32
        %mul3A_472 = arith.muli %scan3A_469, %mul3A_471 : i32
        %mul3A_473 = arith.constant 16 : i32
        %mul3A_474 = arith.muli %scan3A_334, %mul3A_473 : i32
        %add3A_475 = arith.addi %mul3A_472, %mul3A_474 : i32
        %get3A = arith.index_cast %add3A_475 : i32 to index
        %get3A_476 = tpu.vector_load %arg6[%get3A] {strides = array<i32>} : memref<4128xi32, #tpu.memory_space<vmem>>, vector<16xi32>,
        %add3A_477 = arith.addi %scan3A_470, %get3A_476 : vector<16xi32>
        scf.yield %add3A_477 : vector<16xi32>
      }
      %scan3A_341 = arith.constant 16 : i32
      %slice3A = vector.extract_strided_slice %scan3A_340 {offsets = [0], sizes = [1], strides = [1]} : vector<16xi32> to vector<1xi32>
      %squeeze3A = vector.extract %slice3A[0] : i32 from vector<1xi32>
      %mul3A_342 = arith.constant 16 : i32
      %mul3A_343 = arith.muli %scan3A_334, %mul3A_342 : i32
      %add3A_344 = arith.constant 0 : i32
      %add3A_345 = arith.addi %mul3A_343, %add3A_344 : i32
      %swap3A_346 = arith.index_cast %add3A_345 : i32 to index
      %swap3A_347 = memref.load %arg11[%swap3A_346] : memref<256xi32, #tpu.memory_space<smem>>
      memref.store %squeeze3A, %arg11[%swap3A_346] : memref<256xi32, #tpu.memory_space<smem>>
      %slice3A_348 = vector.extract_strided_slice %scan3A_340 {offsets = [1], sizes = [1], strides = [1]} : vector<16xi32> to vector<1xi32>
      %squeeze3A_349 = vector.extract %slice3A_348[0] : i32 from vector<1xi32>
      %mul3A_350 = arith.constant 16 : i32
      %mul3A_351 = arith.muli %scan3A_334, %mul3A_350 : i32
      %add3A_352 = arith.constant 1 : i32
      %add3A_353 = arith.addi %mul3A_351, %add3A_352 : i32
      %swap3A_354 = arith.index_cast %add3A_353 : i32 to index
      %swap3A_355 = memref.load %arg11[%swap3A_354] : memref<256xi32, #tpu.memory_space<smem>>
      memref.store %squeeze3A_349, %arg11[%swap3A_354] : memref<256xi32, #tpu.memory_space<smem>>
      %slice3A_356 = vector.extract_strided_slice %scan3A_340 {offsets = [2], sizes = [1], strides = [1]} : vector<16xi32> to vector<1xi32>
      %squeeze3A_357 = vector.extract %slice3A_356[0] : i32 from vector<1xi32>
      %mul3A_358 = arith.constant 16 : i32
      %mul3A_359 = arith.muli %scan3A_334, %mul3A_358 : i32
      %add3A_360 = arith.constant 2 : i32
      %add3A_361 = arith.addi %mul3A_359, %add3A_360 : i32
      %swap3A_362 = arith.index_cast %add3A_361 : i32 to index
      %swap3A_363 = memref.load %arg11[%swap3A_362] : memref<256xi32, #tpu.memory_space<smem>>
      memref.store %squeeze3A_357, %arg11[%swap3A_362] : memref<256xi32, #tpu.memory_space<smem>>
      %slice3A_364 = vector.extract_strided_slice %scan3A_340 {offsets = [3], sizes = [1], strides = [1]} : vector<16xi32> to vector<1xi32>
      %squeeze3A_365 = vector.extract %slice3A_364[0] : i32 from vector<1xi32>
      %mul3A_366 = arith.constant 16 : i32
      %mul3A_367 = arith.muli %scan3A_334, %mul3A_366 : i32
      %add3A_368 = arith.constant 3 : i32
      %add3A_369 = arith.addi %mul3A_367, %add3A_368 : i32
      %swap3A_370 = arith.index_cast %add3A_369 : i32 to index
      %swap3A_371 = memref.load %arg11[%swap3A_370] : memref<256xi32, #tpu.memory_space<smem>>
      memref.store %squeeze3A_365, %arg11[%swap3A_370] : memref<256xi32, #tpu.memory_space<smem>>
      %slice3A_372 = vector.extract_strided_slice %scan3A_340 {offsets = [4], sizes = [1], strides = [1]} : vector<16xi32> to vector<1xi32>
      %squeeze3A_373 = vector.extract %slice3A_372[0] : i32 from vector<1xi32>
      %mul3A_374 = arith.constant 16 : i32
      %mul3A_375 = arith.muli %scan3A_334, %mul3A_374 : i32
      %add3A_376 = arith.constant 4 : i32
      %add3A_377 = arith.addi %mul3A_375, %add3A_376 : i32
      %swap3A_378 = arith.index_cast %add3A_377 : i32 to index
      %swap3A_379 = memref.load %arg11[%swap3A_378] : memref<256xi32, #tpu.memory_space<smem>>
      memref.store %squeeze3A_373, %arg11[%swap3A_378] : memref<256xi32, #tpu.memory_space<smem>>
      %slice3A_380 = vector.extract_strided_slice %scan3A_340 {offsets = [5], sizes = [1], strides = [1]} : vector<16xi32> to vector<1xi32>
      %squeeze3A_381 = vector.extract %slice3A_380[0] : i32 from vector<1xi32>
      %mul3A_382 = arith.constant 16 : i32
      %mul3A_383 = arith.muli %scan3A_334, %mul3A_382 : i32
      %add3A_384 = arith.constant 5 : i32
      %add3A_385 = arith.addi %mul3A_383, %add3A_384 : i32
      %swap3A_386 = arith.index_cast %add3A_385 : i32 to index
      %swap3A_387 = memref.load %arg11[%swap3A_386] : memref<256xi32, #tpu.memory_space<smem>>
      memref.store %squeeze3A_381, %arg11[%swap3A_386] : memref<256xi32, #tpu.memory_space<smem>>
      %slice3A_388 = vector.extract_strided_slice %scan3A_340 {offsets = [6], sizes = [1], strides = [1]} : vector<16xi32> to vector<1xi32>
      %squeeze3A_389 = vector.extract %slice3A_388[0] : i32 from vector<1xi32>
      %mul3A_390 = arith.constant 16 : i32
      %mul3A_391 = arith.muli %scan3A_334, %mul3A_390 : i32
      %add3A_392 = arith.constant 6 : i32
      %add3A_393 = arith.addi %mul3A_391, %add3A_392 : i32
      %swap3A_394 = arith.index_cast %add3A_393 : i32 to index
      %swap3A_395 = memref.load %arg11[%swap3A_394] : memref<256xi32, #tpu.memory_space<smem>>
      memref.store %squeeze3A_389, %arg11[%swap3A_394] : memref<256xi32, #tpu.memory_space<smem>>
      %slice3A_396 = vector.extract_strided_slice %scan3A_340 {offsets = [7], sizes = [1], strides = [1]} : vector<16xi32> to vector<1xi32>
      %squeeze3A_397 = vector.extract %slice3A_396[0] : i32 from vector<1xi32>
      %mul3A_398 = arith.constant 16 : i32
      %mul3A_399 = arith.muli %scan3A_334, %mul3A_398 : i32
      %add3A_400 = arith.constant 7 : i32
      %add3A_401 = arith.addi %mul3A_399, %add3A_400 : i32
      %swap3A_402 = arith.index_cast %add3A_401 : i32 to index
      %swap3A_403 = memref.load %arg11[%swap3A_402] : memref<256xi32, #tpu.memory_space<smem>>
      memref.store %squeeze3A_397, %arg11[%swap3A_402] : memref<256xi32, #tpu.memory_space<smem>>
      %slice3A_404 = vector.extract_strided_slice %scan3A_340 {offsets = [8], sizes = [1], strides = [1]} : vector<16xi32> to vector<1xi32>
      %squeeze3A_405 = vector.extract %slice3A_404[0] : i32 from vector<1xi32>
      %mul3A_406 = arith.constant 16 : i32
      %mul3A_407 = arith.muli %scan3A_334, %mul3A_406 : i32
      %add3A_408 = arith.constant 8 : i32
      %add3A_409 = arith.addi %mul3A_407, %add3A_408 : i32
      %swap3A_410 = arith.index_cast %add3A_409 : i32 to index
      %swap3A_411 = memref.load %arg11[%swap3A_410] : memref<256xi32, #tpu.memory_space<smem>>
      memref.store %squeeze3A_405, %arg11[%swap3A_410] : memref<256xi32, #tpu.memory_space<smem>>
      %slice3A_412 = vector.extract_strided_slice %scan3A_340 {offsets = [9], sizes = [1], strides = [1]} : vector<16xi32> to vector<1xi32>
      %squeeze3A_413 = vector.extract %slice3A_412[0] : i32 from vector<1xi32>
      %mul3A_414 = arith.constant 16 : i32
      %mul3A_415 = arith.muli %scan3A_334, %mul3A_414 : i32
      %add3A_416 = arith.constant 9 : i32
      %add3A_417 = arith.addi %mul3A_415, %add3A_416 : i32
      %swap3A_418 = arith.index_cast %add3A_417 : i32 to index
      %swap3A_419 = memref.load %arg11[%swap3A_418] : memref<256xi32, #tpu.memory_space<smem>>
      memref.store %squeeze3A_413, %arg11[%swap3A_418] : memref<256xi32, #tpu.memory_space<smem>>
      %slice3A_420 = vector.extract_strided_slice %scan3A_340 {offsets = [10], sizes = [1], strides = [1]} : vector<16xi32> to vector<1xi32>
      %squeeze3A_421 = vector.extract %slice3A_420[0] : i32 from vector<1xi32>
      %mul3A_422 = arith.constant 16 : i32
      %mul3A_423 = arith.muli %scan3A_334, %mul3A_422 : i32
      %add3A_424 = arith.constant 10 : i32
      %add3A_425 = arith.addi %mul3A_423, %add3A_424 : i32
      %swap3A_426 = arith.index_cast %add3A_425 : i32 to index
      %swap3A_427 = memref.load %arg11[%swap3A_426] : memref<256xi32, #tpu.memory_space<smem>>
      memref.store %squeeze3A_421, %arg11[%swap3A_426] : memref<256xi32, #tpu.memory_space<smem>>
      %slice3A_428 = vector.extract_strided_slice %scan3A_340 {offsets = [11], sizes = [1], strides = [1]} : vector<16xi32> to vector<1xi32>
      %squeeze3A_429 = vector.extract %slice3A_428[0] : i32 from vector<1xi32>
      %mul3A_430 = arith.constant 16 : i32
      %mul3A_431 = arith.muli %scan3A_334, %mul3A_430 : i32
      %add3A_432 = arith.constant 11 : i32
      %add3A_433 = arith.addi %mul3A_431, %add3A_432 : i32
      %swap3A_434 = arith.index_cast %add3A_433 : i32 to index
      %swap3A_435 = memref.load %arg11[%swap3A_434] : memref<256xi32, #tpu.memory_space<smem>>
      memref.store %squeeze3A_429, %arg11[%swap3A_434] : memref<256xi32, #tpu.memory_space<smem>>
      %slice3A_436 = vector.extract_strided_slice %scan3A_340 {offsets = [12], sizes = [1], strides = [1]} : vector<16xi32> to vector<1xi32>
      %squeeze3A_437 = vector.extract %slice3A_436[0] : i32 from vector<1xi32>
      %mul3A_438 = arith.constant 16 : i32
      %mul3A_439 = arith.muli %scan3A_334, %mul3A_438 : i32
      %add3A_440 = arith.constant 12 : i32
      %add3A_441 = arith.addi %mul3A_439, %add3A_440 : i32
      %swap3A_442 = arith.index_cast %add3A_441 : i32 to index
      %swap3A_443 = memref.load %arg11[%swap3A_442] : memref<256xi32, #tpu.memory_space<smem>>
      memref.store %squeeze3A_437, %arg11[%swap3A_442] : memref<256xi32, #tpu.memory_space<smem>>
      %slice3A_444 = vector.extract_strided_slice %scan3A_340 {offsets = [13], sizes = [1], strides = [1]} : vector<16xi32> to vector<1xi32>
      %squeeze3A_445 = vector.extract %slice3A_444[0] : i32 from vector<1xi32>
      %mul3A_446 = arith.constant 16 : i32
      %mul3A_447 = arith.muli %scan3A_334, %mul3A_446 : i32
      %add3A_448 = arith.constant 13 : i32
      %add3A_449 = arith.addi %mul3A_447, %add3A_448 : i32
      %swap3A_450 = arith.index_cast %add3A_449 : i32 to index
      %swap3A_451 = memref.load %arg11[%swap3A_450] : memref<256xi32, #tpu.memory_space<smem>>
      memref.store %squeeze3A_445, %arg11[%swap3A_450] : memref<256xi32, #tpu.memory_space<smem>>
      %slice3A_452 = vector.extract_strided_slice %scan3A_340 {offsets = [14], sizes = [1], strides = [1]} : vector<16xi32> to vector<1xi32>
      %squeeze3A_453 = vector.extract %slice3A_452[0] : i32 from vector<1xi32>
      %mul3A_454 = arith.constant 16 : i32
      %mul3A_455 = arith.muli %scan3A_334, %mul3A_454 : i32
      %add3A_456 = arith.constant 14 : i32
      %add3A_457 = arith.addi %mul3A_455, %add3A_456 : i32
      %swap3A_458 = arith.index_cast %add3A_457 : i32 to index
      %swap3A_459 = memref.load %arg11[%swap3A_458] : memref<256xi32, #tpu.memory_space<smem>>
      memref.store %squeeze3A_453, %arg11[%swap3A_458] : memref<256xi32, #tpu.memory_space<smem>>
      %slice3A_460 = vector.extract_strided_slice %scan3A_340 {offsets = [15], sizes = [1], strides = [1]} : vector<16xi32> to vector<1xi32>
      %squeeze3A_461 = vector.extract %slice3A_460[0] : i32 from vector<1xi32>
      %mul3A_462 = arith.constant 16 : i32
      %mul3A_463 = arith.muli %scan3A_334, %mul3A_462 : i32
      %add3A_464 = arith.constant 15 : i32
      %add3A_465 = arith.addi %mul3A_463, %add3A_464 : i32
      %swap3A_466 = arith.index_cast %add3A_465 : i32 to index
      %swap3A_467 = memref.load %arg11[%swap3A_466] : memref<256xi32, #tpu.memory_space<smem>>
      memref.store %squeeze3A_461, %arg11[%swap3A_466] : memref<256xi32, #tpu.memory_space<smem>>
      %scan3A_468 = arith.constant 0 : i32
      scf.yield %scan3A_468 : i32
    }
    %scan3A_216 = arith.constant 16 : i32
    %scan3A_217 = arith.constant 0 : i32
    %scan3A_218 = arith.constant -1 : i32
    %scan3A_219 = arith.constant 0 : i32
    %scan3A_220 = arith.constant 0 : i32
    %scan3A_221 = arith.constant 256 : i32
    %scan3A_222 = arith.addi %scan3A_220, %scan3A_221 : i32
    %scan3A_223 = arith.constant 1 : i32
    %scan3A_224:3 = scf.for %scan3A_334 = %scan3A_220 to %scan3A_222 step %scan3A_223 iter_args(%scan3A_335 = %scan3A_217, %scan3A_336 = %scan3A_218, %scan3A_337 = %scan3A_219) -> (i32, i32, i32)  : i32 {
      %sub3A_338 = arith.constant 255 : i32
      %sub3A_339 = arith.subi %sub3A_338, %scan3A_334 : i32
      %get3A = arith.index_cast %sub3A_339 : i32 to index
      %get3A_340 = memref.load %arg11[%get3A] : memref<256xi32, #tpu.memory_space<smem>>
      %add3A_341 = arith.addi %scan3A_335, %get3A_340 : i32
      %ge3A = arith.cmpi sge, %add3A_341, %scan3A_134#2 : i32
      %lt3A = arith.constant 0 : i32
      %lt3A_342 = arith.cmpi slt, %scan3A_336, %lt3A : i32
      %and3A_343 = arith.andi %ge3A, %lt3A_342 : i1
      %select_n3A_344 = arith.select %and3A_343, %sub3A_339, %scan3A_336 : i32
      %sub3A_345 = arith.subi %scan3A_134#2, %scan3A_335 : i32
      %select_n3A_346 = arith.select %and3A_343, %sub3A_345, %scan3A_337 : i32
      scf.yield %add3A_341, %select_n3A_344, %select_n3A_346 : i32, i32, i32
    }
    %scan3A_225 = arith.constant 256 : i32
    %shift_left3A_226 = arith.constant 8 : i32
    %shift_left3A_227 = arith.shli %scan3A_224#1, %shift_left3A_226 : i32
    %or3A_228 = arith.ori %or3A, %shift_left3A_227 : i32
    %scan3A_229 = arith.constant 0 : i32
    %scan3A_230 = arith.constant 0 : i32
    %scan3A_231 = arith.constant 256 : i32
    %scan3A_232 = arith.addi %scan3A_230, %scan3A_231 : i32
    %scan3A_233 = arith.constant 8 : i32
    %scan3A_234 = scf.for %scan3A_334 = %scan3A_230 to %scan3A_232 step %scan3A_233 iter_args(%scan3A_335 = %scan3A_229) -> (i32)  : i32 {
      %mul3A_336 = arith.constant 16 : i32
      %mul3A_337 = arith.muli %scan3A_334, %mul3A_336 : i32
      %swap3A_338 = arith.index_cast %mul3A_337 : i32 to index
      %swap3A_339 = tpu.vector_load %arg6[%swap3A_338] {strides = array<i32>} : memref<4128xi32, #tpu.memory_space<vmem>>, vector<16xi32>,
      tpu.vector_store %arg6[%swap3A_338], %broadcast_in_dim3A_4 {strides = array<i32>} : memref<4128xi32, #tpu.memory_space<vmem>>, vector<16xi32>,
      %mul3A_340 = arith.constant 16 : i32
      %mul3A_341 = arith.muli %scan3A_334, %mul3A_340 : i32
      %swap3A_342 = arith.index_cast %mul3A_341 : i32 to index
      %swap3A_343 = tpu.vector_load %arg7[%swap3A_342] {strides = array<i32>} : memref<4128xi32, #tpu.memory_space<vmem>>, vector<16xi32>,
      tpu.vector_store %arg7[%swap3A_342], %broadcast_in_dim3A_4 {strides = array<i32>} : memref<4128xi32, #tpu.memory_space<vmem>>, vector<16xi32>,
      %scan3A_344 = arith.constant 0 : i32
      %scan3A_345 = arith.constant 1 : i32
      %scan3A_346 = arith.addi %scan3A_334, %scan3A_345 : i32
      %mul3A_347 = arith.constant 16 : i32
      %mul3A_348 = arith.muli %scan3A_346, %mul3A_347 : i32
      %swap3A_349 = arith.index_cast %mul3A_348 : i32 to index
      %swap3A_350 = tpu.vector_load %arg6[%swap3A_349] {strides = array<i32>} : memref<4128xi32, #tpu.memory_space<vmem>>, vector<16xi32>,
      tpu.vector_store %arg6[%swap3A_349], %broadcast_in_dim3A_4 {strides = array<i32>} : memref<4128xi32, #tpu.memory_space<vmem>>, vector<16xi32>,
      %mul3A_351 = arith.constant 16 : i32
      %mul3A_352 = arith.muli %scan3A_346, %mul3A_351 : i32
      %swap3A_353 = arith.index_cast %mul3A_352 : i32 to index
      %swap3A_354 = tpu.vector_load %arg7[%swap3A_353] {strides = array<i32>} : memref<4128xi32, #tpu.memory_space<vmem>>, vector<16xi32>,
      tpu.vector_store %arg7[%swap3A_353], %broadcast_in_dim3A_4 {strides = array<i32>} : memref<4128xi32, #tpu.memory_space<vmem>>, vector<16xi32>,
      %scan3A_355 = arith.constant 0 : i32
      %scan3A_356 = arith.constant 2 : i32
      %scan3A_357 = arith.addi %scan3A_334, %scan3A_356 : i32
      %mul3A_358 = arith.constant 16 : i32
      %mul3A_359 = arith.muli %scan3A_357, %mul3A_358 : i32
      %swap3A_360 = arith.index_cast %mul3A_359 : i32 to index
      %swap3A_361 = tpu.vector_load %arg6[%swap3A_360] {strides = array<i32>} : memref<4128xi32, #tpu.memory_space<vmem>>, vector<16xi32>,
      tpu.vector_store %arg6[%swap3A_360], %broadcast_in_dim3A_4 {strides = array<i32>} : memref<4128xi32, #tpu.memory_space<vmem>>, vector<16xi32>,
      %mul3A_362 = arith.constant 16 : i32
      %mul3A_363 = arith.muli %scan3A_357, %mul3A_362 : i32
      %swap3A_364 = arith.index_cast %mul3A_363 : i32 to index
      %swap3A_365 = tpu.vector_load %arg7[%swap3A_364] {strides = array<i32>} : memref<4128xi32, #tpu.memory_space<vmem>>, vector<16xi32>,
      tpu.vector_store %arg7[%swap3A_364], %broadcast_in_dim3A_4 {strides = array<i32>} : memref<4128xi32, #tpu.memory_space<vmem>>, vector<16xi32>,
      %scan3A_366 = arith.constant 0 : i32
      %scan3A_367 = arith.constant 3 : i32
      %scan3A_368 = arith.addi %scan3A_334, %scan3A_367 : i32
      %mul3A_369 = arith.constant 16 : i32
      %mul3A_370 = arith.muli %scan3A_368, %mul3A_369 : i32
      %swap3A_371 = arith.index_cast %mul3A_370 : i32 to index
      %swap3A_372 = tpu.vector_load %arg6[%swap3A_371] {strides = array<i32>} : memref<4128xi32, #tpu.memory_space<vmem>>, vector<16xi32>,
      tpu.vector_store %arg6[%swap3A_371], %broadcast_in_dim3A_4 {strides = array<i32>} : memref<4128xi32, #tpu.memory_space<vmem>>, vector<16xi32>,
      %mul3A_373 = arith.constant 16 : i32
      %mul3A_374 = arith.muli %scan3A_368, %mul3A_373 : i32
      %swap3A_375 = arith.index_cast %mul3A_374 : i32 to index
      %swap3A_376 = tpu.vector_load %arg7[%swap3A_375] {strides = array<i32>} : memref<4128xi32, #tpu.memory_space<vmem>>, vector<16xi32>,
      tpu.vector_store %arg7[%swap3A_375], %broadcast_in_dim3A_4 {strides = array<i32>} : memref<4128xi32, #tpu.memory_space<vmem>>, vector<16xi32>,
      %scan3A_377 = arith.constant 0 : i32
      %scan3A_378 = arith.constant 4 : i32
      %scan3A_379 = arith.addi %scan3A_334, %scan3A_378 : i32
      %mul3A_380 = arith.constant 16 : i32
      %mul3A_381 = arith.muli %scan3A_379, %mul3A_380 : i32
      %swap3A_382 = arith.index_cast %mul3A_381 : i32 to index
      %swap3A_383 = tpu.vector_load %arg6[%swap3A_382] {strides = array<i32>} : memref<4128xi32, #tpu.memory_space<vmem>>, vector<16xi32>,
      tpu.vector_store %arg6[%swap3A_382], %broadcast_in_dim3A_4 {strides = array<i32>} : memref<4128xi32, #tpu.memory_space<vmem>>, vector<16xi32>,
      %mul3A_384 = arith.constant 16 : i32
      %mul3A_385 = arith.muli %scan3A_379, %mul3A_384 : i32
      %swap3A_386 = arith.index_cast %mul3A_385 : i32 to index
      %swap3A_387 = tpu.vector_load %arg7[%swap3A_386] {strides = array<i32>} : memref<4128xi32, #tpu.memory_space<vmem>>, vector<16xi32>,
      tpu.vector_store %arg7[%swap3A_386], %broadcast_in_dim3A_4 {strides = array<i32>} : memref<4128xi32, #tpu.memory_space<vmem>>, vector<16xi32>,
      %scan3A_388 = arith.constant 0 : i32
      %scan3A_389 = arith.constant 5 : i32
      %scan3A_390 = arith.addi %scan3A_334, %scan3A_389 : i32
      %mul3A_391 = arith.constant 16 : i32
      %mul3A_392 = arith.muli %scan3A_390, %mul3A_391 : i32
      %swap3A_393 = arith.index_cast %mul3A_392 : i32 to index
      %swap3A_394 = tpu.vector_load %arg6[%swap3A_393] {strides = array<i32>} : memref<4128xi32, #tpu.memory_space<vmem>>, vector<16xi32>,
      tpu.vector_store %arg6[%swap3A_393], %broadcast_in_dim3A_4 {strides = array<i32>} : memref<4128xi32, #tpu.memory_space<vmem>>, vector<16xi32>,
      %mul3A_395 = arith.constant 16 : i32
      %mul3A_396 = arith.muli %scan3A_390, %mul3A_395 : i32
      %swap3A_397 = arith.index_cast %mul3A_396 : i32 to index
      %swap3A_398 = tpu.vector_load %arg7[%swap3A_397] {strides = array<i32>} : memref<4128xi32, #tpu.memory_space<vmem>>, vector<16xi32>,
      tpu.vector_store %arg7[%swap3A_397], %broadcast_in_dim3A_4 {strides = array<i32>} : memref<4128xi32, #tpu.memory_space<vmem>>, vector<16xi32>,
      %scan3A_399 = arith.constant 0 : i32
      %scan3A_400 = arith.constant 6 : i32
      %scan3A_401 = arith.addi %scan3A_334, %scan3A_400 : i32
      %mul3A_402 = arith.constant 16 : i32
      %mul3A_403 = arith.muli %scan3A_401, %mul3A_402 : i32
      %swap3A_404 = arith.index_cast %mul3A_403 : i32 to index
      %swap3A_405 = tpu.vector_load %arg6[%swap3A_404] {strides = array<i32>} : memref<4128xi32, #tpu.memory_space<vmem>>, vector<16xi32>,
      tpu.vector_store %arg6[%swap3A_404], %broadcast_in_dim3A_4 {strides = array<i32>} : memref<4128xi32, #tpu.memory_space<vmem>>, vector<16xi32>,
      %mul3A_406 = arith.constant 16 : i32
      %mul3A_407 = arith.muli %scan3A_401, %mul3A_406 : i32
      %swap3A_408 = arith.index_cast %mul3A_407 : i32 to index
      %swap3A_409 = tpu.vector_load %arg7[%swap3A_408] {strides = array<i32>} : memref<4128xi32, #tpu.memory_space<vmem>>, vector<16xi32>,
      tpu.vector_store %arg7[%swap3A_408], %broadcast_in_dim3A_4 {strides = array<i32>} : memref<4128xi32, #tpu.memory_space<vmem>>, vector<16xi32>,
      %scan3A_410 = arith.constant 0 : i32
      %scan3A_411 = arith.constant 7 : i32
      %scan3A_412 = arith.addi %scan3A_334, %scan3A_411 : i32
      %mul3A_413 = arith.constant 16 : i32
      %mul3A_414 = arith.muli %scan3A_412, %mul3A_413 : i32
      %swap3A_415 = arith.index_cast %mul3A_414 : i32 to index
      %swap3A_416 = tpu.vector_load %arg6[%swap3A_415] {strides = array<i32>} : memref<4128xi32, #tpu.memory_space<vmem>>, vector<16xi32>,
      tpu.vector_store %arg6[%swap3A_415], %broadcast_in_dim3A_4 {strides = array<i32>} : memref<4128xi32, #tpu.memory_space<vmem>>, vector<16xi32>,
      %mul3A_417 = arith.constant 16 : i32
      %mul3A_418 = arith.muli %scan3A_412, %mul3A_417 : i32
      %swap3A_419 = arith.index_cast %mul3A_418 : i32 to index
      %swap3A_420 = tpu.vector_load %arg7[%swap3A_419] {strides = array<i32>} : memref<4128xi32, #tpu.memory_space<vmem>>, vector<16xi32>,
      tpu.vector_store %arg7[%swap3A_419], %broadcast_in_dim3A_4 {strides = array<i32>} : memref<4128xi32, #tpu.memory_space<vmem>>, vector<16xi32>,
      %scan3A_421 = arith.constant 0 : i32
      scf.yield %scan3A_421 : i32
    }
    %scan3A_235 = arith.constant 256 : i32
    %scan3A_236 = arith.addi %scan3A_230, %scan3A_235 : i32
    %mul3A_237 = arith.constant 16 : i32
    %mul3A_238 = arith.muli %scan3A_236, %mul3A_237 : i32
    %swap3A_239 = arith.index_cast %mul3A_238 : i32 to index
    %swap3A_240 = tpu.vector_load %arg6[%swap3A_239] {strides = array<i32>} : memref<4128xi32, #tpu.memory_space<vmem>>, vector<16xi32>,
    tpu.vector_store %arg6[%swap3A_239], %broadcast_in_dim3A_4 {strides = array<i32>} : memref<4128xi32, #tpu.memory_space<vmem>>, vector<16xi32>,
    %mul3A_241 = arith.constant 16 : i32
    %mul3A_242 = arith.muli %scan3A_236, %mul3A_241 : i32
    %swap3A_243 = arith.index_cast %mul3A_242 : i32 to index
    %swap3A_244 = tpu.vector_load %arg7[%swap3A_243] {strides = array<i32>} : memref<4128xi32, #tpu.memory_space<vmem>>, vector<16xi32>,
    tpu.vector_store %arg7[%swap3A_243], %broadcast_in_dim3A_4 {strides = array<i32>} : memref<4128xi32, #tpu.memory_space<vmem>>, vector<16xi32>,
    %scan3A_245 = arith.constant 0 : i32
    %scan3A_246 = arith.constant 257 : i32
    %scan3A_247 = arith.addi %scan3A_230, %scan3A_246 : i32
    %mul3A_248 = arith.constant 16 : i32
    %mul3A_249 = arith.muli %scan3A_247, %mul3A_248 : i32
    %swap3A_250 = arith.index_cast %mul3A_249 : i32 to index
    %swap3A_251 = tpu.vector_load %arg6[%swap3A_250] {strides = array<i32>} : memref<4128xi32, #tpu.memory_space<vmem>>, vector<16xi32>,
    tpu.vector_store %arg6[%swap3A_250], %broadcast_in_dim3A_4 {strides = array<i32>} : memref<4128xi32, #tpu.memory_space<vmem>>, vector<16xi32>,
    %mul3A_252 = arith.constant 16 : i32
    %mul3A_253 = arith.muli %scan3A_247, %mul3A_252 : i32
    %swap3A_254 = arith.index_cast %mul3A_253 : i32 to index
    %swap3A_255 = tpu.vector_load %arg7[%swap3A_254] {strides = array<i32>} : memref<4128xi32, #tpu.memory_space<vmem>>, vector<16xi32>,
    tpu.vector_store %arg7[%swap3A_254], %broadcast_in_dim3A_4 {strides = array<i32>} : memref<4128xi32, #tpu.memory_space<vmem>>, vector<16xi32>,
    %scan3A_256 = arith.constant 0 : i32
    %scan3A_257 = arith.constant 258 : i32
    %shift_right_arithmetic3A_258 = arith.constant 8 : i32
    %shift_right_arithmetic3A_259 = arith.shrsi %or3A_228, %shift_right_arithmetic3A_258 : i32
    %add3A_260 = arith.constant 127 : i32
    %add3A_261 = arith.addi %while3A_198, %add3A_260 : i32
    %jit3A_262 = arith.constant 128 : i32
    %div3A_263 = arith.divsi %add3A_261, %jit3A_262 : i32
    %sign3A_264 = arith.constant 0 : i32
    %sign3A_265 = arith.cmpi sgt, %add3A_261, %sign3A_264 : i32
    %sign3A_266 = arith.extui %sign3A_265 : i1 to i32
    %sign3A_267 = arith.constant 0 : i32
    %sign3A_268 = arith.cmpi slt, %add3A_261, %sign3A_267 : i32
    %sign3A_269 = arith.extui %sign3A_268 : i1 to i32
    %sign3A_270 = arith.subi %sign3A_266, %sign3A_269 : i32
    %sign3A_271 = arith.constant 0 : i32
    %sign3A_272 = arith.cmpi sgt, %jit3A_262, %sign3A_271 : i32
    %sign3A_273 = arith.extui %sign3A_272 : i1 to i32
    %sign3A_274 = arith.constant 0 : i32
    %sign3A_275 = arith.cmpi slt, %jit3A_262, %sign3A_274 : i32
    %sign3A_276 = arith.extui %sign3A_275 : i1 to i32
    %sign3A_277 = arith.subi %sign3A_273, %sign3A_276 : i32
    %ne3A_278 = arith.cmpi ne, %sign3A_270, %sign3A_277 : i32
    %rem3A_279 = arith.remsi %add3A_261, %jit3A_262 : i32
    %ne3A_280 = arith.constant 0 : i32
    %ne3A_281 = arith.cmpi ne, %rem3A_279, %ne3A_280 : i32
    %and3A_282 = arith.andi %ne3A_278, %ne3A_281 : i1
    %sub3A_283 = arith.constant 1 : i32
    %sub3A_284 = arith.subi %div3A_263, %sub3A_283 : i32
    %select_n3A_285 = arith.select %and3A_282, %sub3A_284, %div3A_263 : i32
    %while3A_286 = arith.constant 0 : i32
    %while3A_287 = arith.constant 0 : i32
    %while3A_288 = arith.subi %select_n3A_285, %while3A_286 : i32
    %while3A_289 = arith.addi %while3A_286, %while3A_288 : i32
    %while3A_290 = arith.constant 1 : i32
    %while3A_291 = arith.divsi %while3A_288, %while3A_290 : i32
    %while3A_292 = arith.muli %while3A_291, %while3A_290 : i32
    %while3A_293 = arith.addi %while3A_286, %while3A_292 : i32
    %while3A_294 = arith.constant 1 : i32
    %while3A_295 = scf.for %while3A_334 = %while3A_286 to %while3A_293 step %while3A_294 iter_args(%while3A_335 = %while3A_287) -> (i32)  : i32 {
      %mul3A_336 = arith.constant 128 : i32
      %mul3A_337 = arith.muli %while3A_334, %mul3A_336 : i32
      %add3A_338 = arith.constant 0 : i32
      %add3A_339 = arith.addi %mul3A_337, %add3A_338 : i32
      %get3A = arith.index_cast %add3A_339 : i32 to index
      %get3A_340 = tpu.vector_load %arg5[%get3A] {strides = array<i32>} : memref<36880xi32, #tpu.memory_space<vmem>>, vector<16xi32>,
      %add3A_341 = vector.broadcast %add3A_339 : i32 to vector<16xi32>
      %add3A_342 = arith.addi %add3A_341, %iota3A : vector<16xi32>
      %lt3A = vector.broadcast %while3A_198 : i32 to vector<16xi32>
      %lt3A_343 = arith.cmpi slt, %add3A_342, %lt3A : vector<16xi32>
      %shift_right_arithmetic3A_344 = arith.constant 8 : i32
      %shift_right_arithmetic3A_345 = vector.broadcast %shift_right_arithmetic3A_344 : i32 to vector<16xi32>
      %shift_right_arithmetic3A_346 = arith.shrsi %get3A_340, %shift_right_arithmetic3A_345 : vector<16xi32>
      %eq3A_347 = vector.broadcast %shift_right_arithmetic3A_259 : i32 to vector<16xi32>
      %eq3A_348 = arith.cmpi eq, %shift_right_arithmetic3A_346, %eq3A_347 : vector<16xi32>
      %and3A_349 = arith.andi %lt3A_343, %eq3A_348 : vector<16xi1>
      %and3A_350 = arith.constant 255 : i32
      %and3A_351 = vector.broadcast %and3A_350 : i32 to vector<16xi32>
      %and3A_352 = arith.andi %get3A_340, %and3A_351 : vector<16xi32>
      %add3A_353 = arith.addi %mul3A_1, %and3A_352 : vector<16xi32>
      tpu.vector_store_idx %arg6[%add3A_353], %broadcast_in_dim3A_2 masked %and3A_349 {add = true} : memref<4128xi32, #tpu.memory_space<vmem>>[vector<16xi32>], vector<16xi32>, vector<16xi1>
      %mul3A_354 = arith.constant 128 : i32
      %mul3A_355 = arith.muli %while3A_334, %mul3A_354 : i32
      %add3A_356 = arith.constant 16 : i32
      %add3A_357 = arith.addi %mul3A_355, %add3A_356 : i32
      %get3A_358 = arith.index_cast %add3A_357 : i32 to index
      %get3A_359 = tpu.vector_load %arg5[%get3A_358] {strides = array<i32>} : memref<36880xi32, #tpu.memory_space<vmem>>, vector<16xi32>,
      %add3A_360 = vector.broadcast %add3A_357 : i32 to vector<16xi32>
      %add3A_361 = arith.addi %add3A_360, %iota3A : vector<16xi32>
      %lt3A_362 = vector.broadcast %while3A_198 : i32 to vector<16xi32>
      %lt3A_363 = arith.cmpi slt, %add3A_361, %lt3A_362 : vector<16xi32>
      %shift_right_arithmetic3A_364 = arith.constant 8 : i32
      %shift_right_arithmetic3A_365 = vector.broadcast %shift_right_arithmetic3A_364 : i32 to vector<16xi32>
      %shift_right_arithmetic3A_366 = arith.shrsi %get3A_359, %shift_right_arithmetic3A_365 : vector<16xi32>
      %eq3A_367 = vector.broadcast %shift_right_arithmetic3A_259 : i32 to vector<16xi32>
      %eq3A_368 = arith.cmpi eq, %shift_right_arithmetic3A_366, %eq3A_367 : vector<16xi32>
      %and3A_369 = arith.andi %lt3A_363, %eq3A_368 : vector<16xi1>
      %and3A_370 = arith.constant 255 : i32
      %and3A_371 = vector.broadcast %and3A_370 : i32 to vector<16xi32>
      %and3A_372 = arith.andi %get3A_359, %and3A_371 : vector<16xi32>
      %add3A_373 = arith.addi %mul3A_1, %and3A_372 : vector<16xi32>
      tpu.vector_store_idx %arg7[%add3A_373], %broadcast_in_dim3A_2 masked %and3A_369 {add = true} : memref<4128xi32, #tpu.memory_space<vmem>>[vector<16xi32>], vector<16xi32>, vector<16xi1>
      %mul3A_374 = arith.constant 128 : i32
      %mul3A_375 = arith.muli %while3A_334, %mul3A_374 : i32
      %add3A_376 = arith.constant 32 : i32
      %add3A_377 = arith.addi %mul3A_375, %add3A_376 : i32
      %get3A_378 = arith.index_cast %add3A_377 : i32 to index
      %get3A_379 = tpu.vector_load %arg5[%get3A_378] {strides = array<i32>} : memref<36880xi32, #tpu.memory_space<vmem>>, vector<16xi32>,
      %add3A_380 = vector.broadcast %add3A_377 : i32 to vector<16xi32>
      %add3A_381 = arith.addi %add3A_380, %iota3A : vector<16xi32>
      %lt3A_382 = vector.broadcast %while3A_198 : i32 to vector<16xi32>
      %lt3A_383 = arith.cmpi slt, %add3A_381, %lt3A_382 : vector<16xi32>
      %shift_right_arithmetic3A_384 = arith.constant 8 : i32
      %shift_right_arithmetic3A_385 = vector.broadcast %shift_right_arithmetic3A_384 : i32 to vector<16xi32>
      %shift_right_arithmetic3A_386 = arith.shrsi %get3A_379, %shift_right_arithmetic3A_385 : vector<16xi32>
      %eq3A_387 = vector.broadcast %shift_right_arithmetic3A_259 : i32 to vector<16xi32>
      %eq3A_388 = arith.cmpi eq, %shift_right_arithmetic3A_386, %eq3A_387 : vector<16xi32>
      %and3A_389 = arith.andi %lt3A_383, %eq3A_388 : vector<16xi1>
      %and3A_390 = arith.constant 255 : i32
      %and3A_391 = vector.broadcast %and3A_390 : i32 to vector<16xi32>
      %and3A_392 = arith.andi %get3A_379, %and3A_391 : vector<16xi32>
      %add3A_393 = arith.addi %mul3A_1, %and3A_392 : vector<16xi32>
      tpu.vector_store_idx %arg6[%add3A_393], %broadcast_in_dim3A_2 masked %and3A_389 {add = true} : memref<4128xi32, #tpu.memory_space<vmem>>[vector<16xi32>], vector<16xi32>, vector<16xi1>
      %mul3A_394 = arith.constant 128 : i32
      %mul3A_395 = arith.muli %while3A_334, %mul3A_394 : i32
      %add3A_396 = arith.constant 48 : i32
      %add3A_397 = arith.addi %mul3A_395, %add3A_396 : i32
      %get3A_398 = arith.index_cast %add3A_397 : i32 to index
      %get3A_399 = tpu.vector_load %arg5[%get3A_398] {strides = array<i32>} : memref<36880xi32, #tpu.memory_space<vmem>>, vector<16xi32>,
      %add3A_400 = vector.broadcast %add3A_397 : i32 to vector<16xi32>
      %add3A_401 = arith.addi %add3A_400, %iota3A : vector<16xi32>
      %lt3A_402 = vector.broadcast %while3A_198 : i32 to vector<16xi32>
      %lt3A_403 = arith.cmpi slt, %add3A_401, %lt3A_402 : vector<16xi32>
      %shift_right_arithmetic3A_404 = arith.constant 8 : i32
      %shift_right_arithmetic3A_405 = vector.broadcast %shift_right_arithmetic3A_404 : i32 to vector<16xi32>
      %shift_right_arithmetic3A_406 = arith.shrsi %get3A_399, %shift_right_arithmetic3A_405 : vector<16xi32>
      %eq3A_407 = vector.broadcast %shift_right_arithmetic3A_259 : i32 to vector<16xi32>
      %eq3A_408 = arith.cmpi eq, %shift_right_arithmetic3A_406, %eq3A_407 : vector<16xi32>
      %and3A_409 = arith.andi %lt3A_403, %eq3A_408 : vector<16xi1>
      %and3A_410 = arith.constant 255 : i32
      %and3A_411 = vector.broadcast %and3A_410 : i32 to vector<16xi32>
      %and3A_412 = arith.andi %get3A_399, %and3A_411 : vector<16xi32>
      %add3A_413 = arith.addi %mul3A_1, %and3A_412 : vector<16xi32>
      tpu.vector_store_idx %arg7[%add3A_413], %broadcast_in_dim3A_2 masked %and3A_409 {add = true} : memref<4128xi32, #tpu.memory_space<vmem>>[vector<16xi32>], vector<16xi32>, vector<16xi1>
      %mul3A_414 = arith.constant 128 : i32
      %mul3A_415 = arith.muli %while3A_334, %mul3A_414 : i32
      %add3A_416 = arith.constant 64 : i32
      %add3A_417 = arith.addi %mul3A_415, %add3A_416 : i32
      %get3A_418 = arith.index_cast %add3A_417 : i32 to index
      %get3A_419 = tpu.vector_load %arg5[%get3A_418] {strides = array<i32>} : memref<36880xi32, #tpu.memory_space<vmem>>, vector<16xi32>,
      %add3A_420 = vector.broadcast %add3A_417 : i32 to vector<16xi32>
      %add3A_421 = arith.addi %add3A_420, %iota3A : vector<16xi32>
      %lt3A_422 = vector.broadcast %while3A_198 : i32 to vector<16xi32>
      %lt3A_423 = arith.cmpi slt, %add3A_421, %lt3A_422 : vector<16xi32>
      %shift_right_arithmetic3A_424 = arith.constant 8 : i32
      %shift_right_arithmetic3A_425 = vector.broadcast %shift_right_arithmetic3A_424 : i32 to vector<16xi32>
      %shift_right_arithmetic3A_426 = arith.shrsi %get3A_419, %shift_right_arithmetic3A_425 : vector<16xi32>
      %eq3A_427 = vector.broadcast %shift_right_arithmetic3A_259 : i32 to vector<16xi32>
      %eq3A_428 = arith.cmpi eq, %shift_right_arithmetic3A_426, %eq3A_427 : vector<16xi32>
      %and3A_429 = arith.andi %lt3A_423, %eq3A_428 : vector<16xi1>
      %and3A_430 = arith.constant 255 : i32
      %and3A_431 = vector.broadcast %and3A_430 : i32 to vector<16xi32>
      %and3A_432 = arith.andi %get3A_419, %and3A_431 : vector<16xi32>
      %add3A_433 = arith.addi %mul3A_1, %and3A_432 : vector<16xi32>
      tpu.vector_store_idx %arg6[%add3A_433], %broadcast_in_dim3A_2 masked %and3A_429 {add = true} : memref<4128xi32, #tpu.memory_space<vmem>>[vector<16xi32>], vector<16xi32>, vector<16xi1>
      %mul3A_434 = arith.constant 128 : i32
      %mul3A_435 = arith.muli %while3A_334, %mul3A_434 : i32
      %add3A_436 = arith.constant 80 : i32
      %add3A_437 = arith.addi %mul3A_435, %add3A_436 : i32
      %get3A_438 = arith.index_cast %add3A_437 : i32 to index
      %get3A_439 = tpu.vector_load %arg5[%get3A_438] {strides = array<i32>} : memref<36880xi32, #tpu.memory_space<vmem>>, vector<16xi32>,
      %add3A_440 = vector.broadcast %add3A_437 : i32 to vector<16xi32>
      %add3A_441 = arith.addi %add3A_440, %iota3A : vector<16xi32>
      %lt3A_442 = vector.broadcast %while3A_198 : i32 to vector<16xi32>
      %lt3A_443 = arith.cmpi slt, %add3A_441, %lt3A_442 : vector<16xi32>
      %shift_right_arithmetic3A_444 = arith.constant 8 : i32
      %shift_right_arithmetic3A_445 = vector.broadcast %shift_right_arithmetic3A_444 : i32 to vector<16xi32>
      %shift_right_arithmetic3A_446 = arith.shrsi %get3A_439, %shift_right_arithmetic3A_445 : vector<16xi32>
      %eq3A_447 = vector.broadcast %shift_right_arithmetic3A_259 : i32 to vector<16xi32>
      %eq3A_448 = arith.cmpi eq, %shift_right_arithmetic3A_446, %eq3A_447 : vector<16xi32>
      %and3A_449 = arith.andi %lt3A_443, %eq3A_448 : vector<16xi1>
      %and3A_450 = arith.constant 255 : i32
      %and3A_451 = vector.broadcast %and3A_450 : i32 to vector<16xi32>
      %and3A_452 = arith.andi %get3A_439, %and3A_451 : vector<16xi32>
      %add3A_453 = arith.addi %mul3A_1, %and3A_452 : vector<16xi32>
      tpu.vector_store_idx %arg7[%add3A_453], %broadcast_in_dim3A_2 masked %and3A_449 {add = true} : memref<4128xi32, #tpu.memory_space<vmem>>[vector<16xi32>], vector<16xi32>, vector<16xi1>
      %mul3A_454 = arith.constant 128 : i32
      %mul3A_455 = arith.muli %while3A_334, %mul3A_454 : i32
      %add3A_456 = arith.constant 96 : i32
      %add3A_457 = arith.addi %mul3A_455, %add3A_456 : i32
      %get3A_458 = arith.index_cast %add3A_457 : i32 to index
      %get3A_459 = tpu.vector_load %arg5[%get3A_458] {strides = array<i32>} : memref<36880xi32, #tpu.memory_space<vmem>>, vector<16xi32>,
      %add3A_460 = vector.broadcast %add3A_457 : i32 to vector<16xi32>
      %add3A_461 = arith.addi %add3A_460, %iota3A : vector<16xi32>
      %lt3A_462 = vector.broadcast %while3A_198 : i32 to vector<16xi32>
      %lt3A_463 = arith.cmpi slt, %add3A_461, %lt3A_462 : vector<16xi32>
      %shift_right_arithmetic3A_464 = arith.constant 8 : i32
      %shift_right_arithmetic3A_465 = vector.broadcast %shift_right_arithmetic3A_464 : i32 to vector<16xi32>
      %shift_right_arithmetic3A_466 = arith.shrsi %get3A_459, %shift_right_arithmetic3A_465 : vector<16xi32>
      %eq3A_467 = vector.broadcast %shift_right_arithmetic3A_259 : i32 to vector<16xi32>
      %eq3A_468 = arith.cmpi eq, %shift_right_arithmetic3A_466, %eq3A_467 : vector<16xi32>
      %and3A_469 = arith.andi %lt3A_463, %eq3A_468 : vector<16xi1>
      %and3A_470 = arith.constant 255 : i32
      %and3A_471 = vector.broadcast %and3A_470 : i32 to vector<16xi32>
      %and3A_472 = arith.andi %get3A_459, %and3A_471 : vector<16xi32>
      %add3A_473 = arith.addi %mul3A_1, %and3A_472 : vector<16xi32>
      tpu.vector_store_idx %arg6[%add3A_473], %broadcast_in_dim3A_2 masked %and3A_469 {add = true} : memref<4128xi32, #tpu.memory_space<vmem>>[vector<16xi32>], vector<16xi32>, vector<16xi1>
      %mul3A_474 = arith.constant 128 : i32
      %mul3A_475 = arith.muli %while3A_334, %mul3A_474 : i32
      %add3A_476 = arith.constant 112 : i32
      %add3A_477 = arith.addi %mul3A_475, %add3A_476 : i32
      %get3A_478 = arith.index_cast %add3A_477 : i32 to index
      %get3A_479 = tpu.vector_load %arg5[%get3A_478] {strides = array<i32>} : memref<36880xi32, #tpu.memory_space<vmem>>, vector<16xi32>,
      %add3A_480 = vector.broadcast %add3A_477 : i32 to vector<16xi32>
      %add3A_481 = arith.addi %add3A_480, %iota3A : vector<16xi32>
      %lt3A_482 = vector.broadcast %while3A_198 : i32 to vector<16xi32>
      %lt3A_483 = arith.cmpi slt, %add3A_481, %lt3A_482 : vector<16xi32>
      %shift_right_arithmetic3A_484 = arith.constant 8 : i32
      %shift_right_arithmetic3A_485 = vector.broadcast %shift_right_arithmetic3A_484 : i32 to vector<16xi32>
      %shift_right_arithmetic3A_486 = arith.shrsi %get3A_479, %shift_right_arithmetic3A_485 : vector<16xi32>
      %eq3A_487 = vector.broadcast %shift_right_arithmetic3A_259 : i32 to vector<16xi32>
      %eq3A_488 = arith.cmpi eq, %shift_right_arithmetic3A_486, %eq3A_487 : vector<16xi32>
      %and3A_489 = arith.andi %lt3A_483, %eq3A_488 : vector<16xi1>
      %and3A_490 = arith.constant 255 : i32
      %and3A_491 = vector.broadcast %and3A_490 : i32 to vector<16xi32>
      %and3A_492 = arith.andi %get3A_479, %and3A_491 : vector<16xi32>
      %add3A_493 = arith.addi %mul3A_1, %and3A_492 : vector<16xi32>
      tpu.vector_store_idx %arg7[%add3A_493], %broadcast_in_dim3A_2 masked %and3A_489 {add = true} : memref<4128xi32, #tpu.memory_space<vmem>>[vector<16xi32>], vector<16xi32>, vector<16xi1>
      %while3A_494 = arith.constant 0 : i32
      scf.yield %while3A_494 : i32
    }
    %while3A_296 = arith.constant 1 : i32
    %while3A_297 = scf.for %while3A_334 = %while3A_293 to %while3A_289 step %while3A_296 iter_args(%while3A_335 = %while3A_295) -> (i32)  : i32 {
      %mul3A_336 = arith.constant 128 : i32
      %mul3A_337 = arith.muli %while3A_334, %mul3A_336 : i32
      %add3A_338 = arith.constant 0 : i32
      %add3A_339 = arith.addi %mul3A_337, %add3A_338 : i32
      %get3A = arith.index_cast %add3A_339 : i32 to index
      %get3A_340 = tpu.vector_load %arg5[%get3A] {strides = array<i32>} : memref<36880xi32, #tpu.memory_space<vmem>>, vector<16xi32>,
      %add3A_341 = vector.broadcast %add3A_339 : i32 to vector<16xi32>
      %add3A_342 = arith.addi %add3A_341, %iota3A : vector<16xi32>
      %lt3A = vector.broadcast %while3A_198 : i32 to vector<16xi32>
      %lt3A_343 = arith.cmpi slt, %add3A_342, %lt3A : vector<16xi32>
      %shift_right_arithmetic3A_344 = arith.constant 8 : i32
      %shift_right_arithmetic3A_345 = vector.broadcast %shift_right_arithmetic3A_344 : i32 to vector<16xi32>
      %shift_right_arithmetic3A_346 = arith.shrsi %get3A_340, %shift_right_arithmetic3A_345 : vector<16xi32>
      %eq3A_347 = vector.broadcast %shift_right_arithmetic3A_259 : i32 to vector<16xi32>
      %eq3A_348 = arith.cmpi eq, %shift_right_arithmetic3A_346, %eq3A_347 : vector<16xi32>
      %and3A_349 = arith.andi %lt3A_343, %eq3A_348 : vector<16xi1>
      %and3A_350 = arith.constant 255 : i32
      %and3A_351 = vector.broadcast %and3A_350 : i32 to vector<16xi32>
      %and3A_352 = arith.andi %get3A_340, %and3A_351 : vector<16xi32>
      %add3A_353 = arith.addi %mul3A_1, %and3A_352 : vector<16xi32>
      tpu.vector_store_idx %arg6[%add3A_353], %broadcast_in_dim3A_2 masked %and3A_349 {add = true} : memref<4128xi32, #tpu.memory_space<vmem>>[vector<16xi32>], vector<16xi32>, vector<16xi1>
      %mul3A_354 = arith.constant 128 : i32
      %mul3A_355 = arith.muli %while3A_334, %mul3A_354 : i32
      %add3A_356 = arith.constant 16 : i32
      %add3A_357 = arith.addi %mul3A_355, %add3A_356 : i32
      %get3A_358 = arith.index_cast %add3A_357 : i32 to index
      %get3A_359 = tpu.vector_load %arg5[%get3A_358] {strides = array<i32>} : memref<36880xi32, #tpu.memory_space<vmem>>, vector<16xi32>,
      %add3A_360 = vector.broadcast %add3A_357 : i32 to vector<16xi32>
      %add3A_361 = arith.addi %add3A_360, %iota3A : vector<16xi32>
      %lt3A_362 = vector.broadcast %while3A_198 : i32 to vector<16xi32>
      %lt3A_363 = arith.cmpi slt, %add3A_361, %lt3A_362 : vector<16xi32>
      %shift_right_arithmetic3A_364 = arith.constant 8 : i32
      %shift_right_arithmetic3A_365 = vector.broadcast %shift_right_arithmetic3A_364 : i32 to vector<16xi32>
      %shift_right_arithmetic3A_366 = arith.shrsi %get3A_359, %shift_right_arithmetic3A_365 : vector<16xi32>
      %eq3A_367 = vector.broadcast %shift_right_arithmetic3A_259 : i32 to vector<16xi32>
      %eq3A_368 = arith.cmpi eq, %shift_right_arithmetic3A_366, %eq3A_367 : vector<16xi32>
      %and3A_369 = arith.andi %lt3A_363, %eq3A_368 : vector<16xi1>
      %and3A_370 = arith.constant 255 : i32
      %and3A_371 = vector.broadcast %and3A_370 : i32 to vector<16xi32>
      %and3A_372 = arith.andi %get3A_359, %and3A_371 : vector<16xi32>
      %add3A_373 = arith.addi %mul3A_1, %and3A_372 : vector<16xi32>
      tpu.vector_store_idx %arg7[%add3A_373], %broadcast_in_dim3A_2 masked %and3A_369 {add = true} : memref<4128xi32, #tpu.memory_space<vmem>>[vector<16xi32>], vector<16xi32>, vector<16xi1>
      %mul3A_374 = arith.constant 128 : i32
      %mul3A_375 = arith.muli %while3A_334, %mul3A_374 : i32
      %add3A_376 = arith.constant 32 : i32
      %add3A_377 = arith.addi %mul3A_375, %add3A_376 : i32
      %get3A_378 = arith.index_cast %add3A_377 : i32 to index
      %get3A_379 = tpu.vector_load %arg5[%get3A_378] {strides = array<i32>} : memref<36880xi32, #tpu.memory_space<vmem>>, vector<16xi32>,
      %add3A_380 = vector.broadcast %add3A_377 : i32 to vector<16xi32>
      %add3A_381 = arith.addi %add3A_380, %iota3A : vector<16xi32>
      %lt3A_382 = vector.broadcast %while3A_198 : i32 to vector<16xi32>
      %lt3A_383 = arith.cmpi slt, %add3A_381, %lt3A_382 : vector<16xi32>
      %shift_right_arithmetic3A_384 = arith.constant 8 : i32
      %shift_right_arithmetic3A_385 = vector.broadcast %shift_right_arithmetic3A_384 : i32 to vector<16xi32>
      %shift_right_arithmetic3A_386 = arith.shrsi %get3A_379, %shift_right_arithmetic3A_385 : vector<16xi32>
      %eq3A_387 = vector.broadcast %shift_right_arithmetic3A_259 : i32 to vector<16xi32>
      %eq3A_388 = arith.cmpi eq, %shift_right_arithmetic3A_386, %eq3A_387 : vector<16xi32>
      %and3A_389 = arith.andi %lt3A_383, %eq3A_388 : vector<16xi1>
      %and3A_390 = arith.constant 255 : i32
      %and3A_391 = vector.broadcast %and3A_390 : i32 to vector<16xi32>
      %and3A_392 = arith.andi %get3A_379, %and3A_391 : vector<16xi32>
      %add3A_393 = arith.addi %mul3A_1, %and3A_392 : vector<16xi32>
      tpu.vector_store_idx %arg6[%add3A_393], %broadcast_in_dim3A_2 masked %and3A_389 {add = true} : memref<4128xi32, #tpu.memory_space<vmem>>[vector<16xi32>], vector<16xi32>, vector<16xi1>
      %mul3A_394 = arith.constant 128 : i32
      %mul3A_395 = arith.muli %while3A_334, %mul3A_394 : i32
      %add3A_396 = arith.constant 48 : i32
      %add3A_397 = arith.addi %mul3A_395, %add3A_396 : i32
      %get3A_398 = arith.index_cast %add3A_397 : i32 to index
      %get3A_399 = tpu.vector_load %arg5[%get3A_398] {strides = array<i32>} : memref<36880xi32, #tpu.memory_space<vmem>>, vector<16xi32>,
      %add3A_400 = vector.broadcast %add3A_397 : i32 to vector<16xi32>
      %add3A_401 = arith.addi %add3A_400, %iota3A : vector<16xi32>
      %lt3A_402 = vector.broadcast %while3A_198 : i32 to vector<16xi32>
      %lt3A_403 = arith.cmpi slt, %add3A_401, %lt3A_402 : vector<16xi32>
      %shift_right_arithmetic3A_404 = arith.constant 8 : i32
      %shift_right_arithmetic3A_405 = vector.broadcast %shift_right_arithmetic3A_404 : i32 to vector<16xi32>
      %shift_right_arithmetic3A_406 = arith.shrsi %get3A_399, %shift_right_arithmetic3A_405 : vector<16xi32>
      %eq3A_407 = vector.broadcast %shift_right_arithmetic3A_259 : i32 to vector<16xi32>
      %eq3A_408 = arith.cmpi eq, %shift_right_arithmetic3A_406, %eq3A_407 : vector<16xi32>
      %and3A_409 = arith.andi %lt3A_403, %eq3A_408 : vector<16xi1>
      %and3A_410 = arith.constant 255 : i32
      %and3A_411 = vector.broadcast %and3A_410 : i32 to vector<16xi32>
      %and3A_412 = arith.andi %get3A_399, %and3A_411 : vector<16xi32>
      %add3A_413 = arith.addi %mul3A_1, %and3A_412 : vector<16xi32>
      tpu.vector_store_idx %arg7[%add3A_413], %broadcast_in_dim3A_2 masked %and3A_409 {add = true} : memref<4128xi32, #tpu.memory_space<vmem>>[vector<16xi32>], vector<16xi32>, vector<16xi1>
      %mul3A_414 = arith.constant 128 : i32
      %mul3A_415 = arith.muli %while3A_334, %mul3A_414 : i32
      %add3A_416 = arith.constant 64 : i32
      %add3A_417 = arith.addi %mul3A_415, %add3A_416 : i32
      %get3A_418 = arith.index_cast %add3A_417 : i32 to index
      %get3A_419 = tpu.vector_load %arg5[%get3A_418] {strides = array<i32>} : memref<36880xi32, #tpu.memory_space<vmem>>, vector<16xi32>,
      %add3A_420 = vector.broadcast %add3A_417 : i32 to vector<16xi32>
      %add3A_421 = arith.addi %add3A_420, %iota3A : vector<16xi32>
      %lt3A_422 = vector.broadcast %while3A_198 : i32 to vector<16xi32>
      %lt3A_423 = arith.cmpi slt, %add3A_421, %lt3A_422 : vector<16xi32>
      %shift_right_arithmetic3A_424 = arith.constant 8 : i32
      %shift_right_arithmetic3A_425 = vector.broadcast %shift_right_arithmetic3A_424 : i32 to vector<16xi32>
      %shift_right_arithmetic3A_426 = arith.shrsi %get3A_419, %shift_right_arithmetic3A_425 : vector<16xi32>
      %eq3A_427 = vector.broadcast %shift_right_arithmetic3A_259 : i32 to vector<16xi32>
      %eq3A_428 = arith.cmpi eq, %shift_right_arithmetic3A_426, %eq3A_427 : vector<16xi32>
      %and3A_429 = arith.andi %lt3A_423, %eq3A_428 : vector<16xi1>
      %and3A_430 = arith.constant 255 : i32
      %and3A_431 = vector.broadcast %and3A_430 : i32 to vector<16xi32>
      %and3A_432 = arith.andi %get3A_419, %and3A_431 : vector<16xi32>
      %add3A_433 = arith.addi %mul3A_1, %and3A_432 : vector<16xi32>
      tpu.vector_store_idx %arg6[%add3A_433], %broadcast_in_dim3A_2 masked %and3A_429 {add = true} : memref<4128xi32, #tpu.memory_space<vmem>>[vector<16xi32>], vector<16xi32>, vector<16xi1>
      %mul3A_434 = arith.constant 128 : i32
      %mul3A_435 = arith.muli %while3A_334, %mul3A_434 : i32
      %add3A_436 = arith.constant 80 : i32
      %add3A_437 = arith.addi %mul3A_435, %add3A_436 : i32
      %get3A_438 = arith.index_cast %add3A_437 : i32 to index
      %get3A_439 = tpu.vector_load %arg5[%get3A_438] {strides = array<i32>} : memref<36880xi32, #tpu.memory_space<vmem>>, vector<16xi32>,
      %add3A_440 = vector.broadcast %add3A_437 : i32 to vector<16xi32>
      %add3A_441 = arith.addi %add3A_440, %iota3A : vector<16xi32>
      %lt3A_442 = vector.broadcast %while3A_198 : i32 to vector<16xi32>
      %lt3A_443 = arith.cmpi slt, %add3A_441, %lt3A_442 : vector<16xi32>
      %shift_right_arithmetic3A_444 = arith.constant 8 : i32
      %shift_right_arithmetic3A_445 = vector.broadcast %shift_right_arithmetic3A_444 : i32 to vector<16xi32>
      %shift_right_arithmetic3A_446 = arith.shrsi %get3A_439, %shift_right_arithmetic3A_445 : vector<16xi32>
      %eq3A_447 = vector.broadcast %shift_right_arithmetic3A_259 : i32 to vector<16xi32>
      %eq3A_448 = arith.cmpi eq, %shift_right_arithmetic3A_446, %eq3A_447 : vector<16xi32>
      %and3A_449 = arith.andi %lt3A_443, %eq3A_448 : vector<16xi1>
      %and3A_450 = arith.constant 255 : i32
      %and3A_451 = vector.broadcast %and3A_450 : i32 to vector<16xi32>
      %and3A_452 = arith.andi %get3A_439, %and3A_451 : vector<16xi32>
      %add3A_453 = arith.addi %mul3A_1, %and3A_452 : vector<16xi32>
      tpu.vector_store_idx %arg7[%add3A_453], %broadcast_in_dim3A_2 masked %and3A_449 {add = true} : memref<4128xi32, #tpu.memory_space<vmem>>[vector<16xi32>], vector<16xi32>, vector<16xi1>
      %mul3A_454 = arith.constant 128 : i32
      %mul3A_455 = arith.muli %while3A_334, %mul3A_454 : i32
      %add3A_456 = arith.constant 96 : i32
      %add3A_457 = arith.addi %mul3A_455, %add3A_456 : i32
      %get3A_458 = arith.index_cast %add3A_457 : i32 to index
      %get3A_459 = tpu.vector_load %arg5[%get3A_458] {strides = array<i32>} : memref<36880xi32, #tpu.memory_space<vmem>>, vector<16xi32>,
      %add3A_460 = vector.broadcast %add3A_457 : i32 to vector<16xi32>
      %add3A_461 = arith.addi %add3A_460, %iota3A : vector<16xi32>
      %lt3A_462 = vector.broadcast %while3A_198 : i32 to vector<16xi32>
      %lt3A_463 = arith.cmpi slt, %add3A_461, %lt3A_462 : vector<16xi32>
      %shift_right_arithmetic3A_464 = arith.constant 8 : i32
      %shift_right_arithmetic3A_465 = vector.broadcast %shift_right_arithmetic3A_464 : i32 to vector<16xi32>
      %shift_right_arithmetic3A_466 = arith.shrsi %get3A_459, %shift_right_arithmetic3A_465 : vector<16xi32>
      %eq3A_467 = vector.broadcast %shift_right_arithmetic3A_259 : i32 to vector<16xi32>
      %eq3A_468 = arith.cmpi eq, %shift_right_arithmetic3A_466, %eq3A_467 : vector<16xi32>
      %and3A_469 = arith.andi %lt3A_463, %eq3A_468 : vector<16xi1>
      %and3A_470 = arith.constant 255 : i32
      %and3A_471 = vector.broadcast %and3A_470 : i32 to vector<16xi32>
      %and3A_472 = arith.andi %get3A_459, %and3A_471 : vector<16xi32>
      %add3A_473 = arith.addi %mul3A_1, %and3A_472 : vector<16xi32>
      tpu.vector_store_idx %arg6[%add3A_473], %broadcast_in_dim3A_2 masked %and3A_469 {add = true} : memref<4128xi32, #tpu.memory_space<vmem>>[vector<16xi32>], vector<16xi32>, vector<16xi1>
      %mul3A_474 = arith.constant 128 : i32
      %mul3A_475 = arith.muli %while3A_334, %mul3A_474 : i32
      %add3A_476 = arith.constant 112 : i32
      %add3A_477 = arith.addi %mul3A_475, %add3A_476 : i32
      %get3A_478 = arith.index_cast %add3A_477 : i32 to index
      %get3A_479 = tpu.vector_load %arg5[%get3A_478] {strides = array<i32>} : memref<36880xi32, #tpu.memory_space<vmem>>, vector<16xi32>,
      %add3A_480 = vector.broadcast %add3A_477 : i32 to vector<16xi32>
      %add3A_481 = arith.addi %add3A_480, %iota3A : vector<16xi32>
      %lt3A_482 = vector.broadcast %while3A_198 : i32 to vector<16xi32>
      %lt3A_483 = arith.cmpi slt, %add3A_481, %lt3A_482 : vector<16xi32>
      %shift_right_arithmetic3A_484 = arith.constant 8 : i32
      %shift_right_arithmetic3A_485 = vector.broadcast %shift_right_arithmetic3A_484 : i32 to vector<16xi32>
      %shift_right_arithmetic3A_486 = arith.shrsi %get3A_479, %shift_right_arithmetic3A_485 : vector<16xi32>
      %eq3A_487 = vector.broadcast %shift_right_arithmetic3A_259 : i32 to vector<16xi32>
      %eq3A_488 = arith.cmpi eq, %shift_right_arithmetic3A_486, %eq3A_487 : vector<16xi32>
      %and3A_489 = arith.andi %lt3A_483, %eq3A_488 : vector<16xi1>
      %and3A_490 = arith.constant 255 : i32
      %and3A_491 = vector.broadcast %and3A_490 : i32 to vector<16xi32>
      %and3A_492 = arith.andi %get3A_479, %and3A_491 : vector<16xi32>
      %add3A_493 = arith.addi %mul3A_1, %and3A_492 : vector<16xi32>
      tpu.vector_store_idx %arg7[%add3A_493], %broadcast_in_dim3A_2 masked %and3A_489 {add = true} : memref<4128xi32, #tpu.memory_space<vmem>>[vector<16xi32>], vector<16xi32>, vector<16xi1>
      %while3A_494 = arith.constant 0 : i32
      scf.yield %while3A_494 : i32
    }
    %scan3A_298 = arith.constant 0 : i32
    %scan3A_299 = arith.constant 0 : i32
    %scan3A_300 = arith.constant 16 : i32
    %scan3A_301 = arith.addi %scan3A_299, %scan3A_300 : i32
    %scan3A_302 = arith.constant 1 : i32
    %scan3A_303 = scf.for %scan3A_334 = %scan3A_299 to %scan3A_301 step %scan3A_302 iter_args(%scan3A_335 = %scan3A_298) -> (i32)  : i32 {
      %scan3A_336 = arith.constant 0 : i32
      %scan3A_337 = arith.constant 16 : i32
      %scan3A_338 = arith.addi %scan3A_336, %scan3A_337 : i32
      %scan3A_339 = arith.constant 1 : i32
      %scan3A_340 = scf.for %scan3A_347 = %scan3A_336 to %scan3A_338 step %scan3A_339 iter_args(%scan3A_348 = %broadcast_in_dim3A_4) -> (vector<16xi32>)  : i32 {
        %mul3A_349 = arith.constant 257 : i32
        %mul3A_350 = arith.muli %scan3A_347, %mul3A_349 : i32
        %mul3A_351 = arith.constant 16 : i32
        %mul3A_352 = arith.muli %scan3A_334, %mul3A_351 : i32
        %add3A_353 = arith.addi %mul3A_350, %mul3A_352 : i32
        %get3A = arith.index_cast %add3A_353 : i32 to index
        %get3A_354 = tpu.vector_load %arg6[%get3A] {strides = array<i32>} : memref<4128xi32, #tpu.memory_space<vmem>>, vector<16xi32>,
        %add3A_355 = arith.addi %scan3A_348, %get3A_354 : vector<16xi32>
        %mul3A_356 = arith.constant 257 : i32
        %mul3A_357 = arith.muli %scan3A_347, %mul3A_356 : i32
        %mul3A_358 = arith.constant 16 : i32
        %mul3A_359 = arith.muli %scan3A_334, %mul3A_358 : i32
        %add3A_360 = arith.addi %mul3A_357, %mul3A_359 : i32
        %get3A_361 = arith.index_cast %add3A_360 : i32 to index
        %get3A_362 = tpu.vector_load %arg7[%get3A_361] {strides = array<i32>} : memref<4128xi32, #tpu.memory_space<vmem>>, vector<16xi32>,
        %add3A_363 = arith.addi %add3A_355, %get3A_362 : vector<16xi32>
        scf.yield %add3A_363 : vector<16xi32>
      }
      %scan3A_341 = arith.constant 16 : i32
      %mul3A_342 = arith.constant 16 : i32
      %mul3A_343 = arith.muli %scan3A_334, %mul3A_342 : i32
      %swap3A_344 = arith.index_cast %mul3A_343 : i32 to index
      %swap3A_345 = tpu.vector_load %arg8[%swap3A_344] {strides = array<i32>} : memref<256xi32, #tpu.memory_space<vmem>>, vector<16xi32>,
      tpu.vector_store %arg8[%swap3A_344], %scan3A_340 {strides = array<i32>} : memref<256xi32, #tpu.memory_space<vmem>>, vector<16xi32>,
      %scan3A_346 = arith.constant 0 : i32
      scf.yield %scan3A_346 : i32
    }
    %scan3A_304 = arith.constant 16 : i32
    %mul3A_305 = arith.constant 256 : i32
    %mul3A_306 = arith.muli %arg1, %mul3A_305 : i32
    "tpu.region"() ({
      %run_scoped3A = tpu.sem_alloc : memref<!tpu.dma_semaphore, #tpu.memory_space<semaphore_mem>>
      %dma_start3A = tpu.memref_slice %arg10[%mul3A_306] : memref<4096xi32, #tpu.memory_space<vmem_shared>> -> memref<256xi32, #tpu.memory_space<vmem_shared>>
      %dma_start3A_334 = tpu.memref_slice %arg10[%mul3A_306] : memref<4096xi32, #tpu.memory_space<vmem_shared>> -> memref<256xi32, #tpu.memory_space<vmem_shared>>
      tpu.enqueue_dma source(%arg8 : memref<256xi32, #tpu.memory_space<vmem>>) target(%dma_start3A_334 : memref<256xi32, #tpu.memory_space<vmem_shared>>) target_semaphore(%run_scoped3A : memref<!tpu.dma_semaphore, #tpu.memory_space<semaphore_mem>>)
      %dma_wait3A = tpu.memref_slice %arg10[%mul3A_306] : memref<4096xi32, #tpu.memory_space<vmem_shared>> -> memref<256xi32, #tpu.memory_space<vmem_shared>>
      %dma_wait3A_335 = tpu.memref_slice %arg10[%mul3A_306] : memref<4096xi32, #tpu.memory_space<vmem_shared>> -> memref<256xi32, #tpu.memory_space<vmem_shared>>
      tpu.wait_dma2 semaphore(%run_scoped3A : memref<!tpu.dma_semaphore, #tpu.memory_space<semaphore_mem>>) src(%arg8 : memref<256xi32, #tpu.memory_space<vmem>>) dst(%dma_wait3A_335 : memref<256xi32, #tpu.memory_space<vmem_shared>>)
      tpu.yield
    }) : () -> ()
    %barrier3A_307 = arith.constant 0 : index
    tpu.barrier barrier_id(%barrier3A_307)
    "tpu.region"() ({
      %run_scoped3A = tpu.sem_alloc : memref<!tpu.dma_semaphore, #tpu.memory_space<semaphore_mem>>
      %dma_start3A = arith.constant 0 : i32
      %dma_start3A_334 = tpu.memref_slice %arg6[%dma_start3A] : memref<4128xi32, #tpu.memory_space<vmem>> -> memref<4096xi32, #tpu.memory_space<vmem>>
      %dma_start3A_335 = arith.constant 0 : i32
      %dma_start3A_336 = tpu.memref_slice %arg6[%dma_start3A_335] : memref<4128xi32, #tpu.memory_space<vmem>> -> memref<4096xi32, #tpu.memory_space<vmem>>
      tpu.enqueue_dma source(%arg10 : memref<4096xi32, #tpu.memory_space<vmem_shared>>) target(%dma_start3A_336 : memref<4096xi32, #tpu.memory_space<vmem>>) target_semaphore(%run_scoped3A : memref<!tpu.dma_semaphore, #tpu.memory_space<semaphore_mem>>)
      %dma_wait3A = arith.constant 0 : i32
      %dma_wait3A_337 = tpu.memref_slice %arg6[%dma_wait3A] : memref<4128xi32, #tpu.memory_space<vmem>> -> memref<4096xi32, #tpu.memory_space<vmem>>
      %dma_wait3A_338 = arith.constant 0 : i32
      %dma_wait3A_339 = tpu.memref_slice %arg6[%dma_wait3A_338] : memref<4128xi32, #tpu.memory_space<vmem>> -> memref<4096xi32, #tpu.memory_space<vmem>>
      tpu.wait_dma2 semaphore(%run_scoped3A : memref<!tpu.dma_semaphore, #tpu.memory_space<semaphore_mem>>) src(%arg10 : memref<4096xi32, #tpu.memory_space<vmem_shared>>) dst(%dma_wait3A_339 : memref<4096xi32, #tpu.memory_space<vmem>>)
      tpu.yield
    }) : () -> ()
    %barrier3A_308 = arith.constant 0 : index
    tpu.barrier barrier_id(%barrier3A_308)
    %scan3A_309 = arith.constant 0 : i32
    %scan3A_310 = arith.constant 0 : i32
    %scan3A_311 = arith.constant 16 : i32
    %scan3A_312 = arith.addi %scan3A_310, %scan3A_311 : i32
    %scan3A_313 = arith.constant 1 : i32
    %scan3A_314 = scf.for %scan3A_334 = %scan3A_310 to %scan3A_312 step %scan3A_313 iter_args(%scan3A_335 = %scan3A_309) -> (i32)  : i32 {
      %scan3A_336 = arith.constant 0 : i32
      %scan3A_337 = arith.constant 16 : i32
      %scan3A_338 = arith.addi %scan3A_336, %scan3A_337 : i32
      %scan3A_339 = arith.constant 1 : i32
      %scan3A_340 = scf.for %scan3A_469 = %scan3A_336 to %scan3A_338 step %scan3A_339 iter_args(%scan3A_470 = %broadcast_in_dim3A_4) -> (vector<16xi32>)  : i32 {
        %mul3A_471 = arith.constant 256 : i32
        %mul3A_472 = arith.muli %scan3A_469, %mul3A_471 : i32
        %mul3A_473 = arith.constant 16 : i32
        %mul3A_474 = arith.muli %scan3A_334, %mul3A_473 : i32
        %add3A_475 = arith.addi %mul3A_472, %mul3A_474 : i32
        %get3A = arith.index_cast %add3A_475 : i32 to index
        %get3A_476 = tpu.vector_load %arg6[%get3A] {strides = array<i32>} : memref<4128xi32, #tpu.memory_space<vmem>>, vector<16xi32>,
        %add3A_477 = arith.addi %scan3A_470, %get3A_476 : vector<16xi32>
        scf.yield %add3A_477 : vector<16xi32>
      }
      %scan3A_341 = arith.constant 16 : i32
      %slice3A = vector.extract_strided_slice %scan3A_340 {offsets = [0], sizes = [1], strides = [1]} : vector<16xi32> to vector<1xi32>
      %squeeze3A = vector.extract %slice3A[0] : i32 from vector<1xi32>
      %mul3A_342 = arith.constant 16 : i32
      %mul3A_343 = arith.muli %scan3A_334, %mul3A_342 : i32
      %add3A_344 = arith.constant 0 : i32
      %add3A_345 = arith.addi %mul3A_343, %add3A_344 : i32
      %swap3A_346 = arith.index_cast %add3A_345 : i32 to index
      %swap3A_347 = memref.load %arg11[%swap3A_346] : memref<256xi32, #tpu.memory_space<smem>>
      memref.store %squeeze3A, %arg11[%swap3A_346] : memref<256xi32, #tpu.memory_space<smem>>
      %slice3A_348 = vector.extract_strided_slice %scan3A_340 {offsets = [1], sizes = [1], strides = [1]} : vector<16xi32> to vector<1xi32>
      %squeeze3A_349 = vector.extract %slice3A_348[0] : i32 from vector<1xi32>
      %mul3A_350 = arith.constant 16 : i32
      %mul3A_351 = arith.muli %scan3A_334, %mul3A_350 : i32
      %add3A_352 = arith.constant 1 : i32
      %add3A_353 = arith.addi %mul3A_351, %add3A_352 : i32
      %swap3A_354 = arith.index_cast %add3A_353 : i32 to index
      %swap3A_355 = memref.load %arg11[%swap3A_354] : memref<256xi32, #tpu.memory_space<smem>>
      memref.store %squeeze3A_349, %arg11[%swap3A_354] : memref<256xi32, #tpu.memory_space<smem>>
      %slice3A_356 = vector.extract_strided_slice %scan3A_340 {offsets = [2], sizes = [1], strides = [1]} : vector<16xi32> to vector<1xi32>
      %squeeze3A_357 = vector.extract %slice3A_356[0] : i32 from vector<1xi32>
      %mul3A_358 = arith.constant 16 : i32
      %mul3A_359 = arith.muli %scan3A_334, %mul3A_358 : i32
      %add3A_360 = arith.constant 2 : i32
      %add3A_361 = arith.addi %mul3A_359, %add3A_360 : i32
      %swap3A_362 = arith.index_cast %add3A_361 : i32 to index
      %swap3A_363 = memref.load %arg11[%swap3A_362] : memref<256xi32, #tpu.memory_space<smem>>
      memref.store %squeeze3A_357, %arg11[%swap3A_362] : memref<256xi32, #tpu.memory_space<smem>>
      %slice3A_364 = vector.extract_strided_slice %scan3A_340 {offsets = [3], sizes = [1], strides = [1]} : vector<16xi32> to vector<1xi32>
      %squeeze3A_365 = vector.extract %slice3A_364[0] : i32 from vector<1xi32>
      %mul3A_366 = arith.constant 16 : i32
      %mul3A_367 = arith.muli %scan3A_334, %mul3A_366 : i32
      %add3A_368 = arith.constant 3 : i32
      %add3A_369 = arith.addi %mul3A_367, %add3A_368 : i32
      %swap3A_370 = arith.index_cast %add3A_369 : i32 to index
      %swap3A_371 = memref.load %arg11[%swap3A_370] : memref<256xi32, #tpu.memory_space<smem>>
      memref.store %squeeze3A_365, %arg11[%swap3A_370] : memref<256xi32, #tpu.memory_space<smem>>
      %slice3A_372 = vector.extract_strided_slice %scan3A_340 {offsets = [4], sizes = [1], strides = [1]} : vector<16xi32> to vector<1xi32>
      %squeeze3A_373 = vector.extract %slice3A_372[0] : i32 from vector<1xi32>
      %mul3A_374 = arith.constant 16 : i32
      %mul3A_375 = arith.muli %scan3A_334, %mul3A_374 : i32
      %add3A_376 = arith.constant 4 : i32
      %add3A_377 = arith.addi %mul3A_375, %add3A_376 : i32
      %swap3A_378 = arith.index_cast %add3A_377 : i32 to index
      %swap3A_379 = memref.load %arg11[%swap3A_378] : memref<256xi32, #tpu.memory_space<smem>>
      memref.store %squeeze3A_373, %arg11[%swap3A_378] : memref<256xi32, #tpu.memory_space<smem>>
      %slice3A_380 = vector.extract_strided_slice %scan3A_340 {offsets = [5], sizes = [1], strides = [1]} : vector<16xi32> to vector<1xi32>
      %squeeze3A_381 = vector.extract %slice3A_380[0] : i32 from vector<1xi32>
      %mul3A_382 = arith.constant 16 : i32
      %mul3A_383 = arith.muli %scan3A_334, %mul3A_382 : i32
      %add3A_384 = arith.constant 5 : i32
      %add3A_385 = arith.addi %mul3A_383, %add3A_384 : i32
      %swap3A_386 = arith.index_cast %add3A_385 : i32 to index
      %swap3A_387 = memref.load %arg11[%swap3A_386] : memref<256xi32, #tpu.memory_space<smem>>
      memref.store %squeeze3A_381, %arg11[%swap3A_386] : memref<256xi32, #tpu.memory_space<smem>>
      %slice3A_388 = vector.extract_strided_slice %scan3A_340 {offsets = [6], sizes = [1], strides = [1]} : vector<16xi32> to vector<1xi32>
      %squeeze3A_389 = vector.extract %slice3A_388[0] : i32 from vector<1xi32>
      %mul3A_390 = arith.constant 16 : i32
      %mul3A_391 = arith.muli %scan3A_334, %mul3A_390 : i32
      %add3A_392 = arith.constant 6 : i32
      %add3A_393 = arith.addi %mul3A_391, %add3A_392 : i32
      %swap3A_394 = arith.index_cast %add3A_393 : i32 to index
      %swap3A_395 = memref.load %arg11[%swap3A_394] : memref<256xi32, #tpu.memory_space<smem>>
      memref.store %squeeze3A_389, %arg11[%swap3A_394] : memref<256xi32, #tpu.memory_space<smem>>
      %slice3A_396 = vector.extract_strided_slice %scan3A_340 {offsets = [7], sizes = [1], strides = [1]} : vector<16xi32> to vector<1xi32>
      %squeeze3A_397 = vector.extract %slice3A_396[0] : i32 from vector<1xi32>
      %mul3A_398 = arith.constant 16 : i32
      %mul3A_399 = arith.muli %scan3A_334, %mul3A_398 : i32
      %add3A_400 = arith.constant 7 : i32
      %add3A_401 = arith.addi %mul3A_399, %add3A_400 : i32
      %swap3A_402 = arith.index_cast %add3A_401 : i32 to index
      %swap3A_403 = memref.load %arg11[%swap3A_402] : memref<256xi32, #tpu.memory_space<smem>>
      memref.store %squeeze3A_397, %arg11[%swap3A_402] : memref<256xi32, #tpu.memory_space<smem>>
      %slice3A_404 = vector.extract_strided_slice %scan3A_340 {offsets = [8], sizes = [1], strides = [1]} : vector<16xi32> to vector<1xi32>
      %squeeze3A_405 = vector.extract %slice3A_404[0] : i32 from vector<1xi32>
      %mul3A_406 = arith.constant 16 : i32
      %mul3A_407 = arith.muli %scan3A_334, %mul3A_406 : i32
      %add3A_408 = arith.constant 8 : i32
      %add3A_409 = arith.addi %mul3A_407, %add3A_408 : i32
      %swap3A_410 = arith.index_cast %add3A_409 : i32 to index
      %swap3A_411 = memref.load %arg11[%swap3A_410] : memref<256xi32, #tpu.memory_space<smem>>
      memref.store %squeeze3A_405, %arg11[%swap3A_410] : memref<256xi32, #tpu.memory_space<smem>>
      %slice3A_412 = vector.extract_strided_slice %scan3A_340 {offsets = [9], sizes = [1], strides = [1]} : vector<16xi32> to vector<1xi32>
      %squeeze3A_413 = vector.extract %slice3A_412[0] : i32 from vector<1xi32>
      %mul3A_414 = arith.constant 16 : i32
      %mul3A_415 = arith.muli %scan3A_334, %mul3A_414 : i32
      %add3A_416 = arith.constant 9 : i32
      %add3A_417 = arith.addi %mul3A_415, %add3A_416 : i32
      %swap3A_418 = arith.index_cast %add3A_417 : i32 to index
      %swap3A_419 = memref.load %arg11[%swap3A_418] : memref<256xi32, #tpu.memory_space<smem>>
      memref.store %squeeze3A_413, %arg11[%swap3A_418] : memref<256xi32, #tpu.memory_space<smem>>
      %slice3A_420 = vector.extract_strided_slice %scan3A_340 {offsets = [10], sizes = [1], strides = [1]} : vector<16xi32> to vector<1xi32>
      %squeeze3A_421 = vector.extract %slice3A_420[0] : i32 from vector<1xi32>
      %mul3A_422 = arith.constant 16 : i32
      %mul3A_423 = arith.muli %scan3A_334, %mul3A_422 : i32
      %add3A_424 = arith.constant 10 : i32
      %add3A_425 = arith.addi %mul3A_423, %add3A_424 : i32
      %swap3A_426 = arith.index_cast %add3A_425 : i32 to index
      %swap3A_427 = memref.load %arg11[%swap3A_426] : memref<256xi32, #tpu.memory_space<smem>>
      memref.store %squeeze3A_421, %arg11[%swap3A_426] : memref<256xi32, #tpu.memory_space<smem>>
      %slice3A_428 = vector.extract_strided_slice %scan3A_340 {offsets = [11], sizes = [1], strides = [1]} : vector<16xi32> to vector<1xi32>
      %squeeze3A_429 = vector.extract %slice3A_428[0] : i32 from vector<1xi32>
      %mul3A_430 = arith.constant 16 : i32
      %mul3A_431 = arith.muli %scan3A_334, %mul3A_430 : i32
      %add3A_432 = arith.constant 11 : i32
      %add3A_433 = arith.addi %mul3A_431, %add3A_432 : i32
      %swap3A_434 = arith.index_cast %add3A_433 : i32 to index
      %swap3A_435 = memref.load %arg11[%swap3A_434] : memref<256xi32, #tpu.memory_space<smem>>
      memref.store %squeeze3A_429, %arg11[%swap3A_434] : memref<256xi32, #tpu.memory_space<smem>>
      %slice3A_436 = vector.extract_strided_slice %scan3A_340 {offsets = [12], sizes = [1], strides = [1]} : vector<16xi32> to vector<1xi32>
      %squeeze3A_437 = vector.extract %slice3A_436[0] : i32 from vector<1xi32>
      %mul3A_438 = arith.constant 16 : i32
      %mul3A_439 = arith.muli %scan3A_334, %mul3A_438 : i32
      %add3A_440 = arith.constant 12 : i32
      %add3A_441 = arith.addi %mul3A_439, %add3A_440 : i32
      %swap3A_442 = arith.index_cast %add3A_441 : i32 to index
      %swap3A_443 = memref.load %arg11[%swap3A_442] : memref<256xi32, #tpu.memory_space<smem>>
      memref.store %squeeze3A_437, %arg11[%swap3A_442] : memref<256xi32, #tpu.memory_space<smem>>
      %slice3A_444 = vector.extract_strided_slice %scan3A_340 {offsets = [13], sizes = [1], strides = [1]} : vector<16xi32> to vector<1xi32>
      %squeeze3A_445 = vector.extract %slice3A_444[0] : i32 from vector<1xi32>
      %mul3A_446 = arith.constant 16 : i32
      %mul3A_447 = arith.muli %scan3A_334, %mul3A_446 : i32
      %add3A_448 = arith.constant 13 : i32
      %add3A_449 = arith.addi %mul3A_447, %add3A_448 : i32
      %swap3A_450 = arith.index_cast %add3A_449 : i32 to index
      %swap3A_451 = memref.load %arg11[%swap3A_450] : memref<256xi32, #tpu.memory_space<smem>>
      memref.store %squeeze3A_445, %arg11[%swap3A_450] : memref<256xi32, #tpu.memory_space<smem>>
      %slice3A_452 = vector.extract_strided_slice %scan3A_340 {offsets = [14], sizes = [1], strides = [1]} : vector<16xi32> to vector<1xi32>
      %squeeze3A_453 = vector.extract %slice3A_452[0] : i32 from vector<1xi32>
      %mul3A_454 = arith.constant 16 : i32
      %mul3A_455 = arith.muli %scan3A_334, %mul3A_454 : i32
      %add3A_456 = arith.constant 14 : i32
      %add3A_457 = arith.addi %mul3A_455, %add3A_456 : i32
      %swap3A_458 = arith.index_cast %add3A_457 : i32 to index
      %swap3A_459 = memref.load %arg11[%swap3A_458] : memref<256xi32, #tpu.memory_space<smem>>
      memref.store %squeeze3A_453, %arg11[%swap3A_458] : memref<256xi32, #tpu.memory_space<smem>>
      %slice3A_460 = vector.extract_strided_slice %scan3A_340 {offsets = [15], sizes = [1], strides = [1]} : vector<16xi32> to vector<1xi32>
      %squeeze3A_461 = vector.extract %slice3A_460[0] : i32 from vector<1xi32>
      %mul3A_462 = arith.constant 16 : i32
      %mul3A_463 = arith.muli %scan3A_334, %mul3A_462 : i32
      %add3A_464 = arith.constant 15 : i32
      %add3A_465 = arith.addi %mul3A_463, %add3A_464 : i32
      %swap3A_466 = arith.index_cast %add3A_465 : i32 to index
      %swap3A_467 = memref.load %arg11[%swap3A_466] : memref<256xi32, #tpu.memory_space<smem>>
      memref.store %squeeze3A_461, %arg11[%swap3A_466] : memref<256xi32, #tpu.memory_space<smem>>
      %scan3A_468 = arith.constant 0 : i32
      scf.yield %scan3A_468 : i32
    }
    %scan3A_315 = arith.constant 16 : i32
    %scan3A_316 = arith.constant 0 : i32
    %scan3A_317 = arith.constant -1 : i32
    %scan3A_318 = arith.constant 0 : i32
    %scan3A_319 = arith.constant 0 : i32
    %scan3A_320 = arith.constant 256 : i32
    %scan3A_321 = arith.addi %scan3A_319, %scan3A_320 : i32
    %scan3A_322 = arith.constant 1 : i32
    %scan3A_323:3 = scf.for %scan3A_334 = %scan3A_319 to %scan3A_321 step %scan3A_322 iter_args(%scan3A_335 = %scan3A_316, %scan3A_336 = %scan3A_317, %scan3A_337 = %scan3A_318) -> (i32, i32, i32)  : i32 {
      %sub3A_338 = arith.constant 255 : i32
      %sub3A_339 = arith.subi %sub3A_338, %scan3A_334 : i32
      %get3A = arith.index_cast %sub3A_339 : i32 to index
      %get3A_340 = memref.load %arg11[%get3A] : memref<256xi32, #tpu.memory_space<smem>>
      %add3A_341 = arith.addi %scan3A_335, %get3A_340 : i32
      %ge3A = arith.cmpi sge, %add3A_341, %scan3A_224#2 : i32
      %lt3A = arith.constant 0 : i32
      %lt3A_342 = arith.cmpi slt, %scan3A_336, %lt3A : i32
      %and3A_343 = arith.andi %ge3A, %lt3A_342 : i1
      %select_n3A_344 = arith.select %and3A_343, %sub3A_339, %scan3A_336 : i32
      %sub3A_345 = arith.subi %scan3A_224#2, %scan3A_335 : i32
      %select_n3A_346 = arith.select %and3A_343, %sub3A_345, %scan3A_337 : i32
      scf.yield %add3A_341, %select_n3A_344, %select_n3A_346 : i32, i32, i32
    }
    %scan3A_324 = arith.constant 256 : i32
    %or3A_325 = arith.ori %or3A_228, %scan3A_323#1 : i32
    %broadcast_in_dim3A_326 = arith.constant 0 : i32
    %broadcast_in_dim3A_327 = vector.broadcast %broadcast_in_dim3A_326 : i32 to vector<16xi32>
    %add3A_328 = vector.broadcast %or3A_325 : i32 to vector<16xi32>
    %add3A_329 = arith.addi %broadcast_in_dim3A_327, %add3A_328 : vector<16xi32>
    %swap3A_330 = arith.constant 0 : index
    %swap3A_331 = tpu.vector_load %arg9[%swap3A_330] {strides = array<i32>} : memref<16xi32, #tpu.memory_space<vmem>>, vector<16xi32>,
    tpu.vector_store %arg9[%swap3A_330], %add3A_329 {strides = array<i32>} : memref<16xi32, #tpu.memory_space<vmem>>, vector<16xi32>,
    %eq3A = arith.constant 0 : i32
    %eq3A_332 = arith.cmpi eq, %arg1, %eq3A : i32
    %convert_element_type3A = arith.extui %eq3A_332 : i1 to i32
    %cond3A = arith.constant 0 : i32
    %cond3A_333 = arith.cmpi ne, %convert_element_type3A, %cond3A : i32
    scf.if %cond3A_333 {
      "tpu.region"() ({
        %run_scoped3A = tpu.sem_alloc : memref<!tpu.dma_semaphore, #tpu.memory_space<semaphore_mem>>
        %dma_start3A = arith.constant 0 : i32
        %dma_start3A_334 = tpu.memref_slice %arg3[%arg0, %dma_start3A] : memref<2x16xi32, #tpu.memory_space<hbm>> -> memref<1x16xi32, #tpu.memory_space<hbm>>
        %dma_start3A_335 = tpu.memref_squeeze %dma_start3A_334 : memref<1x16xi32, #tpu.memory_space<hbm>> -> memref<16xi32, #tpu.memory_space<hbm>>
        %dma_start3A_336 = arith.constant 0 : i32
        %dma_start3A_337 = tpu.memref_slice %arg3[%arg0, %dma_start3A_336] : memref<2x16xi32, #tpu.memory_space<hbm>> -> memref<1x16xi32, #tpu.memory_space<hbm>>
        %dma_start3A_338 = tpu.memref_squeeze %dma_start3A_337 : memref<1x16xi32, #tpu.memory_space<hbm>> -> memref<16xi32, #tpu.memory_space<hbm>>
        tpu.enqueue_dma source(%arg9 : memref<16xi32, #tpu.memory_space<vmem>>) target(%dma_start3A_338 : memref<16xi32, #tpu.memory_space<hbm>>) target_semaphore(%run_scoped3A : memref<!tpu.dma_semaphore, #tpu.memory_space<semaphore_mem>>)
        %dma_wait3A = arith.constant 0 : i32
        %dma_wait3A_339 = tpu.memref_slice %arg3[%arg0, %dma_wait3A] : memref<2x16xi32, #tpu.memory_space<hbm>> -> memref<1x16xi32, #tpu.memory_space<hbm>>
        %dma_wait3A_340 = tpu.memref_squeeze %dma_wait3A_339 : memref<1x16xi32, #tpu.memory_space<hbm>> -> memref<16xi32, #tpu.memory_space<hbm>>
        %dma_wait3A_341 = arith.constant 0 : i32
        %dma_wait3A_342 = tpu.memref_slice %arg3[%arg0, %dma_wait3A_341] : memref<2x16xi32, #tpu.memory_space<hbm>> -> memref<1x16xi32, #tpu.memory_space<hbm>>
        %dma_wait3A_343 = tpu.memref_squeeze %dma_wait3A_342 : memref<1x16xi32, #tpu.memory_space<hbm>> -> memref<16xi32, #tpu.memory_space<hbm>>
        tpu.wait_dma2 semaphore(%run_scoped3A : memref<!tpu.dma_semaphore, #tpu.memory_space<semaphore_mem>>) src(%arg9 : memref<16xi32, #tpu.memory_space<vmem>>) dst(%dma_wait3A_343 : memref<16xi32, #tpu.memory_space<hbm>>)
        tpu.yield
      }) : () -> ()
    } else {
    }
    return
  }
}

module attributes {stable_mosaic.version = 14 : i64} {
  func.func @_mask_body(%arg0: i32, %arg1: memref<2x16xi32, #tpu.memory_space<smem>>, %arg2: memref<2x96x768xi32, #tpu.memory_space<vmem>>, %arg3: memref<1x96x768xf32, #tpu.memory_space<vmem>>, %arg4: memref<1x96x768xf32, #tpu.memory_space<vmem>>, %arg5: memref<1x96x768xf32, #tpu.memory_space<vmem>>) attributes {dimension_semantics = [#tpu.dimension_semantics<arbitrary>], iteration_bounds = array<i64: 8>, scalar_prefetch = 0 : i64, scratch_operands = 0 : i64, tpu.core_type = #tpu.core_type<tc>, window_params = [{transform_indices = @transform_0, window_bounds = array<i64: 2, 16>}, {transform_indices = @transform_1, window_bounds = array<i64: 2, 96, 768>}, {transform_indices = @transform_2, window_bounds = array<i64: 1, 96, 768>}, {transform_indices = @transform_3, window_bounds = array<i64: 1, 96, 768>}, {transform_indices = @transform_4, window_bounds = array<i64: 1, 96, 768>}]} {
    %get3A = arith.constant 0 : index
    %get3A_0 = arith.constant 0 : index
    %get3A_1 = memref.load %arg1[%get3A, %get3A_0] : memref<2x16xi32, #tpu.memory_space<smem>>
    %get3A_2 = arith.constant 1 : index
    %get3A_3 = arith.constant 0 : index
    %get3A_4 = memref.load %arg1[%get3A_2, %get3A_3] : memref<2x16xi32, #tpu.memory_space<smem>>
    %get3A_5 = arith.constant 0 : index
    %get3A_6 = arith.constant 0 : index
    %get3A_7 = arith.constant 0 : index
    %get3A_8 = vector.load %arg2[%get3A_5, %get3A_6, %get3A_7] : memref<2x96x768xi32, #tpu.memory_space<vmem>>, vector<1x96x768xi32>
    %get3A_9 = vector.shape_cast %get3A_8 : vector<1x96x768xi32> to vector<96x768xi32>
    %ge3A = vector.broadcast %get3A_1 : i32 to vector<96x768xi32>
    %ge3A_10 = arith.cmpi sge, %get3A_9, %ge3A : vector<96x768xi32>
    %convert_element_type3A = arith.extui %ge3A_10 : vector<96x768xi1> to vector<96x768xi32>
    %convert_element_type3A_11 = arith.sitofp %convert_element_type3A : vector<96x768xi32> to vector<96x768xf32>
    %get3A_12 = arith.constant 1 : index
    %get3A_13 = arith.constant 0 : index
    %get3A_14 = arith.constant 0 : index
    %get3A_15 = vector.load %arg2[%get3A_12, %get3A_13, %get3A_14] : memref<2x96x768xi32, #tpu.memory_space<vmem>>, vector<1x96x768xi32>
    %get3A_16 = vector.shape_cast %get3A_15 : vector<1x96x768xi32> to vector<96x768xi32>
    %ge3A_17 = vector.broadcast %get3A_4 : i32 to vector<96x768xi32>
    %ge3A_18 = arith.cmpi sge, %get3A_16, %ge3A_17 : vector<96x768xi32>
    %convert_element_type3A_19 = arith.extui %ge3A_18 : vector<96x768xi1> to vector<96x768xi32>
    %convert_element_type3A_20 = arith.sitofp %convert_element_type3A_19 : vector<96x768xi32> to vector<96x768xf32>
    %swap3A = arith.constant 0 : index
    %swap3A_21 = arith.constant 0 : index
    %swap3A_22 = arith.constant 0 : index
    %swap3A_23 = vector.load %arg4[%swap3A, %swap3A_21, %swap3A_22] : memref<1x96x768xf32, #tpu.memory_space<vmem>>, vector<1x96x768xf32>
    %swap3A_24 = vector.shape_cast %swap3A_23 : vector<1x96x768xf32> to vector<96x768xf32>
    %swap3A_25 = vector.shape_cast %convert_element_type3A_11 : vector<96x768xf32> to vector<1x96x768xf32>
    tpu.vector_store %arg4[%swap3A, %swap3A_21, %swap3A_22], %swap3A_25 {strides = array<i32>} : memref<1x96x768xf32, #tpu.memory_space<vmem>>, vector<1x96x768xf32>,
    %swap3A_26 = arith.constant 0 : index
    %swap3A_27 = arith.constant 0 : index
    %swap3A_28 = arith.constant 0 : index
    %swap3A_29 = vector.load %arg5[%swap3A_26, %swap3A_27, %swap3A_28] : memref<1x96x768xf32, #tpu.memory_space<vmem>>, vector<1x96x768xf32>
    %swap3A_30 = vector.shape_cast %swap3A_29 : vector<1x96x768xf32> to vector<96x768xf32>
    %swap3A_31 = vector.shape_cast %convert_element_type3A_20 : vector<96x768xf32> to vector<1x96x768xf32>
    tpu.vector_store %arg5[%swap3A_26, %swap3A_27, %swap3A_28], %swap3A_31 {strides = array<i32>} : memref<1x96x768xf32, #tpu.memory_space<vmem>>, vector<1x96x768xf32>,
    %max3A = arith.maximumf %convert_element_type3A_11, %convert_element_type3A_20 : vector<96x768xf32>
    %swap3A_32 = arith.constant 0 : index
    %swap3A_33 = arith.constant 0 : index
    %swap3A_34 = arith.constant 0 : index
    %swap3A_35 = vector.load %arg3[%swap3A_32, %swap3A_33, %swap3A_34] : memref<1x96x768xf32, #tpu.memory_space<vmem>>, vector<1x96x768xf32>
    %swap3A_36 = vector.shape_cast %swap3A_35 : vector<1x96x768xf32> to vector<96x768xf32>
    %swap3A_37 = vector.shape_cast %max3A : vector<96x768xf32> to vector<1x96x768xf32>
    tpu.vector_store %arg3[%swap3A_32, %swap3A_33, %swap3A_34], %swap3A_37 {strides = array<i32>} : memref<1x96x768xf32, #tpu.memory_space<vmem>>, vector<1x96x768xf32>,
    return
  }
  func.func @transform_0(%arg0: i32) -> (i32, i32) {
    %c0_i32 = arith.constant 0 : i32
    %c0_i32_0 = arith.constant 0 : i32
    %c0_i32_1 = arith.constant 0 : i32
    return %c0_i32, %c0_i32_0 : i32, i32
  }
  func.func @transform_1(%arg0: i32) -> (i32, i32, i32) {
    %c0_i32 = arith.constant 0 : i32
    %c0_i32_0 = arith.constant 0 : i32
    %c0_i32_1 = arith.constant 0 : i32
    return %c0_i32, %arg0, %c0_i32_0 : i32, i32, i32
  }
  func.func @transform_2(%arg0: i32) -> (i32, i32, i32) {
    %c0_i32 = arith.constant 0 : i32
    %c0_i32_0 = arith.constant 0 : i32
    %c0_i32_1 = arith.constant 0 : i32
    return %c0_i32, %arg0, %c0_i32_0 : i32, i32, i32
  }
  func.func @transform_3(%arg0: i32) -> (i32, i32, i32) {
    %c0_i32 = arith.constant 0 : i32
    %c0_i32_0 = arith.constant 0 : i32
    %c0_i32_1 = arith.constant 0 : i32
    return %c0_i32, %arg0, %c0_i32_0 : i32, i32, i32
  }
  func.func @transform_4(%arg0: i32) -> (i32, i32, i32) {
    %c0_i32 = arith.constant 0 : i32
    %c0_i32_0 = arith.constant 0 : i32
    %c0_i32_1 = arith.constant 0 : i32
    return %c0_i32, %arg0, %c0_i32_0 : i32, i32, i32
  }
}

module attributes {stable_mosaic.version = 14 : i64} {
  func.func @_prep_body(%arg0: i32, %arg1: memref<2x96x768xf32, #tpu.memory_space<vmem>>, %arg2: memref<2x96x768xf32, #tpu.memory_space<vmem>>, %arg3: memref<2x96x768xi32, #tpu.memory_space<vmem>>) attributes {dimension_semantics = [#tpu.dimension_semantics<arbitrary>], iteration_bounds = array<i64: 8>, scalar_prefetch = 0 : i64, scratch_operands = 0 : i64, tpu.core_type = #tpu.core_type<tc>, window_params = [{transform_indices = @transform_0, window_bounds = array<i64: 2, 96, 768>}, {transform_indices = @transform_1, window_bounds = array<i64: 2, 96, 768>}, {transform_indices = @transform_2, window_bounds = array<i64: 2, 96, 768>}]} {
    %get3A = arith.constant 0 : index
    %get3A_0 = arith.constant 0 : index
    %get3A_1 = arith.constant 0 : index
    %get3A_2 = vector.load %arg1[%get3A, %get3A_0, %get3A_1] : memref<2x96x768xf32, #tpu.memory_space<vmem>>, vector<1x96x768xf32>
    %get3A_3 = vector.shape_cast %get3A_2 : vector<1x96x768xf32> to vector<96x768xf32>
    %get3A_4 = arith.constant 1 : index
    %get3A_5 = arith.constant 0 : index
    %get3A_6 = arith.constant 0 : index
    %get3A_7 = vector.load %arg1[%get3A_4, %get3A_5, %get3A_6] : memref<2x96x768xf32, #tpu.memory_space<vmem>>, vector<1x96x768xf32>
    %get3A_8 = vector.shape_cast %get3A_7 : vector<1x96x768xf32> to vector<96x768xf32>
    %get3A_9 = arith.constant 0 : index
    %get3A_10 = arith.constant 0 : index
    %get3A_11 = arith.constant 0 : index
    %get3A_12 = vector.load %arg2[%get3A_9, %get3A_10, %get3A_11] : memref<2x96x768xf32, #tpu.memory_space<vmem>>, vector<1x96x768xf32>
    %get3A_13 = vector.shape_cast %get3A_12 : vector<1x96x768xf32> to vector<96x768xf32>
    %get3A_14 = arith.constant 1 : index
    %get3A_15 = arith.constant 0 : index
    %get3A_16 = arith.constant 0 : index
    %get3A_17 = vector.load %arg2[%get3A_14, %get3A_15, %get3A_16] : memref<2x96x768xf32, #tpu.memory_space<vmem>>, vector<1x96x768xf32>
    %get3A_18 = vector.shape_cast %get3A_17 : vector<1x96x768xf32> to vector<96x768xf32>
    %sub3A = arith.subf %get3A_13, %get3A_3 : vector<96x768xf32>
    %sub3A_19 = arith.subf %get3A_18, %get3A_8 : vector<96x768xf32>
    %max3A = arith.maximumf %sub3A, %sub3A_19 : vector<96x768xf32>
    %eq3A = arith.constant 0.000000e+00 : f32
    %eq3A_20 = vector.broadcast %eq3A : f32 to vector<96x768xf32>
    %eq3A_21 = arith.cmpf oeq, %max3A, %eq3A_20 : vector<96x768xf32>
    %jit3A = arith.constant 0.000000e+00 : f32
    %broadcast_in_dim3A = vector.broadcast %jit3A : f32 to vector<96x768xf32>
    %select_n3A = arith.select %eq3A_21, %broadcast_in_dim3A, %max3A : vector<96x768xi1>, vector<96x768xf32>
    %bitcast_convert_type3A = tpu.bitcast %select_n3A : vector<96x768xf32> -> vector<96x768xi32>
    %shift_right_arithmetic3A = arith.constant 31 : i32
    %shift_right_arithmetic3A_22 = vector.broadcast %shift_right_arithmetic3A : i32 to vector<96x768xi32>
    %shift_right_arithmetic3A_23 = arith.shrsi %bitcast_convert_type3A, %shift_right_arithmetic3A_22 : vector<96x768xi32>
    %and3A = arith.constant 2147483647 : i32
    %and3A_24 = vector.broadcast %and3A : i32 to vector<96x768xi32>
    %and3A_25 = arith.andi %shift_right_arithmetic3A_23, %and3A_24 : vector<96x768xi32>
    %xor3A = arith.xori %bitcast_convert_type3A, %and3A_25 : vector<96x768xi32>
    %swap3A = arith.constant 0 : index
    %swap3A_26 = arith.constant 0 : index
    %swap3A_27 = arith.constant 0 : index
    %swap3A_28 = vector.load %arg3[%swap3A, %swap3A_26, %swap3A_27] : memref<2x96x768xi32, #tpu.memory_space<vmem>>, vector<1x96x768xi32>
    %swap3A_29 = vector.shape_cast %swap3A_28 : vector<1x96x768xi32> to vector<96x768xi32>
    %swap3A_30 = vector.shape_cast %xor3A : vector<96x768xi32> to vector<1x96x768xi32>
    tpu.vector_store %arg3[%swap3A, %swap3A_26, %swap3A_27], %swap3A_30 {strides = array<i32>} : memref<2x96x768xi32, #tpu.memory_space<vmem>>, vector<1x96x768xi32>,
    %add3A = arith.addf %get3A_13, %get3A_3 : vector<96x768xf32>
    %add3A_31 = arith.addf %get3A_18, %get3A_8 : vector<96x768xf32>
    %max3A_32 = arith.maximumf %add3A, %add3A_31 : vector<96x768xf32>
    %eq3A_33 = arith.constant 0.000000e+00 : f32
    %eq3A_34 = vector.broadcast %eq3A_33 : f32 to vector<96x768xf32>
    %eq3A_35 = arith.cmpf oeq, %max3A_32, %eq3A_34 : vector<96x768xf32>
    %jit3A_36 = arith.constant 0.000000e+00 : f32
    %broadcast_in_dim3A_37 = vector.broadcast %jit3A_36 : f32 to vector<96x768xf32>
    %select_n3A_38 = arith.select %eq3A_35, %broadcast_in_dim3A_37, %max3A_32 : vector<96x768xi1>, vector<96x768xf32>
    %bitcast_convert_type3A_39 = tpu.bitcast %select_n3A_38 : vector<96x768xf32> -> vector<96x768xi32>
    %shift_right_arithmetic3A_40 = arith.constant 31 : i32
    %shift_right_arithmetic3A_41 = vector.broadcast %shift_right_arithmetic3A_40 : i32 to vector<96x768xi32>
    %shift_right_arithmetic3A_42 = arith.shrsi %bitcast_convert_type3A_39, %shift_right_arithmetic3A_41 : vector<96x768xi32>
    %and3A_43 = arith.constant 2147483647 : i32
    %and3A_44 = vector.broadcast %and3A_43 : i32 to vector<96x768xi32>
    %and3A_45 = arith.andi %shift_right_arithmetic3A_42, %and3A_44 : vector<96x768xi32>
    %xor3A_46 = arith.xori %bitcast_convert_type3A_39, %and3A_45 : vector<96x768xi32>
    %swap3A_47 = arith.constant 1 : index
    %swap3A_48 = arith.constant 0 : index
    %swap3A_49 = arith.constant 0 : index
    %swap3A_50 = vector.load %arg3[%swap3A_47, %swap3A_48, %swap3A_49] : memref<2x96x768xi32, #tpu.memory_space<vmem>>, vector<1x96x768xi32>
    %swap3A_51 = vector.shape_cast %swap3A_50 : vector<1x96x768xi32> to vector<96x768xi32>
    %swap3A_52 = vector.shape_cast %xor3A_46 : vector<96x768xi32> to vector<1x96x768xi32>
    tpu.vector_store %arg3[%swap3A_47, %swap3A_48, %swap3A_49], %swap3A_52 {strides = array<i32>} : memref<2x96x768xi32, #tpu.memory_space<vmem>>, vector<1x96x768xi32>,
    return
  }
  func.func @transform_0(%arg0: i32) -> (i32, i32, i32) {
    %c0_i32 = arith.constant 0 : i32
    %c0_i32_0 = arith.constant 0 : i32
    %c0_i32_1 = arith.constant 0 : i32
    return %c0_i32, %arg0, %c0_i32_0 : i32, i32, i32
  }
  func.func @transform_1(%arg0: i32) -> (i32, i32, i32) {
    %c0_i32 = arith.constant 0 : i32
    %c0_i32_0 = arith.constant 0 : i32
    %c0_i32_1 = arith.constant 0 : i32
    return %c0_i32, %arg0, %c0_i32_0 : i32, i32, i32
  }
  func.func @transform_2(%arg0: i32) -> (i32, i32, i32) {
    %c0_i32 = arith.constant 0 : i32
    %c0_i32_0 = arith.constant 0 : i32
    %c0_i32_1 = arith.constant 0 : i32
    return %c0_i32, %arg0, %c0_i32_0 : i32, i32, i32
  }
}

</mosaic_0001>

<sc_bundles>
// kernel: kernel.5.cloned.1.call-start
scs
__scs_entry_jumppad:
0x0: {  	(pc) =	sbr.rel $0x88, $3  }
0x1: {  	(tag) =	ssettag $0x0;
	lr =	simm.s32 $0x1  }
0x2: {  	[smem:$0x3F9F] =	sst lr;
	_ =	strace $0xD0000000  }
0x3: {  	_ = 	snop  }
0x4: {  	_ = 	snop  }
0x5: {  	_ = 	snop  }
0x6: {  	_ = 	snop  }
0x7: {  	_ = 	snop  }
__scs_overlays_trampoline_lowered:
0x8: {  	[smem:$0x3FAE] =	sst s0  }
0x9: {  	[smem:$0x3FAF] =	sst s1  }
0xa: {  	[smem:$0x3FB0] =	sst s2  }
0xb: {  	[smem:$0x3FB1] =	sst s3  }
0xc: {  	[smem:$0x3FB2] =	sst s4  }
0xd: {  	[smem:$0x3FB3] =	sst s5  }
0xe: {  	[smem:$0x3FB4] =	sst s6  }
0xf: {  	[smem:$0x3FB5] =	sst s7  }
0x10: {  	[smem:$0x3FB6] =	sst s8  }
0x11: {  	[smem:$0x3FB7] =	sst s9;
	s0 =	simm.s32 @!p0 $0x0  }
0x12: {  	s1 =	sld [smem:$0x3F9D];
	s0 =	simm.s32 @p0 $0x1  }
0x13: {  	[smem:$0x3FB8] =	sst s0;
	s0 =	simm.s32 @!p1 $0x0  }
0x14: {  	s2 =	sld [smem:$0x3F9C];
	s0 =	simm.s32 @p1 $0x1  }
0x15: {  	[smem:$0x3FB9] =	sst s0;
	s0 =	simm.s32 @!p2 $0x0  }
0x16: {  	s3 =	sld [smem:$0x3FDB];
	s0 =	simm.s32 @p2 $0x1  }
0x17: {  	s4 =	simm.s32 $0x1BF5;
	[smem:$0x3FBB] =	sst s0  }
0x18: {  	s0 =	sld [smem:$0x3F9E];
	_ =	swait.ge [sflag:s4], $0x0  }
0x19: {  	s7 =	sld [smem:$0x3F9F]  }
0x1a: {  	s8 =	sadd.s32 $0xFFFFE003, lr  }
0x1b: {  	s9 =	sadd.s32 $0xFFFFFEF7, lr;
	s5 =	simm.s32 $0xFFFFFFFF;
	p2 =	slt.u32 s8, $0xFFFFF086  }
0x1c: {  	p1 =	slt.u32 s9, $0xF7A;
	s5 =	simm.s32 @!p2 $0x0  }
0x1d: {  	s5 =	simm.s32 @p1 $0x1;
	p0 =	seq.s32 s7, s2  }
0x1e: {  	s7 =	smul.u32 @!p0 $0xF7A, s2;
	p2 =	seq.s32 @!p0 s5, $0x0  }
0x1f: {  	s9 =	smul.u32 $0xF7A, s1;
	s8 =	simm.s32 @!p0 $0x1BF5;
	p2 =	por !p2, p0  }
0x20: {  	[sflag:s8] =	ssyncset.s32 @!p0 $0xFFFFF086;
	s6 =	sadd.s32 @!p0 s3, s7;
	s7 =	simm.s32 @!p0 $0x108  }
0x21: {  	s3 =	sadd.s32 s3, s9;
	s6 =	sadd.s32 @!p0 $0x88, s6;
	s7 =	simm.s32 @p2 $0x1082  }
0x22: {  	[simem:s7], [sflag:s8] =	dma.local @!p0 [hbm:s6], $0xF7A  }
0x23: {  	s9 =	sor.u32 $0xD0000000, s2;
	s6 =	simm.s32 $0x108;
	_ =	swait.ge @!p0 [sflag:s8], $0x0  }
0x24: {  	s3 =	sadd.s32 $0x88, s3;
	s6 =	simm.s32 @!p1 $0x1082;
	[sflag:s4] =	ssyncset.s32 $0xFFFFF086  }
0x25: {  	[simem:s6], [sflag:s4] =	dma.local [hbm:s3], $0xF7A  }
0x26: {  	[smem:$0x3F9F] =	sst s1;
	(tag) =	ssettag s2;
	_ =	strace s9  }
0x27: {  	s1 =	sld [smem:$0x3FAF]  }
0x28: {  	s2 =	sld [smem:$0x3FB0]  }
0x29: {  	s4 =	sld [smem:$0x3FB2]  }
0x2a: {  	p0 =	seq.s32 s5, $0x0;
	s5 =	sld [smem:$0x3FB3]  }
0x2b: {  	s6 =	sld [smem:$0x3FB4]  }
0x2c: {  	s7 =	sld [smem:$0x3FB5]  }
0x2d: {  	s3 =	simm.s32 $0x108;
	s8 =	sld [smem:$0x3FB6]  }
0x2e: {  	s3 =	simm.s32 @!p0 $0x1082;
	s9 =	sld [smem:$0x3FB7]  }
0x2f: {  	lr =	sadd.s32 s0, s3;
	s0 =	sld [smem:$0x3FAE]  }
0x30: {  	s3 =	sld [smem:$0x3FB1]  }
0x31: {  	[smem:$0x3FBA] =	sst s10  }
0x32: {  	s10 =	sld [smem:$0x3FB8];
	_ =	sdelay $0x3  }
0x33: {  	p0 =	seq.s32 s10, $0x1;
	s10 =	sld [smem:$0x3FBA];
	_ =	sdelay $0x3  }
0x34: {  	[smem:$0x3FBA] =	sst s10  }
0x35: {  	s10 =	sld [smem:$0x3FB9];
	_ =	sdelay $0x3  }
0x36: {  	p1 =	seq.s32 s10, $0x1;
	s10 =	sld [smem:$0x3FBA];
	_ =	sdelay $0x3  }
0x37: {  	[smem:$0x3FBA] =	sst s10  }
0x38: {  	s10 =	sld [smem:$0x3FBB]  }
0x39: {  	_ = 	snop;
	(pc) =	sbr.ind lr, $3  }
0x3a: {  	_ = 	snop  }
0x3b: {  	_ = 	snop  }
0x3c: {  	p2 =	seq.s32 s10, $0x1;
	s10 =	sld [smem:$0x3FBA]  }
0x3d: {  	_ =	shalt  }
0x3e: {  	_ =	shalt  }
0x3f: {  	_ =	shalt  }
0x40: {  	_ =	shalt  }
0x41: {  	_ =	shalt  }
0x42: {  	_ =	shalt  }
0x43: {  	_ =	shalt  }
0x44: {  	_ =	shalt  }
0x45: {  	_ =	shalt  }
0x46: {  	_ =	shalt  }
0x47: {  	_ =	shalt  }
0x48: {  	_ =	shalt  }
0x49: {  	_ =	shalt  }
0x4a: {  	_ =	shalt  }
0x4b: {  	_ =	shalt  }
0x4c: {  	_ =	shalt  }
0x4d: {  	_ =	shalt  }
0x4e: {  	_ =	shalt  }
0x4f: {  	_ =	shalt  }
0x50: {  	_ =	shalt  }
0x51: {  	_ =	shalt  }
0x52: {  	_ =	shalt  }
0x53: {  	_ =	shalt  }
0x54: {  	_ =	shalt  }
0x55: {  	_ =	shalt  }
0x56: {  	_ =	shalt  }
0x57: {  	_ =	shalt  }
0x58: {  	_ =	shalt  }
0x59: {  	_ =	shalt  }
0x5a: {  	_ =	shalt  }
0x5b: {  	_ =	shalt  }
0x5c: {  	_ =	shalt  }
0x5d: {  	_ =	shalt  }
0x5e: {  	_ =	shalt  }
0x5f: {  	_ =	shalt  }
0x60: {  	_ =	shalt  }
0x61: {  	_ =	shalt  }
0x62: {  	_ =	shalt  }
0x63: {  	_ =	shalt  }
0x64: {  	_ =	shalt  }
0x65: {  	_ =	shalt  }
0x66: {  	_ =	shalt  }
0x67: {  	_ =	shalt  }
0x68: {  	_ =	shalt  }
0x69: {  	_ =	shalt  }
0x6a: {  	_ =	shalt  }
0x6b: {  	_ =	shalt  }
0x6c: {  	_ =	shalt  }
0x6d: {  	_ =	shalt  }
0x6e: {  	_ =	shalt  }
0x6f: {  	_ =	shalt  }
0x70: {  	_ =	shalt  }
0x71: {  	_ =	shalt  }
0x72: {  	_ =	shalt  }
0x73: {  	_ =	shalt  }
0x74: {  	_ =	shalt  }
0x75: {  	_ =	shalt  }
0x76: {  	_ =	shalt  }
0x77: {  	_ =	shalt  }
0x78: {  	_ =	shalt  }
0x79: {  	_ =	shalt  }
0x7a: {  	_ =	shalt  }
0x7b: {  	_ =	shalt  }
0x7c: {  	_ =	shalt  }
0x7d: {  	_ =	shalt  }
0x7e: {  	_ =	shalt  }
0x7f: {  	_ =	shalt  }
0x80: {  	_ =	shalt  }
0x81: {  	_ =	shalt  }
0x82: {  	_ =	shalt  }
0x83: {  	_ =	shalt  }
0x84: {  	_ =	shalt  }
0x85: {  	_ =	shalt  }
0x86: {  	_ =	shalt  }
0x87: {  	_ =	shalt  }
.Lfunc_end0:
.L_simem_size_0:
called_computation_lowered:
.L_overlay_start_0:
0x88: {  	s2 =	sld [smem:$0x3FD9]  }
0x89: {  	s3 =	sld [smem:$0x3FFE];
	_ =	sdelay $0x1  }
0x8a: {  	s1 =	srdreg.scid  }
0x8b: {  	s0 =	sand.u32 $0x1, s1  }
0x8c: {  	s14 =	sshll.u32 s0, $0xA;
	s2 =	sadd.s32 s3, s2  }
0x8d: {  	s2 =	sadd.s32 s2, s14  }
0x8e: {  	[smem:$0x3FC6] =	sst s2  }
0x8f: {  	_ = 	snop  }
0x90: {  	s2 =	sld [smem:$0x3FD0];
	_ =	sdelay $0x2  }
0x91: {  	s15 =	simm.s32 $0xA;
	s4 =	simm.s32 $0x10  }
0x92: {  	[smem:s4], [sflag:s15] =	dma.local [hbm:s2], $0x1  }
0x93: {  	_ =	swait.eq [sflag:s15], $0x1  }
0x94: {  	[sflag:s15] =	ssyncset.done $0x0  }
0x95: {  	[sflag:s15] =	ssyncadd.s32 $0xFFFFFFFF  }
0x96: {  	s16 =	sld [smem:$0x12];
	(tm) =	ssettm $0x1  }
0x97: {  	s17 =	sld [smem:$0x3FFB];
	_ =	sdelay $0x3  }
0x98: {  	_ =	strace s17  }
0x99: {  	s3 =	sld [smem:$0x3FFC];
	_ =	sdelay $0x3  }
0x9a: {  	_ =	strace s3  }
0x9b: {  	s3 =	sld [smem:$0x3FFD];
	_ =	sdelay $0x3  }
0x9c: {  	_ =	strace s3  }
0x9d: {  	_ =	strace $0x8FFFFFFF  }
0x9e: {  	s18 =	sld [smem:$0x3FDB];
	_ =	sdelay $0x1  }
0x9f: {  	s19 =	simm.s32 $_scs_section_size  }
0xa0: {  	s5 =	simm.s32 $_size__tile_overlayer_lowered;
	s6 =	simm.s32 $_tile_overlayer_lowered  }
0xa1: {  	s22 =	simm.s32 $0x1BFF;
	s21 =	sshll.u32 s6, $0x1;
	s3 =	sadd.s32 s19, s18  }
0xa2: {  	s7 =	simm.s32 $0x0;
	s20 =	sshll.u32 s5, $0x1;
	s5 =	sadd.s32 s21, s3  }
0xa3: {  	[timem:s7], [sflag:s22] =	dma.local [hbm:s5], s20  }
0xa4: {  	_ =	swait.ge [sflag:s22], s20  }
0xa5: {  	s4 =	ssub.s32 $0x0, s20;
	[sflag:s22] =	ssyncset.done $0x0  }
0xa6: {  	[sflag:s22] =	ssyncadd.s32 s4;
	_ =	sdelay $0x1  }
0xa7: {  	s23 =	simm.s32 $0x1B8B  }
0xa8: {  	_ =	swait.ge [sflag:s23], $0x1  }
0xa9: {  	[sflag:s23] =	ssyncset.done $0x0  }
0xaa: {  	s25 =	simm.s32 $0x1B8E;
	s24 =	sld [smem:$0x3FFE];
	[sflag:s23] =	ssyncadd.s32 $0xFFFFFFFF  }
0xab: {  	s26 =	simm.s32 $execute0_lowered;
	[smem:$0x3FD2] =	sst s25  }
0xac: {  	s5 =	sshll.u32 s26, $0x1;
	_ =	strace $0x80000046;
	[dreg:$0x1] =	wrdreg $0xFFFFFFFF  }
0xad: {  	s28 =	simm.s32 $_size_execute0_lowered;
	s3 =	sadd.s32 s3, s5;
	[dreg:$0x0] =	wrdreg $0x0  }
0xae: {  	s5 =	sshll.u32 s28, $0x1;
	[dreg:$0x2] =	wrdreg s3  }
0xaf: {  	[dreg:$0x3] =	wrdreg s5  }
0xb0: {  	[dreg:$0x4] =	wrdreg $0xC0  }
0xb1: {  	_ =	task [dreg:s7], $0x5FFFF  }
0xb2: {  	[dreg:$0x1] =	wrdreg $0xFFFFFFFF  }
0xb3: {  	[dreg:$0x0] =	wrdreg $0x60  }
0xb4: {  	[dreg:$0x2] =	wrdreg s24  }
0xb5: {  	[dreg:$0x3] =	wrdreg s16  }
0xb6: {  	[dreg:$0x4] =	wrdreg $0x143000  }
0xb7: {  	[dreg:$0x5] =	wrdreg $0x9  }
0xb8: {  	_ =	task.clear_ibuf [dreg:s7], $0x6FFFF;
	_ =	strace $0x90000046  }
0xb9: {  	s29 =	simm.s32 $0x9;
	_ =	strace $0x80000048  }
0xba: {  	_ =	swait.ge [sflag:s29], $0x1  }
0xbb: {  	[sflag:s29] =	ssyncadd.s32 $0xFFFFFFFF  }
0xbc: {  	_ =	strace $0x90000048  }
0xbd: {  	_ =	sfence  }
0xbe: {  	s30 =	sld [smem:$0x0];
	_ =	sdelay $0x2  }
0xbf: {  	s31 =	sshll.u32 s1, $0xD;
	s1 =	sshrl.u32 s1, $0x2  }
0xc0: {  	s3 =	sand.u32 $0x4000, s31;
	s1 =	sadd.s32 s1, s30  }
0xc1: {  	s0 =	sor.u32 s3, s0;
	s1 =	sshll.u32 s1, $0x11  }
0xc2: {  	s0 =	sor.u32 s1, s0  }
0xc3: {  	s0 =	sadd.s32 $0x8F2B, s0  }
0xc4: {  	[sflag:s0] =	ssyncadd.remote.s32 $0x1  }
0xc5: {  	_ =	sfence.sel $0xFFFF  }
0xc6: {  	[dreg:$0x0] =	wrdreg $0xFFFFFFFF;
	(pc) =	sbr.abs _section_cstart, $3  }
0xc7: {  	[dreg:$0x1] =	wrdreg $0xFFFFFFFF  }
0xc8: {  	_ =	task.clear_ibuf [dreg:s7], $0x2FFFF;
	_ =	strace $0x9FFFFFFF  }
0xc9: {  	(tm) =	ssettm $0x7FFFFFFF  }
tec
execute0_lowered:
.L_overlay_start_1:
0x0: {  	(tag) =	ssettag $0x1  }
0x1: {  	s3 =	rddreg [dreg:$0x0]  }
0x2: {  	s0 =	srdreg.scid;
	s5 =	rddreg [dreg:$0x1]  }
0x3: {  	s11 =	stileid.u32;
	s1 =	rddreg [dreg:$0x2];
	s2 =	simm.s32 $0x0  }
0x4: {  	s9 =	simm.s32 $0x13100;
	s4 =	sand.u32 $0x1, s0;
	s0 =	rddreg [dreg:$0x3]  }
0x5: {  	s10 =	simm.s32 $0x14180;
	s7 =	smul.u32 $0x9000, s11;
	[smem:$0x7FF] =	sst s2  }
0x6: {  	s30 =	sshll.u32 s11, $0x8;
	p0 =	sne.s32 s11, $0x0;
	s6 =	smul.u32 $0x90000, s4  }
0x7: {  	s11 =	simm.s32 $0x0;
	s28 =	ssub.s32 $0x2, s4;
	_ =	strace $0x80000047  }
0x8: {  	v0 =	vlaneseq.u32;
	s31 =	sshll.u32 s4, $0x4;
	s4 =	sadd.s32 s30, s1;
	s6 =	sadd.s32 s7, s6  }
0x9: {  	v1 =	vmul.u32 $0x101, v0;
	s8 =	sshrl.u32 s28, $0x1;
	s5 =	sadd.s32 s5, s31;
	s6 =	sshrl.u32 s6, $0x3  }
0xa: {  	s29 =	ssub.s32 s28, s8;
	s7 =	simm.s32 $0x1;
	s3 =	sadd.s32 s6, s3  }
0xb: {  	v2 =	vimm.s32 $0x0;
	v4 =	vimm.s32 $0x1;
	v3 =	vadd.s32 $0x80, v1;
	s8 =	simm.s32 $0x12080;
	s6 =	smax.u32 s29, $0x1;
	s3 =	sadd.s32 $0xA00, s3  }
.LBB2_1:
0xc: {  	[tilespmem:s2], [sflag:$0x1] =	stream.linear.gather [hbm4b:s3+s2], $0x9000, $0x38;
	[tilespmem:$0x14400] =	vst v63  }
0xd: {  	_ =	swait.ge [sflag:s7], $0x9000  }
0xe: {  	[sflag:s7] =	ssyncset.done $0x0  }
0xf: {  	s13 =	simm.s32 $0x120C0;
	[sflag:s7] =	ssyncadd.s32 $0xFFFF7000  }
0x10: {  	s12 =	simm.s32 $0x13140;
	[tilespmem:s13+$0xFFFFFFC0] =	vst v2  }
0x11: {  	[tilespmem:s12+$0xFFFFFFC0] =	vst v2  }
0x12: {  	[tilespmem:s13+$0xFFFFFFD0] =	vst v2  }
0x13: {  	[tilespmem:s12+$0xFFFFFFD0] =	vst v2  }
0x14: {  	[tilespmem:s13+$0xFFFFFFE0] =	vst v2  }
0x15: {  	[tilespmem:s12+$0xFFFFFFE0] =	vst v2  }
0x16: {  	[tilespmem:s13+$0xFFFFFFF0] =	vst v2  }
0x17: {  	[tilespmem:s12+$0xFFFFFFF0] =	vst v2  }
0x18: {  	[tilespmem:s13+$0x0] =	vst v2  }
0x19: {  	[tilespmem:s12+$0x0] =	vst v2  }
0x1a: {  	[tilespmem:s13+$0x10] =	vst v2  }
0x1b: {  	[tilespmem:s12+$0x10] =	vst v2  }
0x1c: {  	[tilespmem:s13+$0x20] =	vst v2  }
0x1d: {  	[tilespmem:s12+$0x20] =	vst v2  }
0x1e: {  	[tilespmem:s13+$0x30] =	vst v2  }
0x1f: {  	s14 =	simm.s32 $0x12140;
	s13 =	simm.s32 $0x0;
	[tilespmem:s12+$0x30] =	vst v2  }
.LBB2_2:
0x20: {  	[tilespmem:s14+$0xFFFFFFC0] =	vst v2;
	s12 =	sadd.s32 $0x80, s12  }
0x21: {  	[tilespmem:s12+$0xFFFFFFC0] =	vst v2  }
0x22: {  	[tilespmem:s14+$0xFFFFFFD0] =	vst v2  }
0x23: {  	[tilespmem:s12+$0xFFFFFFD0] =	vst v2  }
0x24: {  	[tilespmem:s14+$0xFFFFFFE0] =	vst v2  }
0x25: {  	[tilespmem:s12+$0xFFFFFFE0] =	vst v2  }
0x26: {  	[tilespmem:s14+$0xFFFFFFF0] =	vst v2  }
0x27: {  	[tilespmem:s12+$0xFFFFFFF0] =	vst v2  }
0x28: {  	[tilespmem:s14+$0x0] =	vst v2  }
0x29: {  	s13 =	sadd.s32 $0x8, s13;
	[tilespmem:s12+$0x0] =	vst v2  }
0x2a: {  	p1 =	slt.u32 s13, $0xF8;
	[tilespmem:s14+$0x10] =	vst v2  }
.Ltmp0:
0x2b: {  	[tilespmem:s12+$0x10] =	vst v2;
	(pc) =	sbr.rel @p1 .LBB2_2-.Ltmp0, $4  }
0x2c: {  	[tilespmem:s14+$0x20] =	vst v2  }
0x2d: {  	[tilespmem:s12+$0x20] =	vst v2  }
0x2e: {  	[tilespmem:s14+$0x30] =	vst v2  }
0x2f: {  	s14 =	sadd.s32 $0x80, s14;
	[tilespmem:s12+$0x30] =	vst v2  }
0x30: {  	[tilespmem:$0x13080] =	vst v2  }
0x31: {  	[tilespmem:$0x14100] =	vst v2  }
0x32: {  	[tilespmem:$0x13090] =	vst v2  }
0x33: {  	[tilespmem:$0x14110] =	vst v2;
	s12 =	simm.s32 $0x0  }
.LBB2_4:
0x34: {  	s13 =	sshra.s32 s12, $0x2  }
0x35: {  	v5 =	vld [tilespmem:s13+$0x0];
	_ =	sdelay $0x4  }
0x36: {  	v5 =	vshra.s32 v5, $0x18  }
0x37: {  	v5 =	vadd.s32 v3, v5;
	_ =	sdelay $0x4  }
0x38: {  	[tilespmem:v5+s8+$0x0] =	vst.idx.add.s32.msk $0xffff, v4  }
0x39: {  	v5 =	vld [tilespmem:s13+$0x10];
	_ =	sdelay $0x4  }
0x3a: {  	v5 =	vshra.s32 v5, $0x18  }
0x3b: {  	v5 =	vadd.s32 v3, v5;
	_ =	sdelay $0x4  }
0x3c: {  	[tilespmem:v5+s9+$0x0] =	vst.idx.add.s32.msk $0xffff, v4  }
0x3d: {  	v5 =	vld [tilespmem:s13+$0x20];
	_ =	sdelay $0x4  }
0x3e: {  	v5 =	vshra.s32 v5, $0x18  }
0x3f: {  	v5 =	vadd.s32 v3, v5;
	_ =	sdelay $0x4  }
0x40: {  	[tilespmem:v5+s8+$0x0] =	vst.idx.add.s32.msk $0xffff, v4  }
0x41: {  	v5 =	vld [tilespmem:s13+$0x30];
	_ =	sdelay $0x4  }
0x42: {  	v5 =	vshra.s32 v5, $0x18  }
0x43: {  	v5 =	vadd.s32 v3, v5;
	_ =	sdelay $0x4  }
0x44: {  	[tilespmem:v5+s9+$0x0] =	vst.idx.add.s32.msk $0xffff, v4  }
0x45: {  	v5 =	vld [tilespmem:s13+$0x40];
	_ =	sdelay $0x4  }
0x46: {  	v5 =	vshra.s32 v5, $0x18  }
0x47: {  	v5 =	vadd.s32 v3, v5;
	_ =	sdelay $0x4  }
0x48: {  	[tilespmem:v5+s8+$0x0] =	vst.idx.add.s32.msk $0xffff, v4  }
0x49: {  	v5 =	vld [tilespmem:s13+$0x50];
	_ =	sdelay $0x4  }
0x4a: {  	v5 =	vshra.s32 v5, $0x18  }
0x4b: {  	v5 =	vadd.s32 v3, v5;
	_ =	sdelay $0x4  }
0x4c: {  	[tilespmem:v5+s9+$0x0] =	vst.idx.add.s32.msk $0xffff, v4  }
0x4d: {  	v5 =	vld [tilespmem:s13+$0x60];
	_ =	sdelay $0x4  }
0x4e: {  	v5 =	vshra.s32 v5, $0x18  }
0x4f: {  	v5 =	vadd.s32 v3, v5;
	_ =	sdelay $0x4  }
0x50: {  	[tilespmem:v5+s8+$0x0] =	vst.idx.add.s32.msk $0xffff, v4  }
0x51: {  	v5 =	vld [tilespmem:s13+$0x70];
	_ =	sdelay $0x4  }
0x52: {  	v5 =	vshra.s32 v5, $0x18  }
0x53: {  	p1 =	sne.s32 s12, $0x23E00;
	v5 =	vadd.s32 v3, v5  }
.Ltmp1:
0x54: {  	_ = 	snop;
	(pc) =	sbr.rel @p1 .LBB2_4-.Ltmp1, $2  }
0x55: {  	_ =	sdelay $0x2  }
0x56: {  	s12 =	sadd.s32 $0x200, s12;
	[tilespmem:v5+s9+$0x0] =	vst.idx.add.s32.msk $0xffff, v4  }
0x57: {  	s12 =	simm.s32 $0x0  }
0x58: {  	v5 =	vld [tilespmem:s12+$0x12080]  }
0x59: {  	v6 =	vld [tilespmem:s12+$0x13100]  }
0x5a: {  	v7 =	vld [tilespmem:s12+$0x12181]  }
0x5b: {  	v8 =	vld [tilespmem:s12+$0x13201]  }
0x5c: {  	v9 =	vld [tilespmem:s12+$0x12282]  }
0x5d: {  	v10 =	vld [tilespmem:s12+$0x13302]  }
0x5e: {  	v5 =	vadd.s32 v6, v5;
	v6 =	vld [tilespmem:s12+$0x12383]  }
0x5f: {  	v5 =	vadd.s32 v5, v7;
	v7 =	vld [tilespmem:s12+$0x13403]  }
0x60: {  	v5 =	vadd.s32 v8, v5;
	v8 =	vld [tilespmem:s12+$0x12484]  }
0x61: {  	v5 =	vadd.s32 v5, v9;
	v9 =	vld [tilespmem:s12+$0x13504]  }
0x62: {  	v5 =	vadd.s32 v10, v5;
	v10 =	vld [tilespmem:s12+$0x12585]  }
0x63: {  	v5 =	vadd.s32 v5, v6;
	v6 =	vld [tilespmem:s12+$0x13605]  }
0x64: {  	v5 =	vadd.s32 v7, v5;
	v7 =	vld [tilespmem:s12+$0x12686]  }
0x65: {  	v5 =	vadd.s32 v5, v8;
	v8 =	vld [tilespmem:s12+$0x13706]  }
0x66: {  	v5 =	vadd.s32 v9, v5;
	v9 =	vld [tilespmem:s12+$0x12787]  }
0x67: {  	v5 =	vadd.s32 v5, v10;
	v10 =	vld [tilespmem:s12+$0x13807]  }
0x68: {  	v5 =	vadd.s32 v6, v5;
	v6 =	vld [tilespmem:s12+$0x12888]  }
0x69: {  	v5 =	vadd.s32 v5, v7;
	v7 =	vld [tilespmem:s12+$0x13908]  }
0x6a: {  	v5 =	vadd.s32 v8, v5;
	v8 =	vld [tilespmem:s12+$0x12989]  }
0x6b: {  	v5 =	vadd.s32 v5, v9;
	v9 =	vld [tilespmem:s12+$0x13A09]  }
0x6c: {  	v5 =	vadd.s32 v10, v5;
	v10 =	vld [tilespmem:s12+$0x12A8A]  }
0x6d: {  	v5 =	vadd.s32 v5, v6;
	v6 =	vld [tilespmem:s12+$0x13B0A]  }
0x6e: {  	v5 =	vadd.s32 v7, v5;
	v7 =	vld [tilespmem:s12+$0x12B8B]  }
0x6f: {  	v5 =	vadd.s32 v5, v8;
	v8 =	vld [tilespmem:s12+$0x13C0B]  }
0x70: {  	v5 =	vadd.s32 v9, v5;
	v9 =	vld [tilespmem:s12+$0x12C8C]  }
0x71: {  	v5 =	vadd.s32 v5, v10;
	v10 =	vld [tilespmem:s12+$0x13D0C]  }
0x72: {  	v11 =	vld [tilespmem:s12+$0x12D8D];
	v5 =	vadd.s32 v6, v5  }
0x73: {  	v12 =	vld [tilespmem:s12+$0x13E0D];
	v5 =	vadd.s32 v5, v7  }
0x74: {  	v6 =	vld [tilespmem:s12+$0x12E8E];
	v5 =	vadd.s32 v8, v5  }
0x75: {  	v7 =	vld [tilespmem:s12+$0x13F0E];
	v5 =	vadd.s32 v5, v9  }
0x76: {  	v8 =	vld [tilespmem:s12+$0x12F8F];
	v5 =	vadd.s32 v10, v5  }
0x77: {  	s14 =	simm.s32 $0x10;
	v9 =	vld [tilespmem:s12+$0x1400F];
	v10 =	vadd.s32 v5, v11  }
0x78: {  	s13 =	simm.s32 $0x80;
	v5 =	vld [tilespmem:s14+$0x12080];
	v10 =	vadd.s32 v12, v10  }
.LBB2_6:
0x79: {  	p1 =	sne.s32 s13, $0x3C0;
	v11 =	vld [tilespmem:s14+$0x13100];
	v6 =	vadd.s32 v10, v6  }
0x7a: {  	v10 =	vld [tilespmem:s14+$0x12181];
	v6 =	vadd.s32 v7, v6  }
0x7b: {  	v7 =	vld [tilespmem:s14+$0x13201];
	v6 =	vadd.s32 v6, v8  }
0x7c: {  	v8 =	vld [tilespmem:s14+$0x12282];
	v6 =	vadd.s32 v9, v6  }
0x7d: {  	v9 =	vld [tilespmem:s14+$0x13302];
	[tilespmem:s12+$0x14180] =	vst v6;
	s12 =	smov.u32 s14  }
0x7e: {  	v5 =	vadd.s32 v11, v5;
	v6 =	vld [tilespmem:s12+$0x12383]  }
0x7f: {  	v5 =	vadd.s32 v5, v10;
	v10 =	vld [tilespmem:s12+$0x13403]  }
0x80: {  	v5 =	vadd.s32 v7, v5;
	v7 =	vld [tilespmem:s12+$0x12484]  }
0x81: {  	v5 =	vadd.s32 v5, v8;
	v8 =	vld [tilespmem:s12+$0x13504]  }
0x82: {  	v5 =	vadd.s32 v9, v5;
	v9 =	vld [tilespmem:s12+$0x12585]  }
0x83: {  	v5 =	vadd.s32 v5, v6;
	v6 =	vld [tilespmem:s12+$0x13605]  }
0x84: {  	v5 =	vadd.s32 v10, v5;
	v10 =	vld [tilespmem:s12+$0x12686]  }
0x85: {  	v5 =	vadd.s32 v5, v7;
	v7 =	vld [tilespmem:s12+$0x13706]  }
0x86: {  	v5 =	vadd.s32 v8, v5;
	v8 =	vld [tilespmem:s12+$0x12787]  }
0x87: {  	v5 =	vadd.s32 v5, v9;
	v9 =	vld [tilespmem:s12+$0x13807]  }
0x88: {  	v5 =	vadd.s32 v6, v5;
	v6 =	vld [tilespmem:s12+$0x12888]  }
0x89: {  	v5 =	vadd.s32 v5, v10;
	v10 =	vld [tilespmem:s12+$0x13908]  }
0x8a: {  	v5 =	vadd.s32 v7, v5;
	v7 =	vld [tilespmem:s12+$0x12989]  }
0x8b: {  	v5 =	vadd.s32 v5, v8;
	v8 =	vld [tilespmem:s12+$0x13A09]  }
0x8c: {  	v5 =	vadd.s32 v9, v5;
	v9 =	vld [tilespmem:s12+$0x12A8A]  }
0x8d: {  	v5 =	vadd.s32 v5, v6;
	v6 =	vld [tilespmem:s12+$0x13B0A]  }
0x8e: {  	v5 =	vadd.s32 v10, v5;
	v10 =	vld [tilespmem:s12+$0x12B8B]  }
0x8f: {  	v5 =	vadd.s32 v5, v7;
	v7 =	vld [tilespmem:s12+$0x13C0B]  }
0x90: {  	v5 =	vadd.s32 v8, v5;
	v8 =	vld [tilespmem:s12+$0x12C8C]  }
0x91: {  	v5 =	vadd.s32 v5, v9;
	v9 =	vld [tilespmem:s12+$0x13D0C]  }
0x92: {  	v5 =	vadd.s32 v6, v5;
	v11 =	vld [tilespmem:s12+$0x12D8D]  }
0x93: {  	v5 =	vadd.s32 v5, v10;
	v10 =	vld [tilespmem:s12+$0x13E0D]  }
.Ltmp2:
0x94: {  	v5 =	vadd.s32 v7, v5;
	v6 =	vld [tilespmem:s12+$0x12E8E];
	(pc) =	sbr.rel @p1 .LBB2_6-.Ltmp2, $4  }
0x95: {  	v5 =	vadd.s32 v5, v8;
	v7 =	vld [tilespmem:s12+$0x13F0E]  }
0x96: {  	v5 =	vadd.s32 v9, v5;
	v8 =	vld [tilespmem:s12+$0x12F8F]  }
0x97: {  	s14 =	sshra.s32 s13, $0x2;
	v11 =	vadd.s32 v5, v11;
	v9 =	vld [tilespmem:s12+$0x1400F]  }
0x98: {  	s13 =	sadd.s32 $0x40, s13;
	v5 =	vld [tilespmem:s14+$0x12080];
	v10 =	vadd.s32 v10, v11  }
0x99: {  	v11 =	vld [tilespmem:s14+$0x13100];
	v6 =	vadd.s32 v10, v6  }
0x9a: {  	v10 =	vld [tilespmem:s14+$0x12181];
	v6 =	vadd.s32 v7, v6  }
0x9b: {  	v7 =	vld [tilespmem:s14+$0x13201];
	v6 =	vadd.s32 v6, v8  }
0x9c: {  	v8 =	vld [tilespmem:s14+$0x12282];
	v6 =	vadd.s32 v9, v6  }
0x9d: {  	v9 =	vld [tilespmem:s14+$0x13302];
	[tilespmem:s12+$0x14180] =	vst v6  }
0x9e: {  	v5 =	vadd.s32 v11, v5;
	v6 =	vld [tilespmem:s14+$0x12383]  }
0x9f: {  	v5 =	vadd.s32 v5, v10;
	v10 =	vld [tilespmem:s14+$0x13403]  }
0xa0: {  	v5 =	vadd.s32 v7, v5;
	v7 =	vld [tilespmem:s14+$0x12484]  }
0xa1: {  	v5 =	vadd.s32 v5, v8;
	v8 =	vld [tilespmem:s14+$0x13504]  }
0xa2: {  	v5 =	vadd.s32 v9, v5;
	v9 =	vld [tilespmem:s14+$0x12585]  }
0xa3: {  	v5 =	vadd.s32 v5, v6;
	v6 =	vld [tilespmem:s14+$0x13605]  }
0xa4: {  	v5 =	vadd.s32 v10, v5;
	v10 =	vld [tilespmem:s14+$0x12686]  }
0xa5: {  	v5 =	vadd.s32 v5, v7;
	v7 =	vld [tilespmem:s14+$0x13706]  }
0xa6: {  	v5 =	vadd.s32 v8, v5;
	v8 =	vld [tilespmem:s14+$0x12787]  }
0xa7: {  	v5 =	vadd.s32 v5, v9;
	v9 =	vld [tilespmem:s14+$0x13807]  }
0xa8: {  	v5 =	vadd.s32 v6, v5;
	v6 =	vld [tilespmem:s14+$0x12888]  }
0xa9: {  	v5 =	vadd.s32 v5, v10;
	v10 =	vld [tilespmem:s14+$0x13908]  }
0xaa: {  	v5 =	vadd.s32 v7, v5;
	v7 =	vld [tilespmem:s14+$0x12989]  }
0xab: {  	v5 =	vadd.s32 v5, v8;
	v8 =	vld [tilespmem:s14+$0x13A09]  }
0xac: {  	v5 =	vadd.s32 v9, v5;
	v9 =	vld [tilespmem:s14+$0x12A8A]  }
0xad: {  	v5 =	vadd.s32 v5, v6;
	v6 =	vld [tilespmem:s14+$0x13B0A]  }
0xae: {  	v5 =	vadd.s32 v10, v5;
	v10 =	vld [tilespmem:s14+$0x12B8B]  }
0xaf: {  	v5 =	vadd.s32 v5, v7;
	v7 =	vld [tilespmem:s14+$0x13C0B]  }
0xb0: {  	v5 =	vadd.s32 v8, v5;
	v8 =	vld [tilespmem:s14+$0x12C8C]  }
0xb1: {  	v5 =	vadd.s32 v5, v9;
	v9 =	vld [tilespmem:s14+$0x13D0C]  }
0xb2: {  	v5 =	vadd.s32 v6, v5;
	v6 =	vld [tilespmem:s14+$0x12D8D]  }
0xb3: {  	v5 =	vadd.s32 v5, v10;
	v10 =	vld [tilespmem:s14+$0x13E0D]  }
0xb4: {  	v5 =	vadd.s32 v7, v5;
	v7 =	vld [tilespmem:s14+$0x12E8E]  }
0xb5: {  	v5 =	vadd.s32 v5, v8;
	v8 =	vld [tilespmem:s14+$0x13F0E]  }
0xb6: {  	v5 =	vadd.s32 v9, v5;
	v9 =	vld [tilespmem:s14+$0x12F8F]  }
0xb7: {  	v5 =	vadd.s32 v5, v6;
	v6 =	vld [tilespmem:s14+$0x1400F]  }
0xb8: {  	v5 =	vadd.s32 v10, v5  }
0xb9: {  	v5 =	vadd.s32 v5, v7  }
0xba: {  	v5 =	vadd.s32 v8, v5  }
0xbb: {  	v5 =	vadd.s32 v5, v9  }
0xbc: {  	v5 =	vadd.s32 v6, v5  }
0xbd: {  	[tilespmem:s14+$0x14180] =	vst v5  }
0xbe: {  	[spmem:s4] =	stream.linear.scatter [tilespmem:s10], [sflag:$0x1], $0x100, $0x38;
	[tilespmem:$0x14400] =	vst v63  }
0xbf: {  	_ =	swait.ge [sflag:s7], $0x100  }
0xc0: {  	[sflag:s7] =	ssyncset.done $0x0  }
0xc1: {  	[sflag:s7] =	ssyncadd.s32 $0xFFFFFF00  }
0xc2: {  	[bflag:$0x0] =	sbarrier.arrive $0xFFFF  }
0xc3: {  	[tilespmem:s8], [sflag:$0x1] =	stream.linear.gather [spmem:s1], $0x1000, $0x38;
	[tilespmem:$0x14400] =	vst v63  }
0xc4: {  	_ =	swait.ge [sflag:s7], $0x1000  }
0xc5: {  	[sflag:s7] =	ssyncset.done $0x0  }
0xc6: {  	s13 =	simm.s32 $0x0;
	[sflag:s7] =	ssyncadd.s32 $0xFFFFF000  }
0xc7: {  	s22 =	sand.u32 $0xF0, s13;
	[bflag:$0x0] =	sbarrier.arrive $0xFFFF  }
0xc8: {  	s23 =	sadd.s32 $0x12080, s22;
	v5 =	vld [tilespmem:s22+$0x12080]  }
0xc9: {  	v6 =	vld [tilespmem:s23+$0x100]  }
0xca: {  	v7 =	vld [tilespmem:s23+$0x200]  }
0xcb: {  	v8 =	vld [tilespmem:s23+$0x300]  }
0xcc: {  	v9 =	vld [tilespmem:s23+$0x400]  }
0xcd: {  	v10 =	vld [tilespmem:s23+$0x500]  }
0xce: {  	v5 =	vadd.s32 v5, v6;
	v6 =	vld [tilespmem:s23+$0x600]  }
0xcf: {  	v5 =	vadd.s32 v5, v7;
	v7 =	vld [tilespmem:s23+$0x700]  }
0xd0: {  	v5 =	vadd.s32 v5, v8;
	v8 =	vld [tilespmem:s23+$0x800]  }
0xd1: {  	v5 =	vadd.s32 v5, v9;
	v9 =	vld [tilespmem:s23+$0x900]  }
0xd2: {  	v5 =	vadd.s32 v5, v10;
	v10 =	vld [tilespmem:s23+$0xA00]  }
0xd3: {  	v5 =	vadd.s32 v5, v6;
	v6 =	vld [tilespmem:s23+$0xB00]  }
0xd4: {  	v5 =	vadd.s32 v5, v7;
	v7 =	vld [tilespmem:s23+$0xC00]  }
0xd5: {  	v5 =	vadd.s32 v5, v8;
	v8 =	vld [tilespmem:s23+$0xD00]  }
0xd6: {  	v5 =	vadd.s32 v5, v9;
	v9 =	vld [tilespmem:s23+$0xE00]  }
0xd7: {  	v5 =	vadd.s32 v5, v10;
	v10 =	vld [tilespmem:s23+$0xF00]  }
0xd8: {  	s24 =	simm.s32 $0x10;
	v5 =	vadd.s32 v5, v6  }
0xd9: {  	s12 =	sand.u32 $0xF0, s24;
	v5 =	vadd.s32 v5, v7  }
0xda: {  	s25 =	sadd.s32 $0x12080, s12;
	v6 =	vld [tilespmem:s12+$0x12080];
	v5 =	vadd.s32 v5, v8  }
0xdb: {  	v7 =	vld [tilespmem:s25+$0x100];
	v5 =	vadd.s32 v5, v9  }
0xdc: {  	v8 =	vld [tilespmem:s25+$0x200];
	v5 =	vadd.s32 v5, v10  }
0xdd: {  	v9 =	vld [tilespmem:s25+$0x300];
	(v2sf) =	vpush v5, $0x0  }
0xde: {  	v10 =	vld [tilespmem:s25+$0x400]  }
0xdf: {  	v11 =	vld [tilespmem:s25+$0x500];
	(v2sf) =	vpush v5, $0x1  }
0xe0: {  	v6 =	vadd.s32 v6, v7;
	v7 =	vld [tilespmem:s25+$0x600];
	(v2sf) =	vpush v5, $0x2  }
0xe1: {  	v6 =	vadd.s32 v6, v8;
	v8 =	vld [tilespmem:s25+$0x700];
	(v2sf) =	vpush v5, $0x3  }
0xe2: {  	v6 =	vadd.s32 v6, v9;
	v9 =	vld [tilespmem:s25+$0x800];
	(v2sf) =	vpush v5, $0x4  }
0xe3: {  	v6 =	vadd.s32 v6, v10;
	v10 =	vld [tilespmem:s25+$0x900];
	(v2sf) =	vpush v5, $0x5  }
0xe4: {  	v6 =	vadd.s32 v6, v11;
	v11 =	vld [tilespmem:s25+$0xA00];
	(v2sf) =	vpush v5, $0x6  }
0xe5: {  	v6 =	vadd.s32 v6, v7;
	v7 =	vld [tilespmem:s25+$0xB00];
	(v2sf) =	vpush v5, $0x7  }
0xe6: {  	v6 =	vadd.s32 v6, v8;
	v8 =	vld [tilespmem:s25+$0xC00];
	(v2sf) =	vpush v5, $0x8  }
0xe7: {  	v6 =	vadd.s32 v6, v9;
	v9 =	vld [tilespmem:s25+$0xD00];
	(v2sf) =	vpush v5, $0x9  }
0xe8: {  	s26 =	simm.s32 $0x20;
	v6 =	vadd.s32 v6, v10;
	v10 =	vld [tilespmem:s25+$0xE00];
	(v2sf) =	vpush v5, $0xA  }
0xe9: {  	s28 =	sand.u32 $0xF0, s26;
	v6 =	vadd.s32 v6, v11;
	v11 =	vld [tilespmem:s25+$0xF00];
	(v2sf) =	vpush v5, $0xB  }
0xea: {  	s12 =	sadd.s32 $0x12080, s28;
	v6 =	vadd.s32 v6, v7;
	v7 =	vld [tilespmem:s28+$0x12080];
	(v2sf) =	vpush v5, $0xC  }
0xeb: {  	v6 =	vadd.s32 v6, v8;
	v8 =	vld [tilespmem:s12+$0x100];
	(v2sf) =	vpush v5, $0xD  }
0xec: {  	v6 =	vadd.s32 v6, v9;
	v9 =	vld [tilespmem:s12+$0x200];
	(v2sf) =	vpush v5, $0xE;
	s29 =	spop (v2sf)  }
0xed: {  	v6 =	vadd.s32 v6, v10;
	v10 =	vld [tilespmem:s12+$0x300];
	(v2sf) =	vpush v5, $0xF;
	[smem:$0x0] =	sst s29  }
0xee: {  	v5 =	vadd.s32 v6, v11;
	s14 =	spop (v2sf)  }
0xef: {  	v11 =	vld [tilespmem:s12+$0x400];
	(v2sf) =	vpush v5, $0x0;
	[smem:$0x1] =	sst s14  }
0xf0: {  	s14 =	spop (v2sf)  }
0xf1: {  	v12 =	vld [tilespmem:s12+$0x500];
	(v2sf) =	vpush v5, $0x1;
	[smem:$0x2] =	sst s14  }
0xf2: {  	s14 =	spop (v2sf)  }
0xf3: {  	v13 =	vld [tilespmem:s12+$0x600];
	(v2sf) =	vpush v5, $0x2;
	[smem:$0x3] =	sst s14  }
0xf4: {  	s14 =	spop (v2sf)  }
0xf5: {  	v14 =	vld [tilespmem:s12+$0x700];
	(v2sf) =	vpush v5, $0x3;
	[smem:$0x4] =	sst s14  }
0xf6: {  	s14 =	spop (v2sf)  }
0xf7: {  	v15 =	vld [tilespmem:s12+$0x800];
	(v2sf) =	vpush v5, $0x4;
	[smem:$0x5] =	sst s14  }
0xf8: {  	s14 =	spop (v2sf)  }
0xf9: {  	v16 =	vld [tilespmem:s12+$0x900];
	(v2sf) =	vpush v5, $0x5;
	[smem:$0x6] =	sst s14  }
0xfa: {  	s14 =	spop (v2sf)  }
0xfb: {  	v17 =	vld [tilespmem:s12+$0xA00];
	(v2sf) =	vpush v5, $0x6;
	[smem:$0x7] =	sst s14  }
0xfc: {  	s14 =	simm.s32 $0x8;
	s15 =	spop (v2sf)  }
0xfd: {  	v18 =	vld [tilespmem:s12+$0xB00];
	(v2sf) =	vpush v5, $0x7;
	[smem:s14] =	sst s15;
	s30 =	spop (v2sf)  }
0xfe: {  	v6 =	vadd.s32 v7, v8;
	v19 =	vld [tilespmem:s12+$0xC00];
	(v2sf) =	vpush v5, $0x8;
	[smem:$0x9] =	sst s30  }
0xff: {  	v7 =	vadd.s32 v6, v9;
	s15 =	spop (v2sf)  }
0x100: {  	v7 =	vadd.s32 v7, v10;
	v6 =	vld [tilespmem:s12+$0xD00];
	(v2sf) =	vpush v5, $0x9;
	[smem:$0xA] =	sst s15  }
0x101: {  	v8 =	vadd.s32 v7, v11;
	s15 =	spop (v2sf)  }
0x102: {  	v8 =	vadd.s32 v8, v12;
	v7 =	vld [tilespmem:s12+$0xE00];
	(v2sf) =	vpush v5, $0xA;
	[smem:$0xB] =	sst s15  }
0x103: {  	v9 =	vadd.s32 v8, v13;
	s15 =	spop (v2sf)  }
0x104: {  	v9 =	vadd.s32 v9, v14;
	v8 =	vld [tilespmem:s12+$0xF00];
	(v2sf) =	vpush v5, $0xB;
	[smem:$0xC] =	sst s15  }
0x105: {  	v9 =	vadd.s32 v9, v15;
	s15 =	spop (v2sf)  }
0x106: {  	s31 =	simm.s32 $0x30;
	v9 =	vadd.s32 v9, v16;
	(v2sf) =	vpush v5, $0xC;
	[smem:$0xD] =	sst s15  }
0x107: {  	v10 =	vadd.s32 v9, v17;
	s12 =	sand.u32 $0xF0, s31;
	s15 =	spop (v2sf)  }
0x108: {  	v10 =	vadd.s32 v10, v18;
	v9 =	vld [tilespmem:s12+$0x12080];
	(v2sf) =	vpush v5, $0xD;
	[smem:$0xE] =	sst s15  }
0x109: {  	s17 =	simm.s32 $0x40;
	v10 =	vadd.s32 v10, v19;
	s12 =	sadd.s32 $0x12080, s12;
	s16 =	spop (v2sf)  }
.LBB2_8:
0x10a: {  	[smem:s14+$0x7] =	sst s16  }
0x10b: {  	v11 =	vld [tilespmem:s12+$0x100];
	v6 =	vadd.s32 v10, v6;
	(v2sf) =	vpush v5, $0xE;
	s14 =	sadd.s32 $0x10, s14;
	s16 =	smov.u32 s17;
	s15 =	sadd.s32 $0x10, s17  }
0x10c: {  	p1 =	sne.s32 s17, $0xF0;
	v10 =	vld [tilespmem:s12+$0x200];
	v6 =	vadd.s32 v6, v7;
	s17 =	spop (v2sf);
	(v2sf) =	vpush v5, $0xF  }
0x10d: {  	v7 =	vld [tilespmem:s12+$0x300];
	v5 =	vadd.s32 v6, v8;
	[smem:s14+$0xFFFFFFF8] =	sst s17;
	s17 =	spop (v2sf)  }
0x10e: {  	v6 =	vld [tilespmem:s12+$0x400];
	(v2sf) =	vpush v5, $0x0;
	[smem:s14+$0xFFFFFFF9] =	sst s17;
	s17 =	spop (v2sf)  }
0x10f: {  	v8 =	vld [tilespmem:s12+$0x500];
	(v2sf) =	vpush v5, $0x1;
	[smem:s14+$0xFFFFFFFA] =	sst s17;
	s17 =	spop (v2sf)  }
0x110: {  	v9 =	vadd.s32 v9, v11;
	v11 =	vld [tilespmem:s12+$0x600];
	(v2sf) =	vpush v5, $0x2;
	[smem:s14+$0xFFFFFFFB] =	sst s17;
	s17 =	spop (v2sf)  }
0x111: {  	v9 =	vadd.s32 v9, v10;
	v10 =	vld [tilespmem:s12+$0x700];
	(v2sf) =	vpush v5, $0x3;
	[smem:s14+$0xFFFFFFFC] =	sst s17;
	s17 =	spop (v2sf)  }
0x112: {  	v7 =	vadd.s32 v9, v7;
	v9 =	vld [tilespmem:s12+$0x800];
	(v2sf) =	vpush v5, $0x4;
	[smem:s14+$0xFFFFFFFD] =	sst s17;
	s17 =	spop (v2sf)  }
0x113: {  	v6 =	vadd.s32 v7, v6;
	v7 =	vld [tilespmem:s12+$0x900];
	(v2sf) =	vpush v5, $0x5;
	[smem:s14+$0xFFFFFFFE] =	sst s17;
	s17 =	spop (v2sf)  }
0x114: {  	v6 =	vadd.s32 v6, v8;
	v8 =	vld [tilespmem:s12+$0xA00];
	(v2sf) =	vpush v5, $0x6;
	[smem:s14+$0xFFFFFFFF] =	sst s17;
	s17 =	spop (v2sf)  }
0x115: {  	v6 =	vadd.s32 v6, v11;
	v11 =	vld [tilespmem:s12+$0xB00];
	(v2sf) =	vpush v5, $0x7;
	[smem:s14] =	sst s17;
	s17 =	spop (v2sf)  }
0x116: {  	v6 =	vadd.s32 v6, v10;
	v10 =	vld [tilespmem:s12+$0xC00];
	(v2sf) =	vpush v5, $0x8;
	[smem:s14+$0x1] =	sst s17;
	s17 =	spop (v2sf)  }
0x117: {  	[smem:s14+$0x2] =	sst s17  }
.Ltmp3:
0x118: {  	v9 =	vadd.s32 v6, v9;
	v6 =	vld [tilespmem:s12+$0xD00];
	(v2sf) =	vpush v5, $0x9;
	s17 =	spop (v2sf);
	(pc) =	sbr.rel @p1 .LBB2_8-.Ltmp3, $4  }
0x119: {  	v9 =	vadd.s32 v9, v7;
	v7 =	vld [tilespmem:s12+$0xE00];
	(v2sf) =	vpush v5, $0xA;
	[smem:s14+$0x3] =	sst s17;
	s17 =	spop (v2sf)  }
0x11a: {  	s16 =	sand.u32 $0xF0, s16;
	v9 =	vadd.s32 v9, v8;
	v8 =	vld [tilespmem:s12+$0xF00];
	(v2sf) =	vpush v5, $0xB;
	[smem:s14+$0x4] =	sst s17;
	s12 =	spop (v2sf)  }
0x11b: {  	v11 =	vadd.s32 v9, v11;
	(v2sf) =	vpush v5, $0xC;
	[smem:s14+$0x5] =	sst s12;
	s17 =	spop (v2sf);
	s12 =	sadd.s32 $0x12080, s16  }
0x11c: {  	v9 =	vld [tilespmem:s16+$0x12080];
	v10 =	vadd.s32 v11, v10;
	(v2sf) =	vpush v5, $0xD;
	[smem:s14+$0x6] =	sst s17;
	s16 =	spop (v2sf);
	s17 =	smov.u32 s15  }
0x11d: {  	v11 =	vld [tilespmem:s12+$0x100]  }
0x11e: {  	v6 =	vadd.s32 v10, v6;
	v54 =	vld [tilespmem:s12+$0x200]  }
0x11f: {  	(v2sf) =	vpush v5, $0xE;
	v6 =	vadd.s32 v6, v7;
	v7 =	vld [tilespmem:s12+$0x300]  }
0x120: {  	[smem:s14+$0x7] =	sst s16;
	s14 =	sadd.s32 $0x10, s14;
	s15 =	spop (v2sf);
	(v2sf) =	vpush v5, $0xF;
	v5 =	vadd.s32 v6, v8;
	v6 =	vld [tilespmem:s12+$0x400]  }
0x121: {  	v55 =	vld [tilespmem:s12+$0x500];
	[smem:s14+$0xFFFFFFF8] =	sst s15;
	s16 =	spop (v2sf);
	(v2sf) =	vpush v5, $0x0  }
0x122: {  	v56 =	vld [tilespmem:s12+$0x600];
	[smem:s14+$0xFFFFFFF9] =	sst s16;
	s17 =	spop (v2sf);
	(v2sf) =	vpush v5, $0x1;
	v9 =	vadd.s32 v9, v11  }
0x123: {  	v57 =	vld [tilespmem:s12+$0x700];
	[smem:s14+$0xFFFFFFFA] =	sst s17;
	s18 =	spop (v2sf);
	(v2sf) =	vpush v5, $0x2;
	v9 =	vadd.s32 v9, v54  }
0x124: {  	v58 =	vld [tilespmem:s12+$0x800];
	[smem:s14+$0xFFFFFFFB] =	sst s18;
	s19 =	spop (v2sf);
	(v2sf) =	vpush v5, $0x3;
	v7 =	vadd.s32 v9, v7  }
0x125: {  	[smem:s14+$0xFFFFFFFC] =	sst s19;
	s20 =	spop (v2sf);
	(v2sf) =	vpush v5, $0x4;
	v6 =	vadd.s32 v7, v6;
	v7 =	vld [tilespmem:s12+$0x900]  }
0x126: {  	v59 =	vld [tilespmem:s12+$0xA00];
	[smem:s14+$0xFFFFFFFD] =	sst s20;
	s21 =	spop (v2sf);
	(v2sf) =	vpush v5, $0x5;
	v6 =	vadd.s32 v6, v55  }
0x127: {  	v60 =	vld [tilespmem:s12+$0xB00];
	[smem:s14+$0xFFFFFFFE] =	sst s21;
	s22 =	spop (v2sf);
	(v2sf) =	vpush v5, $0x6;
	v6 =	vadd.s32 v6, v56  }
0x128: {  	v61 =	vld [tilespmem:s12+$0xC00];
	[smem:s14+$0xFFFFFFFF] =	sst s22;
	s23 =	spop (v2sf);
	(v2sf) =	vpush v5, $0x7;
	v6 =	vadd.s32 v6, v57  }
0x129: {  	v62 =	vld [tilespmem:s12+$0xD00];
	[smem:s14] =	sst s23;
	s24 =	spop (v2sf);
	(v2sf) =	vpush v5, $0x8;
	v6 =	vadd.s32 v6, v58  }
0x12a: {  	[smem:s14+$0x1] =	sst s24;
	s25 =	spop (v2sf);
	(v2sf) =	vpush v5, $0x9;
	v6 =	vadd.s32 v6, v7;
	v7 =	vld [tilespmem:s12+$0xE00]  }
0x12b: {  	v63 =	vld [tilespmem:s12+$0xF00];
	[smem:s14+$0x2] =	sst s25;
	s26 =	spop (v2sf);
	(v2sf) =	vpush v5, $0xA;
	v6 =	vadd.s32 v6, v59  }
0x12c: {  	[smem:s14+$0x3] =	sst s26;
	s28 =	spop (v2sf);
	(v2sf) =	vpush v5, $0xB;
	v6 =	vadd.s32 v6, v60  }
0x12d: {  	[smem:s14+$0x4] =	sst s28;
	s29 =	spop (v2sf);
	(v2sf) =	vpush v5, $0xC;
	v6 =	vadd.s32 v6, v61  }
0x12e: {  	[smem:s14+$0x5] =	sst s29;
	s30 =	spop (v2sf);
	(v2sf) =	vpush v5, $0xD;
	v6 =	vadd.s32 v6, v62  }
0x12f: {  	[smem:s14+$0x6] =	sst s30;
	s31 =	spop (v2sf);
	(v2sf) =	vpush v5, $0xE;
	v6 =	vadd.s32 v6, v7  }
0x130: {  	s12 =	sadd.s32 $0x10, s14;
	[smem:s14+$0x7] =	sst s31;
	s15 =	spop (v2sf);
	(v2sf) =	vpush v5, $0xF;
	v5 =	vadd.s32 v6, v63  }
0x131: {  	[smem:s12+$0xFFFFFFF8] =	sst s15;
	s16 =	spop (v2sf);
	(v2sf) =	vpush v5, $0x0  }
0x132: {  	[smem:s12+$0xFFFFFFF9] =	sst s16;
	s17 =	spop (v2sf);
	(v2sf) =	vpush v5, $0x1  }
0x133: {  	[smem:s12+$0xFFFFFFFA] =	sst s17;
	s18 =	spop (v2sf);
	(v2sf) =	vpush v5, $0x2  }
0x134: {  	[smem:s12+$0xFFFFFFFB] =	sst s18;
	s19 =	spop (v2sf);
	(v2sf) =	vpush v5, $0x3  }
0x135: {  	[smem:s12+$0xFFFFFFFC] =	sst s19;
	s20 =	spop (v2sf);
	(v2sf) =	vpush v5, $0x4  }
0x136: {  	[smem:s12+$0xFFFFFFFD] =	sst s20;
	s21 =	spop (v2sf);
	(v2sf) =	vpush v5, $0x5  }
0x137: {  	[smem:s12+$0xFFFFFFFE] =	sst s21;
	s22 =	spop (v2sf);
	(v2sf) =	vpush v5, $0x6  }
0x138: {  	[smem:s12+$0xFFFFFFFF] =	sst s22;
	s23 =	spop (v2sf);
	(v2sf) =	vpush v5, $0x7  }
0x139: {  	[smem:s12] =	sst s23;
	s24 =	spop (v2sf);
	(v2sf) =	vpush v5, $0x8  }
0x13a: {  	[smem:s12+$0x1] =	sst s24;
	s25 =	spop (v2sf);
	(v2sf) =	vpush v5, $0x9  }
0x13b: {  	[smem:s12+$0x2] =	sst s25;
	s26 =	spop (v2sf);
	(v2sf) =	vpush v5, $0xA  }
0x13c: {  	[smem:s12+$0x3] =	sst s26;
	s28 =	spop (v2sf);
	(v2sf) =	vpush v5, $0xB  }
0x13d: {  	[smem:s12+$0x4] =	sst s28;
	s29 =	spop (v2sf);
	(v2sf) =	vpush v5, $0xC  }
0x13e: {  	[smem:s12+$0x5] =	sst s29;
	s30 =	spop (v2sf);
	(v2sf) =	vpush v5, $0xD  }
0x13f: {  	[smem:s12+$0x6] =	sst s30;
	s31 =	spop (v2sf);
	(v2sf) =	vpush v5, $0xE  }
0x140: {  	[smem:s12+$0x7] =	sst s31;
	s12 =	sadd.s32 $0x10, s12;
	s15 =	spop (v2sf);
	(v2sf) =	vpush v5, $0xF  }
0x141: {  	[smem:s12+$0xFFFFFFF8] =	sst s15;
	s16 =	spop (v2sf)  }
0x142: {  	[smem:s12+$0xFFFFFFF9] =	sst s16;
	s17 =	spop (v2sf)  }
0x143: {  	[smem:s12+$0xFFFFFFFA] =	sst s17;
	s18 =	spop (v2sf)  }
0x144: {  	[smem:s12+$0xFFFFFFFB] =	sst s18;
	s19 =	spop (v2sf)  }
0x145: {  	[smem:s12+$0xFFFFFFFC] =	sst s19;
	s20 =	spop (v2sf)  }
0x146: {  	[smem:s12+$0xFFFFFFFD] =	sst s20;
	s21 =	spop (v2sf)  }
0x147: {  	[smem:s12+$0xFFFFFFFE] =	sst s21;
	s22 =	spop (v2sf)  }
0x148: {  	[smem:s12+$0xFFFFFFFF] =	sst s22;
	s23 =	spop (v2sf)  }
0x149: {  	[smem:s12] =	sst s23;
	s24 =	spop (v2sf)  }
0x14a: {  	[smem:s12+$0x1] =	sst s24;
	s25 =	spop (v2sf)  }
0x14b: {  	[smem:s12+$0x2] =	sst s25;
	s26 =	spop (v2sf)  }
0x14c: {  	[smem:s12+$0x3] =	sst s26;
	s28 =	spop (v2sf)  }
0x14d: {  	[smem:s12+$0x4] =	sst s28;
	s29 =	spop (v2sf)  }
0x14e: {  	[smem:s12+$0x5] =	sst s29;
	s30 =	spop (v2sf)  }
0x14f: {  	[smem:s12+$0x6] =	sst s30;
	s31 =	spop (v2sf)  }
0x150: {  	[smem:s12+$0x7] =	sst s31  }
0x151: {  	s14 =	sld [smem:$0xFF];
	_ =	sdelay $0x2  }
0x152: {  	p2 =	por $0x1, $0x1;
	s16 =	simm.s32 $0xFE;
	s15 =	sadd.s32 $0x0, s14  }
0x153: {  	s17 =	simm.s32 $0xFF;
	s19 =	simm.s32 $0x2B333;
	p1 =	sgt.s32 s15, $0x2B332  }
0x154: {  	s20 =	simm.s32 $0xFE;
	s12 =	simm.s32 $0xFFFFFFFF;
	p1 =	por !p2, !p1  }
0x155: {  	s18 =	sld [smem:$0xFE];
	s14 =	simm.s32 $0xFD;
	p1 =	por !p1, !p1  }
.LBB2_10:
0x156: {  	p2 =	sne.s32 s14, $0x0;
	s12 =	smov.u32 @p1 s17;
	s13 =	smov.u32 @p1 s19  }
0x157: {  	s17 =	smov.u32 s16;
	s16 =	smov.u32 s14;
	s19 =	smov.u32 s15  }
.Ltmp4:
0x158: {  	s14 =	sadd.s32 $0xFFFFFFFF, s14;
	(pc) =	sbr.rel @p2 .LBB2_10-.Ltmp4, $4  }
0x159: {  	s15 =	sadd.s32 s15, s18  }
0x15a: {  	p3 =	slt.s32 s12, $0x0;
	p1 =	sgt.s32 s15, $0x2B332  }
0x15b: {  	s20 =	sadd.s32 $0xFFFFFFFF, s20;
	p1 =	por !p3, !p1  }
0x15c: {  	s19 =	ssub.s32 $0x2B333, s19;
	s18 =	sld [smem:s20+$0x0];
	p1 =	por !p1, !p1  }
0x15d: {  	s20 =	simm.s32 $0x120C0  }
0x15e: {  	s14 =	simm.s32 $0x13140;
	[tilespmem:s20+$0xFFFFFFC0] =	vst v2  }
0x15f: {  	[tilespmem:s14+$0xFFFFFFC0] =	vst v2  }
0x160: {  	[tilespmem:s20+$0xFFFFFFD0] =	vst v2  }
0x161: {  	[tilespmem:s14+$0xFFFFFFD0] =	vst v2  }
0x162: {  	[tilespmem:s20+$0xFFFFFFE0] =	vst v2  }
0x163: {  	[tilespmem:s14+$0xFFFFFFE0] =	vst v2  }
0x164: {  	[tilespmem:s20+$0xFFFFFFF0] =	vst v2  }
0x165: {  	[tilespmem:s14+$0xFFFFFFF0] =	vst v2  }
0x166: {  	[tilespmem:s20+$0x0] =	vst v2  }
0x167: {  	[tilespmem:s14+$0x0] =	vst v2  }
0x168: {  	s12 =	smov.u32 @p1 s17;
	s31 =	sadd.s32 s15, s18;
	[tilespmem:s20+$0x10] =	vst v2  }
0x169: {  	p3 =	slt.s32 s12, $0x0;
	p2 =	sgt.s32 s31, $0x2B332;
	[tilespmem:s14+$0x10] =	vst v2  }
0x16a: {  	p2 =	por !p3, !p2;
	[tilespmem:s20+$0x20] =	vst v2  }
0x16b: {  	p2 =	por !p2, !p2;
	[tilespmem:s14+$0x20] =	vst v2  }
0x16c: {  	s13 =	smov.u32 @p1 s19;
	s15 =	ssub.s32 $0x2B333, s15;
	s12 =	smov.u32 @p2 s16;
	[tilespmem:s20+$0x30] =	vst v2  }
0x16d: {  	s13 =	smov.u32 @p2 s15;
	s15 =	simm.s32 $0x0;
	s16 =	simm.s32 $0x12140;
	[tilespmem:s14+$0x30] =	vst v2  }
.LBB2_12:
0x16e: {  	[tilespmem:s16+$0xFFFFFFC0] =	vst v2;
	s14 =	sadd.s32 $0x80, s14  }
0x16f: {  	[tilespmem:s14+$0xFFFFFFC0] =	vst v2  }
0x170: {  	[tilespmem:s16+$0xFFFFFFD0] =	vst v2  }
0x171: {  	[tilespmem:s14+$0xFFFFFFD0] =	vst v2  }
0x172: {  	[tilespmem:s16+$0xFFFFFFE0] =	vst v2  }
0x173: {  	[tilespmem:s14+$0xFFFFFFE0] =	vst v2  }
0x174: {  	[tilespmem:s16+$0xFFFFFFF0] =	vst v2  }
0x175: {  	[tilespmem:s14+$0xFFFFFFF0] =	vst v2  }
0x176: {  	[tilespmem:s16+$0x0] =	vst v2  }
0x177: {  	s15 =	sadd.s32 $0x8, s15;
	[tilespmem:s14+$0x0] =	vst v2  }
0x178: {  	p1 =	slt.u32 s15, $0xF8;
	[tilespmem:s16+$0x10] =	vst v2  }
.Ltmp5:
0x179: {  	[tilespmem:s14+$0x10] =	vst v2;
	(pc) =	sbr.rel @p1 .LBB2_12-.Ltmp5, $4  }
0x17a: {  	[tilespmem:s16+$0x20] =	vst v2  }
0x17b: {  	[tilespmem:s14+$0x20] =	vst v2  }
0x17c: {  	[tilespmem:s16+$0x30] =	vst v2  }
0x17d: {  	s16 =	sadd.s32 $0x80, s16;
	[tilespmem:s14+$0x30] =	vst v2  }
0x17e: {  	[tilespmem:$0x13080] =	vst v2  }
0x17f: {  	[tilespmem:$0x14100] =	vst v2  }
0x180: {  	[tilespmem:$0x13090] =	vst v2  }
0x181: {  	[tilespmem:$0x14110] =	vst v2;
	s15 =	simm.s32 $0x0  }
0x182: {  	v6 =	vld [tilespmem:s15+$0x0];
	_ =	sdelay $0x1  }
0x183: {  	s12 =	sshll.u32 s12, $0x18  }
0x184: {  	s14 =	sxor.u32 $0x80000000, s12  }
0x185: {  	s12 =	sshra.s32 s14, $0x18  }
0x186: {  	v5 =	vmov s12;
	v7 =	vshra.s32 v6, $0x18;
	v8 =	vshrl.u32 v6, $0x10  }
0x187: {  	vm0 =	veq.s32 v7, v5;
	v7 =	vand.u32 $0xFF, v8  }
0x188: {  	v7 =	vadd.s32 v1, v7;
	v8 =	vmpcnt.ones.xlane vm0;
	_ =	sdelay $0x1  }
0x189: {  	(v2sf) =	vpush v8, $0x0  }
0x18a: {  	s24 =	simm.s32 $0x0  }
0x18b: {  	[tilespmem:s24+$0x9000] =	vst.msk vm0, v6  }
0x18c: {  	[tilespmem:v7+s8+$0x0] =	vst.idx.add.s32.msk vm0, v4  }
0x18d: {  	v6 =	vld [tilespmem:s15+$0x10];
	_ =	sdelay $0x4  }
0x18e: {  	v7 =	vshra.s32 v6, $0x18  }
0x18f: {  	vm0 =	veq.s32 v7, v5  }
0x190: {  	v7 =	vshrl.u32 v6, $0x10;
	v8 =	vmpcnt.ones.xlane vm0  }
0x191: {  	v7 =	vand.u32 $0xFF, v7  }
0x192: {  	v7 =	vadd.s32 v1, v7;
	(v2sf) =	vpush v8, $0x0;
	_ =	sdelay $0x1  }
0x193: {  	s25 =	spop (v2sf)  }
0x194: {  	s12 =	sadd.s32 $0x0, s25  }
0x195: {  	[tilespmem:s12+$0x9000] =	vst.msk vm0, v6  }
0x196: {  	[tilespmem:v7+s9+$0x0] =	vst.idx.add.s32.msk vm0, v4  }
0x197: {  	v6 =	vld [tilespmem:s15+$0x20];
	_ =	sdelay $0x4  }
0x198: {  	v7 =	vshra.s32 v6, $0x18;
	v8 =	vshrl.u32 v6, $0x10  }
0x199: {  	vm0 =	veq.s32 v7, v5;
	v7 =	vand.u32 $0xFF, v8  }
0x19a: {  	v7 =	vadd.s32 v1, v7;
	v8 =	vmpcnt.ones.xlane vm0;
	_ =	sdelay $0x1  }
0x19b: {  	s16 =	spop (v2sf);
	(v2sf) =	vpush v8, $0x0  }
0x19c: {  	s12 =	sadd.s32 s12, s16  }
0x19d: {  	[tilespmem:s12+$0x9000] =	vst.msk vm0, v6  }
0x19e: {  	[tilespmem:v7+s8+$0x0] =	vst.idx.add.s32.msk vm0, v4  }
0x19f: {  	v6 =	vld [tilespmem:s15+$0x30];
	_ =	sdelay $0x4  }
0x1a0: {  	v7 =	vshra.s32 v6, $0x18  }
0x1a1: {  	vm0 =	veq.s32 v7, v5  }
0x1a2: {  	v7 =	vshrl.u32 v6, $0x10;
	v8 =	vmpcnt.ones.xlane vm0  }
0x1a3: {  	v7 =	vand.u32 $0xFF, v7  }
0x1a4: {  	v7 =	vadd.s32 v1, v7;
	(v2sf) =	vpush v8, $0x0;
	_ =	sdelay $0x1  }
0x1a5: {  	s26 =	spop (v2sf)  }
0x1a6: {  	s12 =	sadd.s32 s12, s26  }
0x1a7: {  	[tilespmem:s12+$0x9000] =	vst.msk vm0, v6  }
0x1a8: {  	[tilespmem:v7+s9+$0x0] =	vst.idx.add.s32.msk vm0, v4  }
0x1a9: {  	v6 =	vld [tilespmem:s15+$0x40];
	_ =	sdelay $0x4  }
0x1aa: {  	v7 =	vshra.s32 v6, $0x18;
	v8 =	vshrl.u32 v6, $0x10  }
0x1ab: {  	vm0 =	veq.s32 v7, v5;
	v7 =	vand.u32 $0xFF, v8  }
0x1ac: {  	v7 =	vadd.s32 v1, v7;
	v8 =	vmpcnt.ones.xlane vm0;
	_ =	sdelay $0x1  }
0x1ad: {  	s28 =	spop (v2sf);
	(v2sf) =	vpush v8, $0x0  }
0x1ae: {  	s12 =	sadd.s32 s12, s28  }
0x1af: {  	[tilespmem:s12+$0x9000] =	vst.msk vm0, v6  }
0x1b0: {  	[tilespmem:v7+s8+$0x0] =	vst.idx.add.s32.msk vm0, v4  }
0x1b1: {  	v6 =	vld [tilespmem:s15+$0x50];
	_ =	sdelay $0x4  }
0x1b2: {  	v7 =	vshra.s32 v6, $0x18  }
0x1b3: {  	vm0 =	veq.s32 v7, v5  }
0x1b4: {  	v7 =	vshrl.u32 v6, $0x10;
	v8 =	vmpcnt.ones.xlane vm0  }
0x1b5: {  	v7 =	vand.u32 $0xFF, v7  }
0x1b6: {  	v7 =	vadd.s32 v1, v7;
	(v2sf) =	vpush v8, $0x0;
	_ =	sdelay $0x1  }
0x1b7: {  	s29 =	spop (v2sf)  }
0x1b8: {  	s12 =	sadd.s32 s12, s29  }
0x1b9: {  	[tilespmem:s12+$0x9000] =	vst.msk vm0, v6  }
0x1ba: {  	[tilespmem:v7+s9+$0x0] =	vst.idx.add.s32.msk vm0, v4  }
0x1bb: {  	v6 =	vld [tilespmem:s15+$0x60];
	_ =	sdelay $0x4  }
0x1bc: {  	v7 =	vshra.s32 v6, $0x18;
	v8 =	vshrl.u32 v6, $0x10  }
0x1bd: {  	vm0 =	veq.s32 v7, v5;
	v7 =	vand.u32 $0xFF, v8  }
0x1be: {  	v7 =	vadd.s32 v1, v7;
	v8 =	vmpcnt.ones.xlane vm0;
	_ =	sdelay $0x1  }
0x1bf: {  	s30 =	spop (v2sf);
	(v2sf) =	vpush v8, $0x0  }
0x1c0: {  	s12 =	sadd.s32 s12, s30  }
0x1c1: {  	[tilespmem:s12+$0x9000] =	vst.msk vm0, v6  }
0x1c2: {  	[tilespmem:v7+s8+$0x0] =	vst.idx.add.s32.msk vm0, v4  }
0x1c3: {  	v6 =	vld [tilespmem:s15+$0x70];
	_ =	sdelay $0x4  }
0x1c4: {  	v7 =	vshra.s32 v6, $0x18  }
0x1c5: {  	vm0 =	veq.s32 v7, v5  }
0x1c6: {  	v7 =	vshrl.u32 v6, $0x10;
	v8 =	vmpcnt.ones.xlane vm0  }
0x1c7: {  	v7 =	vand.u32 $0xFF, v7  }
0x1c8: {  	v7 =	vadd.s32 v1, v7;
	(v2sf) =	vpush v8, $0x0;
	_ =	sdelay $0x1  }
0x1c9: {  	s31 =	spop (v2sf)  }
0x1ca: {  	s17 =	sadd.s32 s12, s31  }
0x1cb: {  	[tilespmem:s17+$0x9000] =	vst.msk vm0, v6  }
0x1cc: {  	s12 =	simm.s32 $0x80;
	[tilespmem:v7+s9+$0x0] =	vst.idx.add.s32.msk vm0, v4  }
0x1cd: {  	v6 =	vld [tilespmem:s12+$0x0];
	_ =	sdelay $0x4  }
0x1ce: {  	v7 =	vshra.s32 v6, $0x18  }
0x1cf: {  	vm0 =	veq.s32 v7, v5;
	v7 =	vshrl.u32 v6, $0x10  }
0x1d0: {  	v8 =	vmpcnt.ones.xlane vm0;
	v7 =	vand.u32 $0xFF, v7  }
0x1d1: {  	v7 =	vadd.s32 v1, v7  }
0x1d2: {  	s15 =	simm.s32 $0x400;
	(v2sf) =	vpush v8, $0x0;
	s16 =	spop (v2sf)  }
.LBB2_14:
0x1d3: {  	p1 =	sne.s32 s15, $0x23E00  }
0x1d4: {  	s17 =	sadd.s32 s17, s16;
	s16 =	smov.u32 s15;
	s15 =	sadd.s32 $0x200, s15  }
0x1d5: {  	[tilespmem:s17+$0x9000] =	vst.msk vm0, v6  }
0x1d6: {  	[tilespmem:v7+s8+$0x0] =	vst.idx.add.s32.msk vm0, v4  }
0x1d7: {  	v6 =	vld [tilespmem:s12+$0x10];
	_ =	sdelay $0x4  }
0x1d8: {  	v7 =	vshra.s32 v6, $0x18;
	v8 =	vshrl.u32 v6, $0x10  }
0x1d9: {  	vm0 =	veq.s32 v7, v5;
	v7 =	vand.u32 $0xFF, v8  }
0x1da: {  	v8 =	vmpcnt.ones.xlane vm0;
	_ =	sdelay $0x1  }
0x1db: {  	v7 =	vadd.s32 v1, v7;
	(v2sf) =	vpush v8, $0x0;
	_ =	sdelay $0x1  }
0x1dc: {  	s18 =	spop (v2sf)  }
0x1dd: {  	s17 =	sadd.s32 s17, s18  }
0x1de: {  	[tilespmem:s17+$0x9000] =	vst.msk vm0, v6  }
0x1df: {  	[tilespmem:v7+s9+$0x0] =	vst.idx.add.s32.msk vm0, v4  }
0x1e0: {  	v6 =	vld [tilespmem:s12+$0x20];
	_ =	sdelay $0x4  }
0x1e1: {  	v7 =	vshra.s32 v6, $0x18;
	v8 =	vshrl.u32 v6, $0x10  }
0x1e2: {  	vm0 =	veq.s32 v7, v5;
	v7 =	vand.u32 $0xFF, v8  }
0x1e3: {  	v7 =	vadd.s32 v1, v7;
	v8 =	vmpcnt.ones.xlane vm0;
	_ =	sdelay $0x1  }
0x1e4: {  	s18 =	spop (v2sf);
	(v2sf) =	vpush v8, $0x0  }
0x1e5: {  	s17 =	sadd.s32 s17, s18  }
0x1e6: {  	[tilespmem:s17+$0x9000] =	vst.msk vm0, v6  }
0x1e7: {  	[tilespmem:v7+s8+$0x0] =	vst.idx.add.s32.msk vm0, v4  }
0x1e8: {  	v6 =	vld [tilespmem:s12+$0x30];
	_ =	sdelay $0x4  }
0x1e9: {  	v7 =	vshra.s32 v6, $0x18;
	v8 =	vshrl.u32 v6, $0x10  }
0x1ea: {  	vm0 =	veq.s32 v7, v5;
	v7 =	vand.u32 $0xFF, v8  }
0x1eb: {  	v8 =	vmpcnt.ones.xlane vm0;
	_ =	sdelay $0x1  }
0x1ec: {  	v7 =	vadd.s32 v1, v7;
	(v2sf) =	vpush v8, $0x0;
	_ =	sdelay $0x1  }
0x1ed: {  	s18 =	spop (v2sf)  }
0x1ee: {  	s17 =	sadd.s32 s17, s18  }
0x1ef: {  	[tilespmem:s17+$0x9000] =	vst.msk vm0, v6  }
0x1f0: {  	[tilespmem:v7+s9+$0x0] =	vst.idx.add.s32.msk vm0, v4  }
0x1f1: {  	v6 =	vld [tilespmem:s12+$0x40];
	_ =	sdelay $0x4  }
0x1f2: {  	v7 =	vshra.s32 v6, $0x18;
	v8 =	vshrl.u32 v6, $0x10  }
0x1f3: {  	vm0 =	veq.s32 v7, v5;
	v7 =	vand.u32 $0xFF, v8  }
0x1f4: {  	v7 =	vadd.s32 v1, v7;
	v8 =	vmpcnt.ones.xlane vm0;
	_ =	sdelay $0x1  }
0x1f5: {  	s18 =	spop (v2sf);
	(v2sf) =	vpush v8, $0x0  }
0x1f6: {  	s17 =	sadd.s32 s17, s18  }
0x1f7: {  	[tilespmem:s17+$0x9000] =	vst.msk vm0, v6  }
0x1f8: {  	[tilespmem:v7+s8+$0x0] =	vst.idx.add.s32.msk vm0, v4  }
0x1f9: {  	v6 =	vld [tilespmem:s12+$0x50];
	_ =	sdelay $0x4  }
0x1fa: {  	v7 =	vshra.s32 v6, $0x18;
	v8 =	vshrl.u32 v6, $0x10  }
0x1fb: {  	vm0 =	veq.s32 v7, v5;
	v7 =	vand.u32 $0xFF, v8  }
0x1fc: {  	v8 =	vmpcnt.ones.xlane vm0;
	_ =	sdelay $0x1  }
0x1fd: {  	v7 =	vadd.s32 v1, v7;
	(v2sf) =	vpush v8, $0x0;
	_ =	sdelay $0x1  }
0x1fe: {  	s18 =	spop (v2sf)  }
0x1ff: {  	s17 =	sadd.s32 s17, s18  }
0x200: {  	[tilespmem:s17+$0x9000] =	vst.msk vm0, v6  }
0x201: {  	[tilespmem:v7+s9+$0x0] =	vst.idx.add.s32.msk vm0, v4  }
0x202: {  	v6 =	vld [tilespmem:s12+$0x60];
	_ =	sdelay $0x4  }
0x203: {  	v7 =	vshra.s32 v6, $0x18;
	v8 =	vshrl.u32 v6, $0x10  }
0x204: {  	vm0 =	veq.s32 v7, v5;
	v7 =	vand.u32 $0xFF, v8  }
0x205: {  	v7 =	vadd.s32 v1, v7;
	v8 =	vmpcnt.ones.xlane vm0;
	_ =	sdelay $0x1  }
0x206: {  	s18 =	spop (v2sf);
	(v2sf) =	vpush v8, $0x0  }
0x207: {  	s17 =	sadd.s32 s17, s18  }
0x208: {  	[tilespmem:s17+$0x9000] =	vst.msk vm0, v6  }
0x209: {  	[tilespmem:v7+s8+$0x0] =	vst.idx.add.s32.msk vm0, v4  }
0x20a: {  	v6 =	vld [tilespmem:s12+$0x70];
	_ =	sdelay $0x4  }
0x20b: {  	v7 =	vshra.s32 v6, $0x18;
	v8 =	vshrl.u32 v6, $0x10  }
0x20c: {  	vm0 =	veq.s32 v7, v5;
	v7 =	vand.u32 $0xFF, v8  }
0x20d: {  	v8 =	vmpcnt.ones.xlane vm0;
	_ =	sdelay $0x1  }
0x20e: {  	v7 =	vadd.s32 v1, v7;
	(v2sf) =	vpush v8, $0x0;
	_ =	sdelay $0x1  }
0x20f: {  	s12 =	spop (v2sf)  }
0x210: {  	s17 =	sadd.s32 s17, s12  }
0x211: {  	[tilespmem:s17+$0x9000] =	vst.msk vm0, v6  }
0x212: {  	s12 =	sshra.s32 s16, $0x2;
	[tilespmem:v7+s9+$0x0] =	vst.idx.add.s32.msk vm0, v4  }
0x213: {  	v6 =	vld [tilespmem:s12+$0x0];
	_ =	sdelay $0x4  }
.Ltmp6:
0x214: {  	v7 =	vshra.s32 v6, $0x18;
	v8 =	vshrl.u32 v6, $0x10;
	(pc) =	sbr.rel @p1 .LBB2_14-.Ltmp6, $3  }
0x215: {  	vm0 =	veq.s32 v7, v5;
	v7 =	vand.u32 $0xFF, v8  }
0x216: {  	v7 =	vadd.s32 v1, v7;
	v8 =	vmpcnt.ones.xlane vm0;
	_ =	sdelay $0x1  }
0x217: {  	(v2sf) =	vpush v8, $0x0;
	s16 =	spop (v2sf)  }
0x218: {  	_ =	sdelay $0x2  }
0x219: {  	s15 =	sadd.s32 s17, s16  }
0x21a: {  	[tilespmem:s15+$0x9000] =	vst.msk vm0, v6  }
0x21b: {  	[tilespmem:v7+s8+$0x0] =	vst.idx.add.s32.msk vm0, v4  }
0x21c: {  	v6 =	vld [tilespmem:s12+$0x10];
	_ =	sdelay $0x4  }
0x21d: {  	v7 =	vshra.s32 v6, $0x18;
	v8 =	vshrl.u32 v6, $0x10  }
0x21e: {  	vm9 =	veq.s32 v7, v5;
	v7 =	vand.u32 $0xFF, v8  }
0x21f: {  	v8 =	vmpcnt.ones.xlane vm9;
	v7 =	vadd.s32 v1, v7;
	_ =	sdelay $0x1  }
0x220: {  	(v2sf) =	vpush v8, $0x0;
	s23 =	spop (v2sf)  }
0x221: {  	s15 =	sadd.s32 s15, s23  }
0x222: {  	[tilespmem:s15+$0x9000] =	vst.msk vm9, v6  }
0x223: {  	[tilespmem:v7+s9+$0x0] =	vst.idx.add.s32.msk vm9, v4  }
0x224: {  	v6 =	vld [tilespmem:s12+$0x20];
	_ =	sdelay $0x4  }
0x225: {  	v7 =	vshra.s32 v6, $0x18  }
0x226: {  	vm10 =	veq.s32 v7, v5  }
0x227: {  	v7 =	vshrl.u32 v6, $0x10;
	v8 =	vmpcnt.ones.xlane vm10  }
0x228: {  	v7 =	vand.u32 $0xFF, v7  }
0x229: {  	v7 =	vadd.s32 v1, v7;
	(v2sf) =	vpush v8, $0x0;
	_ =	sdelay $0x1  }
0x22a: {  	s24 =	spop (v2sf)  }
0x22b: {  	s15 =	sadd.s32 s15, s24  }
0x22c: {  	[tilespmem:s15+$0x9000] =	vst.msk vm10, v6  }
0x22d: {  	[tilespmem:v7+s8+$0x0] =	vst.idx.add.s32.msk vm10, v4  }
0x22e: {  	v6 =	vld [tilespmem:s12+$0x30];
	_ =	sdelay $0x4  }
0x22f: {  	v7 =	vshra.s32 v6, $0x18;
	v8 =	vshrl.u32 v6, $0x10  }
0x230: {  	vm11 =	veq.s32 v7, v5;
	v7 =	vand.u32 $0xFF, v8  }
0x231: {  	v8 =	vmpcnt.ones.xlane vm11;
	v7 =	vadd.s32 v1, v7;
	_ =	sdelay $0x1  }
0x232: {  	(v2sf) =	vpush v8, $0x0;
	s25 =	spop (v2sf)  }
0x233: {  	s15 =	sadd.s32 s15, s25  }
0x234: {  	[tilespmem:s15+$0x9000] =	vst.msk vm11, v6  }
0x235: {  	[tilespmem:v7+s9+$0x0] =	vst.idx.add.s32.msk vm11, v4  }
0x236: {  	v6 =	vld [tilespmem:s12+$0x40];
	_ =	sdelay $0x4  }
0x237: {  	v7 =	vshra.s32 v6, $0x18  }
0x238: {  	vm12 =	veq.s32 v7, v5  }
0x239: {  	v7 =	vshrl.u32 v6, $0x10;
	v8 =	vmpcnt.ones.xlane vm12  }
0x23a: {  	v7 =	vand.u32 $0xFF, v7  }
0x23b: {  	v7 =	vadd.s32 v1, v7;
	(v2sf) =	vpush v8, $0x0;
	_ =	sdelay $0x1  }
0x23c: {  	s26 =	spop (v2sf)  }
0x23d: {  	s15 =	sadd.s32 s15, s26  }
0x23e: {  	[tilespmem:s15+$0x9000] =	vst.msk vm12, v6  }
0x23f: {  	[tilespmem:v7+s8+$0x0] =	vst.idx.add.s32.msk vm12, v4  }
0x240: {  	v6 =	vld [tilespmem:s12+$0x50];
	_ =	sdelay $0x4  }
0x241: {  	v7 =	vshra.s32 v6, $0x18;
	v8 =	vshrl.u32 v6, $0x10  }
0x242: {  	vm13 =	veq.s32 v7, v5;
	v7 =	vand.u32 $0xFF, v8  }
0x243: {  	v8 =	vmpcnt.ones.xlane vm13;
	v7 =	vadd.s32 v1, v7;
	_ =	sdelay $0x1  }
0x244: {  	(v2sf) =	vpush v8, $0x0;
	s28 =	spop (v2sf)  }
0x245: {  	s15 =	sadd.s32 s15, s28  }
0x246: {  	[tilespmem:s15+$0x9000] =	vst.msk vm13, v6  }
0x247: {  	[tilespmem:v7+s9+$0x0] =	vst.idx.add.s32.msk vm13, v4  }
0x248: {  	v6 =	vld [tilespmem:s12+$0x60];
	_ =	sdelay $0x4  }
0x249: {  	v7 =	vshra.s32 v6, $0x18  }
0x24a: {  	vm14 =	veq.s32 v7, v5  }
0x24b: {  	v7 =	vshrl.u32 v6, $0x10;
	v8 =	vmpcnt.ones.xlane vm14  }
0x24c: {  	v7 =	vand.u32 $0xFF, v7  }
0x24d: {  	v7 =	vadd.s32 v1, v7;
	(v2sf) =	vpush v8, $0x0;
	_ =	sdelay $0x1  }
0x24e: {  	s29 =	spop (v2sf)  }
0x24f: {  	s15 =	sadd.s32 s15, s29  }
0x250: {  	[tilespmem:s15+$0x9000] =	vst.msk vm14, v6  }
0x251: {  	[tilespmem:v7+s8+$0x0] =	vst.idx.add.s32.msk vm14, v4  }
0x252: {  	v6 =	vld [tilespmem:s12+$0x70];
	_ =	sdelay $0x4  }
0x253: {  	v7 =	vshra.s32 v6, $0x18;
	v8 =	vshrl.u32 v6, $0x10  }
0x254: {  	vm15 =	veq.s32 v7, v5;
	v5 =	vand.u32 $0xFF, v8  }
0x255: {  	v5 =	vadd.s32 v1, v5;
	_ =	sdelay $0x1  }
0x256: {  	s30 =	spop (v2sf)  }
0x257: {  	s15 =	sadd.s32 s15, s30  }
0x258: {  	[tilespmem:s15+$0x9000] =	vst.msk vm15, v6  }
0x259: {  	s12 =	simm.s32 $0x0;
	[tilespmem:v5+s9+$0x0] =	vst.idx.add.s32.msk vm15, v4  }
0x25a: {  	v5 =	vld [tilespmem:s12+$0x12080]  }
0x25b: {  	v6 =	vld [tilespmem:s12+$0x13100]  }
0x25c: {  	v7 =	vld [tilespmem:s12+$0x12181]  }
0x25d: {  	v8 =	vld [tilespmem:s12+$0x13201]  }
0x25e: {  	v9 =	vld [tilespmem:s12+$0x12282]  }
0x25f: {  	v10 =	vld [tilespmem:s12+$0x13302]  }
0x260: {  	v5 =	vadd.s32 v6, v5;
	v6 =	vld [tilespmem:s12+$0x12383]  }
0x261: {  	v5 =	vadd.s32 v5, v7;
	v7 =	vld [tilespmem:s12+$0x13403]  }
0x262: {  	v5 =	vadd.s32 v8, v5;
	v8 =	vld [tilespmem:s12+$0x12484]  }
0x263: {  	v5 =	vadd.s32 v5, v9;
	v9 =	vld [tilespmem:s12+$0x13504]  }
0x264: {  	v5 =	vadd.s32 v10, v5;
	v10 =	vld [tilespmem:s12+$0x12585]  }
0x265: {  	v5 =	vadd.s32 v5, v6;
	v6 =	vld [tilespmem:s12+$0x13605]  }
0x266: {  	v5 =	vadd.s32 v7, v5;
	v7 =	vld [tilespmem:s12+$0x12686]  }
0x267: {  	v5 =	vadd.s32 v5, v8;
	v8 =	vld [tilespmem:s12+$0x13706]  }
0x268: {  	v11 =	vmpcnt.ones.xlane vm15;
	v5 =	vadd.s32 v9, v5;
	v9 =	vld [tilespmem:s12+$0x12787]  }
0x269: {  	v5 =	vadd.s32 v5, v10;
	v10 =	vld [tilespmem:s12+$0x13807]  }
0x26a: {  	(v2sf) =	vpush v11, $0x0;
	v5 =	vadd.s32 v6, v5;
	v6 =	vld [tilespmem:s12+$0x12888]  }
0x26b: {  	v5 =	vadd.s32 v5, v7;
	v7 =	vld [tilespmem:s12+$0x13908]  }
0x26c: {  	v5 =	vadd.s32 v8, v5;
	v8 =	vld [tilespmem:s12+$0x12989]  }
0x26d: {  	v5 =	vadd.s32 v5, v9;
	v9 =	vld [tilespmem:s12+$0x13A09]  }
0x26e: {  	v5 =	vadd.s32 v10, v5;
	v10 =	vld [tilespmem:s12+$0x12A8A]  }
0x26f: {  	v5 =	vadd.s32 v5, v6;
	v6 =	vld [tilespmem:s12+$0x13B0A]  }
0x270: {  	v5 =	vadd.s32 v7, v5;
	v7 =	vld [tilespmem:s12+$0x12B8B]  }
0x271: {  	v5 =	vadd.s32 v5, v8;
	v8 =	vld [tilespmem:s12+$0x13C0B]  }
0x272: {  	v5 =	vadd.s32 v9, v5;
	v9 =	vld [tilespmem:s12+$0x12C8C]  }
0x273: {  	v5 =	vadd.s32 v5, v10;
	v10 =	vld [tilespmem:s12+$0x13D0C]  }
0x274: {  	v11 =	vld [tilespmem:s12+$0x12D8D];
	v5 =	vadd.s32 v6, v5  }
0x275: {  	v12 =	vld [tilespmem:s12+$0x13E0D];
	v5 =	vadd.s32 v5, v7  }
0x276: {  	v6 =	vld [tilespmem:s12+$0x12E8E];
	v5 =	vadd.s32 v8, v5  }
0x277: {  	v7 =	vld [tilespmem:s12+$0x13F0E];
	v5 =	vadd.s32 v5, v9  }
0x278: {  	v8 =	vld [tilespmem:s12+$0x12F8F];
	v5 =	vadd.s32 v10, v5  }
0x279: {  	s17 =	simm.s32 $0x10;
	s31 =	spop (v2sf);
	v9 =	vld [tilespmem:s12+$0x1400F];
	v10 =	vadd.s32 v5, v11  }
0x27a: {  	s16 =	sadd.s32 s15, s31;
	s15 =	simm.s32 $0x80;
	v5 =	vld [tilespmem:s17+$0x12080];
	v10 =	vadd.s32 v12, v10  }
.LBB2_16:
0x27b: {  	p1 =	sne.s32 s15, $0x3C0;
	v11 =	vld [tilespmem:s17+$0x13100];
	v6 =	vadd.s32 v10, v6  }
0x27c: {  	v10 =	vld [tilespmem:s17+$0x12181];
	v6 =	vadd.s32 v7, v6  }
0x27d: {  	v7 =	vld [tilespmem:s17+$0x13201];
	v6 =	vadd.s32 v6, v8  }
0x27e: {  	v8 =	vld [tilespmem:s17+$0x12282];
	v6 =	vadd.s32 v9, v6  }
0x27f: {  	v9 =	vld [tilespmem:s17+$0x13302];
	[tilespmem:s12+$0x14180] =	vst v6;
	s12 =	smov.u32 s17  }
0x280: {  	v5 =	vadd.s32 v11, v5;
	v6 =	vld [tilespmem:s12+$0x12383]  }
0x281: {  	v5 =	vadd.s32 v5, v10;
	v10 =	vld [tilespmem:s12+$0x13403]  }
0x282: {  	v5 =	vadd.s32 v7, v5;
	v7 =	vld [tilespmem:s12+$0x12484]  }
0x283: {  	v5 =	vadd.s32 v5, v8;
	v8 =	vld [tilespmem:s12+$0x13504]  }
0x284: {  	v5 =	vadd.s32 v9, v5;
	v9 =	vld [tilespmem:s12+$0x12585]  }
0x285: {  	v5 =	vadd.s32 v5, v6;
	v6 =	vld [tilespmem:s12+$0x13605]  }
0x286: {  	v5 =	vadd.s32 v10, v5;
	v10 =	vld [tilespmem:s12+$0x12686]  }
0x287: {  	v5 =	vadd.s32 v5, v7;
	v7 =	vld [tilespmem:s12+$0x13706]  }
0x288: {  	v5 =	vadd.s32 v8, v5;
	v8 =	vld [tilespmem:s12+$0x12787]  }
0x289: {  	v5 =	vadd.s32 v5, v9;
	v9 =	vld [tilespmem:s12+$0x13807]  }
0x28a: {  	v5 =	vadd.s32 v6, v5;
	v6 =	vld [tilespmem:s12+$0x12888]  }
0x28b: {  	v5 =	vadd.s32 v5, v10;
	v10 =	vld [tilespmem:s12+$0x13908]  }
0x28c: {  	v5 =	vadd.s32 v7, v5;
	v7 =	vld [tilespmem:s12+$0x12989]  }
0x28d: {  	v5 =	vadd.s32 v5, v8;
	v8 =	vld [tilespmem:s12+$0x13A09]  }
0x28e: {  	v5 =	vadd.s32 v9, v5;
	v9 =	vld [tilespmem:s12+$0x12A8A]  }
0x28f: {  	v5 =	vadd.s32 v5, v6;
	v6 =	vld [tilespmem:s12+$0x13B0A]  }
0x290: {  	v5 =	vadd.s32 v10, v5;
	v10 =	vld [tilespmem:s12+$0x12B8B]  }
0x291: {  	v5 =	vadd.s32 v5, v7;
	v7 =	vld [tilespmem:s12+$0x13C0B]  }
0x292: {  	v5 =	vadd.s32 v8, v5;
	v8 =	vld [tilespmem:s12+$0x12C8C]  }
0x293: {  	v5 =	vadd.s32 v5, v9;
	v9 =	vld [tilespmem:s12+$0x13D0C]  }
0x294: {  	v5 =	vadd.s32 v6, v5;
	v11 =	vld [tilespmem:s12+$0x12D8D]  }
0x295: {  	v5 =	vadd.s32 v5, v10;
	v10 =	vld [tilespmem:s12+$0x13E0D]  }
.Ltmp7:
0x296: {  	v5 =	vadd.s32 v7, v5;
	v6 =	vld [tilespmem:s12+$0x12E8E];
	(pc) =	sbr.rel @p1 .LBB2_16-.Ltmp7, $4  }
0x297: {  	v5 =	vadd.s32 v5, v8;
	v7 =	vld [tilespmem:s12+$0x13F0E]  }
0x298: {  	v5 =	vadd.s32 v9, v5;
	v8 =	vld [tilespmem:s12+$0x12F8F]  }
0x299: {  	s17 =	sshra.s32 s15, $0x2;
	v11 =	vadd.s32 v5, v11;
	v9 =	vld [tilespmem:s12+$0x1400F]  }
0x29a: {  	s15 =	sadd.s32 $0x40, s15;
	v5 =	vld [tilespmem:s17+$0x12080];
	v10 =	vadd.s32 v10, v11  }
0x29b: {  	v11 =	vld [tilespmem:s17+$0x13100];
	v6 =	vadd.s32 v10, v6  }
0x29c: {  	v10 =	vld [tilespmem:s17+$0x12181];
	v6 =	vadd.s32 v7, v6  }
0x29d: {  	v7 =	vld [tilespmem:s17+$0x13201];
	v6 =	vadd.s32 v6, v8  }
0x29e: {  	v8 =	vld [tilespmem:s17+$0x12282];
	v6 =	vadd.s32 v9, v6  }
0x29f: {  	v9 =	vld [tilespmem:s17+$0x13302];
	[tilespmem:s12+$0x14180] =	vst v6  }
0x2a0: {  	v5 =	vadd.s32 v11, v5;
	v6 =	vld [tilespmem:s17+$0x12383]  }
0x2a1: {  	v5 =	vadd.s32 v5, v10;
	v10 =	vld [tilespmem:s17+$0x13403]  }
0x2a2: {  	v5 =	vadd.s32 v7, v5;
	v7 =	vld [tilespmem:s17+$0x12484]  }
0x2a3: {  	v5 =	vadd.s32 v5, v8;
	v8 =	vld [tilespmem:s17+$0x13504]  }
0x2a4: {  	v5 =	vadd.s32 v9, v5;
	v9 =	vld [tilespmem:s17+$0x12585]  }
0x2a5: {  	v5 =	vadd.s32 v5, v6;
	v6 =	vld [tilespmem:s17+$0x13605]  }
0x2a6: {  	v5 =	vadd.s32 v10, v5;
	v10 =	vld [tilespmem:s17+$0x12686]  }
0x2a7: {  	v5 =	vadd.s32 v5, v7;
	v7 =	vld [tilespmem:s17+$0x13706]  }
0x2a8: {  	v5 =	vadd.s32 v8, v5;
	v8 =	vld [tilespmem:s17+$0x12787]  }
0x2a9: {  	v5 =	vadd.s32 v5, v9;
	v9 =	vld [tilespmem:s17+$0x13807]  }
0x2aa: {  	v5 =	vadd.s32 v6, v5;
	v6 =	vld [tilespmem:s17+$0x12888]  }
0x2ab: {  	v5 =	vadd.s32 v5, v10;
	v10 =	vld [tilespmem:s17+$0x13908]  }
0x2ac: {  	v5 =	vadd.s32 v7, v5;
	v7 =	vld [tilespmem:s17+$0x12989]  }
0x2ad: {  	v5 =	vadd.s32 v5, v8;
	v8 =	vld [tilespmem:s17+$0x13A09]  }
0x2ae: {  	v5 =	vadd.s32 v9, v5;
	v9 =	vld [tilespmem:s17+$0x12A8A]  }
0x2af: {  	v5 =	vadd.s32 v5, v6;
	v6 =	vld [tilespmem:s17+$0x13B0A]  }
0x2b0: {  	v5 =	vadd.s32 v10, v5;
	v10 =	vld [tilespmem:s17+$0x12B8B]  }
0x2b1: {  	v5 =	vadd.s32 v5, v7;
	v7 =	vld [tilespmem:s17+$0x13C0B]  }
0x2b2: {  	v5 =	vadd.s32 v8, v5;
	v8 =	vld [tilespmem:s17+$0x12C8C]  }
0x2b3: {  	v5 =	vadd.s32 v5, v9;
	v9 =	vld [tilespmem:s17+$0x13D0C]  }
0x2b4: {  	v5 =	vadd.s32 v6, v5;
	v6 =	vld [tilespmem:s17+$0x12D8D]  }
0x2b5: {  	v5 =	vadd.s32 v5, v10;
	v10 =	vld [tilespmem:s17+$0x13E0D]  }
0x2b6: {  	v5 =	vadd.s32 v7, v5;
	v7 =	vld [tilespmem:s17+$0x12E8E]  }
0x2b7: {  	v5 =	vadd.s32 v5, v8;
	v8 =	vld [tilespmem:s17+$0x13F0E]  }
0x2b8: {  	v5 =	vadd.s32 v9, v5;
	v9 =	vld [tilespmem:s17+$0x12F8F]  }
0x2b9: {  	v5 =	vadd.s32 v5, v6;
	v6 =	vld [tilespmem:s17+$0x1400F]  }
0x2ba: {  	v5 =	vadd.s32 v10, v5  }
0x2bb: {  	v5 =	vadd.s32 v5, v7  }
0x2bc: {  	v5 =	vadd.s32 v8, v5  }
0x2bd: {  	v5 =	vadd.s32 v5, v9  }
0x2be: {  	v5 =	vadd.s32 v6, v5  }
0x2bf: {  	[tilespmem:s17+$0x14180] =	vst v5  }
0x2c0: {  	[spmem:s4] =	stream.linear.scatter [tilespmem:s10], [sflag:$0x1], $0x100, $0x38;
	[tilespmem:$0x14400] =	vst v63  }
0x2c1: {  	_ =	swait.ge [sflag:s7], $0x100  }
0x2c2: {  	[sflag:s7] =	ssyncset.done $0x0  }
0x2c3: {  	[sflag:s7] =	ssyncadd.s32 $0xFFFFFF00  }
0x2c4: {  	[bflag:$0x0] =	sbarrier.arrive $0xFFFF  }
0x2c5: {  	[tilespmem:s8], [sflag:$0x1] =	stream.linear.gather [spmem:s1], $0x1000, $0x38;
	[tilespmem:$0x14400] =	vst v63  }
0x2c6: {  	_ =	swait.ge [sflag:s7], $0x1000  }
0x2c7: {  	[sflag:s7] =	ssyncset.done $0x0  }
0x2c8: {  	s12 =	simm.s32 $0x0;
	[sflag:s7] =	ssyncadd.s32 $0xFFFFF000  }
0x2c9: {  	s15 =	sand.u32 $0xF0, s12;
	[bflag:$0x0] =	sbarrier.arrive $0xFFFF  }
0x2ca: {  	s23 =	sadd.s32 $0x12080, s15;
	v5 =	vld [tilespmem:s15+$0x12080]  }
0x2cb: {  	v6 =	vld [tilespmem:s23+$0x100]  }
0x2cc: {  	v7 =	vld [tilespmem:s23+$0x200]  }
0x2cd: {  	v8 =	vld [tilespmem:s23+$0x300]  }
0x2ce: {  	v9 =	vld [tilespmem:s23+$0x400]  }
0x2cf: {  	v10 =	vld [tilespmem:s23+$0x500]  }
0x2d0: {  	v5 =	vadd.s32 v5, v6;
	v6 =	vld [tilespmem:s23+$0x600]  }
0x2d1: {  	v5 =	vadd.s32 v5, v7;
	v7 =	vld [tilespmem:s23+$0x700]  }
0x2d2: {  	v5 =	vadd.s32 v5, v8;
	v8 =	vld [tilespmem:s23+$0x800]  }
0x2d3: {  	v5 =	vadd.s32 v5, v9;
	v9 =	vld [tilespmem:s23+$0x900]  }
0x2d4: {  	v5 =	vadd.s32 v5, v10;
	v10 =	vld [tilespmem:s23+$0xA00]  }
0x2d5: {  	v5 =	vadd.s32 v5, v6;
	v6 =	vld [tilespmem:s23+$0xB00]  }
0x2d6: {  	v5 =	vadd.s32 v5, v7;
	v7 =	vld [tilespmem:s23+$0xC00]  }
0x2d7: {  	v5 =	vadd.s32 v5, v8;
	v8 =	vld [tilespmem:s23+$0xD00]  }
0x2d8: {  	v5 =	vadd.s32 v5, v9;
	v9 =	vld [tilespmem:s23+$0xE00]  }
0x2d9: {  	v5 =	vadd.s32 v5, v10;
	v10 =	vld [tilespmem:s23+$0xF00]  }
0x2da: {  	s24 =	simm.s32 $0x10;
	v5 =	vadd.s32 v5, v6  }
0x2db: {  	s15 =	sand.u32 $0xF0, s24;
	v5 =	vadd.s32 v5, v7  }
0x2dc: {  	s25 =	sadd.s32 $0x12080, s15;
	v6 =	vld [tilespmem:s15+$0x12080];
	v5 =	vadd.s32 v5, v8  }
0x2dd: {  	v7 =	vld [tilespmem:s25+$0x100];
	v5 =	vadd.s32 v5, v9  }
0x2de: {  	v8 =	vld [tilespmem:s25+$0x200];
	v5 =	vadd.s32 v5, v10  }
0x2df: {  	v9 =	vld [tilespmem:s25+$0x300];
	(v2sf) =	vpush v5, $0x0  }
0x2e0: {  	v10 =	vld [tilespmem:s25+$0x400]  }
0x2e1: {  	v11 =	vld [tilespmem:s25+$0x500];
	(v2sf) =	vpush v5, $0x1  }
0x2e2: {  	v6 =	vadd.s32 v6, v7;
	v7 =	vld [tilespmem:s25+$0x600];
	(v2sf) =	vpush v5, $0x2  }
0x2e3: {  	v6 =	vadd.s32 v6, v8;
	v8 =	vld [tilespmem:s25+$0x700];
	(v2sf) =	vpush v5, $0x3  }
0x2e4: {  	v6 =	vadd.s32 v6, v9;
	v9 =	vld [tilespmem:s25+$0x800];
	(v2sf) =	vpush v5, $0x4  }
0x2e5: {  	v6 =	vadd.s32 v6, v10;
	v10 =	vld [tilespmem:s25+$0x900];
	(v2sf) =	vpush v5, $0x5  }
0x2e6: {  	v6 =	vadd.s32 v6, v11;
	v11 =	vld [tilespmem:s25+$0xA00];
	(v2sf) =	vpush v5, $0x6  }
0x2e7: {  	v6 =	vadd.s32 v6, v7;
	v7 =	vld [tilespmem:s25+$0xB00];
	(v2sf) =	vpush v5, $0x7  }
0x2e8: {  	v6 =	vadd.s32 v6, v8;
	v8 =	vld [tilespmem:s25+$0xC00];
	(v2sf) =	vpush v5, $0x8  }
0x2e9: {  	v6 =	vadd.s32 v6, v9;
	v9 =	vld [tilespmem:s25+$0xD00];
	(v2sf) =	vpush v5, $0x9  }
0x2ea: {  	s26 =	simm.s32 $0x20;
	v6 =	vadd.s32 v6, v10;
	v10 =	vld [tilespmem:s25+$0xE00];
	(v2sf) =	vpush v5, $0xA  }
0x2eb: {  	s28 =	sand.u32 $0xF0, s26;
	v6 =	vadd.s32 v6, v11;
	v11 =	vld [tilespmem:s25+$0xF00];
	(v2sf) =	vpush v5, $0xB  }
0x2ec: {  	s15 =	sadd.s32 $0x12080, s28;
	v6 =	vadd.s32 v6, v7;
	v7 =	vld [tilespmem:s28+$0x12080];
	(v2sf) =	vpush v5, $0xC  }
0x2ed: {  	v6 =	vadd.s32 v6, v8;
	v8 =	vld [tilespmem:s15+$0x100];
	(v2sf) =	vpush v5, $0xD  }
0x2ee: {  	v6 =	vadd.s32 v6, v9;
	v9 =	vld [tilespmem:s15+$0x200];
	(v2sf) =	vpush v5, $0xE;
	s29 =	spop (v2sf)  }
0x2ef: {  	v6 =	vadd.s32 v6, v10;
	v10 =	vld [tilespmem:s15+$0x300];
	(v2sf) =	vpush v5, $0xF;
	[smem:$0x0] =	sst s29  }
0x2f0: {  	v5 =	vadd.s32 v6, v11;
	s17 =	spop (v2sf)  }
0x2f1: {  	v11 =	vld [tilespmem:s15+$0x400];
	(v2sf) =	vpush v5, $0x0;
	[smem:$0x1] =	sst s17  }
0x2f2: {  	s17 =	spop (v2sf)  }
0x2f3: {  	v12 =	vld [tilespmem:s15+$0x500];
	(v2sf) =	vpush v5, $0x1;
	[smem:$0x2] =	sst s17  }
0x2f4: {  	s17 =	spop (v2sf)  }
0x2f5: {  	v13 =	vld [tilespmem:s15+$0x600];
	(v2sf) =	vpush v5, $0x2;
	[smem:$0x3] =	sst s17  }
0x2f6: {  	s17 =	spop (v2sf)  }
0x2f7: {  	v14 =	vld [tilespmem:s15+$0x700];
	(v2sf) =	vpush v5, $0x3;
	[smem:$0x4] =	sst s17  }
0x2f8: {  	s17 =	spop (v2sf)  }
0x2f9: {  	v15 =	vld [tilespmem:s15+$0x800];
	(v2sf) =	vpush v5, $0x4;
	[smem:$0x5] =	sst s17  }
0x2fa: {  	s17 =	spop (v2sf)  }
0x2fb: {  	v16 =	vld [tilespmem:s15+$0x900];
	(v2sf) =	vpush v5, $0x5;
	[smem:$0x6] =	sst s17  }
0x2fc: {  	s17 =	spop (v2sf)  }
0x2fd: {  	v17 =	vld [tilespmem:s15+$0xA00];
	(v2sf) =	vpush v5, $0x6;
	[smem:$0x7] =	sst s17  }
0x2fe: {  	s17 =	simm.s32 $0x8;
	s18 =	spop (v2sf)  }
0x2ff: {  	v18 =	vld [tilespmem:s15+$0xB00];
	(v2sf) =	vpush v5, $0x7;
	[smem:s17] =	sst s18;
	s30 =	spop (v2sf)  }
0x300: {  	v6 =	vadd.s32 v7, v8;
	v19 =	vld [tilespmem:s15+$0xC00];
	(v2sf) =	vpush v5, $0x8;
	[smem:$0x9] =	sst s30  }
0x301: {  	v7 =	vadd.s32 v6, v9;
	s18 =	spop (v2sf)  }
0x302: {  	v7 =	vadd.s32 v7, v10;
	v6 =	vld [tilespmem:s15+$0xD00];
	(v2sf) =	vpush v5, $0x9;
	[smem:$0xA] =	sst s18  }
0x303: {  	v8 =	vadd.s32 v7, v11;
	s18 =	spop (v2sf)  }
0x304: {  	v8 =	vadd.s32 v8, v12;
	v7 =	vld [tilespmem:s15+$0xE00];
	(v2sf) =	vpush v5, $0xA;
	[smem:$0xB] =	sst s18  }
0x305: {  	v9 =	vadd.s32 v8, v13;
	s18 =	spop (v2sf)  }
0x306: {  	v9 =	vadd.s32 v9, v14;
	v8 =	vld [tilespmem:s15+$0xF00];
	(v2sf) =	vpush v5, $0xB;
	[smem:$0xC] =	sst s18  }
0x307: {  	v9 =	vadd.s32 v9, v15;
	s18 =	spop (v2sf)  }
0x308: {  	s31 =	simm.s32 $0x30;
	v9 =	vadd.s32 v9, v16;
	(v2sf) =	vpush v5, $0xC;
	[smem:$0xD] =	sst s18  }
0x309: {  	v10 =	vadd.s32 v9, v17;
	s15 =	sand.u32 $0xF0, s31;
	s18 =	spop (v2sf)  }
0x30a: {  	v10 =	vadd.s32 v10, v18;
	v9 =	vld [tilespmem:s15+$0x12080];
	(v2sf) =	vpush v5, $0xD;
	[smem:$0xE] =	sst s18  }
0x30b: {  	s20 =	simm.s32 $0x40;
	v10 =	vadd.s32 v10, v19;
	s15 =	sadd.s32 $0x12080, s15;
	s19 =	spop (v2sf)  }
.LBB2_18:
0x30c: {  	[smem:s17+$0x7] =	sst s19  }
0x30d: {  	v11 =	vld [tilespmem:s15+$0x100];
	v6 =	vadd.s32 v10, v6;
	(v2sf) =	vpush v5, $0xE;
	s17 =	sadd.s32 $0x10, s17;
	s19 =	smov.u32 s20;
	s18 =	sadd.s32 $0x10, s20  }
0x30e: {  	p1 =	sne.s32 s20, $0xF0;
	v10 =	vld [tilespmem:s15+$0x200];
	v6 =	vadd.s32 v6, v7;
	s20 =	spop (v2sf);
	(v2sf) =	vpush v5, $0xF  }
0x30f: {  	v7 =	vld [tilespmem:s15+$0x300];
	v5 =	vadd.s32 v6, v8;
	[smem:s17+$0xFFFFFFF8] =	sst s20;
	s20 =	spop (v2sf)  }
0x310: {  	v6 =	vld [tilespmem:s15+$0x400];
	(v2sf) =	vpush v5, $0x0;
	[smem:s17+$0xFFFFFFF9] =	sst s20;
	s20 =	spop (v2sf)  }
0x311: {  	v8 =	vld [tilespmem:s15+$0x500];
	(v2sf) =	vpush v5, $0x1;
	[smem:s17+$0xFFFFFFFA] =	sst s20;
	s20 =	spop (v2sf)  }
0x312: {  	v9 =	vadd.s32 v9, v11;
	v11 =	vld [tilespmem:s15+$0x600];
	(v2sf) =	vpush v5, $0x2;
	[smem:s17+$0xFFFFFFFB] =	sst s20;
	s20 =	spop (v2sf)  }
0x313: {  	v9 =	vadd.s32 v9, v10;
	v10 =	vld [tilespmem:s15+$0x700];
	(v2sf) =	vpush v5, $0x3;
	[smem:s17+$0xFFFFFFFC] =	sst s20;
	s20 =	spop (v2sf)  }
0x314: {  	v7 =	vadd.s32 v9, v7;
	v9 =	vld [tilespmem:s15+$0x800];
	(v2sf) =	vpush v5, $0x4;
	[smem:s17+$0xFFFFFFFD] =	sst s20;
	s20 =	spop (v2sf)  }
0x315: {  	v6 =	vadd.s32 v7, v6;
	v7 =	vld [tilespmem:s15+$0x900];
	(v2sf) =	vpush v5, $0x5;
	[smem:s17+$0xFFFFFFFE] =	sst s20;
	s20 =	spop (v2sf)  }
0x316: {  	v6 =	vadd.s32 v6, v8;
	v8 =	vld [tilespmem:s15+$0xA00];
	(v2sf) =	vpush v5, $0x6;
	[smem:s17+$0xFFFFFFFF] =	sst s20;
	s20 =	spop (v2sf)  }
0x317: {  	v6 =	vadd.s32 v6, v11;
	v11 =	vld [tilespmem:s15+$0xB00];
	(v2sf) =	vpush v5, $0x7;
	[smem:s17] =	sst s20;
	s20 =	spop (v2sf)  }
0x318: {  	v6 =	vadd.s32 v6, v10;
	v10 =	vld [tilespmem:s15+$0xC00];
	(v2sf) =	vpush v5, $0x8;
	[smem:s17+$0x1] =	sst s20;
	s20 =	spop (v2sf)  }
0x319: {  	[smem:s17+$0x2] =	sst s20  }
.Ltmp8:
0x31a: {  	v9 =	vadd.s32 v6, v9;
	v6 =	vld [tilespmem:s15+$0xD00];
	(v2sf) =	vpush v5, $0x9;
	s20 =	spop (v2sf);
	(pc) =	sbr.rel @p1 .LBB2_18-.Ltmp8, $4  }
0x31b: {  	v9 =	vadd.s32 v9, v7;
	v7 =	vld [tilespmem:s15+$0xE00];
	(v2sf) =	vpush v5, $0xA;
	[smem:s17+$0x3] =	sst s20;
	s20 =	spop (v2sf)  }
0x31c: {  	s19 =	sand.u32 $0xF0, s19;
	v9 =	vadd.s32 v9, v8;
	v8 =	vld [tilespmem:s15+$0xF00];
	(v2sf) =	vpush v5, $0xB;
	[smem:s17+$0x4] =	sst s20;
	s15 =	spop (v2sf)  }
0x31d: {  	v11 =	vadd.s32 v9, v11;
	(v2sf) =	vpush v5, $0xC;
	[smem:s17+$0x5] =	sst s15;
	s20 =	spop (v2sf);
	s15 =	sadd.s32 $0x12080, s19  }
0x31e: {  	v9 =	vld [tilespmem:s19+$0x12080];
	v10 =	vadd.s32 v11, v10;
	(v2sf) =	vpush v5, $0xD;
	[smem:s17+$0x6] =	sst s20;
	s19 =	spop (v2sf);
	s20 =	smov.u32 s18  }
0x31f: {  	v11 =	vld [tilespmem:s15+$0x100]  }
0x320: {  	v6 =	vadd.s32 v10, v6;
	v54 =	vld [tilespmem:s15+$0x200]  }
0x321: {  	(v2sf) =	vpush v5, $0xE;
	v6 =	vadd.s32 v6, v7;
	v7 =	vld [tilespmem:s15+$0x300]  }
0x322: {  	[smem:s17+$0x7] =	sst s19;
	s17 =	sadd.s32 $0x10, s17;
	s18 =	spop (v2sf);
	(v2sf) =	vpush v5, $0xF;
	v5 =	vadd.s32 v6, v8;
	v6 =	vld [tilespmem:s15+$0x400]  }
0x323: {  	v55 =	vld [tilespmem:s15+$0x500];
	[smem:s17+$0xFFFFFFF8] =	sst s18;
	s22 =	spop (v2sf);
	(v2sf) =	vpush v5, $0x0  }
0x324: {  	v56 =	vld [tilespmem:s15+$0x600];
	[smem:s17+$0xFFFFFFF9] =	sst s22;
	s23 =	spop (v2sf);
	(v2sf) =	vpush v5, $0x1;
	v9 =	vadd.s32 v9, v11  }
0x325: {  	v57 =	vld [tilespmem:s15+$0x700];
	[smem:s17+$0xFFFFFFFA] =	sst s23;
	s24 =	spop (v2sf);
	(v2sf) =	vpush v5, $0x2;
	v9 =	vadd.s32 v9, v54  }
0x326: {  	v58 =	vld [tilespmem:s15+$0x800];
	[smem:s17+$0xFFFFFFFB] =	sst s24;
	s25 =	spop (v2sf);
	(v2sf) =	vpush v5, $0x3;
	v7 =	vadd.s32 v9, v7  }
0x327: {  	[smem:s17+$0xFFFFFFFC] =	sst s25;
	s26 =	spop (v2sf);
	(v2sf) =	vpush v5, $0x4;
	v6 =	vadd.s32 v7, v6;
	v7 =	vld [tilespmem:s15+$0x900]  }
0x328: {  	v59 =	vld [tilespmem:s15+$0xA00];
	[smem:s17+$0xFFFFFFFD] =	sst s26;
	s28 =	spop (v2sf);
	(v2sf) =	vpush v5, $0x5;
	v6 =	vadd.s32 v6, v55  }
0x329: {  	v60 =	vld [tilespmem:s15+$0xB00];
	[smem:s17+$0xFFFFFFFE] =	sst s28;
	s29 =	spop (v2sf);
	(v2sf) =	vpush v5, $0x6;
	v6 =	vadd.s32 v6, v56  }
0x32a: {  	v61 =	vld [tilespmem:s15+$0xC00];
	[smem:s17+$0xFFFFFFFF] =	sst s29;
	s30 =	spop (v2sf);
	(v2sf) =	vpush v5, $0x7;
	v6 =	vadd.s32 v6, v57  }
0x32b: {  	v62 =	vld [tilespmem:s15+$0xD00];
	[smem:s17] =	sst s30;
	s31 =	spop (v2sf);
	(v2sf) =	vpush v5, $0x8;
	v6 =	vadd.s32 v6, v58  }
0x32c: {  	[smem:s17+$0x1] =	sst s31;
	s19 =	spop (v2sf);
	(v2sf) =	vpush v5, $0x9;
	v6 =	vadd.s32 v6, v7;
	v7 =	vld [tilespmem:s15+$0xE00]  }
0x32d: {  	v63 =	vld [tilespmem:s15+$0xF00];
	[smem:s17+$0x2] =	sst s19;
	s20 =	spop (v2sf);
	(v2sf) =	vpush v5, $0xA;
	v6 =	vadd.s32 v6, v59  }
0x32e: {  	[smem:s17+$0x3] =	sst s20;
	s21 =	spop (v2sf);
	(v2sf) =	vpush v5, $0xB;
	v6 =	vadd.s32 v6, v60  }
0x32f: {  	[smem:s17+$0x4] =	sst s21;
	s22 =	spop (v2sf);
	(v2sf) =	vpush v5, $0xC;
	v6 =	vadd.s32 v6, v61  }
0x330: {  	[smem:s17+$0x5] =	sst s22;
	s23 =	spop (v2sf);
	(v2sf) =	vpush v5, $0xD;
	v6 =	vadd.s32 v6, v62  }
0x331: {  	[smem:s17+$0x6] =	sst s23;
	s24 =	spop (v2sf);
	(v2sf) =	vpush v5, $0xE;
	v6 =	vadd.s32 v6, v7  }
0x332: {  	s15 =	sadd.s32 $0x10, s17;
	[smem:s17+$0x7] =	sst s24;
	s25 =	spop (v2sf);
	(v2sf) =	vpush v5, $0xF;
	v5 =	vadd.s32 v6, v63  }
0x333: {  	[smem:s15+$0xFFFFFFF8] =	sst s25;
	s26 =	spop (v2sf);
	(v2sf) =	vpush v5, $0x0  }
0x334: {  	[smem:s15+$0xFFFFFFF9] =	sst s26;
	s28 =	spop (v2sf);
	(v2sf) =	vpush v5, $0x1  }
0x335: {  	[smem:s15+$0xFFFFFFFA] =	sst s28;
	s29 =	spop (v2sf);
	(v2sf) =	vpush v5, $0x2  }
0x336: {  	[smem:s15+$0xFFFFFFFB] =	sst s29;
	s30 =	spop (v2sf);
	(v2sf) =	vpush v5, $0x3  }
0x337: {  	[smem:s15+$0xFFFFFFFC] =	sst s30;
	s31 =	spop (v2sf);
	(v2sf) =	vpush v5, $0x4  }
0x338: {  	[smem:s15+$0xFFFFFFFD] =	sst s31;
	s18 =	spop (v2sf);
	(v2sf) =	vpush v5, $0x5  }
0x339: {  	[smem:s15+$0xFFFFFFFE] =	sst s18;
	s19 =	spop (v2sf);
	(v2sf) =	vpush v5, $0x6  }
0x33a: {  	[smem:s15+$0xFFFFFFFF] =	sst s19;
	s20 =	spop (v2sf);
	(v2sf) =	vpush v5, $0x7  }
0x33b: {  	[smem:s15] =	sst s20;
	s21 =	spop (v2sf);
	(v2sf) =	vpush v5, $0x8  }
0x33c: {  	[smem:s15+$0x1] =	sst s21;
	s22 =	spop (v2sf);
	(v2sf) =	vpush v5, $0x9  }
0x33d: {  	[smem:s15+$0x2] =	sst s22;
	s23 =	spop (v2sf);
	(v2sf) =	vpush v5, $0xA  }
0x33e: {  	[smem:s15+$0x3] =	sst s23;
	s24 =	spop (v2sf);
	(v2sf) =	vpush v5, $0xB  }
0x33f: {  	[smem:s15+$0x4] =	sst s24;
	s25 =	spop (v2sf);
	(v2sf) =	vpush v5, $0xC  }
0x340: {  	[smem:s15+$0x5] =	sst s25;
	s26 =	spop (v2sf);
	(v2sf) =	vpush v5, $0xD  }
0x341: {  	[smem:s15+$0x6] =	sst s26;
	s28 =	spop (v2sf);
	(v2sf) =	vpush v5, $0xE  }
0x342: {  	[smem:s15+$0x7] =	sst s28;
	s15 =	sadd.s32 $0x10, s15;
	s29 =	spop (v2sf);
	(v2sf) =	vpush v5, $0xF  }
0x343: {  	[smem:s15+$0xFFFFFFF8] =	sst s29;
	s30 =	spop (v2sf)  }
0x344: {  	[smem:s15+$0xFFFFFFF9] =	sst s30;
	s31 =	spop (v2sf)  }
0x345: {  	[smem:s15+$0xFFFFFFFA] =	sst s31;
	s18 =	spop (v2sf)  }
0x346: {  	[smem:s15+$0xFFFFFFFB] =	sst s18;
	s19 =	spop (v2sf)  }
0x347: {  	[smem:s15+$0xFFFFFFFC] =	sst s19;
	s20 =	spop (v2sf)  }
0x348: {  	[smem:s15+$0xFFFFFFFD] =	sst s20;
	s21 =	spop (v2sf)  }
0x349: {  	[smem:s15+$0xFFFFFFFE] =	sst s21;
	s22 =	spop (v2sf)  }
0x34a: {  	[smem:s15+$0xFFFFFFFF] =	sst s22;
	s23 =	spop (v2sf)  }
0x34b: {  	[smem:s15] =	sst s23;
	s24 =	spop (v2sf)  }
0x34c: {  	[smem:s15+$0x1] =	sst s24;
	s25 =	spop (v2sf)  }
0x34d: {  	[smem:s15+$0x2] =	sst s25;
	s26 =	spop (v2sf)  }
0x34e: {  	[smem:s15+$0x3] =	sst s26;
	s28 =	spop (v2sf)  }
0x34f: {  	[smem:s15+$0x4] =	sst s28;
	s29 =	spop (v2sf)  }
0x350: {  	[smem:s15+$0x5] =	sst s29;
	s30 =	spop (v2sf)  }
0x351: {  	[smem:s15+$0x6] =	sst s30;
	s31 =	spop (v2sf)  }
0x352: {  	[smem:s15+$0x7] =	sst s31  }
0x353: {  	s17 =	sld [smem:$0xFF];
	_ =	sdelay $0x2  }
0x354: {  	p2 =	por $0x1, $0x1;
	s19 =	simm.s32 $0xFE;
	s18 =	sadd.s32 $0x0, s17  }
0x355: {  	s20 =	simm.s32 $0xFF;
	s22 =	ssub.s32 s13, s12;
	p1 =	sge.s32 s18, s13  }
0x356: {  	s23 =	simm.s32 $0xFE;
	s15 =	simm.s32 $0xFFFFFFFF;
	p1 =	por !p2, !p1  }
0x357: {  	s21 =	sld [smem:$0xFE];
	s17 =	simm.s32 $0xFD;
	p1 =	por !p1, !p1  }
.LBB2_20:
0x358: {  	p2 =	sne.s32 s17, $0x0;
	s15 =	smov.u32 @p1 s20;
	s12 =	smov.u32 @p1 s22  }
0x359: {  	s20 =	smov.u32 s19;
	s19 =	smov.u32 s17;
	s22 =	smov.u32 s18  }
.Ltmp9:
0x35a: {  	s17 =	sadd.s32 $0xFFFFFFFF, s17;
	(pc) =	sbr.rel @p2 .LBB2_20-.Ltmp9, $4  }
0x35b: {  	s18 =	sadd.s32 s18, s21  }
0x35c: {  	p3 =	slt.s32 s15, $0x0;
	p1 =	sge.s32 s18, s13  }
0x35d: {  	s23 =	sadd.s32 $0xFFFFFFFF, s23;
	p1 =	por !p3, !p1  }
0x35e: {  	s22 =	ssub.s32 s13, s22;
	s21 =	sld [smem:s23+$0x0];
	p1 =	por !p1, !p1  }
0x35f: {  	s23 =	simm.s32 $0x120C0  }
0x360: {  	s17 =	simm.s32 $0x13140;
	[tilespmem:s23+$0xFFFFFFC0] =	vst v2  }
0x361: {  	[tilespmem:s17+$0xFFFFFFC0] =	vst v2  }
0x362: {  	[tilespmem:s23+$0xFFFFFFD0] =	vst v2  }
0x363: {  	[tilespmem:s17+$0xFFFFFFD0] =	vst v2  }
0x364: {  	[tilespmem:s23+$0xFFFFFFE0] =	vst v2  }
0x365: {  	[tilespmem:s17+$0xFFFFFFE0] =	vst v2  }
0x366: {  	[tilespmem:s23+$0xFFFFFFF0] =	vst v2  }
0x367: {  	[tilespmem:s17+$0xFFFFFFF0] =	vst v2  }
0x368: {  	[tilespmem:s23+$0x0] =	vst v2  }
0x369: {  	[tilespmem:s17+$0x0] =	vst v2  }
0x36a: {  	[tilespmem:s23+$0x10] =	vst v2  }
0x36b: {  	s15 =	smov.u32 @p1 s20;
	s31 =	sadd.s32 s18, s21;
	[tilespmem:s17+$0x10] =	vst v2  }
0x36c: {  	p3 =	slt.s32 s15, $0x0;
	p2 =	sge.s32 s31, s13;
	[tilespmem:s23+$0x20] =	vst v2  }
0x36d: {  	s12 =	smov.u32 @p1 s22;
	p2 =	por !p3, !p2;
	[tilespmem:s17+$0x20] =	vst v2  }
0x36e: {  	s13 =	ssub.s32 s13, s18;
	s18 =	simm.s32 $0x12140;
	p2 =	por !p2, !p2;
	[tilespmem:s23+$0x30] =	vst v2  }
0x36f: {  	s15 =	smov.u32 @p2 s19;
	s12 =	smov.u32 @p2 s13;
	s13 =	simm.s32 $0x0;
	[tilespmem:s17+$0x30] =	vst v2  }
.LBB2_22:
0x370: {  	[tilespmem:s18+$0xFFFFFFC0] =	vst v2;
	s17 =	sadd.s32 $0x80, s17  }
0x371: {  	[tilespmem:s17+$0xFFFFFFC0] =	vst v2  }
0x372: {  	[tilespmem:s18+$0xFFFFFFD0] =	vst v2  }
0x373: {  	[tilespmem:s17+$0xFFFFFFD0] =	vst v2  }
0x374: {  	[tilespmem:s18+$0xFFFFFFE0] =	vst v2  }
0x375: {  	[tilespmem:s17+$0xFFFFFFE0] =	vst v2  }
0x376: {  	[tilespmem:s18+$0xFFFFFFF0] =	vst v2  }
0x377: {  	[tilespmem:s17+$0xFFFFFFF0] =	vst v2  }
0x378: {  	[tilespmem:s18+$0x0] =	vst v2  }
0x379: {  	s13 =	sadd.s32 $0x8, s13;
	[tilespmem:s17+$0x0] =	vst v2  }
0x37a: {  	p1 =	slt.u32 s13, $0xF8;
	[tilespmem:s18+$0x10] =	vst v2  }
.Ltmp10:
0x37b: {  	[tilespmem:s17+$0x10] =	vst v2;
	(pc) =	sbr.rel @p1 .LBB2_22-.Ltmp10, $4  }
0x37c: {  	[tilespmem:s18+$0x20] =	vst v2  }
0x37d: {  	[tilespmem:s17+$0x20] =	vst v2  }
0x37e: {  	[tilespmem:s18+$0x30] =	vst v2  }
0x37f: {  	s18 =	sadd.s32 $0x80, s18;
	[tilespmem:s17+$0x30] =	vst v2  }
0x380: {  	s13 =	sadd.s32 $0x7F, s16  }
0x381: {  	s17 =	sand.u32 $0x7F, s13  }
0x382: {  	s30 =	sshra.s32 s13, $0x1F;
	p2 =	slt.s32 s13, $0x1;
	p1 =	sne.s32 s17, $0x0  }
0x383: {  	s17 =	sshrl.u32 s30, $0x19;
	p1 =	por !p2, !p1  }
0x384: {  	s13 =	sadd.s32 s17, s13;
	s17 =	simm.s32 $0x1;
	p1 =	por !p1, !p1  }
0x385: {  	s13 =	sshra.s32 s13, $0x7;
	s17 =	simm.s32 @!p1 $0x0  }
0x386: {  	s17 =	ssub.s32 s13, s17  }
0x387: {  	p1 =	slt.s32 s17, $0x1  }
.Ltmp11:
0x388: {  	_ = 	snop;
	(pc) =	sbr.rel @p1 .LBB2_29-.Ltmp11, $4  }
0x389: {  	[tilespmem:$0x13080] =	vst v2  }
0x38a: {  	[tilespmem:$0x14100] =	vst v2  }
0x38b: {  	s31 =	sshll.u32 s15, $0x10;
	[tilespmem:$0x13090] =	vst v2  }
0x38c: {  	[tilespmem:$0x14110] =	vst v2;
	s15 =	simm.s32 $0x0;
	s14 =	sor.u32 s14, s31  }
0x38d: {  	s13 =	sshra.s32 s14, $0x10  }
0x38e: {  	v6 =	vmov s13;
	s13 =	simm.s32 $0x9040  }
0x38f: {  	v7 =	vld [tilespmem:s13+$0xFFFFFFC0];
	_ =	sdelay $0x3  }
0x390: {  	s15 =	simm.s32 $0x0  }
0x391: {  	v5 =	vmov s16;
	p2 =	seq.s32 s17, $0x1;
	v8 =	vor.u32 s15, v0;
	v9 =	vshra.s32 v7, $0x10  }
.Ltmp12:
0x392: {  	vm0 =	vlt.s32 v8, v5;
	vm1 =	veq.s32 v9, v6;
	(pc) =	sbr.rel @p2 .LBB2_25-.Ltmp12, $4  }
0x393: {  	vm0 =	vmand vm0, vm1  }
0x394: {  	v8 =	vshrl.u32 v7, $0x8;
	v9 =	vmpcnt.ones.xlane vm0  }
0x395: {  	v8 =	vand.u32 $0xFF, v8  }
0x396: {  	s17 =	sadd.s32 $0xFFFFFFFF, s17;
	p1 =	por $0x0, $0x0;
	v8 =	vadd.s32 v1, v8;
	(v2sf) =	vpush v9, $0x0  }
0x397: {  	_ =	sdelay $0x3  }
0x398: {  	[tilespmem:s15+$0x9000] =	vst.msk vm0, v7  }
0x399: {  	[tilespmem:v8+s8+$0x0] =	vst.idx.add.s32.msk vm0, v4  }
0x39a: {  	v7 =	vld [tilespmem:s13+$0xFFFFFFD0];
	_ =	sdelay $0x3  }
0x39b: {  	s16 =	simm.s32 $0x10  }
0x39c: {  	v8 =	vor.u32 s16, v0;
	v9 =	vshra.s32 v7, $0x10  }
0x39d: {  	vm0 =	vlt.s32 v8, v5;
	vm1 =	veq.s32 v9, v6  }
0x39e: {  	v8 =	vshrl.u32 v7, $0x8;
	vm0 =	vmand vm0, vm1  }
0x39f: {  	v8 =	vand.u32 $0xFF, v8;
	v9 =	vmpcnt.ones.xlane vm0  }
0x3a0: {  	v8 =	vadd.s32 v1, v8  }
0x3a1: {  	(v2sf) =	vpush v9, $0x0  }
0x3a2: {  	s19 =	spop (v2sf)  }
0x3a3: {  	s16 =	sadd.s32 $0x0, s19  }
0x3a4: {  	[tilespmem:s16+$0x9000] =	vst.msk vm0, v7  }
0x3a5: {  	[tilespmem:v8+s9+$0x0] =	vst.idx.add.s32.msk vm0, v4  }
0x3a6: {  	v7 =	vld [tilespmem:s13+$0xFFFFFFE0];
	_ =	sdelay $0x3  }
0x3a7: {  	s18 =	simm.s32 $0x20  }
0x3a8: {  	v8 =	vor.u32 s18, v0;
	v9 =	vshra.s32 v7, $0x10  }
0x3a9: {  	vm0 =	vlt.s32 v8, v5;
	v10 =	vshrl.u32 v7, $0x8;
	vm1 =	veq.s32 v9, v6  }
0x3aa: {  	v8 =	vand.u32 $0xFF, v10;
	vm0 =	vmand vm0, vm1  }
0x3ab: {  	v8 =	vadd.s32 v1, v8;
	v9 =	vmpcnt.ones.xlane vm0;
	_ =	sdelay $0x1  }
0x3ac: {  	s20 =	spop (v2sf);
	(v2sf) =	vpush v9, $0x0  }
0x3ad: {  	s16 =	sadd.s32 s16, s20  }
0x3ae: {  	[tilespmem:s16+$0x9000] =	vst.msk vm0, v7  }
0x3af: {  	[tilespmem:v8+s8+$0x0] =	vst.idx.add.s32.msk vm0, v4  }
0x3b0: {  	v7 =	vld [tilespmem:s13+$0xFFFFFFF0];
	_ =	sdelay $0x3  }
0x3b1: {  	s21 =	simm.s32 $0x30  }
0x3b2: {  	v8 =	vor.u32 s21, v0;
	v9 =	vshra.s32 v7, $0x10  }
0x3b3: {  	vm0 =	vlt.s32 v8, v5;
	vm1 =	veq.s32 v9, v6  }
0x3b4: {  	v8 =	vshrl.u32 v7, $0x8;
	vm0 =	vmand vm0, vm1  }
0x3b5: {  	v8 =	vand.u32 $0xFF, v8;
	v9 =	vmpcnt.ones.xlane vm0  }
0x3b6: {  	v8 =	vadd.s32 v1, v8  }
0x3b7: {  	(v2sf) =	vpush v9, $0x0  }
0x3b8: {  	s22 =	spop (v2sf)  }
0x3b9: {  	s16 =	sadd.s32 s16, s22  }
0x3ba: {  	[tilespmem:s16+$0x9000] =	vst.msk vm0, v7  }
0x3bb: {  	[tilespmem:v8+s9+$0x0] =	vst.idx.add.s32.msk vm0, v4  }
0x3bc: {  	v7 =	vld [tilespmem:s13+$0x0];
	_ =	sdelay $0x3  }
0x3bd: {  	s23 =	simm.s32 $0x40  }
0x3be: {  	v8 =	vor.u32 s23, v0;
	v9 =	vshra.s32 v7, $0x10  }
0x3bf: {  	vm0 =	vlt.s32 v8, v5;
	v10 =	vshrl.u32 v7, $0x8;
	vm1 =	veq.s32 v9, v6  }
0x3c0: {  	v8 =	vand.u32 $0xFF, v10;
	vm0 =	vmand vm0, vm1  }
0x3c1: {  	v8 =	vadd.s32 v1, v8;
	v9 =	vmpcnt.ones.xlane vm0;
	_ =	sdelay $0x1  }
0x3c2: {  	s24 =	spop (v2sf);
	(v2sf) =	vpush v9, $0x0  }
0x3c3: {  	s16 =	sadd.s32 s16, s24  }
0x3c4: {  	[tilespmem:s16+$0x9000] =	vst.msk vm0, v7  }
0x3c5: {  	[tilespmem:v8+s8+$0x0] =	vst.idx.add.s32.msk vm0, v4  }
0x3c6: {  	v7 =	vld [tilespmem:s13+$0x10];
	_ =	sdelay $0x3  }
0x3c7: {  	s25 =	simm.s32 $0x50  }
0x3c8: {  	v8 =	vor.u32 s25, v0;
	v9 =	vshra.s32 v7, $0x10  }
0x3c9: {  	vm0 =	vlt.s32 v8, v5;
	vm1 =	veq.s32 v9, v6  }
0x3ca: {  	v8 =	vshrl.u32 v7, $0x8;
	vm0 =	vmand vm0, vm1  }
0x3cb: {  	v8 =	vand.u32 $0xFF, v8;
	v9 =	vmpcnt.ones.xlane vm0  }
0x3cc: {  	v8 =	vadd.s32 v1, v8  }
0x3cd: {  	(v2sf) =	vpush v9, $0x0  }
0x3ce: {  	s26 =	spop (v2sf)  }
0x3cf: {  	s16 =	sadd.s32 s16, s26  }
0x3d0: {  	[tilespmem:s16+$0x9000] =	vst.msk vm0, v7  }
0x3d1: {  	[tilespmem:v8+s9+$0x0] =	vst.idx.add.s32.msk vm0, v4  }
0x3d2: {  	v7 =	vld [tilespmem:s13+$0x20];
	_ =	sdelay $0x3  }
0x3d3: {  	s28 =	simm.s32 $0x60  }
0x3d4: {  	v8 =	vor.u32 s28, v0;
	v9 =	vshra.s32 v7, $0x10  }
0x3d5: {  	vm0 =	vlt.s32 v8, v5;
	v10 =	vshrl.u32 v7, $0x8;
	vm1 =	veq.s32 v9, v6  }
0x3d6: {  	v8 =	vand.u32 $0xFF, v10;
	vm0 =	vmand vm0, vm1  }
0x3d7: {  	v8 =	vadd.s32 v1, v8;
	v9 =	vmpcnt.ones.xlane vm0;
	_ =	sdelay $0x1  }
0x3d8: {  	s29 =	spop (v2sf);
	(v2sf) =	vpush v9, $0x0  }
0x3d9: {  	s16 =	sadd.s32 s16, s29  }
0x3da: {  	[tilespmem:s16+$0x9000] =	vst.msk vm0, v7  }
0x3db: {  	[tilespmem:v8+s8+$0x0] =	vst.idx.add.s32.msk vm0, v4  }
0x3dc: {  	v7 =	vld [tilespmem:s13+$0x30];
	_ =	sdelay $0x3  }
0x3dd: {  	s30 =	simm.s32 $0x70  }
0x3de: {  	v8 =	vor.u32 s30, v0;
	v9 =	vshra.s32 v7, $0x10  }
0x3df: {  	vm0 =	vlt.s32 v8, v5;
	vm1 =	veq.s32 v9, v6  }
0x3e0: {  	v8 =	vshrl.u32 v7, $0x8;
	vm0 =	vmand vm0, vm1  }
0x3e1: {  	v8 =	vand.u32 $0xFF, v8;
	v9 =	vmpcnt.ones.xlane vm0  }
0x3e2: {  	v8 =	vadd.s32 v1, v8  }
0x3e3: {  	(v2sf) =	vpush v9, $0x0  }
0x3e4: {  	s31 =	spop (v2sf)  }
0x3e5: {  	s18 =	sadd.s32 s16, s31  }
0x3e6: {  	[tilespmem:s18+$0x9000] =	vst.msk vm0, v7  }
0x3e7: {  	s13 =	simm.s32 $0x90C0;
	[tilespmem:v8+s9+$0x0] =	vst.idx.add.s32.msk vm0, v4  }
0x3e8: {  	v7 =	vld [tilespmem:s13+$0xFFFFFFC0];
	_ =	sdelay $0x3  }
0x3e9: {  	s16 =	simm.s32 $0x80  }
0x3ea: {  	p2 =	seq.s32 s17, $0x1;
	v8 =	vor.u32 s16, v0;
	v9 =	vshra.s32 v7, $0x10  }
.Ltmp13:
0x3eb: {  	vm0 =	vlt.s32 v8, v5;
	v8 =	vshrl.u32 v7, $0x8;
	vm1 =	veq.s32 v9, v6;
	(pc) =	sbr.rel @p2 .LBB2_28-.Ltmp13, $3  }
0x3ec: {  	v8 =	vand.u32 $0xFF, v8;
	vm0 =	vmand vm0, vm1  }
0x3ed: {  	v8 =	vadd.s32 v1, v8;
	v9 =	vmpcnt.ones.xlane vm0;
	_ =	sdelay $0x1  }
0x3ee: {  	s17 =	sadd.s32 $0xFFFFFFFF, s17;
	p1 =	por $0x1, $0x1;
	(v2sf) =	vpush v9, $0x0;
	s19 =	spop (v2sf)  }
.LBB2_27:
0x3ef: {  	p2 =	seq.s32 s17, $0x1;
	s17 =	sadd.s32 $0xFFFFFFFF, s17;
	s18 =	sadd.s32 s18, s19  }
0x3f0: {  	[tilespmem:s18+$0x9000] =	vst.msk vm0, v7  }
0x3f1: {  	[tilespmem:v8+s8+$0x0] =	vst.idx.add.s32.msk vm0, v4  }
0x3f2: {  	v7 =	vld [tilespmem:s13+$0xFFFFFFD0];
	_ =	sdelay $0x3  }
0x3f3: {  	s19 =	sadd.s32 $0x10, s16  }
0x3f4: {  	v8 =	vor.u32 s19, v0;
	v9 =	vshra.s32 v7, $0x10;
	v10 =	vshrl.u32 v7, $0x8  }
0x3f5: {  	vm0 =	vlt.s32 v8, v5;
	vm1 =	veq.s32 v9, v6;
	v8 =	vand.u32 $0xFF, v10  }
0x3f6: {  	vm0 =	vmand vm0, vm1  }
0x3f7: {  	v9 =	vmpcnt.ones.xlane vm0  }
0x3f8: {  	v8 =	vadd.s32 v1, v8  }
0x3f9: {  	(v2sf) =	vpush v9, $0x0  }
0x3fa: {  	s19 =	spop (v2sf)  }
0x3fb: {  	s18 =	sadd.s32 s18, s19  }
0x3fc: {  	[tilespmem:s18+$0x9000] =	vst.msk vm0, v7  }
0x3fd: {  	[tilespmem:v8+s9+$0x0] =	vst.idx.add.s32.msk vm0, v4  }
0x3fe: {  	v7 =	vld [tilespmem:s13+$0xFFFFFFE0];
	_ =	sdelay $0x3  }
0x3ff: {  	s19 =	sadd.s32 $0x20, s16  }
0x400: {  	v8 =	vor.u32 s19, v0;
	v9 =	vshra.s32 v7, $0x10;
	v10 =	vshrl.u32 v7, $0x8  }
0x401: {  	vm0 =	vlt.s32 v8, v5;
	vm1 =	veq.s32 v9, v6;
	v8 =	vand.u32 $0xFF, v10  }
0x402: {  	vm0 =	vmand vm0, vm1  }
0x403: {  	v8 =	vadd.s32 v1, v8;
	v9 =	vmpcnt.ones.xlane vm0;
	_ =	sdelay $0x1  }
0x404: {  	s19 =	spop (v2sf);
	(v2sf) =	vpush v9, $0x0  }
0x405: {  	s18 =	sadd.s32 s18, s19  }
0x406: {  	[tilespmem:s18+$0x9000] =	vst.msk vm0, v7  }
0x407: {  	[tilespmem:v8+s8+$0x0] =	vst.idx.add.s32.msk vm0, v4  }
0x408: {  	v7 =	vld [tilespmem:s13+$0xFFFFFFF0];
	_ =	sdelay $0x3  }
0x409: {  	s19 =	sadd.s32 $0x30, s16  }
0x40a: {  	v8 =	vor.u32 s19, v0;
	v9 =	vshra.s32 v7, $0x10;
	v10 =	vshrl.u32 v7, $0x8  }
0x40b: {  	vm0 =	vlt.s32 v8, v5;
	vm1 =	veq.s32 v9, v6;
	v8 =	vand.u32 $0xFF, v10  }
0x40c: {  	vm0 =	vmand vm0, vm1  }
0x40d: {  	v9 =	vmpcnt.ones.xlane vm0  }
0x40e: {  	v8 =	vadd.s32 v1, v8  }
0x40f: {  	(v2sf) =	vpush v9, $0x0  }
0x410: {  	s19 =	spop (v2sf)  }
0x411: {  	s18 =	sadd.s32 s18, s19  }
0x412: {  	[tilespmem:s18+$0x9000] =	vst.msk vm0, v7  }
0x413: {  	[tilespmem:v8+s9+$0x0] =	vst.idx.add.s32.msk vm0, v4  }
0x414: {  	v7 =	vld [tilespmem:s13+$0x0];
	_ =	sdelay $0x3  }
0x415: {  	s19 =	sadd.s32 $0x40, s16  }
0x416: {  	v8 =	vor.u32 s19, v0;
	v9 =	vshra.s32 v7, $0x10;
	v10 =	vshrl.u32 v7, $0x8  }
0x417: {  	vm0 =	vlt.s32 v8, v5;
	vm1 =	veq.s32 v9, v6;
	v8 =	vand.u32 $0xFF, v10  }
0x418: {  	vm0 =	vmand vm0, vm1  }
0x419: {  	v8 =	vadd.s32 v1, v8;
	v9 =	vmpcnt.ones.xlane vm0;
	_ =	sdelay $0x1  }
0x41a: {  	s19 =	spop (v2sf);
	(v2sf) =	vpush v9, $0x0  }
0x41b: {  	s18 =	sadd.s32 s18, s19  }
0x41c: {  	[tilespmem:s18+$0x9000] =	vst.msk vm0, v7  }
0x41d: {  	[tilespmem:v8+s8+$0x0] =	vst.idx.add.s32.msk vm0, v4  }
0x41e: {  	v7 =	vld [tilespmem:s13+$0x10];
	_ =	sdelay $0x3  }
0x41f: {  	s19 =	sadd.s32 $0x50, s16  }
0x420: {  	v8 =	vor.u32 s19, v0;
	v9 =	vshra.s32 v7, $0x10;
	v10 =	vshrl.u32 v7, $0x8  }
0x421: {  	vm0 =	vlt.s32 v8, v5;
	vm1 =	veq.s32 v9, v6;
	v8 =	vand.u32 $0xFF, v10  }
0x422: {  	vm0 =	vmand vm0, vm1  }
0x423: {  	v9 =	vmpcnt.ones.xlane vm0  }
0x424: {  	v8 =	vadd.s32 v1, v8  }
0x425: {  	(v2sf) =	vpush v9, $0x0  }
0x426: {  	s19 =	spop (v2sf)  }
0x427: {  	s18 =	sadd.s32 s18, s19  }
0x428: {  	[tilespmem:s18+$0x9000] =	vst.msk vm0, v7  }
0x429: {  	[tilespmem:v8+s9+$0x0] =	vst.idx.add.s32.msk vm0, v4  }
0x42a: {  	v7 =	vld [tilespmem:s13+$0x20];
	_ =	sdelay $0x3  }
0x42b: {  	s19 =	sadd.s32 $0x60, s16  }
0x42c: {  	v8 =	vor.u32 s19, v0;
	v9 =	vshra.s32 v7, $0x10;
	v10 =	vshrl.u32 v7, $0x8  }
0x42d: {  	vm0 =	vlt.s32 v8, v5;
	vm1 =	veq.s32 v9, v6;
	v8 =	vand.u32 $0xFF, v10  }
0x42e: {  	vm0 =	vmand vm0, vm1  }
0x42f: {  	v8 =	vadd.s32 v1, v8;
	v9 =	vmpcnt.ones.xlane vm0;
	_ =	sdelay $0x1  }
0x430: {  	s19 =	spop (v2sf);
	(v2sf) =	vpush v9, $0x0  }
0x431: {  	s18 =	sadd.s32 s18, s19  }
0x432: {  	[tilespmem:s18+$0x9000] =	vst.msk vm0, v7  }
0x433: {  	[tilespmem:v8+s8+$0x0] =	vst.idx.add.s32.msk vm0, v4  }
0x434: {  	v7 =	vld [tilespmem:s13+$0x30];
	_ =	sdelay $0x3  }
0x435: {  	s19 =	sadd.s32 $0x70, s16  }
0x436: {  	v8 =	vor.u32 s19, v0;
	v9 =	vshra.s32 v7, $0x10;
	v10 =	vshrl.u32 v7, $0x8  }
0x437: {  	vm0 =	vlt.s32 v8, v5;
	vm1 =	veq.s32 v9, v6;
	v8 =	vand.u32 $0xFF, v10  }
0x438: {  	vm0 =	vmand vm0, vm1  }
0x439: {  	v9 =	vmpcnt.ones.xlane vm0  }
0x43a: {  	v8 =	vadd.s32 v1, v8  }
0x43b: {  	(v2sf) =	vpush v9, $0x0  }
0x43c: {  	s19 =	spop (v2sf)  }
0x43d: {  	s18 =	sadd.s32 s18, s19  }
0x43e: {  	[tilespmem:s18+$0x9000] =	vst.msk vm0, v7  }
0x43f: {  	s13 =	sadd.s32 $0x80, s13;
	[tilespmem:v8+s9+$0x0] =	vst.idx.add.s32.msk vm0, v4  }
0x440: {  	v7 =	vld [tilespmem:s13+$0xFFFFFFC0];
	_ =	sdelay $0x3  }
0x441: {  	s16 =	sadd.s32 $0x80, s16  }
0x442: {  	v8 =	vor.u32 s16, v0;
	v9 =	vshra.s32 v7, $0x10;
	v10 =	vshrl.u32 v7, $0x8  }
.Ltmp14:
0x443: {  	vm0 =	vlt.s32 v8, v5;
	vm1 =	veq.s32 v9, v6;
	v8 =	vand.u32 $0xFF, v10;
	(pc) =	sbr.rel @!p2 .LBB2_27-.Ltmp14, $3  }
0x444: {  	vm0 =	vmand vm0, vm1  }
0x445: {  	v8 =	vadd.s32 v1, v8;
	v9 =	vmpcnt.ones.xlane vm0;
	_ =	sdelay $0x1  }
0x446: {  	(v2sf) =	vpush v9, $0x0;
	s19 =	spop (v2sf)  }
.LBB2_28:
0x447: {  	_ =	sdelay $0x1  }
0x448: {  	s17 =	sadd.s32 @p1 s18, s19  }
0x449: {  	s15 =	smov.u32 @p1 s17  }
0x44a: {  	[tilespmem:s15+$0x9000] =	vst.msk vm0, v7  }
0x44b: {  	[tilespmem:v8+s8+$0x0] =	vst.idx.add.s32.msk vm0, v4  }
0x44c: {  	v7 =	vld [tilespmem:s13+$0xFFFFFFD0];
	_ =	sdelay $0x3  }
0x44d: {  	s30 =	sadd.s32 $0x10, s16  }
0x44e: {  	v37 =	vor.u32 s30, v0;
	v9 =	vshra.s32 v7, $0x10  }
0x44f: {  	vm15 =	vlt.s32 v37, v5;
	vm1 =	veq.s32 v9, v6  }
0x450: {  	v38 =	vshrl.u32 v7, $0x8;
	vm0 =	vmand vm15, vm1  }
0x451: {  	v8 =	vand.u32 $0xFF, v38;
	v39 =	vmpcnt.ones.xlane vm0  }
0x452: {  	v8 =	vadd.s32 v1, v8  }
0x453: {  	(v2sf) =	vpush v39, $0x0  }
0x454: {  	s31 =	spop (v2sf)  }
0x455: {  	s15 =	sadd.s32 s15, s31  }
0x456: {  	[tilespmem:s15+$0x9000] =	vst.msk vm0, v7  }
0x457: {  	[tilespmem:v8+s9+$0x0] =	vst.idx.add.s32.msk vm0, v4  }
0x458: {  	v7 =	vld [tilespmem:s13+$0xFFFFFFE0];
	_ =	sdelay $0x3  }
0x459: {  	s18 =	sadd.s32 $0x20, s16  }
0x45a: {  	v40 =	vor.u32 s18, v0;
	v41 =	vshra.s32 v7, $0x10  }
0x45b: {  	vm4 =	vlt.s32 v40, v5;
	v10 =	vshrl.u32 v7, $0x8;
	vm5 =	veq.s32 v41, v6  }
0x45c: {  	v42 =	vand.u32 $0xFF, v10;
	vm0 =	vmand vm4, vm5  }
0x45d: {  	v8 =	vadd.s32 v1, v42;
	v43 =	vmpcnt.ones.xlane vm0;
	_ =	sdelay $0x1  }
0x45e: {  	(v2sf) =	vpush v43, $0x0;
	s19 =	spop (v2sf)  }
0x45f: {  	s15 =	sadd.s32 s15, s19  }
0x460: {  	[tilespmem:s15+$0x9000] =	vst.msk vm0, v7  }
0x461: {  	[tilespmem:v8+s8+$0x0] =	vst.idx.add.s32.msk vm0, v4  }
0x462: {  	v7 =	vld [tilespmem:s13+$0xFFFFFFF0];
	_ =	sdelay $0x3  }
0x463: {  	s20 =	sadd.s32 $0x30, s16  }
0x464: {  	v44 =	vor.u32 s20, v0;
	v45 =	vshra.s32 v7, $0x10  }
0x465: {  	vm6 =	vlt.s32 v44, v5;
	vm7 =	veq.s32 v45, v6  }
0x466: {  	v46 =	vshrl.u32 v7, $0x8;
	vm0 =	vmand vm6, vm7  }
0x467: {  	v8 =	vand.u32 $0xFF, v46;
	v47 =	vmpcnt.ones.xlane vm0  }
0x468: {  	v8 =	vadd.s32 v1, v8  }
0x469: {  	(v2sf) =	vpush v47, $0x0  }
0x46a: {  	s21 =	spop (v2sf)  }
0x46b: {  	s15 =	sadd.s32 s15, s21  }
0x46c: {  	[tilespmem:s15+$0x9000] =	vst.msk vm0, v7  }
0x46d: {  	[tilespmem:v8+s9+$0x0] =	vst.idx.add.s32.msk vm0, v4  }
0x46e: {  	v7 =	vld [tilespmem:s13+$0x0];
	_ =	sdelay $0x3  }
0x46f: {  	s22 =	sadd.s32 $0x40, s16  }
0x470: {  	v48 =	vor.u32 s22, v0;
	v49 =	vshra.s32 v7, $0x10  }
0x471: {  	vm8 =	vlt.s32 v48, v5;
	v50 =	vshrl.u32 v7, $0x8;
	vm9 =	veq.s32 v49, v6  }
0x472: {  	v51 =	vand.u32 $0xFF, v50;
	vm0 =	vmand vm8, vm9  }
0x473: {  	v8 =	vadd.s32 v1, v51;
	v52 =	vmpcnt.ones.xlane vm0;
	_ =	sdelay $0x1  }
0x474: {  	(v2sf) =	vpush v52, $0x0;
	s23 =	spop (v2sf)  }
0x475: {  	s15 =	sadd.s32 s15, s23  }
0x476: {  	[tilespmem:s15+$0x9000] =	vst.msk vm0, v7  }
0x477: {  	[tilespmem:v8+s8+$0x0] =	vst.idx.add.s32.msk vm0, v4  }
0x478: {  	v7 =	vld [tilespmem:s13+$0x10];
	_ =	sdelay $0x3  }
0x479: {  	s24 =	sadd.s32 $0x50, s16  }
0x47a: {  	v53 =	vor.u32 s24, v0;
	v54 =	vshra.s32 v7, $0x10  }
0x47b: {  	vm10 =	vlt.s32 v53, v5;
	vm11 =	veq.s32 v54, v6  }
0x47c: {  	v55 =	vshrl.u32 v7, $0x8;
	vm0 =	vmand vm10, vm11  }
0x47d: {  	v8 =	vand.u32 $0xFF, v55;
	v56 =	vmpcnt.ones.xlane vm0  }
0x47e: {  	v8 =	vadd.s32 v1, v8  }
0x47f: {  	(v2sf) =	vpush v56, $0x0  }
0x480: {  	s25 =	spop (v2sf)  }
0x481: {  	s15 =	sadd.s32 s15, s25  }
0x482: {  	[tilespmem:s15+$0x9000] =	vst.msk vm0, v7  }
0x483: {  	[tilespmem:v8+s9+$0x0] =	vst.idx.add.s32.msk vm0, v4  }
0x484: {  	v7 =	vld [tilespmem:s13+$0x20];
	_ =	sdelay $0x3  }
0x485: {  	s26 =	sadd.s32 $0x60, s16  }
0x486: {  	v57 =	vor.u32 s26, v0;
	v58 =	vshra.s32 v7, $0x10  }
0x487: {  	vm12 =	vlt.s32 v57, v5;
	v59 =	vshrl.u32 v7, $0x8;
	vm13 =	veq.s32 v58, v6  }
0x488: {  	v60 =	vand.u32 $0xFF, v59;
	vm0 =	vmand vm12, vm13  }
0x489: {  	v8 =	vadd.s32 v1, v60;
	_ =	sdelay $0x1  }
0x48a: {  	s28 =	spop (v2sf)  }
0x48b: {  	s15 =	sadd.s32 s15, s28  }
0x48c: {  	[tilespmem:s15+$0x9000] =	vst.msk vm0, v7  }
0x48d: {  	[tilespmem:v8+s8+$0x0] =	vst.idx.add.s32.msk vm0, v4  }
0x48e: {  	v7 =	vld [tilespmem:s13+$0x30];
	_ =	sdelay $0x3  }
0x48f: {  	s29 =	sadd.s32 $0x70, s16  }
0x490: {  	v61 =	vor.u32 s29, v0;
	v62 =	vshra.s32 v7, $0x10  }
0x491: {  	vm14 =	vlt.s32 v61, v5;
	v63 =	vmpcnt.ones.xlane vm0;
	vm15 =	veq.s32 v62, v6  }
0x492: {  	vm0 =	vmand vm14, vm15  }
0x493: {  	(v2sf) =	vpush v63, $0x0;
	v5 =	vmpcnt.ones.xlane vm0;
	_ =	sdelay $0x1  }
0x494: {  	(v2sf) =	vpush v5, $0x0;
	_ =	sdelay $0x8  }
0x495: {  	v5 =	vshrl.u32 v7, $0x8  }
0x496: {  	v5 =	vand.u32 $0xFF, v5  }
0x497: {  	v5 =	vadd.s32 v1, v5;
	_ =	sdelay $0x1  }
0x498: {  	s30 =	spop (v2sf)  }
0x499: {  	s13 =	sadd.s32 s15, s30  }
0x49a: {  	[tilespmem:s13+$0x9000] =	vst.msk vm0, v7;
	s31 =	spop (v2sf)  }
0x49b: {  	[tilespmem:v5+s9+$0x0] =	vst.idx.add.s32.msk vm0, v4;
	s15 =	sadd.s32 s13, s31  }
.LBB2_29:
0x49c: {  	s13 =	simm.s32 $0x0  }
0x49d: {  	v5 =	vld [tilespmem:s13+$0x12080]  }
0x49e: {  	v6 =	vld [tilespmem:s13+$0x13100]  }
0x49f: {  	v7 =	vld [tilespmem:s13+$0x12181]  }
0x4a0: {  	v8 =	vld [tilespmem:s13+$0x13201]  }
0x4a1: {  	v9 =	vld [tilespmem:s13+$0x12282]  }
0x4a2: {  	v10 =	vld [tilespmem:s13+$0x13302]  }
0x4a3: {  	v5 =	vadd.s32 v6, v5;
	v6 =	vld [tilespmem:s13+$0x12383]  }
0x4a4: {  	v5 =	vadd.s32 v5, v7;
	v7 =	vld [tilespmem:s13+$0x13403]  }
0x4a5: {  	v5 =	vadd.s32 v8, v5;
	v8 =	vld [tilespmem:s13+$0x12484]  }
0x4a6: {  	v5 =	vadd.s32 v5, v9;
	v9 =	vld [tilespmem:s13+$0x13504]  }
0x4a7: {  	v5 =	vadd.s32 v10, v5;
	v10 =	vld [tilespmem:s13+$0x12585]  }
0x4a8: {  	v5 =	vadd.s32 v5, v6;
	v6 =	vld [tilespmem:s13+$0x13605]  }
0x4a9: {  	v5 =	vadd.s32 v7, v5;
	v7 =	vld [tilespmem:s13+$0x12686]  }
0x4aa: {  	v5 =	vadd.s32 v5, v8;
	v8 =	vld [tilespmem:s13+$0x13706]  }
0x4ab: {  	v5 =	vadd.s32 v9, v5;
	v9 =	vld [tilespmem:s13+$0x12787]  }
0x4ac: {  	v5 =	vadd.s32 v5, v10;
	v10 =	vld [tilespmem:s13+$0x13807]  }
0x4ad: {  	v5 =	vadd.s32 v6, v5;
	v6 =	vld [tilespmem:s13+$0x12888]  }
0x4ae: {  	v5 =	vadd.s32 v5, v7;
	v7 =	vld [tilespmem:s13+$0x13908]  }
0x4af: {  	v5 =	vadd.s32 v8, v5;
	v8 =	vld [tilespmem:s13+$0x12989]  }
0x4b0: {  	v5 =	vadd.s32 v5, v9;
	v9 =	vld [tilespmem:s13+$0x13A09]  }
0x4b1: {  	v5 =	vadd.s32 v10, v5;
	v10 =	vld [tilespmem:s13+$0x12A8A]  }
0x4b2: {  	v5 =	vadd.s32 v5, v6;
	v6 =	vld [tilespmem:s13+$0x13B0A]  }
0x4b3: {  	v5 =	vadd.s32 v7, v5;
	v7 =	vld [tilespmem:s13+$0x12B8B]  }
0x4b4: {  	v5 =	vadd.s32 v5, v8;
	v8 =	vld [tilespmem:s13+$0x13C0B]  }
0x4b5: {  	v5 =	vadd.s32 v9, v5;
	v9 =	vld [tilespmem:s13+$0x12C8C]  }
0x4b6: {  	v5 =	vadd.s32 v5, v10;
	v10 =	vld [tilespmem:s13+$0x13D0C]  }
0x4b7: {  	v11 =	vld [tilespmem:s13+$0x12D8D];
	v5 =	vadd.s32 v6, v5  }
0x4b8: {  	v12 =	vld [tilespmem:s13+$0x13E0D];
	v5 =	vadd.s32 v5, v7  }
0x4b9: {  	v6 =	vld [tilespmem:s13+$0x12E8E];
	v5 =	vadd.s32 v8, v5  }
0x4ba: {  	v7 =	vld [tilespmem:s13+$0x13F0E];
	v5 =	vadd.s32 v5, v9  }
0x4bb: {  	v8 =	vld [tilespmem:s13+$0x12F8F];
	v5 =	vadd.s32 v10, v5  }
0x4bc: {  	s17 =	simm.s32 $0x10;
	v9 =	vld [tilespmem:s13+$0x1400F];
	v10 =	vadd.s32 v5, v11  }
0x4bd: {  	s16 =	simm.s32 $0x80;
	v5 =	vld [tilespmem:s17+$0x12080];
	v10 =	vadd.s32 v12, v10  }
.LBB2_30:
0x4be: {  	p1 =	sne.s32 s16, $0x3C0;
	v11 =	vld [tilespmem:s17+$0x13100];
	v6 =	vadd.s32 v10, v6  }
0x4bf: {  	v10 =	vld [tilespmem:s17+$0x12181];
	v6 =	vadd.s32 v7, v6  }
0x4c0: {  	v7 =	vld [tilespmem:s17+$0x13201];
	v6 =	vadd.s32 v6, v8  }
0x4c1: {  	v8 =	vld [tilespmem:s17+$0x12282];
	v6 =	vadd.s32 v9, v6  }
0x4c2: {  	v9 =	vld [tilespmem:s17+$0x13302];
	[tilespmem:s13+$0x14180] =	vst v6;
	s13 =	smov.u32 s17  }
0x4c3: {  	v5 =	vadd.s32 v11, v5;
	v6 =	vld [tilespmem:s13+$0x12383]  }
0x4c4: {  	v5 =	vadd.s32 v5, v10;
	v10 =	vld [tilespmem:s13+$0x13403]  }
0x4c5: {  	v5 =	vadd.s32 v7, v5;
	v7 =	vld [tilespmem:s13+$0x12484]  }
0x4c6: {  	v5 =	vadd.s32 v5, v8;
	v8 =	vld [tilespmem:s13+$0x13504]  }
0x4c7: {  	v5 =	vadd.s32 v9, v5;
	v9 =	vld [tilespmem:s13+$0x12585]  }
0x4c8: {  	v5 =	vadd.s32 v5, v6;
	v6 =	vld [tilespmem:s13+$0x13605]  }
0x4c9: {  	v5 =	vadd.s32 v10, v5;
	v10 =	vld [tilespmem:s13+$0x12686]  }
0x4ca: {  	v5 =	vadd.s32 v5, v7;
	v7 =	vld [tilespmem:s13+$0x13706]  }
0x4cb: {  	v5 =	vadd.s32 v8, v5;
	v8 =	vld [tilespmem:s13+$0x12787]  }
0x4cc: {  	v5 =	vadd.s32 v5, v9;
	v9 =	vld [tilespmem:s13+$0x13807]  }
0x4cd: {  	v5 =	vadd.s32 v6, v5;
	v6 =	vld [tilespmem:s13+$0x12888]  }
0x4ce: {  	v5 =	vadd.s32 v5, v10;
	v10 =	vld [tilespmem:s13+$0x13908]  }
0x4cf: {  	v5 =	vadd.s32 v7, v5;
	v7 =	vld [tilespmem:s13+$0x12989]  }
0x4d0: {  	v5 =	vadd.s32 v5, v8;
	v8 =	vld [tilespmem:s13+$0x13A09]  }
0x4d1: {  	v5 =	vadd.s32 v9, v5;
	v9 =	vld [tilespmem:s13+$0x12A8A]  }
0x4d2: {  	v5 =	vadd.s32 v5, v6;
	v6 =	vld [tilespmem:s13+$0x13B0A]  }
0x4d3: {  	v5 =	vadd.s32 v10, v5;
	v10 =	vld [tilespmem:s13+$0x12B8B]  }
0x4d4: {  	v5 =	vadd.s32 v5, v7;
	v7 =	vld [tilespmem:s13+$0x13C0B]  }
0x4d5: {  	v5 =	vadd.s32 v8, v5;
	v8 =	vld [tilespmem:s13+$0x12C8C]  }
0x4d6: {  	v5 =	vadd.s32 v5, v9;
	v9 =	vld [tilespmem:s13+$0x13D0C]  }
0x4d7: {  	v5 =	vadd.s32 v6, v5;
	v11 =	vld [tilespmem:s13+$0x12D8D]  }
0x4d8: {  	v5 =	vadd.s32 v5, v10;
	v10 =	vld [tilespmem:s13+$0x13E0D]  }
.Ltmp15:
0x4d9: {  	v5 =	vadd.s32 v7, v5;
	v6 =	vld [tilespmem:s13+$0x12E8E];
	(pc) =	sbr.rel @p1 .LBB2_30-.Ltmp15, $4  }
0x4da: {  	v5 =	vadd.s32 v5, v8;
	v7 =	vld [tilespmem:s13+$0x13F0E]  }
0x4db: {  	v5 =	vadd.s32 v9, v5;
	v8 =	vld [tilespmem:s13+$0x12F8F]  }
0x4dc: {  	s17 =	sshra.s32 s16, $0x2;
	v11 =	vadd.s32 v5, v11;
	v9 =	vld [tilespmem:s13+$0x1400F]  }
0x4dd: {  	s16 =	sadd.s32 $0x40, s16;
	v5 =	vld [tilespmem:s17+$0x12080];
	v10 =	vadd.s32 v10, v11  }
0x4de: {  	v11 =	vld [tilespmem:s17+$0x13100];
	v6 =	vadd.s32 v10, v6  }
0x4df: {  	v10 =	vld [tilespmem:s17+$0x12181];
	v6 =	vadd.s32 v7, v6  }
0x4e0: {  	v7 =	vld [tilespmem:s17+$0x13201];
	v6 =	vadd.s32 v6, v8  }
0x4e1: {  	v8 =	vld [tilespmem:s17+$0x12282];
	v6 =	vadd.s32 v9, v6  }
0x4e2: {  	v9 =	vld [tilespmem:s17+$0x13302];
	[tilespmem:s13+$0x14180] =	vst v6  }
0x4e3: {  	v5 =	vadd.s32 v11, v5;
	v6 =	vld [tilespmem:s17+$0x12383]  }
0x4e4: {  	v5 =	vadd.s32 v5, v10;
	v10 =	vld [tilespmem:s17+$0x13403]  }
0x4e5: {  	v5 =	vadd.s32 v7, v5;
	v7 =	vld [tilespmem:s17+$0x12484]  }
0x4e6: {  	v5 =	vadd.s32 v5, v8;
	v8 =	vld [tilespmem:s17+$0x13504]  }
0x4e7: {  	v5 =	vadd.s32 v9, v5;
	v9 =	vld [tilespmem:s17+$0x12585]  }
0x4e8: {  	v5 =	vadd.s32 v5, v6;
	v6 =	vld [tilespmem:s17+$0x13605]  }
0x4e9: {  	v5 =	vadd.s32 v10, v5;
	v10 =	vld [tilespmem:s17+$0x12686]  }
0x4ea: {  	v5 =	vadd.s32 v5, v7;
	v7 =	vld [tilespmem:s17+$0x13706]  }
0x4eb: {  	v5 =	vadd.s32 v8, v5;
	v8 =	vld [tilespmem:s17+$0x12787]  }
0x4ec: {  	v5 =	vadd.s32 v5, v9;
	v9 =	vld [tilespmem:s17+$0x13807]  }
0x4ed: {  	v5 =	vadd.s32 v6, v5;
	v6 =	vld [tilespmem:s17+$0x12888]  }
0x4ee: {  	v5 =	vadd.s32 v5, v10;
	v10 =	vld [tilespmem:s17+$0x13908]  }
0x4ef: {  	v5 =	vadd.s32 v7, v5;
	v7 =	vld [tilespmem:s17+$0x12989]  }
0x4f0: {  	v5 =	vadd.s32 v5, v8;
	v8 =	vld [tilespmem:s17+$0x13A09]  }
0x4f1: {  	v5 =	vadd.s32 v9, v5;
	v9 =	vld [tilespmem:s17+$0x12A8A]  }
0x4f2: {  	v5 =	vadd.s32 v5, v6;
	v6 =	vld [tilespmem:s17+$0x13B0A]  }
0x4f3: {  	v5 =	vadd.s32 v10, v5;
	v10 =	vld [tilespmem:s17+$0x12B8B]  }
0x4f4: {  	v5 =	vadd.s32 v5, v7;
	v7 =	vld [tilespmem:s17+$0x13C0B]  }
0x4f5: {  	v5 =	vadd.s32 v8, v5;
	v8 =	vld [tilespmem:s17+$0x12C8C]  }
0x4f6: {  	v5 =	vadd.s32 v5, v9;
	v9 =	vld [tilespmem:s17+$0x13D0C]  }
0x4f7: {  	v5 =	vadd.s32 v6, v5;
	v6 =	vld [tilespmem:s17+$0x12D8D]  }
0x4f8: {  	v5 =	vadd.s32 v5, v10;
	v10 =	vld [tilespmem:s17+$0x13E0D]  }
0x4f9: {  	v5 =	vadd.s32 v7, v5;
	v7 =	vld [tilespmem:s17+$0x12E8E]  }
0x4fa: {  	v5 =	vadd.s32 v5, v8;
	v8 =	vld [tilespmem:s17+$0x13F0E]  }
0x4fb: {  	v5 =	vadd.s32 v9, v5;
	v9 =	vld [tilespmem:s17+$0x12F8F]  }
0x4fc: {  	v5 =	vadd.s32 v5, v6;
	v6 =	vld [tilespmem:s17+$0x1400F]  }
0x4fd: {  	v5 =	vadd.s32 v10, v5  }
0x4fe: {  	v5 =	vadd.s32 v5, v7  }
0x4ff: {  	v5 =	vadd.s32 v8, v5  }
0x500: {  	v5 =	vadd.s32 v5, v9  }
0x501: {  	v5 =	vadd.s32 v6, v5  }
0x502: {  	[tilespmem:s17+$0x14180] =	vst v5  }
0x503: {  	[spmem:s4] =	stream.linear.scatter [tilespmem:s10], [sflag:$0x1], $0x100, $0x38;
	[tilespmem:$0x14400] =	vst v63  }
0x504: {  	_ =	swait.ge [sflag:s7], $0x100  }
0x505: {  	[sflag:s7] =	ssyncset.done $0x0  }
0x506: {  	[sflag:s7] =	ssyncadd.s32 $0xFFFFFF00  }
0x507: {  	[bflag:$0x0] =	sbarrier.arrive $0xFFFF  }
0x508: {  	[tilespmem:s8], [sflag:$0x1] =	stream.linear.gather [spmem:s1], $0x1000, $0x38;
	[tilespmem:$0x14400] =	vst v63  }
0x509: {  	_ =	swait.ge [sflag:s7], $0x1000  }
0x50a: {  	[sflag:s7] =	ssyncset.done $0x0  }
0x50b: {  	s13 =	simm.s32 $0x0;
	[sflag:s7] =	ssyncadd.s32 $0xFFFFF000  }
0x50c: {  	s16 =	sand.u32 $0xF0, s13;
	[bflag:$0x0] =	sbarrier.arrive $0xFFFF  }
0x50d: {  	s23 =	sadd.s32 $0x12080, s16;
	v5 =	vld [tilespmem:s16+$0x12080]  }
0x50e: {  	v6 =	vld [tilespmem:s23+$0x100]  }
0x50f: {  	v7 =	vld [tilespmem:s23+$0x200]  }
0x510: {  	v8 =	vld [tilespmem:s23+$0x300]  }
0x511: {  	v9 =	vld [tilespmem:s23+$0x400]  }
0x512: {  	v10 =	vld [tilespmem:s23+$0x500]  }
0x513: {  	v5 =	vadd.s32 v5, v6;
	v6 =	vld [tilespmem:s23+$0x600]  }
0x514: {  	v5 =	vadd.s32 v5, v7;
	v7 =	vld [tilespmem:s23+$0x700]  }
0x515: {  	v5 =	vadd.s32 v5, v8;
	v8 =	vld [tilespmem:s23+$0x800]  }
0x516: {  	v5 =	vadd.s32 v5, v9;
	v9 =	vld [tilespmem:s23+$0x900]  }
0x517: {  	v5 =	vadd.s32 v5, v10;
	v10 =	vld [tilespmem:s23+$0xA00]  }
0x518: {  	v5 =	vadd.s32 v5, v6;
	v6 =	vld [tilespmem:s23+$0xB00]  }
0x519: {  	v5 =	vadd.s32 v5, v7;
	v7 =	vld [tilespmem:s23+$0xC00]  }
0x51a: {  	v5 =	vadd.s32 v5, v8;
	v8 =	vld [tilespmem:s23+$0xD00]  }
0x51b: {  	v5 =	vadd.s32 v5, v9;
	v9 =	vld [tilespmem:s23+$0xE00]  }
0x51c: {  	v5 =	vadd.s32 v5, v10;
	v10 =	vld [tilespmem:s23+$0xF00]  }
0x51d: {  	s24 =	simm.s32 $0x10;
	v5 =	vadd.s32 v5, v6  }
0x51e: {  	s16 =	sand.u32 $0xF0, s24;
	v5 =	vadd.s32 v5, v7  }
0x51f: {  	s25 =	sadd.s32 $0x12080, s16;
	v6 =	vld [tilespmem:s16+$0x12080];
	v5 =	vadd.s32 v5, v8  }
0x520: {  	v7 =	vld [tilespmem:s25+$0x100];
	v5 =	vadd.s32 v5, v9  }
0x521: {  	v8 =	vld [tilespmem:s25+$0x200];
	v5 =	vadd.s32 v5, v10  }
0x522: {  	v9 =	vld [tilespmem:s25+$0x300];
	(v2sf) =	vpush v5, $0x0  }
0x523: {  	v10 =	vld [tilespmem:s25+$0x400]  }
0x524: {  	v11 =	vld [tilespmem:s25+$0x500];
	(v2sf) =	vpush v5, $0x1  }
0x525: {  	v6 =	vadd.s32 v6, v7;
	v7 =	vld [tilespmem:s25+$0x600];
	(v2sf) =	vpush v5, $0x2  }
0x526: {  	v6 =	vadd.s32 v6, v8;
	v8 =	vld [tilespmem:s25+$0x700];
	(v2sf) =	vpush v5, $0x3  }
0x527: {  	v6 =	vadd.s32 v6, v9;
	v9 =	vld [tilespmem:s25+$0x800];
	(v2sf) =	vpush v5, $0x4  }
0x528: {  	v6 =	vadd.s32 v6, v10;
	v10 =	vld [tilespmem:s25+$0x900];
	(v2sf) =	vpush v5, $0x5  }
0x529: {  	v6 =	vadd.s32 v6, v11;
	v11 =	vld [tilespmem:s25+$0xA00];
	(v2sf) =	vpush v5, $0x6  }
0x52a: {  	v6 =	vadd.s32 v6, v7;
	v7 =	vld [tilespmem:s25+$0xB00];
	(v2sf) =	vpush v5, $0x7  }
0x52b: {  	v6 =	vadd.s32 v6, v8;
	v8 =	vld [tilespmem:s25+$0xC00];
	(v2sf) =	vpush v5, $0x8  }
0x52c: {  	v6 =	vadd.s32 v6, v9;
	v9 =	vld [tilespmem:s25+$0xD00];
	(v2sf) =	vpush v5, $0x9  }
0x52d: {  	s26 =	simm.s32 $0x20;
	v6 =	vadd.s32 v6, v10;
	v10 =	vld [tilespmem:s25+$0xE00];
	(v2sf) =	vpush v5, $0xA  }
0x52e: {  	s28 =	sand.u32 $0xF0, s26;
	v6 =	vadd.s32 v6, v11;
	v11 =	vld [tilespmem:s25+$0xF00];
	(v2sf) =	vpush v5, $0xB  }
0x52f: {  	s16 =	sadd.s32 $0x12080, s28;
	v6 =	vadd.s32 v6, v7;
	v7 =	vld [tilespmem:s28+$0x12080];
	(v2sf) =	vpush v5, $0xC  }
0x530: {  	v6 =	vadd.s32 v6, v8;
	v8 =	vld [tilespmem:s16+$0x100];
	(v2sf) =	vpush v5, $0xD  }
0x531: {  	v6 =	vadd.s32 v6, v9;
	v9 =	vld [tilespmem:s16+$0x200];
	(v2sf) =	vpush v5, $0xE;
	s29 =	spop (v2sf)  }
0x532: {  	v6 =	vadd.s32 v6, v10;
	v10 =	vld [tilespmem:s16+$0x300];
	(v2sf) =	vpush v5, $0xF;
	[smem:$0x0] =	sst s29  }
0x533: {  	v5 =	vadd.s32 v6, v11;
	s17 =	spop (v2sf)  }
0x534: {  	v11 =	vld [tilespmem:s16+$0x400];
	(v2sf) =	vpush v5, $0x0;
	[smem:$0x1] =	sst s17  }
0x535: {  	s17 =	spop (v2sf)  }
0x536: {  	v12 =	vld [tilespmem:s16+$0x500];
	(v2sf) =	vpush v5, $0x1;
	[smem:$0x2] =	sst s17  }
0x537: {  	s17 =	spop (v2sf)  }
0x538: {  	v13 =	vld [tilespmem:s16+$0x600];
	(v2sf) =	vpush v5, $0x2;
	[smem:$0x3] =	sst s17  }
0x539: {  	s17 =	spop (v2sf)  }
0x53a: {  	v14 =	vld [tilespmem:s16+$0x700];
	(v2sf) =	vpush v5, $0x3;
	[smem:$0x4] =	sst s17  }
0x53b: {  	s17 =	spop (v2sf)  }
0x53c: {  	v15 =	vld [tilespmem:s16+$0x800];
	(v2sf) =	vpush v5, $0x4;
	[smem:$0x5] =	sst s17  }
0x53d: {  	s17 =	spop (v2sf)  }
0x53e: {  	v16 =	vld [tilespmem:s16+$0x900];
	(v2sf) =	vpush v5, $0x5;
	[smem:$0x6] =	sst s17  }
0x53f: {  	s17 =	spop (v2sf)  }
0x540: {  	v17 =	vld [tilespmem:s16+$0xA00];
	(v2sf) =	vpush v5, $0x6;
	[smem:$0x7] =	sst s17  }
0x541: {  	s17 =	simm.s32 $0x8;
	s18 =	spop (v2sf)  }
0x542: {  	v18 =	vld [tilespmem:s16+$0xB00];
	(v2sf) =	vpush v5, $0x7;
	[smem:s17] =	sst s18;
	s30 =	spop (v2sf)  }
0x543: {  	v6 =	vadd.s32 v7, v8;
	v19 =	vld [tilespmem:s16+$0xC00];
	(v2sf) =	vpush v5, $0x8;
	[smem:$0x9] =	sst s30  }
0x544: {  	v7 =	vadd.s32 v6, v9;
	s18 =	spop (v2sf)  }
0x545: {  	v7 =	vadd.s32 v7, v10;
	v6 =	vld [tilespmem:s16+$0xD00];
	(v2sf) =	vpush v5, $0x9;
	[smem:$0xA] =	sst s18  }
0x546: {  	v8 =	vadd.s32 v7, v11;
	s18 =	spop (v2sf)  }
0x547: {  	v8 =	vadd.s32 v8, v12;
	v7 =	vld [tilespmem:s16+$0xE00];
	(v2sf) =	vpush v5, $0xA;
	[smem:$0xB] =	sst s18  }
0x548: {  	v9 =	vadd.s32 v8, v13;
	s18 =	spop (v2sf)  }
0x549: {  	v9 =	vadd.s32 v9, v14;
	v8 =	vld [tilespmem:s16+$0xF00];
	(v2sf) =	vpush v5, $0xB;
	[smem:$0xC] =	sst s18  }
0x54a: {  	v9 =	vadd.s32 v9, v15;
	s18 =	spop (v2sf)  }
0x54b: {  	s31 =	simm.s32 $0x30;
	v9 =	vadd.s32 v9, v16;
	(v2sf) =	vpush v5, $0xC;
	[smem:$0xD] =	sst s18  }
0x54c: {  	v10 =	vadd.s32 v9, v17;
	s16 =	sand.u32 $0xF0, s31;
	s18 =	spop (v2sf)  }
0x54d: {  	v10 =	vadd.s32 v10, v18;
	v9 =	vld [tilespmem:s16+$0x12080];
	(v2sf) =	vpush v5, $0xD;
	[smem:$0xE] =	sst s18  }
0x54e: {  	s20 =	simm.s32 $0x40;
	v10 =	vadd.s32 v10, v19;
	s16 =	sadd.s32 $0x12080, s16;
	s19 =	spop (v2sf)  }
.LBB2_32:
0x54f: {  	[smem:s17+$0x7] =	sst s19  }
0x550: {  	v11 =	vld [tilespmem:s16+$0x100];
	v6 =	vadd.s32 v10, v6;
	(v2sf) =	vpush v5, $0xE;
	s17 =	sadd.s32 $0x10, s17;
	s19 =	smov.u32 s20;
	s18 =	sadd.s32 $0x10, s20  }
0x551: {  	p1 =	sne.s32 s20, $0xF0;
	v10 =	vld [tilespmem:s16+$0x200];
	v6 =	vadd.s32 v6, v7;
	s20 =	spop (v2sf);
	(v2sf) =	vpush v5, $0xF  }
0x552: {  	v7 =	vld [tilespmem:s16+$0x300];
	v5 =	vadd.s32 v6, v8;
	[smem:s17+$0xFFFFFFF8] =	sst s20;
	s20 =	spop (v2sf)  }
0x553: {  	v6 =	vld [tilespmem:s16+$0x400];
	(v2sf) =	vpush v5, $0x0;
	[smem:s17+$0xFFFFFFF9] =	sst s20;
	s20 =	spop (v2sf)  }
0x554: {  	v8 =	vld [tilespmem:s16+$0x500];
	(v2sf) =	vpush v5, $0x1;
	[smem:s17+$0xFFFFFFFA] =	sst s20;
	s20 =	spop (v2sf)  }
0x555: {  	v9 =	vadd.s32 v9, v11;
	v11 =	vld [tilespmem:s16+$0x600];
	(v2sf) =	vpush v5, $0x2;
	[smem:s17+$0xFFFFFFFB] =	sst s20;
	s20 =	spop (v2sf)  }
0x556: {  	v9 =	vadd.s32 v9, v10;
	v10 =	vld [tilespmem:s16+$0x700];
	(v2sf) =	vpush v5, $0x3;
	[smem:s17+$0xFFFFFFFC] =	sst s20;
	s20 =	spop (v2sf)  }
0x557: {  	v7 =	vadd.s32 v9, v7;
	v9 =	vld [tilespmem:s16+$0x800];
	(v2sf) =	vpush v5, $0x4;
	[smem:s17+$0xFFFFFFFD] =	sst s20;
	s20 =	spop (v2sf)  }
0x558: {  	v6 =	vadd.s32 v7, v6;
	v7 =	vld [tilespmem:s16+$0x900];
	(v2sf) =	vpush v5, $0x5;
	[smem:s17+$0xFFFFFFFE] =	sst s20;
	s20 =	spop (v2sf)  }
0x559: {  	v6 =	vadd.s32 v6, v8;
	v8 =	vld [tilespmem:s16+$0xA00];
	(v2sf) =	vpush v5, $0x6;
	[smem:s17+$0xFFFFFFFF] =	sst s20;
	s20 =	spop (v2sf)  }
0x55a: {  	v6 =	vadd.s32 v6, v11;
	v11 =	vld [tilespmem:s16+$0xB00];
	(v2sf) =	vpush v5, $0x7;
	[smem:s17] =	sst s20;
	s20 =	spop (v2sf)  }
0x55b: {  	v6 =	vadd.s32 v6, v10;
	v10 =	vld [tilespmem:s16+$0xC00];
	(v2sf) =	vpush v5, $0x8;
	[smem:s17+$0x1] =	sst s20;
	s20 =	spop (v2sf)  }
0x55c: {  	[smem:s17+$0x2] =	sst s20  }
.Ltmp16:
0x55d: {  	v9 =	vadd.s32 v6, v9;
	v6 =	vld [tilespmem:s16+$0xD00];
	(v2sf) =	vpush v5, $0x9;
	s20 =	spop (v2sf);
	(pc) =	sbr.rel @p1 .LBB2_32-.Ltmp16, $4  }
0x55e: {  	v9 =	vadd.s32 v9, v7;
	v7 =	vld [tilespmem:s16+$0xE00];
	(v2sf) =	vpush v5, $0xA;
	[smem:s17+$0x3] =	sst s20;
	s20 =	spop (v2sf)  }
0x55f: {  	s19 =	sand.u32 $0xF0, s19;
	v9 =	vadd.s32 v9, v8;
	v8 =	vld [tilespmem:s16+$0xF00];
	(v2sf) =	vpush v5, $0xB;
	[smem:s17+$0x4] =	sst s20;
	s16 =	spop (v2sf)  }
0x560: {  	v11 =	vadd.s32 v9, v11;
	(v2sf) =	vpush v5, $0xC;
	[smem:s17+$0x5] =	sst s16;
	s20 =	spop (v2sf);
	s16 =	sadd.s32 $0x12080, s19  }
0x561: {  	v9 =	vld [tilespmem:s19+$0x12080];
	v10 =	vadd.s32 v11, v10;
	(v2sf) =	vpush v5, $0xD;
	[smem:s17+$0x6] =	sst s20;
	s19 =	spop (v2sf);
	s20 =	smov.u32 s18  }
0x562: {  	v11 =	vld [tilespmem:s16+$0x100]  }
0x563: {  	v6 =	vadd.s32 v10, v6;
	v54 =	vld [tilespmem:s16+$0x200]  }
0x564: {  	(v2sf) =	vpush v5, $0xE;
	v6 =	vadd.s32 v6, v7;
	v7 =	vld [tilespmem:s16+$0x300]  }
0x565: {  	[smem:s17+$0x7] =	sst s19;
	s17 =	sadd.s32 $0x10, s17;
	s18 =	spop (v2sf);
	(v2sf) =	vpush v5, $0xF;
	v5 =	vadd.s32 v6, v8;
	v6 =	vld [tilespmem:s16+$0x400]  }
0x566: {  	v55 =	vld [tilespmem:s16+$0x500];
	[smem:s17+$0xFFFFFFF8] =	sst s18;
	s22 =	spop (v2sf);
	(v2sf) =	vpush v5, $0x0  }
0x567: {  	v56 =	vld [tilespmem:s16+$0x600];
	[smem:s17+$0xFFFFFFF9] =	sst s22;
	s23 =	spop (v2sf);
	(v2sf) =	vpush v5, $0x1;
	v9 =	vadd.s32 v9, v11  }
0x568: {  	v57 =	vld [tilespmem:s16+$0x700];
	[smem:s17+$0xFFFFFFFA] =	sst s23;
	s24 =	spop (v2sf);
	(v2sf) =	vpush v5, $0x2;
	v9 =	vadd.s32 v9, v54  }
0x569: {  	v58 =	vld [tilespmem:s16+$0x800];
	[smem:s17+$0xFFFFFFFB] =	sst s24;
	s25 =	spop (v2sf);
	(v2sf) =	vpush v5, $0x3;
	v7 =	vadd.s32 v9, v7  }
0x56a: {  	[smem:s17+$0xFFFFFFFC] =	sst s25;
	s26 =	spop (v2sf);
	(v2sf) =	vpush v5, $0x4;
	v6 =	vadd.s32 v7, v6;
	v7 =	vld [tilespmem:s16+$0x900]  }
0x56b: {  	v59 =	vld [tilespmem:s16+$0xA00];
	[smem:s17+$0xFFFFFFFD] =	sst s26;
	s28 =	spop (v2sf);
	(v2sf) =	vpush v5, $0x5;
	v6 =	vadd.s32 v6, v55  }
0x56c: {  	v60 =	vld [tilespmem:s16+$0xB00];
	[smem:s17+$0xFFFFFFFE] =	sst s28;
	s29 =	spop (v2sf);
	(v2sf) =	vpush v5, $0x6;
	v6 =	vadd.s32 v6, v56  }
0x56d: {  	v61 =	vld [tilespmem:s16+$0xC00];
	[smem:s17+$0xFFFFFFFF] =	sst s29;
	s30 =	spop (v2sf);
	(v2sf) =	vpush v5, $0x7;
	v6 =	vadd.s32 v6, v57  }
0x56e: {  	v62 =	vld [tilespmem:s16+$0xD00];
	[smem:s17] =	sst s30;
	s31 =	spop (v2sf);
	(v2sf) =	vpush v5, $0x8;
	v6 =	vadd.s32 v6, v58  }
0x56f: {  	[smem:s17+$0x1] =	sst s31;
	s19 =	spop (v2sf);
	(v2sf) =	vpush v5, $0x9;
	v6 =	vadd.s32 v6, v7;
	v7 =	vld [tilespmem:s16+$0xE00]  }
0x570: {  	v63 =	vld [tilespmem:s16+$0xF00];
	[smem:s17+$0x2] =	sst s19;
	s20 =	spop (v2sf);
	(v2sf) =	vpush v5, $0xA;
	v6 =	vadd.s32 v6, v59  }
0x571: {  	[smem:s17+$0x3] =	sst s20;
	s21 =	spop (v2sf);
	(v2sf) =	vpush v5, $0xB;
	v6 =	vadd.s32 v6, v60  }
0x572: {  	[smem:s17+$0x4] =	sst s21;
	s22 =	spop (v2sf);
	(v2sf) =	vpush v5, $0xC;
	v6 =	vadd.s32 v6, v61  }
0x573: {  	[smem:s17+$0x5] =	sst s22;
	s23 =	spop (v2sf);
	(v2sf) =	vpush v5, $0xD;
	v6 =	vadd.s32 v6, v62  }
0x574: {  	[smem:s17+$0x6] =	sst s23;
	s24 =	spop (v2sf);
	(v2sf) =	vpush v5, $0xE;
	v6 =	vadd.s32 v6, v7  }
0x575: {  	s16 =	sadd.s32 $0x10, s17;
	[smem:s17+$0x7] =	sst s24;
	s25 =	spop (v2sf);
	(v2sf) =	vpush v5, $0xF;
	v5 =	vadd.s32 v6, v63  }
0x576: {  	[smem:s16+$0xFFFFFFF8] =	sst s25;
	s26 =	spop (v2sf);
	(v2sf) =	vpush v5, $0x0  }
0x577: {  	[smem:s16+$0xFFFFFFF9] =	sst s26;
	s28 =	spop (v2sf);
	(v2sf) =	vpush v5, $0x1  }
0x578: {  	[smem:s16+$0xFFFFFFFA] =	sst s28;
	s29 =	spop (v2sf);
	(v2sf) =	vpush v5, $0x2  }
0x579: {  	[smem:s16+$0xFFFFFFFB] =	sst s29;
	s30 =	spop (v2sf);
	(v2sf) =	vpush v5, $0x3  }
0x57a: {  	[smem:s16+$0xFFFFFFFC] =	sst s30;
	s31 =	spop (v2sf);
	(v2sf) =	vpush v5, $0x4  }
0x57b: {  	[smem:s16+$0xFFFFFFFD] =	sst s31;
	s18 =	spop (v2sf);
	(v2sf) =	vpush v5, $0x5  }
0x57c: {  	[smem:s16+$0xFFFFFFFE] =	sst s18;
	s19 =	spop (v2sf);
	(v2sf) =	vpush v5, $0x6  }
0x57d: {  	[smem:s16+$0xFFFFFFFF] =	sst s19;
	s20 =	spop (v2sf);
	(v2sf) =	vpush v5, $0x7  }
0x57e: {  	[smem:s16] =	sst s20;
	s21 =	spop (v2sf);
	(v2sf) =	vpush v5, $0x8  }
0x57f: {  	[smem:s16+$0x1] =	sst s21;
	s22 =	spop (v2sf);
	(v2sf) =	vpush v5, $0x9  }
0x580: {  	[smem:s16+$0x2] =	sst s22;
	s23 =	spop (v2sf);
	(v2sf) =	vpush v5, $0xA  }
0x581: {  	[smem:s16+$0x3] =	sst s23;
	s24 =	spop (v2sf);
	(v2sf) =	vpush v5, $0xB  }
0x582: {  	[smem:s16+$0x4] =	sst s24;
	s25 =	spop (v2sf);
	(v2sf) =	vpush v5, $0xC  }
0x583: {  	[smem:s16+$0x5] =	sst s25;
	s26 =	spop (v2sf);
	(v2sf) =	vpush v5, $0xD  }
0x584: {  	[smem:s16+$0x6] =	sst s26;
	s28 =	spop (v2sf);
	(v2sf) =	vpush v5, $0xE  }
0x585: {  	[smem:s16+$0x7] =	sst s28;
	s16 =	sadd.s32 $0x10, s16;
	s29 =	spop (v2sf);
	(v2sf) =	vpush v5, $0xF  }
0x586: {  	[smem:s16+$0xFFFFFFF8] =	sst s29;
	s30 =	spop (v2sf)  }
0x587: {  	[smem:s16+$0xFFFFFFF9] =	sst s30;
	s31 =	spop (v2sf)  }
0x588: {  	[smem:s16+$0xFFFFFFFA] =	sst s31;
	s18 =	spop (v2sf)  }
0x589: {  	[smem:s16+$0xFFFFFFFB] =	sst s18;
	s19 =	spop (v2sf)  }
0x58a: {  	[smem:s16+$0xFFFFFFFC] =	sst s19;
	s20 =	spop (v2sf)  }
0x58b: {  	[smem:s16+$0xFFFFFFFD] =	sst s20;
	s21 =	spop (v2sf)  }
0x58c: {  	[smem:s16+$0xFFFFFFFE] =	sst s21;
	s22 =	spop (v2sf)  }
0x58d: {  	[smem:s16+$0xFFFFFFFF] =	sst s22;
	s23 =	spop (v2sf)  }
0x58e: {  	[smem:s16] =	sst s23;
	s24 =	spop (v2sf)  }
0x58f: {  	[smem:s16+$0x1] =	sst s24;
	s25 =	spop (v2sf)  }
0x590: {  	[smem:s16+$0x2] =	sst s25;
	s26 =	spop (v2sf)  }
0x591: {  	[smem:s16+$0x3] =	sst s26;
	s28 =	spop (v2sf)  }
0x592: {  	[smem:s16+$0x4] =	sst s28;
	s29 =	spop (v2sf)  }
0x593: {  	[smem:s16+$0x5] =	sst s29;
	s30 =	spop (v2sf)  }
0x594: {  	[smem:s16+$0x6] =	sst s30;
	s31 =	spop (v2sf)  }
0x595: {  	[smem:s16+$0x7] =	sst s31  }
0x596: {  	s17 =	sld [smem:$0xFF];
	_ =	sdelay $0x2  }
0x597: {  	p2 =	por $0x1, $0x1;
	s19 =	simm.s32 $0xFE;
	s18 =	sadd.s32 $0x0, s17  }
0x598: {  	s20 =	simm.s32 $0xFF;
	s22 =	ssub.s32 s12, s13;
	p1 =	sge.s32 s18, s12  }
0x599: {  	s23 =	simm.s32 $0xFE;
	s16 =	simm.s32 $0xFFFFFFFF;
	p1 =	por !p2, !p1  }
0x59a: {  	s21 =	sld [smem:$0xFE];
	s17 =	simm.s32 $0xFD;
	p1 =	por !p1, !p1  }
.LBB2_34:
0x59b: {  	p2 =	sne.s32 s17, $0x0;
	s16 =	smov.u32 @p1 s20;
	s13 =	smov.u32 @p1 s22  }
0x59c: {  	s20 =	smov.u32 s19;
	s19 =	smov.u32 s17;
	s22 =	smov.u32 s18  }
.Ltmp17:
0x59d: {  	s17 =	sadd.s32 $0xFFFFFFFF, s17;
	(pc) =	sbr.rel @p2 .LBB2_34-.Ltmp17, $4  }
0x59e: {  	s18 =	sadd.s32 s18, s21  }
0x59f: {  	p3 =	slt.s32 s16, $0x0;
	p1 =	sge.s32 s18, s12  }
0x5a0: {  	s23 =	sadd.s32 $0xFFFFFFFF, s23;
	p1 =	por !p3, !p1  }
0x5a1: {  	s22 =	ssub.s32 s12, s22;
	s21 =	sld [smem:s23+$0x0];
	p1 =	por !p1, !p1  }
0x5a2: {  	s23 =	simm.s32 $0x120C0  }
0x5a3: {  	s17 =	simm.s32 $0x13140;
	[tilespmem:s23+$0xFFFFFFC0] =	vst v2  }
0x5a4: {  	[tilespmem:s17+$0xFFFFFFC0] =	vst v2  }
0x5a5: {  	[tilespmem:s23+$0xFFFFFFD0] =	vst v2  }
0x5a6: {  	[tilespmem:s17+$0xFFFFFFD0] =	vst v2  }
0x5a7: {  	[tilespmem:s23+$0xFFFFFFE0] =	vst v2  }
0x5a8: {  	[tilespmem:s17+$0xFFFFFFE0] =	vst v2  }
0x5a9: {  	[tilespmem:s23+$0xFFFFFFF0] =	vst v2  }
0x5aa: {  	[tilespmem:s17+$0xFFFFFFF0] =	vst v2  }
0x5ab: {  	[tilespmem:s23+$0x0] =	vst v2  }
0x5ac: {  	[tilespmem:s17+$0x0] =	vst v2  }
0x5ad: {  	[tilespmem:s23+$0x10] =	vst v2  }
0x5ae: {  	s16 =	smov.u32 @p1 s20;
	s31 =	sadd.s32 s18, s21;
	[tilespmem:s17+$0x10] =	vst v2  }
0x5af: {  	p3 =	slt.s32 s16, $0x0;
	p2 =	sge.s32 s31, s12;
	[tilespmem:s23+$0x20] =	vst v2  }
0x5b0: {  	s13 =	smov.u32 @p1 s22;
	p2 =	por !p3, !p2;
	[tilespmem:s17+$0x20] =	vst v2  }
0x5b1: {  	s12 =	ssub.s32 s12, s18;
	s18 =	simm.s32 $0x12140;
	p2 =	por !p2, !p2;
	[tilespmem:s23+$0x30] =	vst v2  }
0x5b2: {  	s16 =	smov.u32 @p2 s19;
	s13 =	smov.u32 @p2 s12;
	s12 =	simm.s32 $0x0;
	[tilespmem:s17+$0x30] =	vst v2  }
.LBB2_36:
0x5b3: {  	[tilespmem:s18+$0xFFFFFFC0] =	vst v2;
	s17 =	sadd.s32 $0x80, s17  }
0x5b4: {  	[tilespmem:s17+$0xFFFFFFC0] =	vst v2  }
0x5b5: {  	[tilespmem:s18+$0xFFFFFFD0] =	vst v2  }
0x5b6: {  	[tilespmem:s17+$0xFFFFFFD0] =	vst v2  }
0x5b7: {  	[tilespmem:s18+$0xFFFFFFE0] =	vst v2  }
0x5b8: {  	[tilespmem:s17+$0xFFFFFFE0] =	vst v2  }
0x5b9: {  	[tilespmem:s18+$0xFFFFFFF0] =	vst v2  }
0x5ba: {  	[tilespmem:s17+$0xFFFFFFF0] =	vst v2  }
0x5bb: {  	[tilespmem:s18+$0x0] =	vst v2  }
0x5bc: {  	s12 =	sadd.s32 $0x8, s12;
	[tilespmem:s17+$0x0] =	vst v2  }
0x5bd: {  	p1 =	slt.u32 s12, $0xF8;
	[tilespmem:s18+$0x10] =	vst v2  }
.Ltmp18:
0x5be: {  	[tilespmem:s17+$0x10] =	vst v2;
	(pc) =	sbr.rel @p1 .LBB2_36-.Ltmp18, $4  }
0x5bf: {  	[tilespmem:s18+$0x20] =	vst v2  }
0x5c0: {  	[tilespmem:s17+$0x20] =	vst v2  }
0x5c1: {  	[tilespmem:s18+$0x30] =	vst v2  }
0x5c2: {  	s18 =	sadd.s32 $0x80, s18;
	[tilespmem:s17+$0x30] =	vst v2  }
0x5c3: {  	s12 =	sadd.s32 $0x7F, s15  }
0x5c4: {  	s17 =	sand.u32 $0x7F, s12  }
0x5c5: {  	s30 =	sshra.s32 s12, $0x1F;
	p2 =	slt.s32 s12, $0x1;
	p1 =	sne.s32 s17, $0x0  }
0x5c6: {  	s17 =	sshrl.u32 s30, $0x19;
	p1 =	por !p2, !p1  }
0x5c7: {  	s12 =	sadd.s32 s17, s12;
	s17 =	simm.s32 $0x1;
	p1 =	por !p1, !p1  }
0x5c8: {  	s12 =	sshra.s32 s12, $0x7;
	s17 =	simm.s32 @!p1 $0x0  }
0x5c9: {  	s17 =	ssub.s32 s12, s17  }
0x5ca: {  	p1 =	slt.s32 s17, $0x1  }
.Ltmp19:
0x5cb: {  	_ = 	snop;
	(pc) =	sbr.rel @p1 .LBB2_40-.Ltmp19, $4  }
0x5cc: {  	[tilespmem:$0x13080] =	vst v2  }
0x5cd: {  	[tilespmem:$0x14100] =	vst v2  }
0x5ce: {  	s31 =	sshll.u32 s16, $0x8;
	[tilespmem:$0x13090] =	vst v2  }
0x5cf: {  	[tilespmem:$0x14110] =	vst v2;
	s12 =	sor.u32 s14, s31  }
0x5d0: {  	s14 =	sshra.s32 s12, $0x8  }
0x5d1: {  	v5 =	vmov s15;
	s15 =	simm.s32 $0x9040;
	v6 =	vmov s14;
	s14 =	simm.s32 $0x0  }
.LBB2_39:
0x5d2: {  	v7 =	vld [tilespmem:s15+$0xFFFFFFC0];
	_ =	sdelay $0x4  }
0x5d3: {  	v8 =	vor.u32 s14, v0;
	v9 =	vshra.s32 v7, $0x8  }
0x5d4: {  	vm0 =	vlt.s32 v8, v5;
	vm1 =	veq.s32 v9, v6  }
0x5d5: {  	v7 =	vand.u32 $0xFF, v7;
	vm0 =	vmand vm0, vm1  }
0x5d6: {  	v7 =	vadd.s32 v1, v7;
	_ =	sdelay $0x4  }
0x5d7: {  	[tilespmem:v7+s8+$0x0] =	vst.idx.add.s32.msk vm0, v4  }
0x5d8: {  	v7 =	vld [tilespmem:s15+$0xFFFFFFD0];
	_ =	sdelay $0x3  }
0x5d9: {  	s16 =	sadd.s32 $0x10, s14  }
0x5da: {  	v8 =	vor.u32 s16, v0;
	v57 =	vshra.s32 v7, $0x8  }
0x5db: {  	vm14 =	vlt.s32 v8, v5;
	vm15 =	veq.s32 v57, v6  }
0x5dc: {  	v7 =	vand.u32 $0xFF, v7;
	vm0 =	vmand vm14, vm15  }
0x5dd: {  	v7 =	vadd.s32 v1, v7;
	_ =	sdelay $0x4  }
0x5de: {  	[tilespmem:v7+s9+$0x0] =	vst.idx.add.s32.msk vm0, v4  }
0x5df: {  	v7 =	vld [tilespmem:s15+$0xFFFFFFE0];
	_ =	sdelay $0x3  }
0x5e0: {  	s25 =	sadd.s32 $0x20, s14  }
0x5e1: {  	v8 =	vor.u32 s25, v0;
	v58 =	vshra.s32 v7, $0x8  }
0x5e2: {  	vm4 =	vlt.s32 v8, v5;
	vm5 =	veq.s32 v58, v6  }
0x5e3: {  	v7 =	vand.u32 $0xFF, v7;
	vm0 =	vmand vm4, vm5  }
0x5e4: {  	v7 =	vadd.s32 v1, v7;
	_ =	sdelay $0x4  }
0x5e5: {  	[tilespmem:v7+s8+$0x0] =	vst.idx.add.s32.msk vm0, v4  }
0x5e6: {  	v7 =	vld [tilespmem:s15+$0xFFFFFFF0];
	_ =	sdelay $0x3  }
0x5e7: {  	s26 =	sadd.s32 $0x30, s14  }
0x5e8: {  	v8 =	vor.u32 s26, v0;
	v59 =	vshra.s32 v7, $0x8  }
0x5e9: {  	vm6 =	vlt.s32 v8, v5;
	vm7 =	veq.s32 v59, v6  }
0x5ea: {  	v7 =	vand.u32 $0xFF, v7;
	vm0 =	vmand vm6, vm7  }
0x5eb: {  	v7 =	vadd.s32 v1, v7;
	_ =	sdelay $0x4  }
0x5ec: {  	[tilespmem:v7+s9+$0x0] =	vst.idx.add.s32.msk vm0, v4  }
0x5ed: {  	v7 =	vld [tilespmem:s15+$0x0];
	_ =	sdelay $0x3  }
0x5ee: {  	s28 =	sadd.s32 $0x40, s14  }
0x5ef: {  	v8 =	vor.u32 s28, v0;
	v60 =	vshra.s32 v7, $0x8  }
0x5f0: {  	vm8 =	vlt.s32 v8, v5;
	vm9 =	veq.s32 v60, v6  }
0x5f1: {  	v7 =	vand.u32 $0xFF, v7;
	vm0 =	vmand vm8, vm9  }
0x5f2: {  	v7 =	vadd.s32 v1, v7;
	_ =	sdelay $0x4  }
0x5f3: {  	[tilespmem:v7+s8+$0x0] =	vst.idx.add.s32.msk vm0, v4  }
0x5f4: {  	v7 =	vld [tilespmem:s15+$0x10];
	_ =	sdelay $0x3  }
0x5f5: {  	s29 =	sadd.s32 $0x50, s14  }
0x5f6: {  	v8 =	vor.u32 s29, v0;
	v61 =	vshra.s32 v7, $0x8  }
0x5f7: {  	vm10 =	vlt.s32 v8, v5;
	vm11 =	veq.s32 v61, v6  }
0x5f8: {  	v7 =	vand.u32 $0xFF, v7;
	vm0 =	vmand vm10, vm11  }
0x5f9: {  	v7 =	vadd.s32 v1, v7;
	_ =	sdelay $0x4  }
0x5fa: {  	[tilespmem:v7+s9+$0x0] =	vst.idx.add.s32.msk vm0, v4  }
0x5fb: {  	v7 =	vld [tilespmem:s15+$0x20];
	_ =	sdelay $0x3  }
0x5fc: {  	s30 =	sadd.s32 $0x60, s14  }
0x5fd: {  	v8 =	vor.u32 s30, v0;
	v62 =	vshra.s32 v7, $0x8  }
0x5fe: {  	vm12 =	vlt.s32 v8, v5;
	vm13 =	veq.s32 v62, v6  }
0x5ff: {  	v7 =	vand.u32 $0xFF, v7;
	vm0 =	vmand vm12, vm13  }
0x600: {  	v7 =	vadd.s32 v1, v7;
	_ =	sdelay $0x4  }
0x601: {  	[tilespmem:v7+s8+$0x0] =	vst.idx.add.s32.msk vm0, v4  }
0x602: {  	v7 =	vld [tilespmem:s15+$0x30];
	_ =	sdelay $0x3  }
0x603: {  	s31 =	sadd.s32 $0x70, s14  }
0x604: {  	v8 =	vor.u32 s31, v0;
	v63 =	vshra.s32 v7, $0x8  }
0x605: {  	vm14 =	vlt.s32 v8, v5;
	vm15 =	veq.s32 v63, v6  }
0x606: {  	v7 =	vand.u32 $0xFF, v7;
	vm0 =	vmand vm14, vm15  }
0x607: {  	p1 =	sne.s32 s17, $0x1;
	v7 =	vadd.s32 v1, v7  }
.Ltmp20:
0x608: {  	_ = 	snop;
	(pc) =	sbr.rel @p1 .LBB2_39-.Ltmp20, $2  }
0x609: {  	_ =	sdelay $0x2  }
0x60a: {  	s14 =	sadd.s32 $0x80, s14;
	s17 =	sadd.s32 $0xFFFFFFFF, s17;
	s15 =	sadd.s32 $0x80, s15;
	[tilespmem:v7+s9+$0x0] =	vst.idx.add.s32.msk vm0, v4  }
.LBB2_40:
0x60b: {  	s14 =	simm.s32 $0x0  }
0x60c: {  	v5 =	vld [tilespmem:s14+$0x12080]  }
0x60d: {  	v6 =	vld [tilespmem:s14+$0x13100]  }
0x60e: {  	v7 =	vld [tilespmem:s14+$0x12181]  }
0x60f: {  	v8 =	vld [tilespmem:s14+$0x13201]  }
0x610: {  	v9 =	vld [tilespmem:s14+$0x12282]  }
0x611: {  	v10 =	vld [tilespmem:s14+$0x13302]  }
0x612: {  	v5 =	vadd.s32 v6, v5;
	v6 =	vld [tilespmem:s14+$0x12383]  }
0x613: {  	v5 =	vadd.s32 v5, v7;
	v7 =	vld [tilespmem:s14+$0x13403]  }
0x614: {  	v5 =	vadd.s32 v8, v5;
	v8 =	vld [tilespmem:s14+$0x12484]  }
0x615: {  	v5 =	vadd.s32 v5, v9;
	v9 =	vld [tilespmem:s14+$0x13504]  }
0x616: {  	v5 =	vadd.s32 v10, v5;
	v10 =	vld [tilespmem:s14+$0x12585]  }
0x617: {  	v5 =	vadd.s32 v5, v6;
	v6 =	vld [tilespmem:s14+$0x13605]  }
0x618: {  	v5 =	vadd.s32 v7, v5;
	v7 =	vld [tilespmem:s14+$0x12686]  }
0x619: {  	v5 =	vadd.s32 v5, v8;
	v8 =	vld [tilespmem:s14+$0x13706]  }
0x61a: {  	v5 =	vadd.s32 v9, v5;
	v9 =	vld [tilespmem:s14+$0x12787]  }
0x61b: {  	v5 =	vadd.s32 v5, v10;
	v10 =	vld [tilespmem:s14+$0x13807]  }
0x61c: {  	v5 =	vadd.s32 v6, v5;
	v6 =	vld [tilespmem:s14+$0x12888]  }
0x61d: {  	v5 =	vadd.s32 v5, v7;
	v7 =	vld [tilespmem:s14+$0x13908]  }
0x61e: {  	v5 =	vadd.s32 v8, v5;
	v8 =	vld [tilespmem:s14+$0x12989]  }
0x61f: {  	v5 =	vadd.s32 v5, v9;
	v9 =	vld [tilespmem:s14+$0x13A09]  }
0x620: {  	v5 =	vadd.s32 v10, v5;
	v10 =	vld [tilespmem:s14+$0x12A8A]  }
0x621: {  	v5 =	vadd.s32 v5, v6;
	v6 =	vld [tilespmem:s14+$0x13B0A]  }
0x622: {  	v5 =	vadd.s32 v7, v5;
	v7 =	vld [tilespmem:s14+$0x12B8B]  }
0x623: {  	v5 =	vadd.s32 v5, v8;
	v8 =	vld [tilespmem:s14+$0x13C0B]  }
0x624: {  	v5 =	vadd.s32 v9, v5;
	v9 =	vld [tilespmem:s14+$0x12C8C]  }
0x625: {  	v5 =	vadd.s32 v5, v10;
	v10 =	vld [tilespmem:s14+$0x13D0C]  }
0x626: {  	v11 =	vld [tilespmem:s14+$0x12D8D];
	v5 =	vadd.s32 v6, v5  }
0x627: {  	v12 =	vld [tilespmem:s14+$0x13E0D];
	v5 =	vadd.s32 v5, v7  }
0x628: {  	v6 =	vld [tilespmem:s14+$0x12E8E];
	v5 =	vadd.s32 v8, v5  }
0x629: {  	v7 =	vld [tilespmem:s14+$0x13F0E];
	v5 =	vadd.s32 v5, v9  }
0x62a: {  	v8 =	vld [tilespmem:s14+$0x12F8F];
	v5 =	vadd.s32 v10, v5  }
0x62b: {  	s16 =	simm.s32 $0x10;
	v9 =	vld [tilespmem:s14+$0x1400F];
	v10 =	vadd.s32 v5, v11  }
0x62c: {  	s15 =	simm.s32 $0x80;
	v5 =	vld [tilespmem:s16+$0x12080];
	v10 =	vadd.s32 v12, v10  }
.LBB2_41:
0x62d: {  	p1 =	sne.s32 s15, $0x3C0;
	v11 =	vld [tilespmem:s16+$0x13100];
	v6 =	vadd.s32 v10, v6  }
0x62e: {  	v10 =	vld [tilespmem:s16+$0x12181];
	v6 =	vadd.s32 v7, v6  }
0x62f: {  	v7 =	vld [tilespmem:s16+$0x13201];
	v6 =	vadd.s32 v6, v8  }
0x630: {  	v8 =	vld [tilespmem:s16+$0x12282];
	v6 =	vadd.s32 v9, v6  }
0x631: {  	v9 =	vld [tilespmem:s16+$0x13302];
	[tilespmem:s14+$0x14180] =	vst v6;
	s14 =	smov.u32 s16  }
0x632: {  	v5 =	vadd.s32 v11, v5;
	v6 =	vld [tilespmem:s14+$0x12383]  }
0x633: {  	v5 =	vadd.s32 v5, v10;
	v10 =	vld [tilespmem:s14+$0x13403]  }
0x634: {  	v5 =	vadd.s32 v7, v5;
	v7 =	vld [tilespmem:s14+$0x12484]  }
0x635: {  	v5 =	vadd.s32 v5, v8;
	v8 =	vld [tilespmem:s14+$0x13504]  }
0x636: {  	v5 =	vadd.s32 v9, v5;
	v9 =	vld [tilespmem:s14+$0x12585]  }
0x637: {  	v5 =	vadd.s32 v5, v6;
	v6 =	vld [tilespmem:s14+$0x13605]  }
0x638: {  	v5 =	vadd.s32 v10, v5;
	v10 =	vld [tilespmem:s14+$0x12686]  }
0x639: {  	v5 =	vadd.s32 v5, v7;
	v7 =	vld [tilespmem:s14+$0x13706]  }
0x63a: {  	v5 =	vadd.s32 v8, v5;
	v8 =	vld [tilespmem:s14+$0x12787]  }
0x63b: {  	v5 =	vadd.s32 v5, v9;
	v9 =	vld [tilespmem:s14+$0x13807]  }
0x63c: {  	v5 =	vadd.s32 v6, v5;
	v6 =	vld [tilespmem:s14+$0x12888]  }
0x63d: {  	v5 =	vadd.s32 v5, v10;
	v10 =	vld [tilespmem:s14+$0x13908]  }
0x63e: {  	v5 =	vadd.s32 v7, v5;
	v7 =	vld [tilespmem:s14+$0x12989]  }
0x63f: {  	v5 =	vadd.s32 v5, v8;
	v8 =	vld [tilespmem:s14+$0x13A09]  }
0x640: {  	v5 =	vadd.s32 v9, v5;
	v9 =	vld [tilespmem:s14+$0x12A8A]  }
0x641: {  	v5 =	vadd.s32 v5, v6;
	v6 =	vld [tilespmem:s14+$0x13B0A]  }
0x642: {  	v5 =	vadd.s32 v10, v5;
	v10 =	vld [tilespmem:s14+$0x12B8B]  }
0x643: {  	v5 =	vadd.s32 v5, v7;
	v7 =	vld [tilespmem:s14+$0x13C0B]  }
0x644: {  	v5 =	vadd.s32 v8, v5;
	v8 =	vld [tilespmem:s14+$0x12C8C]  }
0x645: {  	v5 =	vadd.s32 v5, v9;
	v9 =	vld [tilespmem:s14+$0x13D0C]  }
0x646: {  	v5 =	vadd.s32 v6, v5;
	v11 =	vld [tilespmem:s14+$0x12D8D]  }
0x647: {  	v5 =	vadd.s32 v5, v10;
	v10 =	vld [tilespmem:s14+$0x13E0D]  }
.Ltmp21:
0x648: {  	v5 =	vadd.s32 v7, v5;
	v6 =	vld [tilespmem:s14+$0x12E8E];
	(pc) =	sbr.rel @p1 .LBB2_41-.Ltmp21, $4  }
0x649: {  	v5 =	vadd.s32 v5, v8;
	v7 =	vld [tilespmem:s14+$0x13F0E]  }
0x64a: {  	v5 =	vadd.s32 v9, v5;
	v8 =	vld [tilespmem:s14+$0x12F8F]  }
0x64b: {  	s16 =	sshra.s32 s15, $0x2;
	v11 =	vadd.s32 v5, v11;
	v9 =	vld [tilespmem:s14+$0x1400F]  }
0x64c: {  	s15 =	sadd.s32 $0x40, s15;
	v5 =	vld [tilespmem:s16+$0x12080];
	v10 =	vadd.s32 v10, v11  }
0x64d: {  	v11 =	vld [tilespmem:s16+$0x13100];
	v6 =	vadd.s32 v10, v6  }
0x64e: {  	v10 =	vld [tilespmem:s16+$0x12181];
	v6 =	vadd.s32 v7, v6  }
0x64f: {  	v7 =	vld [tilespmem:s16+$0x13201];
	v6 =	vadd.s32 v6, v8  }
0x650: {  	v8 =	vld [tilespmem:s16+$0x12282];
	v6 =	vadd.s32 v9, v6  }
0x651: {  	v9 =	vld [tilespmem:s16+$0x13302];
	[tilespmem:s14+$0x14180] =	vst v6  }
0x652: {  	v5 =	vadd.s32 v11, v5;
	v6 =	vld [tilespmem:s16+$0x12383]  }
0x653: {  	v5 =	vadd.s32 v5, v10;
	v10 =	vld [tilespmem:s16+$0x13403]  }
0x654: {  	v5 =	vadd.s32 v7, v5;
	v7 =	vld [tilespmem:s16+$0x12484]  }
0x655: {  	v5 =	vadd.s32 v5, v8;
	v8 =	vld [tilespmem:s16+$0x13504]  }
0x656: {  	v5 =	vadd.s32 v9, v5;
	v9 =	vld [tilespmem:s16+$0x12585]  }
0x657: {  	v5 =	vadd.s32 v5, v6;
	v6 =	vld [tilespmem:s16+$0x13605]  }
0x658: {  	v5 =	vadd.s32 v10, v5;
	v10 =	vld [tilespmem:s16+$0x12686]  }
0x659: {  	v5 =	vadd.s32 v5, v7;
	v7 =	vld [tilespmem:s16+$0x13706]  }
0x65a: {  	v5 =	vadd.s32 v8, v5;
	v8 =	vld [tilespmem:s16+$0x12787]  }
0x65b: {  	v5 =	vadd.s32 v5, v9;
	v9 =	vld [tilespmem:s16+$0x13807]  }
0x65c: {  	v5 =	vadd.s32 v6, v5;
	v6 =	vld [tilespmem:s16+$0x12888]  }
0x65d: {  	v5 =	vadd.s32 v5, v10;
	v10 =	vld [tilespmem:s16+$0x13908]  }
0x65e: {  	v5 =	vadd.s32 v7, v5;
	v7 =	vld [tilespmem:s16+$0x12989]  }
0x65f: {  	v5 =	vadd.s32 v5, v8;
	v8 =	vld [tilespmem:s16+$0x13A09]  }
0x660: {  	v5 =	vadd.s32 v9, v5;
	v9 =	vld [tilespmem:s16+$0x12A8A]  }
0x661: {  	v5 =	vadd.s32 v5, v6;
	v6 =	vld [tilespmem:s16+$0x13B0A]  }
0x662: {  	v5 =	vadd.s32 v10, v5;
	v10 =	vld [tilespmem:s16+$0x12B8B]  }
0x663: {  	v5 =	vadd.s32 v5, v7;
	v7 =	vld [tilespmem:s16+$0x13C0B]  }
0x664: {  	v5 =	vadd.s32 v8, v5;
	v8 =	vld [tilespmem:s16+$0x12C8C]  }
0x665: {  	v5 =	vadd.s32 v5, v9;
	v9 =	vld [tilespmem:s16+$0x13D0C]  }
0x666: {  	v5 =	vadd.s32 v6, v5;
	v6 =	vld [tilespmem:s16+$0x12D8D]  }
0x667: {  	v5 =	vadd.s32 v5, v10;
	v10 =	vld [tilespmem:s16+$0x13E0D]  }
0x668: {  	v5 =	vadd.s32 v7, v5;
	v7 =	vld [tilespmem:s16+$0x12E8E]  }
0x669: {  	v5 =	vadd.s32 v5, v8;
	v8 =	vld [tilespmem:s16+$0x13F0E]  }
0x66a: {  	v5 =	vadd.s32 v9, v5;
	v9 =	vld [tilespmem:s16+$0x12F8F]  }
0x66b: {  	v5 =	vadd.s32 v5, v6;
	v6 =	vld [tilespmem:s16+$0x1400F]  }
0x66c: {  	v5 =	vadd.s32 v10, v5  }
0x66d: {  	v5 =	vadd.s32 v5, v7  }
0x66e: {  	v5 =	vadd.s32 v8, v5  }
0x66f: {  	v5 =	vadd.s32 v5, v9  }
0x670: {  	v5 =	vadd.s32 v6, v5  }
0x671: {  	[tilespmem:s16+$0x14180] =	vst v5  }
0x672: {  	[spmem:s4] =	stream.linear.scatter [tilespmem:s10], [sflag:$0x1], $0x100, $0x38;
	[tilespmem:$0x14400] =	vst v63  }
0x673: {  	_ =	swait.ge [sflag:s7], $0x100  }
0x674: {  	[sflag:s7] =	ssyncset.done $0x0  }
0x675: {  	[sflag:s7] =	ssyncadd.s32 $0xFFFFFF00  }
0x676: {  	[bflag:$0x0] =	sbarrier.arrive $0xFFFF  }
0x677: {  	[tilespmem:s8], [sflag:$0x1] =	stream.linear.gather [spmem:s1], $0x1000, $0x38;
	[tilespmem:$0x14400] =	vst v63  }
0x678: {  	_ =	swait.ge [sflag:s7], $0x1000  }
0x679: {  	[sflag:s7] =	ssyncset.done $0x0  }
0x67a: {  	s22 =	simm.s32 $0x0;
	[sflag:s7] =	ssyncadd.s32 $0xFFFFF000  }
0x67b: {  	s14 =	sand.u32 $0xF0, s22;
	[bflag:$0x0] =	sbarrier.arrive $0xFFFF  }
0x67c: {  	s15 =	sadd.s32 $0x12080, s14;
	v5 =	vld [tilespmem:s14+$0x12080]  }
0x67d: {  	v6 =	vld [tilespmem:s15+$0x100]  }
0x67e: {  	v7 =	vld [tilespmem:s15+$0x200]  }
0x67f: {  	v8 =	vld [tilespmem:s15+$0x300]  }
0x680: {  	v9 =	vld [tilespmem:s15+$0x400]  }
0x681: {  	v10 =	vld [tilespmem:s15+$0x500]  }
0x682: {  	v5 =	vadd.s32 v5, v6;
	v6 =	vld [tilespmem:s15+$0x600]  }
0x683: {  	v5 =	vadd.s32 v5, v7;
	v7 =	vld [tilespmem:s15+$0x700]  }
0x684: {  	v5 =	vadd.s32 v5, v8;
	v8 =	vld [tilespmem:s15+$0x800]  }
0x685: {  	v5 =	vadd.s32 v5, v9;
	v9 =	vld [tilespmem:s15+$0x900]  }
0x686: {  	v5 =	vadd.s32 v5, v10;
	v10 =	vld [tilespmem:s15+$0xA00]  }
0x687: {  	v5 =	vadd.s32 v5, v6;
	v6 =	vld [tilespmem:s15+$0xB00]  }
0x688: {  	v5 =	vadd.s32 v5, v7;
	v7 =	vld [tilespmem:s15+$0xC00]  }
0x689: {  	v5 =	vadd.s32 v5, v8;
	v8 =	vld [tilespmem:s15+$0xD00]  }
0x68a: {  	v5 =	vadd.s32 v5, v9;
	v9 =	vld [tilespmem:s15+$0xE00]  }
0x68b: {  	v5 =	vadd.s32 v5, v10;
	v10 =	vld [tilespmem:s15+$0xF00]  }
0x68c: {  	s23 =	simm.s32 $0x10;
	v5 =	vadd.s32 v5, v6  }
0x68d: {  	s14 =	sand.u32 $0xF0, s23;
	v5 =	vadd.s32 v5, v7  }
0x68e: {  	s24 =	sadd.s32 $0x12080, s14;
	v6 =	vld [tilespmem:s14+$0x12080];
	v5 =	vadd.s32 v5, v8  }
0x68f: {  	v7 =	vld [tilespmem:s24+$0x100];
	v5 =	vadd.s32 v5, v9  }
0x690: {  	v8 =	vld [tilespmem:s24+$0x200];
	v5 =	vadd.s32 v5, v10  }
0x691: {  	v9 =	vld [tilespmem:s24+$0x300];
	(v2sf) =	vpush v5, $0x0  }
0x692: {  	v10 =	vld [tilespmem:s24+$0x400]  }
0x693: {  	v11 =	vld [tilespmem:s24+$0x500];
	(v2sf) =	vpush v5, $0x1  }
0x694: {  	v6 =	vadd.s32 v6, v7;
	v7 =	vld [tilespmem:s24+$0x600];
	(v2sf) =	vpush v5, $0x2  }
0x695: {  	v6 =	vadd.s32 v6, v8;
	v8 =	vld [tilespmem:s24+$0x700];
	(v2sf) =	vpush v5, $0x3  }
0x696: {  	v6 =	vadd.s32 v6, v9;
	v9 =	vld [tilespmem:s24+$0x800];
	(v2sf) =	vpush v5, $0x4  }
0x697: {  	v6 =	vadd.s32 v6, v10;
	v10 =	vld [tilespmem:s24+$0x900];
	(v2sf) =	vpush v5, $0x5  }
0x698: {  	v6 =	vadd.s32 v6, v11;
	v11 =	vld [tilespmem:s24+$0xA00];
	(v2sf) =	vpush v5, $0x6  }
0x699: {  	v6 =	vadd.s32 v6, v7;
	v7 =	vld [tilespmem:s24+$0xB00];
	(v2sf) =	vpush v5, $0x7  }
0x69a: {  	v6 =	vadd.s32 v6, v8;
	v8 =	vld [tilespmem:s24+$0xC00];
	(v2sf) =	vpush v5, $0x8  }
0x69b: {  	v6 =	vadd.s32 v6, v9;
	v9 =	vld [tilespmem:s24+$0xD00];
	(v2sf) =	vpush v5, $0x9  }
0x69c: {  	s25 =	simm.s32 $0x20;
	v6 =	vadd.s32 v6, v10;
	v10 =	vld [tilespmem:s24+$0xE00];
	(v2sf) =	vpush v5, $0xA  }
0x69d: {  	s26 =	sand.u32 $0xF0, s25;
	v6 =	vadd.s32 v6, v11;
	v11 =	vld [tilespmem:s24+$0xF00];
	(v2sf) =	vpush v5, $0xB  }
0x69e: {  	s14 =	sadd.s32 $0x12080, s26;
	v6 =	vadd.s32 v6, v7;
	v7 =	vld [tilespmem:s26+$0x12080];
	(v2sf) =	vpush v5, $0xC  }
0x69f: {  	v6 =	vadd.s32 v6, v8;
	v8 =	vld [tilespmem:s14+$0x100];
	(v2sf) =	vpush v5, $0xD  }
0x6a0: {  	v6 =	vadd.s32 v6, v9;
	v9 =	vld [tilespmem:s14+$0x200];
	(v2sf) =	vpush v5, $0xE;
	s28 =	spop (v2sf)  }
0x6a1: {  	v6 =	vadd.s32 v6, v10;
	v10 =	vld [tilespmem:s14+$0x300];
	(v2sf) =	vpush v5, $0xF;
	[smem:$0x0] =	sst s28  }
0x6a2: {  	v5 =	vadd.s32 v6, v11;
	s15 =	spop (v2sf)  }
0x6a3: {  	v11 =	vld [tilespmem:s14+$0x400];
	(v2sf) =	vpush v5, $0x0;
	[smem:$0x1] =	sst s15  }
0x6a4: {  	s15 =	spop (v2sf)  }
0x6a5: {  	v12 =	vld [tilespmem:s14+$0x500];
	(v2sf) =	vpush v5, $0x1;
	[smem:$0x2] =	sst s15  }
0x6a6: {  	s15 =	spop (v2sf)  }
0x6a7: {  	v13 =	vld [tilespmem:s14+$0x600];
	(v2sf) =	vpush v5, $0x2;
	[smem:$0x3] =	sst s15  }
0x6a8: {  	s15 =	spop (v2sf)  }
0x6a9: {  	v14 =	vld [tilespmem:s14+$0x700];
	(v2sf) =	vpush v5, $0x3;
	[smem:$0x4] =	sst s15  }
0x6aa: {  	s15 =	spop (v2sf)  }
0x6ab: {  	v15 =	vld [tilespmem:s14+$0x800];
	(v2sf) =	vpush v5, $0x4;
	[smem:$0x5] =	sst s15  }
0x6ac: {  	s15 =	spop (v2sf)  }
0x6ad: {  	v16 =	vld [tilespmem:s14+$0x900];
	(v2sf) =	vpush v5, $0x5;
	[smem:$0x6] =	sst s15  }
0x6ae: {  	s15 =	spop (v2sf)  }
0x6af: {  	v17 =	vld [tilespmem:s14+$0xA00];
	(v2sf) =	vpush v5, $0x6;
	[smem:$0x7] =	sst s15  }
0x6b0: {  	s15 =	simm.s32 $0x8;
	s29 =	spop (v2sf)  }
0x6b1: {  	v18 =	vld [tilespmem:s14+$0xB00];
	(v2sf) =	vpush v5, $0x7;
	[smem:s15] =	sst s29;
	s30 =	spop (v2sf)  }
0x6b2: {  	v6 =	vadd.s32 v7, v8;
	v19 =	vld [tilespmem:s14+$0xC00];
	(v2sf) =	vpush v5, $0x8;
	[smem:$0x9] =	sst s30  }
0x6b3: {  	v7 =	vadd.s32 v6, v9;
	s16 =	spop (v2sf)  }
0x6b4: {  	v7 =	vadd.s32 v7, v10;
	v6 =	vld [tilespmem:s14+$0xD00];
	(v2sf) =	vpush v5, $0x9;
	[smem:$0xA] =	sst s16  }
0x6b5: {  	v8 =	vadd.s32 v7, v11;
	s16 =	spop (v2sf)  }
0x6b6: {  	v8 =	vadd.s32 v8, v12;
	v7 =	vld [tilespmem:s14+$0xE00];
	(v2sf) =	vpush v5, $0xA;
	[smem:$0xB] =	sst s16  }
0x6b7: {  	v9 =	vadd.s32 v8, v13;
	s16 =	spop (v2sf)  }
0x6b8: {  	v9 =	vadd.s32 v9, v14;
	v8 =	vld [tilespmem:s14+$0xF00];
	(v2sf) =	vpush v5, $0xB;
	[smem:$0xC] =	sst s16  }
0x6b9: {  	v9 =	vadd.s32 v9, v15;
	s16 =	spop (v2sf)  }
0x6ba: {  	s31 =	simm.s32 $0x30;
	v9 =	vadd.s32 v9, v16;
	(v2sf) =	vpush v5, $0xC;
	[smem:$0xD] =	sst s16  }
0x6bb: {  	v10 =	vadd.s32 v9, v17;
	s14 =	sand.u32 $0xF0, s31;
	s16 =	spop (v2sf)  }
0x6bc: {  	v10 =	vadd.s32 v10, v18;
	v9 =	vld [tilespmem:s14+$0x12080];
	(v2sf) =	vpush v5, $0xD;
	[smem:$0xE] =	sst s16  }
0x6bd: {  	s18 =	simm.s32 $0x40;
	v10 =	vadd.s32 v10, v19;
	s14 =	sadd.s32 $0x12080, s14;
	s17 =	spop (v2sf)  }
.LBB2_43:
0x6be: {  	[smem:s15+$0x7] =	sst s17  }
0x6bf: {  	v11 =	vld [tilespmem:s14+$0x100];
	v6 =	vadd.s32 v10, v6;
	(v2sf) =	vpush v5, $0xE;
	s15 =	sadd.s32 $0x10, s15;
	s17 =	smov.u32 s18;
	s16 =	sadd.s32 $0x10, s18  }
0x6c0: {  	p1 =	sne.s32 s18, $0xF0;
	v10 =	vld [tilespmem:s14+$0x200];
	v6 =	vadd.s32 v6, v7;
	s18 =	spop (v2sf);
	(v2sf) =	vpush v5, $0xF  }
0x6c1: {  	v7 =	vld [tilespmem:s14+$0x300];
	v5 =	vadd.s32 v6, v8;
	[smem:s15+$0xFFFFFFF8] =	sst s18;
	s18 =	spop (v2sf)  }
0x6c2: {  	v6 =	vld [tilespmem:s14+$0x400];
	(v2sf) =	vpush v5, $0x0;
	[smem:s15+$0xFFFFFFF9] =	sst s18;
	s18 =	spop (v2sf)  }
0x6c3: {  	v8 =	vld [tilespmem:s14+$0x500];
	(v2sf) =	vpush v5, $0x1;
	[smem:s15+$0xFFFFFFFA] =	sst s18;
	s18 =	spop (v2sf)  }
0x6c4: {  	v9 =	vadd.s32 v9, v11;
	v11 =	vld [tilespmem:s14+$0x600];
	(v2sf) =	vpush v5, $0x2;
	[smem:s15+$0xFFFFFFFB] =	sst s18;
	s18 =	spop (v2sf)  }
0x6c5: {  	v9 =	vadd.s32 v9, v10;
	v10 =	vld [tilespmem:s14+$0x700];
	(v2sf) =	vpush v5, $0x3;
	[smem:s15+$0xFFFFFFFC] =	sst s18;
	s18 =	spop (v2sf)  }
0x6c6: {  	v7 =	vadd.s32 v9, v7;
	v9 =	vld [tilespmem:s14+$0x800];
	(v2sf) =	vpush v5, $0x4;
	[smem:s15+$0xFFFFFFFD] =	sst s18;
	s18 =	spop (v2sf)  }
0x6c7: {  	v6 =	vadd.s32 v7, v6;
	v7 =	vld [tilespmem:s14+$0x900];
	(v2sf) =	vpush v5, $0x5;
	[smem:s15+$0xFFFFFFFE] =	sst s18;
	s18 =	spop (v2sf)  }
0x6c8: {  	v6 =	vadd.s32 v6, v8;
	v8 =	vld [tilespmem:s14+$0xA00];
	(v2sf) =	vpush v5, $0x6;
	[smem:s15+$0xFFFFFFFF] =	sst s18;
	s18 =	spop (v2sf)  }
0x6c9: {  	v6 =	vadd.s32 v6, v11;
	v11 =	vld [tilespmem:s14+$0xB00];
	(v2sf) =	vpush v5, $0x7;
	[smem:s15] =	sst s18;
	s18 =	spop (v2sf)  }
0x6ca: {  	v6 =	vadd.s32 v6, v10;
	v10 =	vld [tilespmem:s14+$0xC00];
	(v2sf) =	vpush v5, $0x8;
	[smem:s15+$0x1] =	sst s18;
	s18 =	spop (v2sf)  }
0x6cb: {  	[smem:s15+$0x2] =	sst s18  }
.Ltmp22:
0x6cc: {  	v9 =	vadd.s32 v6, v9;
	v6 =	vld [tilespmem:s14+$0xD00];
	(v2sf) =	vpush v5, $0x9;
	s18 =	spop (v2sf);
	(pc) =	sbr.rel @p1 .LBB2_43-.Ltmp22, $4  }
0x6cd: {  	v9 =	vadd.s32 v9, v7;
	v7 =	vld [tilespmem:s14+$0xE00];
	(v2sf) =	vpush v5, $0xA;
	[smem:s15+$0x3] =	sst s18;
	s18 =	spop (v2sf)  }
0x6ce: {  	s17 =	sand.u32 $0xF0, s17;
	v9 =	vadd.s32 v9, v8;
	v8 =	vld [tilespmem:s14+$0xF00];
	(v2sf) =	vpush v5, $0xB;
	[smem:s15+$0x4] =	sst s18;
	s14 =	spop (v2sf)  }
0x6cf: {  	v11 =	vadd.s32 v9, v11;
	(v2sf) =	vpush v5, $0xC;
	[smem:s15+$0x5] =	sst s14;
	s18 =	spop (v2sf);
	s14 =	sadd.s32 $0x12080, s17  }
0x6d0: {  	v9 =	vld [tilespmem:s17+$0x12080];
	v10 =	vadd.s32 v11, v10;
	(v2sf) =	vpush v5, $0xD;
	[smem:s15+$0x6] =	sst s18;
	s17 =	spop (v2sf);
	s18 =	smov.u32 s16  }
0x6d1: {  	v11 =	vld [tilespmem:s14+$0x100]  }
0x6d2: {  	v6 =	vadd.s32 v10, v6;
	v54 =	vld [tilespmem:s14+$0x200]  }
0x6d3: {  	(v2sf) =	vpush v5, $0xE;
	v6 =	vadd.s32 v6, v7;
	v7 =	vld [tilespmem:s14+$0x300]  }
0x6d4: {  	[smem:s15+$0x7] =	sst s17;
	s15 =	sadd.s32 $0x10, s15;
	s16 =	spop (v2sf);
	(v2sf) =	vpush v5, $0xF;
	v5 =	vadd.s32 v6, v8;
	v6 =	vld [tilespmem:s14+$0x400]  }
0x6d5: {  	v55 =	vld [tilespmem:s14+$0x500];
	[smem:s15+$0xFFFFFFF8] =	sst s16;
	s29 =	spop (v2sf);
	(v2sf) =	vpush v5, $0x0  }
0x6d6: {  	v56 =	vld [tilespmem:s14+$0x600];
	[smem:s15+$0xFFFFFFF9] =	sst s29;
	s30 =	spop (v2sf);
	(v2sf) =	vpush v5, $0x1;
	v9 =	vadd.s32 v9, v11  }
0x6d7: {  	v57 =	vld [tilespmem:s14+$0x700];
	[smem:s15+$0xFFFFFFFA] =	sst s30;
	s31 =	spop (v2sf);
	(v2sf) =	vpush v5, $0x2;
	v9 =	vadd.s32 v9, v54  }
0x6d8: {  	v58 =	vld [tilespmem:s14+$0x800];
	[smem:s15+$0xFFFFFFFB] =	sst s31;
	s17 =	spop (v2sf);
	(v2sf) =	vpush v5, $0x3;
	v7 =	vadd.s32 v9, v7  }
0x6d9: {  	[smem:s15+$0xFFFFFFFC] =	sst s17;
	s18 =	spop (v2sf);
	(v2sf) =	vpush v5, $0x4;
	v6 =	vadd.s32 v7, v6;
	v7 =	vld [tilespmem:s14+$0x900]  }
0x6da: {  	v59 =	vld [tilespmem:s14+$0xA00];
	[smem:s15+$0xFFFFFFFD] =	sst s18;
	s19 =	spop (v2sf);
	(v2sf) =	vpush v5, $0x5;
	v6 =	vadd.s32 v6, v55  }
0x6db: {  	v60 =	vld [tilespmem:s14+$0xB00];
	[smem:s15+$0xFFFFFFFE] =	sst s19;
	s20 =	spop (v2sf);
	(v2sf) =	vpush v5, $0x6;
	v6 =	vadd.s32 v6, v56  }
0x6dc: {  	v61 =	vld [tilespmem:s14+$0xC00];
	[smem:s15+$0xFFFFFFFF] =	sst s20;
	s21 =	spop (v2sf);
	(v2sf) =	vpush v5, $0x7;
	v6 =	vadd.s32 v6, v57  }
0x6dd: {  	v62 =	vld [tilespmem:s14+$0xD00];
	[smem:s15] =	sst s21;
	s22 =	spop (v2sf);
	(v2sf) =	vpush v5, $0x8;
	v6 =	vadd.s32 v6, v58  }
0x6de: {  	[smem:s15+$0x1] =	sst s22;
	s23 =	spop (v2sf);
	(v2sf) =	vpush v5, $0x9;
	v6 =	vadd.s32 v6, v7;
	v7 =	vld [tilespmem:s14+$0xE00]  }
0x6df: {  	v63 =	vld [tilespmem:s14+$0xF00];
	[smem:s15+$0x2] =	sst s23;
	s24 =	spop (v2sf);
	(v2sf) =	vpush v5, $0xA;
	v6 =	vadd.s32 v6, v59  }
0x6e0: {  	[smem:s15+$0x3] =	sst s24;
	s25 =	spop (v2sf);
	(v2sf) =	vpush v5, $0xB;
	v6 =	vadd.s32 v6, v60  }
0x6e1: {  	[smem:s15+$0x4] =	sst s25;
	s26 =	spop (v2sf);
	(v2sf) =	vpush v5, $0xC;
	v6 =	vadd.s32 v6, v61  }
0x6e2: {  	[smem:s15+$0x5] =	sst s26;
	s28 =	spop (v2sf);
	(v2sf) =	vpush v5, $0xD;
	v6 =	vadd.s32 v6, v62  }
0x6e3: {  	[smem:s15+$0x6] =	sst s28;
	s29 =	spop (v2sf);
	(v2sf) =	vpush v5, $0xE;
	v6 =	vadd.s32 v6, v7  }
0x6e4: {  	s14 =	sadd.s32 $0x10, s15;
	[smem:s15+$0x7] =	sst s29;
	s30 =	spop (v2sf);
	(v2sf) =	vpush v5, $0xF;
	v5 =	vadd.s32 v6, v63  }
0x6e5: {  	[smem:s14+$0xFFFFFFF8] =	sst s30;
	s31 =	spop (v2sf);
	(v2sf) =	vpush v5, $0x0  }
0x6e6: {  	[smem:s14+$0xFFFFFFF9] =	sst s31;
	s16 =	spop (v2sf);
	(v2sf) =	vpush v5, $0x1  }
0x6e7: {  	[smem:s14+$0xFFFFFFFA] =	sst s16;
	s17 =	spop (v2sf);
	(v2sf) =	vpush v5, $0x2  }
0x6e8: {  	[smem:s14+$0xFFFFFFFB] =	sst s17;
	s18 =	spop (v2sf);
	(v2sf) =	vpush v5, $0x3  }
0x6e9: {  	[smem:s14+$0xFFFFFFFC] =	sst s18;
	s19 =	spop (v2sf);
	(v2sf) =	vpush v5, $0x4  }
0x6ea: {  	[smem:s14+$0xFFFFFFFD] =	sst s19;
	s20 =	spop (v2sf);
	(v2sf) =	vpush v5, $0x5  }
0x6eb: {  	[smem:s14+$0xFFFFFFFE] =	sst s20;
	s21 =	spop (v2sf);
	(v2sf) =	vpush v5, $0x6  }
0x6ec: {  	[smem:s14+$0xFFFFFFFF] =	sst s21;
	s22 =	spop (v2sf);
	(v2sf) =	vpush v5, $0x7  }
0x6ed: {  	[smem:s14] =	sst s22;
	s23 =	spop (v2sf);
	(v2sf) =	vpush v5, $0x8  }
0x6ee: {  	[smem:s14+$0x1] =	sst s23;
	s24 =	spop (v2sf);
	(v2sf) =	vpush v5, $0x9  }
0x6ef: {  	[smem:s14+$0x2] =	sst s24;
	s25 =	spop (v2sf);
	(v2sf) =	vpush v5, $0xA  }
0x6f0: {  	[smem:s14+$0x3] =	sst s25;
	s26 =	spop (v2sf);
	(v2sf) =	vpush v5, $0xB  }
0x6f1: {  	[smem:s14+$0x4] =	sst s26;
	s28 =	spop (v2sf);
	(v2sf) =	vpush v5, $0xC  }
0x6f2: {  	[smem:s14+$0x5] =	sst s28;
	s29 =	spop (v2sf);
	(v2sf) =	vpush v5, $0xD  }
0x6f3: {  	[smem:s14+$0x6] =	sst s29;
	s30 =	spop (v2sf);
	(v2sf) =	vpush v5, $0xE  }
0x6f4: {  	[smem:s14+$0x7] =	sst s30;
	s14 =	sadd.s32 $0x10, s14;
	s31 =	spop (v2sf);
	(v2sf) =	vpush v5, $0xF  }
0x6f5: {  	[smem:s14+$0xFFFFFFF8] =	sst s31;
	s16 =	spop (v2sf)  }
0x6f6: {  	[smem:s14+$0xFFFFFFF9] =	sst s16;
	s17 =	spop (v2sf)  }
0x6f7: {  	[smem:s14+$0xFFFFFFFA] =	sst s17;
	s18 =	spop (v2sf)  }
0x6f8: {  	[smem:s14+$0xFFFFFFFB] =	sst s18;
	s19 =	spop (v2sf)  }
0x6f9: {  	[smem:s14+$0xFFFFFFFC] =	sst s19;
	s20 =	spop (v2sf)  }
0x6fa: {  	[smem:s14+$0xFFFFFFFD] =	sst s20;
	s21 =	spop (v2sf)  }
0x6fb: {  	[smem:s14+$0xFFFFFFFE] =	sst s21;
	s22 =	spop (v2sf)  }
0x6fc: {  	[smem:s14+$0xFFFFFFFF] =	sst s22;
	s23 =	spop (v2sf)  }
0x6fd: {  	[smem:s14] =	sst s23;
	s24 =	spop (v2sf)  }
0x6fe: {  	[smem:s14+$0x1] =	sst s24;
	s25 =	spop (v2sf)  }
0x6ff: {  	[smem:s14+$0x2] =	sst s25;
	s26 =	spop (v2sf)  }
0x700: {  	[smem:s14+$0x3] =	sst s26;
	s28 =	spop (v2sf)  }
0x701: {  	[smem:s14+$0x4] =	sst s28;
	s29 =	spop (v2sf)  }
0x702: {  	[smem:s14+$0x5] =	sst s29;
	s30 =	spop (v2sf)  }
0x703: {  	[smem:s14+$0x6] =	sst s30;
	s31 =	spop (v2sf)  }
0x704: {  	[smem:s14+$0x7] =	sst s31  }
0x705: {  	s16 =	sld [smem:$0xFF];
	_ =	sdelay $0x2  }
0x706: {  	s15 =	simm.s32 $0xFF;
	s17 =	simm.s32 $0xFE;
	s16 =	sadd.s32 $0x0, s16  }
0x707: {  	s18 =	simm.s32 $0xFE;
	s14 =	simm.s32 $0xFFFFFFFF;
	p1 =	sge.s32 s16, s13  }
.LBB2_45:
0x708: {  	s19 =	sld [smem:s17+$0x0];
	s20 =	smov.u32 s14  }
0x709: {  	p3 =	sne.s32 s18, $0x0;
	s20 =	smov.u32 @p1 s15;
	s15 =	smov.u32 s18  }
.Ltmp23:
0x70a: {  	(pc) =	sbr.rel @p3 .LBB2_45-.Ltmp23, $4  }
0x70b: {  	_ = 	snop  }
0x70c: {  	s16 =	sadd.s32 s16, s19  }
0x70d: {  	s17 =	sadd.s32 $0xFFFFFFFF, s17;
	p2 =	slt.s32 s14, $0x0;
	p1 =	sge.s32 s16, s13  }
0x70e: {  	s18 =	sadd.s32 $0xFFFFFFFF, s18;
	s14 =	smov.u32 @p2 s20  }
0x70f: {  	s13 =	smov.u32 s14  }
0x710: {  	s13 =	smov.u32 @p1 s15;
	p1 =	slt.s32 s14, $0x0  }
0x711: {  	s14 =	smov.u32 @p1 s13  }
0x712: {  	s12 =	sor.u32 s12, s14  }
0x713: {  	s11 =	sadd.s32 $0x1, s11;
	v5 =	vmov s12  }
0x714: {  	s13 =	simm.s32 @!p0 $0x14280;
	p1 =	sne.s32 s11, s6;
	s12 =	simm.s32 @!p0 $0x0;
	[tilespmem:$0x14280] =	vst v5  }
0x715: {  	[hbm4b:s5+s12] =	stream.linear.scatter @!p0 [tilespmem:s13], [sflag:$0x1], $0x80, $0x38;
	[tilespmem:$0x14400] =	vst v63  }
.Ltmp24:
0x716: {  	_ = 	snop;
	(pc) =	sbr.rel @p1 .LBB2_1-.Ltmp24, $4  }
.Ltmp25:
0x717: {  	s12 =	simm.s32 @!p0 $0x1;
	(pc) =	sbr.rel @!p1 .LBB2_47-.Ltmp25, $4  }
0x718: {  	_ =	swait.ge @!p0 [sflag:s12], $0x80  }
0x719: {  	[sflag:s12] =	ssyncset.done @!p0 $0x0  }
0x71a: {  	[sflag:s12] =	ssyncadd.s32 @!p0 $0xFFFFFF80  }
0x71b: {  	_ = 	snop  }
.LBB2_25:
.Ltmp26:
0x71c: {  	(pc) =	sbr.rel .LBB2_28-.Ltmp26, $2  }
0x71d: {  	_ =	sdelay $0x2  }
0x71e: {  	s16 =	simm.s32 $0x0  }
.LBB2_47:
0x71f: {  	_ =	sfence.sel $0x180000  }
0x720: {  	[bflag:$0x0] =	sbarrier.arrive $0xFFFF  }
0x721: {  	_ =	strace $0x90000047  }
0x722: {  	s0 =	sadd.s32 @!p0 $0x100000, s0;
	[bflag:$0x2] =	sbarrier.arrive $0xFFFF  }
0x723: {  	[sflag:s0] =	ssyncadd.tile.s32 @!p0 $0x1;
	_ =	shalt  }
.Lfunc_end2:
_tile_overlayer_lowered:
.L_overlay_start_2:
0x724: {  	(tag) =	ssettag $0x2  }
0x725: {  	s0 =	rddreg [dreg:$0x0];
	s2 =	stileid.u32  }
0x726: {  	s1 =	rddreg [dreg:$0x1];
	p0 =	sne.s32 s2, $0x0  }
0x727: {  	s3 =	rddreg [dreg:$0x2];
	[bflag:$0x3] =	sbarrier.arrive $0xFFFF;
	s2 =	simm.s32 @!p0 $0x1C01  }
0x728: {  	[timem:s3], [sflag:s2] =	dma.local @!p0 [hbm:s0], s1  }
0x729: {  	s0 =	simm.s32 @!p0 $0x1  }
0x72a: {  	_ =	swait.ge @!p0 [sflag:s0], s1  }
0x72b: {  	s1 =	ssub.s32 @!p0 $0x0, s1;
	[sflag:s0] =	ssyncset.done @!p0 $0x0  }
0x72c: {  	[sflag:s0] =	ssyncadd.s32 @!p0 s1  }
0x72d: {  	[bflag:$0x3] =	sbarrier.arrive $0xFFFF  }
0x72e: {  	_ =	shalt  }

</sc_bundles>
